<compile_context>
chip_gen: v7x
topology: tpu7x:2x2x1
jax: 0.10.2.dev20260603
libtpu: 0.0.44.dev20260713+nightly
codegen_flags: <defaults>
</compile_context>

<pallas_src>
import functools

import jax
import jax.numpy as jnp
from jax import lax
from jax.experimental import pallas as pl
from jax.experimental.pallas import tpu as pltpu
from jax.experimental.pallas import tpu_sc as plsc

B = 4096
L = 200
E = 32
V = 1_000_000
N = B * L
NW = 32
FULL_TILES = V // 128
TAIL = V - FULL_TILES * 128
TPW = FULL_TILES // NW + 1

_mesh = plsc.VectorSubcoreMesh(core_axis_name="c", subcore_axis_name="s")


def _iota16():
    return lax.broadcasted_iota(jnp.int32, (16,), 0)


@functools.partial(
    pl.kernel,
    mesh=_mesh,
    out_type=jax.ShapeDtypeStruct((V * E // 128, 128), jnp.float32),
    scratch_types=[
        [pltpu.VMEM((E, 128), jnp.float32) for _ in range(2)],
        [pltpu.VMEM((E, 128), jnp.float32) for _ in range(2)],
        [pltpu.SemaphoreType.DMA for _ in range(2)],
        [pltpu.SemaphoreType.DMA for _ in range(2)],
    ],
    compiler_params=pltpu.CompilerParams(
        use_tc_tiling_on_sc=True, needs_layout_passes=False
    ),
)
def _transpose_table(tokT, tail16, out, tin, tout, sem_i, sem_o):
    wid = lax.axis_index("s") * 2 + lax.axis_index("c")

    def col(t):
        return wid + NW * t

    def fire(t, bb):
        @pl.when(col(t) < FULL_TILES)
        def _():
            pltpu.async_copy(tokT.at[:, pl.ds(col(t) * 128, 128)], tin[bb], sem_i[bb])

    def process(t, bb):
        c = col(t)

        @pl.when(c < FULL_TILES)
        def _():
            pltpu.make_async_copy(
                tokT.at[:, pl.ds(c * 128, 128)], tin[bb], sem_i[bb]
            ).wait()

            def drain_prev():
                pltpu.make_async_copy(
                    tout[bb], out.at[pl.ds((c - 2 * NW) * E, E)], sem_o[bb]
                ).wait()

            if isinstance(t, int):
                if t >= 2:
                    drain_prev()
            else:
                pl.when(t >= 2)(drain_prev)

            iota = _iota16()
            iota32 = iota << 5

            @plsc.parallel_loop(0, 16, 1, unroll=2)
            def _(s):
                t = (iota + s) & 15
                for e0 in (0, 16):
                    in_rows = t + e0
                    for db in range(8):
                        d0 = 16 * db
                        v = plsc.load_gather(tin[bb], [in_rows, iota + d0])
                        flat = (iota32 + (d0 * E + e0)) + t
                        plsc.store_scatter(tout[bb], [flat >> 7, flat & 127], v)

            pltpu.async_copy(tout[bb], out.at[pl.ds(c * E, E)], sem_o[bb])

    fire(0, 0)

    def pair(p, carry):
        fire(2 * p + 1, 1)
        process(2 * p, 0)
        fire(2 * p + 2, 0)
        process(2 * p + 1, 1)
        return carry

    lax.fori_loop(0, TPW // 2, pair, 0)
    process(TPW - 1, 0)
    for t_last in (TPW - 2, TPW - 1):
        bb = t_last % 2

        @pl.when(col(t_last) < FULL_TILES)
        def _():
            pltpu.make_async_copy(
                tout[bb], out.at[pl.ds(col(t_last) * E, E)], sem_o[bb]
            ).wait()

    @pl.when(wid == 4)
    def _():
        nrows = TAIL * E // 128
        pltpu.sync_copy(tail16, tin[0].at[pl.ds(0, nrows)])
        pltpu.sync_copy(
            tin[0].at[pl.ds(0, nrows)], out.at[pl.ds(FULL_TILES * E, nrows)]
        )


@functools.partial(
    pl.kernel,
    mesh=_mesh,
    out_type=jax.ShapeDtypeStruct((L, E // 8, B // 128, 8, 128), jnp.float32),
    scratch_types=[
        pltpu.VMEM((L * 128,), jnp.int32),
        pltpu.VMEM((L, E), jnp.float32),
        [pltpu.VMEM((128,), jnp.int32) for _ in range(2)],
        [pltpu.VMEM((128, E), jnp.float32) for _ in range(2)],
        [pltpu.VMEM((E, 129), jnp.float32) for _ in range(2)],
        [pltpu.SemaphoreType.DMA for _ in range(2)],
        [pltpu.SemaphoreType.DMA for _ in range(2)],
    ],
    compiler_params=pltpu.CompilerParams(
        use_tc_tiling_on_sc=False, needs_layout_passes=False
    ),
)
def _gather_embed(x1d, tab, pos, out, xblk, pos_v, icol, rbuf, obuf, sem_g, sem_w):
    wid = lax.axis_index("s") * 2 + lax.axis_index("c")
    pltpu.sync_copy(x1d.at[pl.ds(wid * 128 * L, 128 * L)], xblk)
    pltpu.sync_copy(pos, pos_v)

    def fire(l, bb):
        @plsc.parallel_loop(0, 8, 1, unroll=8)
        def _(g):
            idx = (_iota16() + 16 * g) * L + l
            icol[bb][pl.ds(16 * g, 16)] = plsc.load_gather(xblk, [idx])

        pltpu.async_copy(tab.at[icol[bb]], rbuf[bb], sem_g[bb])

    def process(l, bb):
        pltpu.make_async_copy(tab.at[icol[bb]], rbuf[bb], sem_g[bb]).wait()

        @pl.when(l >= 2)
        def _():
            for a in range(E // 8):
                pltpu.make_async_copy(
                    obuf[bb].at[pl.ds(8 * a, 8), pl.ds(0, 128)],
                    out.at[l - 2, a, wid],
                    sem_w[bb],
                ).wait()

        p0 = pos_v[l, pl.ds(0, 16)]
        p1 = pos_v[l, pl.ds(16, 16)]

        @plsc.parallel_loop(0, 128, 1, unroll=8)
        def _(bd):
            cols = _iota16() * 0 + bd
            rows0 = _iota16()
            v0 = rbuf[bb][bd, pl.ds(0, 16)] + p0
            plsc.store_scatter(obuf[bb], [rows0, cols], v0)
            v1 = rbuf[bb][bd, pl.ds(16, 16)] + p1
            plsc.store_scatter(obuf[bb], [rows0 + 16, cols], v1)

        for a in range(E // 8):
            pltpu.async_copy(
                obuf[bb].at[pl.ds(8 * a, 8), pl.ds(0, 128)],
                out.at[l, a, wid],
                sem_w[bb],
            )

    fire(0, 0)

    def pair(p, carry):
        fire(2 * p + 1, 1)
        process(2 * p, 0)

        @pl.when(p < L // 2 - 1)
        def _():
            fire(2 * p + 2, 0)

        process(2 * p + 1, 1)
        return carry

    lax.fori_loop(0, L // 2, pair, 0)
    for bb in range(2):
        for a in range(E // 8):
            pltpu.make_async_copy(
                obuf[bb].at[pl.ds(8 * a, 8), pl.ds(0, 128)],
                out.at[L - 2 + bb, a, wid],
                sem_w[bb],
            ).wait()


def kernel(x, token_emb, pos_emb):
    tail16 = token_emb[FULL_TILES * 128:].reshape(TAIL * E // 128, 128)
    lin = _transpose_table(token_emb.T, tail16)
    tab = lin.reshape(V, E)
    x1d = x.reshape(N).astype(jnp.int32)
    P = _gather_embed(x1d, tab, pos_emb)
    return P.transpose(2, 4, 0, 1, 3).reshape(B, L, E)

# --- scband reference (transcript-rebuilt; emitter-appended) ---
"""Pipeline reference for scband-token-and-position-embedding-64802466562840 (READ-ONLY COPY).

The authoritative reference and input builder live on the scoring server;
editing this copy changes nothing except your own understanding.
"""

import jax, jax.numpy as jnp
import numpy as np

VOCAB = 1000000
MAXLEN = 200
EMBED = 32
BATCH = 4096

def setup_inputs(seed: int = 0) -> dict:
    key = jax.random.key(seed)
    k1, k2, k3 = jax.random.split(key, 3)
    x = jax.random.randint(k1, (BATCH, MAXLEN), 0, VOCAB, dtype=jnp.int64 if jax.config.jax_enable_x64 else jnp.int32)
    token_emb = jax.random.normal(k2, (VOCAB, EMBED), dtype=jnp.float32) * 0.05
    pos_emb = jax.random.normal(k3, (MAXLEN, EMBED), dtype=jnp.float32) * 0.05
    return {"x": x, "token_emb": token_emb, "pos_emb": pos_emb}

def reference(x, token_emb, pos_emb):
    # maxlen = tf.shape(x)[-1]; positions = range(maxlen)
    maxlen = x.shape[-1]
    positions = jnp.arange(0, maxlen)
    pos = jnp.take(pos_emb, positions, axis=0)          # [L, E]
    tok = jnp.take(token_emb, x, axis=0)                # [B, L, E]
    return tok + pos[None, :, :]

if __name__ == "__main__":
    import jax
    _d = setup_inputs()
    print(jax.jit(kernel)(*tuple(_d.values())))

</pallas_src>

<mosaic_0001>
#map = affine_map<(d0, d1) -> (0, 0)>
module attributes {stable_mosaic.version = 14 : i64} {
  func.func @_transpose_table(%arg0: i32, %arg1: i32, %arg2: memref<32x1000000xf32, #tpu.memory_space<hbm>>, %arg3: memref<16x128xf32, #tpu.memory_space<hbm>>, %arg4: memref<250000x128xf32, #tpu.memory_space<hbm>>, %arg5: memref<32x128xf32, #tpu.memory_space<vmem>>, %arg6: memref<32x128xf32, #tpu.memory_space<vmem>>, %arg7: memref<32x128xf32, #tpu.memory_space<vmem>>, %arg8: memref<32x128xf32, #tpu.memory_space<vmem>>, %arg9: memref<!tpu.dma_semaphore, #tpu.memory_space<semaphore_mem>>, %arg10: memref<!tpu.dma_semaphore, #tpu.memory_space<semaphore_mem>>, %arg11: memref<!tpu.dma_semaphore, #tpu.memory_space<semaphore_mem>>, %arg12: memref<!tpu.dma_semaphore, #tpu.memory_space<semaphore_mem>>) attributes {dimension_semantics = [#tpu.dimension_semantics<core_parallel>, #tpu.dimension_semantics<subcore_parallel>], iteration_bounds = array<i64: 2, 16>, scalar_prefetch = 0 : i64, scratch_operands = 8 : i64, tpu.core_type = #tpu.core_type<sc_vector_subcore>, window_params = [{transform_indices = #map}, {transform_indices = #map}, {transform_indices = #map}]} {
    %mul3A = arith.constant 2 : i32
    %mul3A_0 = arith.muli %arg1, %mul3A : i32
    %add3A = arith.addi %mul3A_0, %arg0 : i32
    %add3A_1 = arith.constant 0 : i32
    %add3A_2 = arith.addi %add3A, %add3A_1 : i32
    %lt3A = arith.constant 7812 : i32
    %lt3A_3 = arith.cmpi slt, %add3A_2, %lt3A : i32
    %convert_element_type3A = arith.extui %lt3A_3 : i1 to i32
    %cond3A = arith.constant 0 : i32
    %cond3A_4 = arith.cmpi ne, %convert_element_type3A, %cond3A : i32
    scf.if %cond3A_4 {
      %add3A_35 = arith.constant 0 : i32
      %add3A_36 = arith.addi %add3A, %add3A_35 : i32
      %mul3A_37 = arith.constant 128 : i32
      %mul3A_38 = arith.muli %add3A_36, %mul3A_37 : i32
      %dma_start3A = arith.constant 0 : i32
      %dma_start3A_39 = tpu.memref_slice %arg2[%dma_start3A, %mul3A_38] : memref<32x1000000xf32, #tpu.memory_space<hbm>> -> memref<32x128xf32, #tpu.memory_space<hbm>>
      %dma_start3A_40 = arith.constant 0 : i32
      %dma_start3A_41 = tpu.memref_slice %arg2[%dma_start3A_40, %mul3A_38] : memref<32x1000000xf32, #tpu.memory_space<hbm>> -> memref<32x128xf32, #tpu.memory_space<hbm>>
      tpu.enqueue_dma source(%dma_start3A_41 : memref<32x128xf32, #tpu.memory_space<hbm>>) target(%arg5 : memref<32x128xf32, #tpu.memory_space<vmem>>) target_semaphore(%arg9 : memref<!tpu.dma_semaphore, #tpu.memory_space<semaphore_mem>>)
    } else {
    }
    %scan3A = arith.constant 0 : i32
    %scan3A_5 = arith.constant 0 : i32
    %scan3A_6 = arith.constant 122 : i32
    %scan3A_7 = arith.addi %scan3A_5, %scan3A_6 : i32
    %scan3A_8 = arith.constant 1 : i32
    scf.for %scan3A_35 = %scan3A_5 to %scan3A_7 step %scan3A_8  : i32 {
      %mul3A_36 = arith.constant 2 : i32
      %mul3A_37 = arith.muli %mul3A_36, %scan3A_35 : i32
      %add3A_38 = arith.constant 1 : i32
      %add3A_39 = arith.addi %mul3A_37, %add3A_38 : i32
      %mul3A_40 = arith.constant 32 : i32
      %mul3A_41 = arith.muli %mul3A_40, %add3A_39 : i32
      %add3A_42 = arith.addi %add3A, %mul3A_41 : i32
      %lt3A_43 = arith.constant 7812 : i32
      %lt3A_44 = arith.cmpi slt, %add3A_42, %lt3A_43 : i32
      %convert_element_type3A_45 = arith.extui %lt3A_44 : i1 to i32
      %cond3A_46 = arith.constant 0 : i32
      %cond3A_47 = arith.cmpi ne, %convert_element_type3A_45, %cond3A_46 : i32
      scf.if %cond3A_47 {
        %mul3A_82 = arith.constant 32 : i32
        %mul3A_83 = arith.muli %mul3A_82, %add3A_39 : i32
        %add3A_84 = arith.addi %add3A, %mul3A_83 : i32
        %mul3A_85 = arith.constant 128 : i32
        %mul3A_86 = arith.muli %add3A_84, %mul3A_85 : i32
        %dma_start3A = arith.constant 0 : i32
        %dma_start3A_87 = tpu.memref_slice %arg2[%dma_start3A, %mul3A_86] : memref<32x1000000xf32, #tpu.memory_space<hbm>> -> memref<32x128xf32, #tpu.memory_space<hbm>>
        %dma_start3A_88 = arith.constant 0 : i32
        %dma_start3A_89 = tpu.memref_slice %arg2[%dma_start3A_88, %mul3A_86] : memref<32x1000000xf32, #tpu.memory_space<hbm>> -> memref<32x128xf32, #tpu.memory_space<hbm>>
        tpu.enqueue_dma source(%dma_start3A_89 : memref<32x128xf32, #tpu.memory_space<hbm>>) target(%arg6 : memref<32x128xf32, #tpu.memory_space<vmem>>) target_semaphore(%arg10 : memref<!tpu.dma_semaphore, #tpu.memory_space<semaphore_mem>>)
      } else {
      }
      %mul3A_48 = arith.constant 2 : i32
      %mul3A_49 = arith.muli %mul3A_48, %scan3A_35 : i32
      %mul3A_50 = arith.constant 32 : i32
      %mul3A_51 = arith.muli %mul3A_50, %mul3A_49 : i32
      %add3A_52 = arith.addi %add3A, %mul3A_51 : i32
      %lt3A_53 = arith.constant 7812 : i32
      %lt3A_54 = arith.cmpi slt, %add3A_52, %lt3A_53 : i32
      %convert_element_type3A_55 = arith.extui %lt3A_54 : i1 to i32
      %cond3A_56 = arith.constant 0 : i32
      %cond3A_57 = arith.cmpi ne, %convert_element_type3A_55, %cond3A_56 : i32
      scf.if %cond3A_57 {
        %mul3A_82 = arith.constant 128 : i32
        %mul3A_83 = arith.muli %add3A_52, %mul3A_82 : i32
        %dma_wait3A = arith.constant 0 : i32
        %dma_wait3A_84 = tpu.memref_slice %arg2[%dma_wait3A, %mul3A_83] : memref<32x1000000xf32, #tpu.memory_space<hbm>> -> memref<32x128xf32, #tpu.memory_space<hbm>>
        %dma_wait3A_85 = arith.constant 0 : i32
        %dma_wait3A_86 = tpu.memref_slice %arg2[%dma_wait3A_85, %mul3A_83] : memref<32x1000000xf32, #tpu.memory_space<hbm>> -> memref<32x128xf32, #tpu.memory_space<hbm>>
        tpu.wait_dma2 semaphore(%arg9 : memref<!tpu.dma_semaphore, #tpu.memory_space<semaphore_mem>>) src(%dma_wait3A_86 : memref<32x128xf32, #tpu.memory_space<hbm>>) dst(%arg5 : memref<32x128xf32, #tpu.memory_space<vmem>>)
        %ge3A = arith.constant 2 : i32
        %ge3A_87 = arith.cmpi sge, %mul3A_49, %ge3A : i32
        %convert_element_type3A_88 = arith.extui %ge3A_87 : i1 to i32
        %cond3A_89 = arith.constant 0 : i32
        %cond3A_90 = arith.cmpi ne, %convert_element_type3A_88, %cond3A_89 : i32
        scf.if %cond3A_90 {
          %sub3A = arith.constant 64 : i32
          %sub3A_100 = arith.subi %add3A_52, %sub3A : i32
          %mul3A_101 = arith.constant 32 : i32
          %mul3A_102 = arith.muli %sub3A_100, %mul3A_101 : i32
          %dma_wait3A_103 = arith.constant 0 : i32
          %dma_wait3A_104 = tpu.memref_slice %arg4[%mul3A_102, %dma_wait3A_103] : memref<250000x128xf32, #tpu.memory_space<hbm>> -> memref<32x128xf32, #tpu.memory_space<hbm>>
          %dma_wait3A_105 = arith.constant 0 : i32
          %dma_wait3A_106 = tpu.memref_slice %arg4[%mul3A_102, %dma_wait3A_105] : memref<250000x128xf32, #tpu.memory_space<hbm>> -> memref<32x128xf32, #tpu.memory_space<hbm>>
          tpu.wait_dma2 semaphore(%arg11 : memref<!tpu.dma_semaphore, #tpu.memory_space<semaphore_mem>>) src(%arg7 : memref<32x128xf32, #tpu.memory_space<vmem>>) dst(%dma_wait3A_106 : memref<32x128xf32, #tpu.memory_space<hbm>>)
        } else {
        }
        %iota3A = tpu.iota {dimensions = array<i32: 0>} : vector<16xi32>
        %shift_left3A = arith.constant 5 : i32
        %shift_left3A_91 = vector.broadcast %shift_left3A : i32 to vector<16xi32>
        %shift_left3A_92 = arith.shli %iota3A, %shift_left3A_91 : vector<16xi32>
        %parallel_loop3A = arith.constant 0 : i32
        %parallel_loop3A_93 = arith.constant 16 : i32
        %parallel_loop3A_94 = arith.constant 1 : i32
        scf.for %parallel_loop3A_100 = %parallel_loop3A to %parallel_loop3A_93 step %parallel_loop3A_94  : i32 {
          %parallel_loop3A_101 = vector.broadcast %parallel_loop3A_100 : i32 to vector<16xi32>
          %parallel_loop3A_102 = arith.addi %iota3A, %parallel_loop3A_101 : vector<16xi32>
          %parallel_loop3A_103 = arith.constant 15 : i32
          %parallel_loop3A_104 = vector.broadcast %parallel_loop3A_103 : i32 to vector<16xi32>
          %parallel_loop3A_105 = arith.andi %parallel_loop3A_102, %parallel_loop3A_104 : vector<16xi32>
          %parallel_loop3A_106 = arith.constant 0 : i32
          %parallel_loop3A_107 = vector.broadcast %parallel_loop3A_106 : i32 to vector<16xi32>
          %parallel_loop3A_108 = arith.addi %parallel_loop3A_105, %parallel_loop3A_107 : vector<16xi32>
          %parallel_loop3A_109 = arith.constant 0 : i32
          %parallel_loop3A_110 = vector.broadcast %parallel_loop3A_109 : i32 to vector<16xi32>
          %parallel_loop3A_111 = arith.addi %iota3A, %parallel_loop3A_110 : vector<16xi32>
          %parallel_loop3A_112 = tpu.vector_load_idx %arg5[%parallel_loop3A_108, %parallel_loop3A_111] : memref<32x128xf32, #tpu.memory_space<vmem>>[vector<16xi32>, vector<16xi32>], vector<16xf32>,
          %parallel_loop3A_113 = arith.constant 0 : i32
          %parallel_loop3A_114 = vector.broadcast %parallel_loop3A_113 : i32 to vector<16xi32>
          %parallel_loop3A_115 = arith.addi %shift_left3A_92, %parallel_loop3A_114 : vector<16xi32>
          %parallel_loop3A_116 = arith.addi %parallel_loop3A_115, %parallel_loop3A_105 : vector<16xi32>
          %parallel_loop3A_117 = arith.constant 7 : i32
          %parallel_loop3A_118 = vector.broadcast %parallel_loop3A_117 : i32 to vector<16xi32>
          %parallel_loop3A_119 = arith.shrsi %parallel_loop3A_116, %parallel_loop3A_118 : vector<16xi32>
          %parallel_loop3A_120 = arith.constant 127 : i32
          %parallel_loop3A_121 = vector.broadcast %parallel_loop3A_120 : i32 to vector<16xi32>
          %parallel_loop3A_122 = arith.andi %parallel_loop3A_116, %parallel_loop3A_121 : vector<16xi32>
          tpu.vector_store_idx %arg7[%parallel_loop3A_119, %parallel_loop3A_122], %parallel_loop3A_112 : memref<32x128xf32, #tpu.memory_space<vmem>>[vector<16xi32>, vector<16xi32>], vector<16xf32>,
          %parallel_loop3A_123 = arith.constant 16 : i32
          %parallel_loop3A_124 = vector.broadcast %parallel_loop3A_123 : i32 to vector<16xi32>
          %parallel_loop3A_125 = arith.addi %iota3A, %parallel_loop3A_124 : vector<16xi32>
          %parallel_loop3A_126 = tpu.vector_load_idx %arg5[%parallel_loop3A_108, %parallel_loop3A_125] : memref<32x128xf32, #tpu.memory_space<vmem>>[vector<16xi32>, vector<16xi32>], vector<16xf32>,
          %parallel_loop3A_127 = arith.constant 512 : i32
          %parallel_loop3A_128 = vector.broadcast %parallel_loop3A_127 : i32 to vector<16xi32>
          %parallel_loop3A_129 = arith.addi %shift_left3A_92, %parallel_loop3A_128 : vector<16xi32>
          %parallel_loop3A_130 = arith.addi %parallel_loop3A_129, %parallel_loop3A_105 : vector<16xi32>
          %parallel_loop3A_131 = arith.constant 7 : i32
          %parallel_loop3A_132 = vector.broadcast %parallel_loop3A_131 : i32 to vector<16xi32>
          %parallel_loop3A_133 = arith.shrsi %parallel_loop3A_130, %parallel_loop3A_132 : vector<16xi32>
          %parallel_loop3A_134 = arith.constant 127 : i32
          %parallel_loop3A_135 = vector.broadcast %parallel_loop3A_134 : i32 to vector<16xi32>
          %parallel_loop3A_136 = arith.andi %parallel_loop3A_130, %parallel_loop3A_135 : vector<16xi32>
          tpu.vector_store_idx %arg7[%parallel_loop3A_133, %parallel_loop3A_136], %parallel_loop3A_126 : memref<32x128xf32, #tpu.memory_space<vmem>>[vector<16xi32>, vector<16xi32>], vector<16xf32>,
          %parallel_loop3A_137 = arith.constant 32 : i32
          %parallel_loop3A_138 = vector.broadcast %parallel_loop3A_137 : i32 to vector<16xi32>
          %parallel_loop3A_139 = arith.addi %iota3A, %parallel_loop3A_138 : vector<16xi32>
          %parallel_loop3A_140 = tpu.vector_load_idx %arg5[%parallel_loop3A_108, %parallel_loop3A_139] : memref<32x128xf32, #tpu.memory_space<vmem>>[vector<16xi32>, vector<16xi32>], vector<16xf32>,
          %parallel_loop3A_141 = arith.constant 1024 : i32
          %parallel_loop3A_142 = vector.broadcast %parallel_loop3A_141 : i32 to vector<16xi32>
          %parallel_loop3A_143 = arith.addi %shift_left3A_92, %parallel_loop3A_142 : vector<16xi32>
          %parallel_loop3A_144 = arith.addi %parallel_loop3A_143, %parallel_loop3A_105 : vector<16xi32>
          %parallel_loop3A_145 = arith.constant 7 : i32
          %parallel_loop3A_146 = vector.broadcast %parallel_loop3A_145 : i32 to vector<16xi32>
          %parallel_loop3A_147 = arith.shrsi %parallel_loop3A_144, %parallel_loop3A_146 : vector<16xi32>
          %parallel_loop3A_148 = arith.constant 127 : i32
          %parallel_loop3A_149 = vector.broadcast %parallel_loop3A_148 : i32 to vector<16xi32>
          %parallel_loop3A_150 = arith.andi %parallel_loop3A_144, %parallel_loop3A_149 : vector<16xi32>
          tpu.vector_store_idx %arg7[%parallel_loop3A_147, %parallel_loop3A_150], %parallel_loop3A_140 : memref<32x128xf32, #tpu.memory_space<vmem>>[vector<16xi32>, vector<16xi32>], vector<16xf32>,
          %parallel_loop3A_151 = arith.constant 48 : i32
          %parallel_loop3A_152 = vector.broadcast %parallel_loop3A_151 : i32 to vector<16xi32>
          %parallel_loop3A_153 = arith.addi %iota3A, %parallel_loop3A_152 : vector<16xi32>
          %parallel_loop3A_154 = tpu.vector_load_idx %arg5[%parallel_loop3A_108, %parallel_loop3A_153] : memref<32x128xf32, #tpu.memory_space<vmem>>[vector<16xi32>, vector<16xi32>], vector<16xf32>,
          %parallel_loop3A_155 = arith.constant 1536 : i32
          %parallel_loop3A_156 = vector.broadcast %parallel_loop3A_155 : i32 to vector<16xi32>
          %parallel_loop3A_157 = arith.addi %shift_left3A_92, %parallel_loop3A_156 : vector<16xi32>
          %parallel_loop3A_158 = arith.addi %parallel_loop3A_157, %parallel_loop3A_105 : vector<16xi32>
          %parallel_loop3A_159 = arith.constant 7 : i32
          %parallel_loop3A_160 = vector.broadcast %parallel_loop3A_159 : i32 to vector<16xi32>
          %parallel_loop3A_161 = arith.shrsi %parallel_loop3A_158, %parallel_loop3A_160 : vector<16xi32>
          %parallel_loop3A_162 = arith.constant 127 : i32
          %parallel_loop3A_163 = vector.broadcast %parallel_loop3A_162 : i32 to vector<16xi32>
          %parallel_loop3A_164 = arith.andi %parallel_loop3A_158, %parallel_loop3A_163 : vector<16xi32>
          tpu.vector_store_idx %arg7[%parallel_loop3A_161, %parallel_loop3A_164], %parallel_loop3A_154 : memref<32x128xf32, #tpu.memory_space<vmem>>[vector<16xi32>, vector<16xi32>], vector<16xf32>,
          %parallel_loop3A_165 = arith.constant 64 : i32
          %parallel_loop3A_166 = vector.broadcast %parallel_loop3A_165 : i32 to vector<16xi32>
          %parallel_loop3A_167 = arith.addi %iota3A, %parallel_loop3A_166 : vector<16xi32>
          %parallel_loop3A_168 = tpu.vector_load_idx %arg5[%parallel_loop3A_108, %parallel_loop3A_167] : memref<32x128xf32, #tpu.memory_space<vmem>>[vector<16xi32>, vector<16xi32>], vector<16xf32>,
          %parallel_loop3A_169 = arith.constant 2048 : i32
          %parallel_loop3A_170 = vector.broadcast %parallel_loop3A_169 : i32 to vector<16xi32>
          %parallel_loop3A_171 = arith.addi %shift_left3A_92, %parallel_loop3A_170 : vector<16xi32>
          %parallel_loop3A_172 = arith.addi %parallel_loop3A_171, %parallel_loop3A_105 : vector<16xi32>
          %parallel_loop3A_173 = arith.constant 7 : i32
          %parallel_loop3A_174 = vector.broadcast %parallel_loop3A_173 : i32 to vector<16xi32>
          %parallel_loop3A_175 = arith.shrsi %parallel_loop3A_172, %parallel_loop3A_174 : vector<16xi32>
          %parallel_loop3A_176 = arith.constant 127 : i32
          %parallel_loop3A_177 = vector.broadcast %parallel_loop3A_176 : i32 to vector<16xi32>
          %parallel_loop3A_178 = arith.andi %parallel_loop3A_172, %parallel_loop3A_177 : vector<16xi32>
          tpu.vector_store_idx %arg7[%parallel_loop3A_175, %parallel_loop3A_178], %parallel_loop3A_168 : memref<32x128xf32, #tpu.memory_space<vmem>>[vector<16xi32>, vector<16xi32>], vector<16xf32>,
          %parallel_loop3A_179 = arith.constant 80 : i32
          %parallel_loop3A_180 = vector.broadcast %parallel_loop3A_179 : i32 to vector<16xi32>
          %parallel_loop3A_181 = arith.addi %iota3A, %parallel_loop3A_180 : vector<16xi32>
          %parallel_loop3A_182 = tpu.vector_load_idx %arg5[%parallel_loop3A_108, %parallel_loop3A_181] : memref<32x128xf32, #tpu.memory_space<vmem>>[vector<16xi32>, vector<16xi32>], vector<16xf32>,
          %parallel_loop3A_183 = arith.constant 2560 : i32
          %parallel_loop3A_184 = vector.broadcast %parallel_loop3A_183 : i32 to vector<16xi32>
          %parallel_loop3A_185 = arith.addi %shift_left3A_92, %parallel_loop3A_184 : vector<16xi32>
          %parallel_loop3A_186 = arith.addi %parallel_loop3A_185, %parallel_loop3A_105 : vector<16xi32>
          %parallel_loop3A_187 = arith.constant 7 : i32
          %parallel_loop3A_188 = vector.broadcast %parallel_loop3A_187 : i32 to vector<16xi32>
          %parallel_loop3A_189 = arith.shrsi %parallel_loop3A_186, %parallel_loop3A_188 : vector<16xi32>
          %parallel_loop3A_190 = arith.constant 127 : i32
          %parallel_loop3A_191 = vector.broadcast %parallel_loop3A_190 : i32 to vector<16xi32>
          %parallel_loop3A_192 = arith.andi %parallel_loop3A_186, %parallel_loop3A_191 : vector<16xi32>
          tpu.vector_store_idx %arg7[%parallel_loop3A_189, %parallel_loop3A_192], %parallel_loop3A_182 : memref<32x128xf32, #tpu.memory_space<vmem>>[vector<16xi32>, vector<16xi32>], vector<16xf32>,
          %parallel_loop3A_193 = arith.constant 96 : i32
          %parallel_loop3A_194 = vector.broadcast %parallel_loop3A_193 : i32 to vector<16xi32>
          %parallel_loop3A_195 = arith.addi %iota3A, %parallel_loop3A_194 : vector<16xi32>
          %parallel_loop3A_196 = tpu.vector_load_idx %arg5[%parallel_loop3A_108, %parallel_loop3A_195] : memref<32x128xf32, #tpu.memory_space<vmem>>[vector<16xi32>, vector<16xi32>], vector<16xf32>,
          %parallel_loop3A_197 = arith.constant 3072 : i32
          %parallel_loop3A_198 = vector.broadcast %parallel_loop3A_197 : i32 to vector<16xi32>
          %parallel_loop3A_199 = arith.addi %shift_left3A_92, %parallel_loop3A_198 : vector<16xi32>
          %parallel_loop3A_200 = arith.addi %parallel_loop3A_199, %parallel_loop3A_105 : vector<16xi32>
          %parallel_loop3A_201 = arith.constant 7 : i32
          %parallel_loop3A_202 = vector.broadcast %parallel_loop3A_201 : i32 to vector<16xi32>
          %parallel_loop3A_203 = arith.shrsi %parallel_loop3A_200, %parallel_loop3A_202 : vector<16xi32>
          %parallel_loop3A_204 = arith.constant 127 : i32
          %parallel_loop3A_205 = vector.broadcast %parallel_loop3A_204 : i32 to vector<16xi32>
          %parallel_loop3A_206 = arith.andi %parallel_loop3A_200, %parallel_loop3A_205 : vector<16xi32>
          tpu.vector_store_idx %arg7[%parallel_loop3A_203, %parallel_loop3A_206], %parallel_loop3A_196 : memref<32x128xf32, #tpu.memory_space<vmem>>[vector<16xi32>, vector<16xi32>], vector<16xf32>,
          %parallel_loop3A_207 = arith.constant 112 : i32
          %parallel_loop3A_208 = vector.broadcast %parallel_loop3A_207 : i32 to vector<16xi32>
          %parallel_loop3A_209 = arith.addi %iota3A, %parallel_loop3A_208 : vector<16xi32>
          %parallel_loop3A_210 = tpu.vector_load_idx %arg5[%parallel_loop3A_108, %parallel_loop3A_209] : memref<32x128xf32, #tpu.memory_space<vmem>>[vector<16xi32>, vector<16xi32>], vector<16xf32>,
          %parallel_loop3A_211 = arith.constant 3584 : i32
          %parallel_loop3A_212 = vector.broadcast %parallel_loop3A_211 : i32 to vector<16xi32>
          %parallel_loop3A_213 = arith.addi %shift_left3A_92, %parallel_loop3A_212 : vector<16xi32>
          %parallel_loop3A_214 = arith.addi %parallel_loop3A_213, %parallel_loop3A_105 : vector<16xi32>
          %parallel_loop3A_215 = arith.constant 7 : i32
          %parallel_loop3A_216 = vector.broadcast %parallel_loop3A_215 : i32 to vector<16xi32>
          %parallel_loop3A_217 = arith.shrsi %parallel_loop3A_214, %parallel_loop3A_216 : vector<16xi32>
          %parallel_loop3A_218 = arith.constant 127 : i32
          %parallel_loop3A_219 = vector.broadcast %parallel_loop3A_218 : i32 to vector<16xi32>
          %parallel_loop3A_220 = arith.andi %parallel_loop3A_214, %parallel_loop3A_219 : vector<16xi32>
          tpu.vector_store_idx %arg7[%parallel_loop3A_217, %parallel_loop3A_220], %parallel_loop3A_210 : memref<32x128xf32, #tpu.memory_space<vmem>>[vector<16xi32>, vector<16xi32>], vector<16xf32>,
          %parallel_loop3A_221 = arith.constant 16 : i32
          %parallel_loop3A_222 = vector.broadcast %parallel_loop3A_221 : i32 to vector<16xi32>
          %parallel_loop3A_223 = arith.addi %parallel_loop3A_105, %parallel_loop3A_222 : vector<16xi32>
          %parallel_loop3A_224 = arith.constant 0 : i32
          %parallel_loop3A_225 = vector.broadcast %parallel_loop3A_224 : i32 to vector<16xi32>
          %parallel_loop3A_226 = arith.addi %iota3A, %parallel_loop3A_225 : vector<16xi32>
          %parallel_loop3A_227 = tpu.vector_load_idx %arg5[%parallel_loop3A_223, %parallel_loop3A_226] : memref<32x128xf32, #tpu.memory_space<vmem>>[vector<16xi32>, vector<16xi32>], vector<16xf32>,
          %parallel_loop3A_228 = arith.constant 16 : i32
          %parallel_loop3A_229 = vector.broadcast %parallel_loop3A_228 : i32 to vector<16xi32>
          %parallel_loop3A_230 = arith.addi %shift_left3A_92, %parallel_loop3A_229 : vector<16xi32>
          %parallel_loop3A_231 = arith.addi %parallel_loop3A_230, %parallel_loop3A_105 : vector<16xi32>
          %parallel_loop3A_232 = arith.constant 7 : i32
          %parallel_loop3A_233 = vector.broadcast %parallel_loop3A_232 : i32 to vector<16xi32>
          %parallel_loop3A_234 = arith.shrsi %parallel_loop3A_231, %parallel_loop3A_233 : vector<16xi32>
          %parallel_loop3A_235 = arith.constant 127 : i32
          %parallel_loop3A_236 = vector.broadcast %parallel_loop3A_235 : i32 to vector<16xi32>
          %parallel_loop3A_237 = arith.andi %parallel_loop3A_231, %parallel_loop3A_236 : vector<16xi32>
          tpu.vector_store_idx %arg7[%parallel_loop3A_234, %parallel_loop3A_237], %parallel_loop3A_227 : memref<32x128xf32, #tpu.memory_space<vmem>>[vector<16xi32>, vector<16xi32>], vector<16xf32>,
          %parallel_loop3A_238 = arith.constant 16 : i32
          %parallel_loop3A_239 = vector.broadcast %parallel_loop3A_238 : i32 to vector<16xi32>
          %parallel_loop3A_240 = arith.addi %iota3A, %parallel_loop3A_239 : vector<16xi32>
          %parallel_loop3A_241 = tpu.vector_load_idx %arg5[%parallel_loop3A_223, %parallel_loop3A_240] : memref<32x128xf32, #tpu.memory_space<vmem>>[vector<16xi32>, vector<16xi32>], vector<16xf32>,
          %parallel_loop3A_242 = arith.constant 528 : i32
          %parallel_loop3A_243 = vector.broadcast %parallel_loop3A_242 : i32 to vector<16xi32>
          %parallel_loop3A_244 = arith.addi %shift_left3A_92, %parallel_loop3A_243 : vector<16xi32>
          %parallel_loop3A_245 = arith.addi %parallel_loop3A_244, %parallel_loop3A_105 : vector<16xi32>
          %parallel_loop3A_246 = arith.constant 7 : i32
          %parallel_loop3A_247 = vector.broadcast %parallel_loop3A_246 : i32 to vector<16xi32>
          %parallel_loop3A_248 = arith.shrsi %parallel_loop3A_245, %parallel_loop3A_247 : vector<16xi32>
          %parallel_loop3A_249 = arith.constant 127 : i32
          %parallel_loop3A_250 = vector.broadcast %parallel_loop3A_249 : i32 to vector<16xi32>
          %parallel_loop3A_251 = arith.andi %parallel_loop3A_245, %parallel_loop3A_250 : vector<16xi32>
          tpu.vector_store_idx %arg7[%parallel_loop3A_248, %parallel_loop3A_251], %parallel_loop3A_241 : memref<32x128xf32, #tpu.memory_space<vmem>>[vector<16xi32>, vector<16xi32>], vector<16xf32>,
          %parallel_loop3A_252 = arith.constant 32 : i32
          %parallel_loop3A_253 = vector.broadcast %parallel_loop3A_252 : i32 to vector<16xi32>
          %parallel_loop3A_254 = arith.addi %iota3A, %parallel_loop3A_253 : vector<16xi32>
          %parallel_loop3A_255 = tpu.vector_load_idx %arg5[%parallel_loop3A_223, %parallel_loop3A_254] : memref<32x128xf32, #tpu.memory_space<vmem>>[vector<16xi32>, vector<16xi32>], vector<16xf32>,
          %parallel_loop3A_256 = arith.constant 1040 : i32
          %parallel_loop3A_257 = vector.broadcast %parallel_loop3A_256 : i32 to vector<16xi32>
          %parallel_loop3A_258 = arith.addi %shift_left3A_92, %parallel_loop3A_257 : vector<16xi32>
          %parallel_loop3A_259 = arith.addi %parallel_loop3A_258, %parallel_loop3A_105 : vector<16xi32>
          %parallel_loop3A_260 = arith.constant 7 : i32
          %parallel_loop3A_261 = vector.broadcast %parallel_loop3A_260 : i32 to vector<16xi32>
          %parallel_loop3A_262 = arith.shrsi %parallel_loop3A_259, %parallel_loop3A_261 : vector<16xi32>
          %parallel_loop3A_263 = arith.constant 127 : i32
          %parallel_loop3A_264 = vector.broadcast %parallel_loop3A_263 : i32 to vector<16xi32>
          %parallel_loop3A_265 = arith.andi %parallel_loop3A_259, %parallel_loop3A_264 : vector<16xi32>
          tpu.vector_store_idx %arg7[%parallel_loop3A_262, %parallel_loop3A_265], %parallel_loop3A_255 : memref<32x128xf32, #tpu.memory_space<vmem>>[vector<16xi32>, vector<16xi32>], vector<16xf32>,
          %parallel_loop3A_266 = arith.constant 48 : i32
          %parallel_loop3A_267 = vector.broadcast %parallel_loop3A_266 : i32 to vector<16xi32>
          %parallel_loop3A_268 = arith.addi %iota3A, %parallel_loop3A_267 : vector<16xi32>
          %parallel_loop3A_269 = tpu.vector_load_idx %arg5[%parallel_loop3A_223, %parallel_loop3A_268] : memref<32x128xf32, #tpu.memory_space<vmem>>[vector<16xi32>, vector<16xi32>], vector<16xf32>,
          %parallel_loop3A_270 = arith.constant 1552 : i32
          %parallel_loop3A_271 = vector.broadcast %parallel_loop3A_270 : i32 to vector<16xi32>
          %parallel_loop3A_272 = arith.addi %shift_left3A_92, %parallel_loop3A_271 : vector<16xi32>
          %parallel_loop3A_273 = arith.addi %parallel_loop3A_272, %parallel_loop3A_105 : vector<16xi32>
          %parallel_loop3A_274 = arith.constant 7 : i32
          %parallel_loop3A_275 = vector.broadcast %parallel_loop3A_274 : i32 to vector<16xi32>
          %parallel_loop3A_276 = arith.shrsi %parallel_loop3A_273, %parallel_loop3A_275 : vector<16xi32>
          %parallel_loop3A_277 = arith.constant 127 : i32
          %parallel_loop3A_278 = vector.broadcast %parallel_loop3A_277 : i32 to vector<16xi32>
          %parallel_loop3A_279 = arith.andi %parallel_loop3A_273, %parallel_loop3A_278 : vector<16xi32>
          tpu.vector_store_idx %arg7[%parallel_loop3A_276, %parallel_loop3A_279], %parallel_loop3A_269 : memref<32x128xf32, #tpu.memory_space<vmem>>[vector<16xi32>, vector<16xi32>], vector<16xf32>,
          %parallel_loop3A_280 = arith.constant 64 : i32
          %parallel_loop3A_281 = vector.broadcast %parallel_loop3A_280 : i32 to vector<16xi32>
          %parallel_loop3A_282 = arith.addi %iota3A, %parallel_loop3A_281 : vector<16xi32>
          %parallel_loop3A_283 = tpu.vector_load_idx %arg5[%parallel_loop3A_223, %parallel_loop3A_282] : memref<32x128xf32, #tpu.memory_space<vmem>>[vector<16xi32>, vector<16xi32>], vector<16xf32>,
          %parallel_loop3A_284 = arith.constant 2064 : i32
          %parallel_loop3A_285 = vector.broadcast %parallel_loop3A_284 : i32 to vector<16xi32>
          %parallel_loop3A_286 = arith.addi %shift_left3A_92, %parallel_loop3A_285 : vector<16xi32>
          %parallel_loop3A_287 = arith.addi %parallel_loop3A_286, %parallel_loop3A_105 : vector<16xi32>
          %parallel_loop3A_288 = arith.constant 7 : i32
          %parallel_loop3A_289 = vector.broadcast %parallel_loop3A_288 : i32 to vector<16xi32>
          %parallel_loop3A_290 = arith.shrsi %parallel_loop3A_287, %parallel_loop3A_289 : vector<16xi32>
          %parallel_loop3A_291 = arith.constant 127 : i32
          %parallel_loop3A_292 = vector.broadcast %parallel_loop3A_291 : i32 to vector<16xi32>
          %parallel_loop3A_293 = arith.andi %parallel_loop3A_287, %parallel_loop3A_292 : vector<16xi32>
          tpu.vector_store_idx %arg7[%parallel_loop3A_290, %parallel_loop3A_293], %parallel_loop3A_283 : memref<32x128xf32, #tpu.memory_space<vmem>>[vector<16xi32>, vector<16xi32>], vector<16xf32>,
          %parallel_loop3A_294 = arith.constant 80 : i32
          %parallel_loop3A_295 = vector.broadcast %parallel_loop3A_294 : i32 to vector<16xi32>
          %parallel_loop3A_296 = arith.addi %iota3A, %parallel_loop3A_295 : vector<16xi32>
          %parallel_loop3A_297 = tpu.vector_load_idx %arg5[%parallel_loop3A_223, %parallel_loop3A_296] : memref<32x128xf32, #tpu.memory_space<vmem>>[vector<16xi32>, vector<16xi32>], vector<16xf32>,
          %parallel_loop3A_298 = arith.constant 2576 : i32
          %parallel_loop3A_299 = vector.broadcast %parallel_loop3A_298 : i32 to vector<16xi32>
          %parallel_loop3A_300 = arith.addi %shift_left3A_92, %parallel_loop3A_299 : vector<16xi32>
          %parallel_loop3A_301 = arith.addi %parallel_loop3A_300, %parallel_loop3A_105 : vector<16xi32>
          %parallel_loop3A_302 = arith.constant 7 : i32
          %parallel_loop3A_303 = vector.broadcast %parallel_loop3A_302 : i32 to vector<16xi32>
          %parallel_loop3A_304 = arith.shrsi %parallel_loop3A_301, %parallel_loop3A_303 : vector<16xi32>
          %parallel_loop3A_305 = arith.constant 127 : i32
          %parallel_loop3A_306 = vector.broadcast %parallel_loop3A_305 : i32 to vector<16xi32>
          %parallel_loop3A_307 = arith.andi %parallel_loop3A_301, %parallel_loop3A_306 : vector<16xi32>
          tpu.vector_store_idx %arg7[%parallel_loop3A_304, %parallel_loop3A_307], %parallel_loop3A_297 : memref<32x128xf32, #tpu.memory_space<vmem>>[vector<16xi32>, vector<16xi32>], vector<16xf32>,
          %parallel_loop3A_308 = arith.constant 96 : i32
          %parallel_loop3A_309 = vector.broadcast %parallel_loop3A_308 : i32 to vector<16xi32>
          %parallel_loop3A_310 = arith.addi %iota3A, %parallel_loop3A_309 : vector<16xi32>
          %parallel_loop3A_311 = tpu.vector_load_idx %arg5[%parallel_loop3A_223, %parallel_loop3A_310] : memref<32x128xf32, #tpu.memory_space<vmem>>[vector<16xi32>, vector<16xi32>], vector<16xf32>,
          %parallel_loop3A_312 = arith.constant 3088 : i32
          %parallel_loop3A_313 = vector.broadcast %parallel_loop3A_312 : i32 to vector<16xi32>
          %parallel_loop3A_314 = arith.addi %shift_left3A_92, %parallel_loop3A_313 : vector<16xi32>
          %parallel_loop3A_315 = arith.addi %parallel_loop3A_314, %parallel_loop3A_105 : vector<16xi32>
          %parallel_loop3A_316 = arith.constant 7 : i32
          %parallel_loop3A_317 = vector.broadcast %parallel_loop3A_316 : i32 to vector<16xi32>
          %parallel_loop3A_318 = arith.shrsi %parallel_loop3A_315, %parallel_loop3A_317 : vector<16xi32>
          %parallel_loop3A_319 = arith.constant 127 : i32
          %parallel_loop3A_320 = vector.broadcast %parallel_loop3A_319 : i32 to vector<16xi32>
          %parallel_loop3A_321 = arith.andi %parallel_loop3A_315, %parallel_loop3A_320 : vector<16xi32>
          tpu.vector_store_idx %arg7[%parallel_loop3A_318, %parallel_loop3A_321], %parallel_loop3A_311 : memref<32x128xf32, #tpu.memory_space<vmem>>[vector<16xi32>, vector<16xi32>], vector<16xf32>,
          %parallel_loop3A_322 = arith.constant 112 : i32
          %parallel_loop3A_323 = vector.broadcast %parallel_loop3A_322 : i32 to vector<16xi32>
          %parallel_loop3A_324 = arith.addi %iota3A, %parallel_loop3A_323 : vector<16xi32>
          %parallel_loop3A_325 = tpu.vector_load_idx %arg5[%parallel_loop3A_223, %parallel_loop3A_324] : memref<32x128xf32, #tpu.memory_space<vmem>>[vector<16xi32>, vector<16xi32>], vector<16xf32>,
          %parallel_loop3A_326 = arith.constant 3600 : i32
          %parallel_loop3A_327 = vector.broadcast %parallel_loop3A_326 : i32 to vector<16xi32>
          %parallel_loop3A_328 = arith.addi %shift_left3A_92, %parallel_loop3A_327 : vector<16xi32>
          %parallel_loop3A_329 = arith.addi %parallel_loop3A_328, %parallel_loop3A_105 : vector<16xi32>
          %parallel_loop3A_330 = arith.constant 7 : i32
          %parallel_loop3A_331 = vector.broadcast %parallel_loop3A_330 : i32 to vector<16xi32>
          %parallel_loop3A_332 = arith.shrsi %parallel_loop3A_329, %parallel_loop3A_331 : vector<16xi32>
          %parallel_loop3A_333 = arith.constant 127 : i32
          %parallel_loop3A_334 = vector.broadcast %parallel_loop3A_333 : i32 to vector<16xi32>
          %parallel_loop3A_335 = arith.andi %parallel_loop3A_329, %parallel_loop3A_334 : vector<16xi32>
          tpu.vector_store_idx %arg7[%parallel_loop3A_332, %parallel_loop3A_335], %parallel_loop3A_325 : memref<32x128xf32, #tpu.memory_space<vmem>>[vector<16xi32>, vector<16xi32>], vector<16xf32>,
        } {sc.loop_unroll_factor = 2 : i64, sc.parallel_access}
        %mul3A_95 = arith.constant 32 : i32
        %mul3A_96 = arith.muli %add3A_52, %mul3A_95 : i32
        %dma_start3A = arith.constant 0 : i32
        %dma_start3A_97 = tpu.memref_slice %arg4[%mul3A_96, %dma_start3A] : memref<250000x128xf32, #tpu.memory_space<hbm>> -> memref<32x128xf32, #tpu.memory_space<hbm>>
        %dma_start3A_98 = arith.constant 0 : i32
        %dma_start3A_99 = tpu.memref_slice %arg4[%mul3A_96, %dma_start3A_98] : memref<250000x128xf32, #tpu.memory_space<hbm>> -> memref<32x128xf32, #tpu.memory_space<hbm>>
        tpu.enqueue_dma source(%arg7 : memref<32x128xf32, #tpu.memory_space<vmem>>) target(%dma_start3A_99 : memref<32x128xf32, #tpu.memory_space<hbm>>) target_semaphore(%arg11 : memref<!tpu.dma_semaphore, #tpu.memory_space<semaphore_mem>>)
      } else {
      }
      %mul3A_58 = arith.constant 2 : i32
      %mul3A_59 = arith.muli %mul3A_58, %scan3A_35 : i32
      %add3A_60 = arith.constant 2 : i32
      %add3A_61 = arith.addi %mul3A_59, %add3A_60 : i32
      %mul3A_62 = arith.constant 32 : i32
      %mul3A_63 = arith.muli %mul3A_62, %add3A_61 : i32
      %add3A_64 = arith.addi %add3A, %mul3A_63 : i32
      %lt3A_65 = arith.constant 7812 : i32
      %lt3A_66 = arith.cmpi slt, %add3A_64, %lt3A_65 : i32
      %convert_element_type3A_67 = arith.extui %lt3A_66 : i1 to i32
      %cond3A_68 = arith.constant 0 : i32
      %cond3A_69 = arith.cmpi ne, %convert_element_type3A_67, %cond3A_68 : i32
      scf.if %cond3A_69 {
        %mul3A_82 = arith.constant 32 : i32
        %mul3A_83 = arith.muli %mul3A_82, %add3A_61 : i32
        %add3A_84 = arith.addi %add3A, %mul3A_83 : i32
        %mul3A_85 = arith.constant 128 : i32
        %mul3A_86 = arith.muli %add3A_84, %mul3A_85 : i32
        %dma_start3A = arith.constant 0 : i32
        %dma_start3A_87 = tpu.memref_slice %arg2[%dma_start3A, %mul3A_86] : memref<32x1000000xf32, #tpu.memory_space<hbm>> -> memref<32x128xf32, #tpu.memory_space<hbm>>
        %dma_start3A_88 = arith.constant 0 : i32
        %dma_start3A_89 = tpu.memref_slice %arg2[%dma_start3A_88, %mul3A_86] : memref<32x1000000xf32, #tpu.memory_space<hbm>> -> memref<32x128xf32, #tpu.memory_space<hbm>>
        tpu.enqueue_dma source(%dma_start3A_89 : memref<32x128xf32, #tpu.memory_space<hbm>>) target(%arg5 : memref<32x128xf32, #tpu.memory_space<vmem>>) target_semaphore(%arg9 : memref<!tpu.dma_semaphore, #tpu.memory_space<semaphore_mem>>)
      } else {
      }
      %mul3A_70 = arith.constant 2 : i32
      %mul3A_71 = arith.muli %mul3A_70, %scan3A_35 : i32
      %add3A_72 = arith.constant 1 : i32
      %add3A_73 = arith.addi %mul3A_71, %add3A_72 : i32
      %mul3A_74 = arith.constant 32 : i32
      %mul3A_75 = arith.muli %mul3A_74, %add3A_73 : i32
      %add3A_76 = arith.addi %add3A, %mul3A_75 : i32
      %lt3A_77 = arith.constant 7812 : i32
      %lt3A_78 = arith.cmpi slt, %add3A_76, %lt3A_77 : i32
      %convert_element_type3A_79 = arith.extui %lt3A_78 : i1 to i32
      %cond3A_80 = arith.constant 0 : i32
      %cond3A_81 = arith.cmpi ne, %convert_element_type3A_79, %cond3A_80 : i32
      scf.if %cond3A_81 {
        %mul3A_82 = arith.constant 128 : i32
        %mul3A_83 = arith.muli %add3A_76, %mul3A_82 : i32
        %dma_wait3A = arith.constant 0 : i32
        %dma_wait3A_84 = tpu.memref_slice %arg2[%dma_wait3A, %mul3A_83] : memref<32x1000000xf32, #tpu.memory_space<hbm>> -> memref<32x128xf32, #tpu.memory_space<hbm>>
        %dma_wait3A_85 = arith.constant 0 : i32
        %dma_wait3A_86 = tpu.memref_slice %arg2[%dma_wait3A_85, %mul3A_83] : memref<32x1000000xf32, #tpu.memory_space<hbm>> -> memref<32x128xf32, #tpu.memory_space<hbm>>
        tpu.wait_dma2 semaphore(%arg10 : memref<!tpu.dma_semaphore, #tpu.memory_space<semaphore_mem>>) src(%dma_wait3A_86 : memref<32x128xf32, #tpu.memory_space<hbm>>) dst(%arg6 : memref<32x128xf32, #tpu.memory_space<vmem>>)
        %ge3A = arith.constant 2 : i32
        %ge3A_87 = arith.cmpi sge, %add3A_73, %ge3A : i32
        %convert_element_type3A_88 = arith.extui %ge3A_87 : i1 to i32
        %cond3A_89 = arith.constant 0 : i32
        %cond3A_90 = arith.cmpi ne, %convert_element_type3A_88, %cond3A_89 : i32
        scf.if %cond3A_90 {
          %sub3A = arith.constant 64 : i32
          %sub3A_100 = arith.subi %add3A_76, %sub3A : i32
          %mul3A_101 = arith.constant 32 : i32
          %mul3A_102 = arith.muli %sub3A_100, %mul3A_101 : i32
          %dma_wait3A_103 = arith.constant 0 : i32
          %dma_wait3A_104 = tpu.memref_slice %arg4[%mul3A_102, %dma_wait3A_103] : memref<250000x128xf32, #tpu.memory_space<hbm>> -> memref<32x128xf32, #tpu.memory_space<hbm>>
          %dma_wait3A_105 = arith.constant 0 : i32
          %dma_wait3A_106 = tpu.memref_slice %arg4[%mul3A_102, %dma_wait3A_105] : memref<250000x128xf32, #tpu.memory_space<hbm>> -> memref<32x128xf32, #tpu.memory_space<hbm>>
          tpu.wait_dma2 semaphore(%arg12 : memref<!tpu.dma_semaphore, #tpu.memory_space<semaphore_mem>>) src(%arg8 : memref<32x128xf32, #tpu.memory_space<vmem>>) dst(%dma_wait3A_106 : memref<32x128xf32, #tpu.memory_space<hbm>>)
        } else {
        }
        %iota3A = tpu.iota {dimensions = array<i32: 0>} : vector<16xi32>
        %shift_left3A = arith.constant 5 : i32
        %shift_left3A_91 = vector.broadcast %shift_left3A : i32 to vector<16xi32>
        %shift_left3A_92 = arith.shli %iota3A, %shift_left3A_91 : vector<16xi32>
        %parallel_loop3A = arith.constant 0 : i32
        %parallel_loop3A_93 = arith.constant 16 : i32
        %parallel_loop3A_94 = arith.constant 1 : i32
        scf.for %parallel_loop3A_100 = %parallel_loop3A to %parallel_loop3A_93 step %parallel_loop3A_94  : i32 {
          %parallel_loop3A_101 = vector.broadcast %parallel_loop3A_100 : i32 to vector<16xi32>
          %parallel_loop3A_102 = arith.addi %iota3A, %parallel_loop3A_101 : vector<16xi32>
          %parallel_loop3A_103 = arith.constant 15 : i32
          %parallel_loop3A_104 = vector.broadcast %parallel_loop3A_103 : i32 to vector<16xi32>
          %parallel_loop3A_105 = arith.andi %parallel_loop3A_102, %parallel_loop3A_104 : vector<16xi32>
          %parallel_loop3A_106 = arith.constant 0 : i32
          %parallel_loop3A_107 = vector.broadcast %parallel_loop3A_106 : i32 to vector<16xi32>
          %parallel_loop3A_108 = arith.addi %parallel_loop3A_105, %parallel_loop3A_107 : vector<16xi32>
          %parallel_loop3A_109 = arith.constant 0 : i32
          %parallel_loop3A_110 = vector.broadcast %parallel_loop3A_109 : i32 to vector<16xi32>
          %parallel_loop3A_111 = arith.addi %iota3A, %parallel_loop3A_110 : vector<16xi32>
          %parallel_loop3A_112 = tpu.vector_load_idx %arg6[%parallel_loop3A_108, %parallel_loop3A_111] : memref<32x128xf32, #tpu.memory_space<vmem>>[vector<16xi32>, vector<16xi32>], vector<16xf32>,
          %parallel_loop3A_113 = arith.constant 0 : i32
          %parallel_loop3A_114 = vector.broadcast %parallel_loop3A_113 : i32 to vector<16xi32>
          %parallel_loop3A_115 = arith.addi %shift_left3A_92, %parallel_loop3A_114 : vector<16xi32>
          %parallel_loop3A_116 = arith.addi %parallel_loop3A_115, %parallel_loop3A_105 : vector<16xi32>
          %parallel_loop3A_117 = arith.constant 7 : i32
          %parallel_loop3A_118 = vector.broadcast %parallel_loop3A_117 : i32 to vector<16xi32>
          %parallel_loop3A_119 = arith.shrsi %parallel_loop3A_116, %parallel_loop3A_118 : vector<16xi32>
          %parallel_loop3A_120 = arith.constant 127 : i32
          %parallel_loop3A_121 = vector.broadcast %parallel_loop3A_120 : i32 to vector<16xi32>
          %parallel_loop3A_122 = arith.andi %parallel_loop3A_116, %parallel_loop3A_121 : vector<16xi32>
          tpu.vector_store_idx %arg8[%parallel_loop3A_119, %parallel_loop3A_122], %parallel_loop3A_112 : memref<32x128xf32, #tpu.memory_space<vmem>>[vector<16xi32>, vector<16xi32>], vector<16xf32>,
          %parallel_loop3A_123 = arith.constant 16 : i32
          %parallel_loop3A_124 = vector.broadcast %parallel_loop3A_123 : i32 to vector<16xi32>
          %parallel_loop3A_125 = arith.addi %iota3A, %parallel_loop3A_124 : vector<16xi32>
          %parallel_loop3A_126 = tpu.vector_load_idx %arg6[%parallel_loop3A_108, %parallel_loop3A_125] : memref<32x128xf32, #tpu.memory_space<vmem>>[vector<16xi32>, vector<16xi32>], vector<16xf32>,
          %parallel_loop3A_127 = arith.constant 512 : i32
          %parallel_loop3A_128 = vector.broadcast %parallel_loop3A_127 : i32 to vector<16xi32>
          %parallel_loop3A_129 = arith.addi %shift_left3A_92, %parallel_loop3A_128 : vector<16xi32>
          %parallel_loop3A_130 = arith.addi %parallel_loop3A_129, %parallel_loop3A_105 : vector<16xi32>
          %parallel_loop3A_131 = arith.constant 7 : i32
          %parallel_loop3A_132 = vector.broadcast %parallel_loop3A_131 : i32 to vector<16xi32>
          %parallel_loop3A_133 = arith.shrsi %parallel_loop3A_130, %parallel_loop3A_132 : vector<16xi32>
          %parallel_loop3A_134 = arith.constant 127 : i32
          %parallel_loop3A_135 = vector.broadcast %parallel_loop3A_134 : i32 to vector<16xi32>
          %parallel_loop3A_136 = arith.andi %parallel_loop3A_130, %parallel_loop3A_135 : vector<16xi32>
          tpu.vector_store_idx %arg8[%parallel_loop3A_133, %parallel_loop3A_136], %parallel_loop3A_126 : memref<32x128xf32, #tpu.memory_space<vmem>>[vector<16xi32>, vector<16xi32>], vector<16xf32>,
          %parallel_loop3A_137 = arith.constant 32 : i32
          %parallel_loop3A_138 = vector.broadcast %parallel_loop3A_137 : i32 to vector<16xi32>
          %parallel_loop3A_139 = arith.addi %iota3A, %parallel_loop3A_138 : vector<16xi32>
          %parallel_loop3A_140 = tpu.vector_load_idx %arg6[%parallel_loop3A_108, %parallel_loop3A_139] : memref<32x128xf32, #tpu.memory_space<vmem>>[vector<16xi32>, vector<16xi32>], vector<16xf32>,
          %parallel_loop3A_141 = arith.constant 1024 : i32
          %parallel_loop3A_142 = vector.broadcast %parallel_loop3A_141 : i32 to vector<16xi32>
          %parallel_loop3A_143 = arith.addi %shift_left3A_92, %parallel_loop3A_142 : vector<16xi32>
          %parallel_loop3A_144 = arith.addi %parallel_loop3A_143, %parallel_loop3A_105 : vector<16xi32>
          %parallel_loop3A_145 = arith.constant 7 : i32
          %parallel_loop3A_146 = vector.broadcast %parallel_loop3A_145 : i32 to vector<16xi32>
          %parallel_loop3A_147 = arith.shrsi %parallel_loop3A_144, %parallel_loop3A_146 : vector<16xi32>
          %parallel_loop3A_148 = arith.constant 127 : i32
          %parallel_loop3A_149 = vector.broadcast %parallel_loop3A_148 : i32 to vector<16xi32>
          %parallel_loop3A_150 = arith.andi %parallel_loop3A_144, %parallel_loop3A_149 : vector<16xi32>
          tpu.vector_store_idx %arg8[%parallel_loop3A_147, %parallel_loop3A_150], %parallel_loop3A_140 : memref<32x128xf32, #tpu.memory_space<vmem>>[vector<16xi32>, vector<16xi32>], vector<16xf32>,
          %parallel_loop3A_151 = arith.constant 48 : i32
          %parallel_loop3A_152 = vector.broadcast %parallel_loop3A_151 : i32 to vector<16xi32>
          %parallel_loop3A_153 = arith.addi %iota3A, %parallel_loop3A_152 : vector<16xi32>
          %parallel_loop3A_154 = tpu.vector_load_idx %arg6[%parallel_loop3A_108, %parallel_loop3A_153] : memref<32x128xf32, #tpu.memory_space<vmem>>[vector<16xi32>, vector<16xi32>], vector<16xf32>,
          %parallel_loop3A_155 = arith.constant 1536 : i32
          %parallel_loop3A_156 = vector.broadcast %parallel_loop3A_155 : i32 to vector<16xi32>
          %parallel_loop3A_157 = arith.addi %shift_left3A_92, %parallel_loop3A_156 : vector<16xi32>
          %parallel_loop3A_158 = arith.addi %parallel_loop3A_157, %parallel_loop3A_105 : vector<16xi32>
          %parallel_loop3A_159 = arith.constant 7 : i32
          %parallel_loop3A_160 = vector.broadcast %parallel_loop3A_159 : i32 to vector<16xi32>
          %parallel_loop3A_161 = arith.shrsi %parallel_loop3A_158, %parallel_loop3A_160 : vector<16xi32>
          %parallel_loop3A_162 = arith.constant 127 : i32
          %parallel_loop3A_163 = vector.broadcast %parallel_loop3A_162 : i32 to vector<16xi32>
          %parallel_loop3A_164 = arith.andi %parallel_loop3A_158, %parallel_loop3A_163 : vector<16xi32>
          tpu.vector_store_idx %arg8[%parallel_loop3A_161, %parallel_loop3A_164], %parallel_loop3A_154 : memref<32x128xf32, #tpu.memory_space<vmem>>[vector<16xi32>, vector<16xi32>], vector<16xf32>,
          %parallel_loop3A_165 = arith.constant 64 : i32
          %parallel_loop3A_166 = vector.broadcast %parallel_loop3A_165 : i32 to vector<16xi32>
          %parallel_loop3A_167 = arith.addi %iota3A, %parallel_loop3A_166 : vector<16xi32>
          %parallel_loop3A_168 = tpu.vector_load_idx %arg6[%parallel_loop3A_108, %parallel_loop3A_167] : memref<32x128xf32, #tpu.memory_space<vmem>>[vector<16xi32>, vector<16xi32>], vector<16xf32>,
          %parallel_loop3A_169 = arith.constant 2048 : i32
          %parallel_loop3A_170 = vector.broadcast %parallel_loop3A_169 : i32 to vector<16xi32>
          %parallel_loop3A_171 = arith.addi %shift_left3A_92, %parallel_loop3A_170 : vector<16xi32>
          %parallel_loop3A_172 = arith.addi %parallel_loop3A_171, %parallel_loop3A_105 : vector<16xi32>
          %parallel_loop3A_173 = arith.constant 7 : i32
          %parallel_loop3A_174 = vector.broadcast %parallel_loop3A_173 : i32 to vector<16xi32>
          %parallel_loop3A_175 = arith.shrsi %parallel_loop3A_172, %parallel_loop3A_174 : vector<16xi32>
          %parallel_loop3A_176 = arith.constant 127 : i32
          %parallel_loop3A_177 = vector.broadcast %parallel_loop3A_176 : i32 to vector<16xi32>
          %parallel_loop3A_178 = arith.andi %parallel_loop3A_172, %parallel_loop3A_177 : vector<16xi32>
          tpu.vector_store_idx %arg8[%parallel_loop3A_175, %parallel_loop3A_178], %parallel_loop3A_168 : memref<32x128xf32, #tpu.memory_space<vmem>>[vector<16xi32>, vector<16xi32>], vector<16xf32>,
          %parallel_loop3A_179 = arith.constant 80 : i32
          %parallel_loop3A_180 = vector.broadcast %parallel_loop3A_179 : i32 to vector<16xi32>
          %parallel_loop3A_181 = arith.addi %iota3A, %parallel_loop3A_180 : vector<16xi32>
          %parallel_loop3A_182 = tpu.vector_load_idx %arg6[%parallel_loop3A_108, %parallel_loop3A_181] : memref<32x128xf32, #tpu.memory_space<vmem>>[vector<16xi32>, vector<16xi32>], vector<16xf32>,
          %parallel_loop3A_183 = arith.constant 2560 : i32
          %parallel_loop3A_184 = vector.broadcast %parallel_loop3A_183 : i32 to vector<16xi32>
          %parallel_loop3A_185 = arith.addi %shift_left3A_92, %parallel_loop3A_184 : vector<16xi32>
          %parallel_loop3A_186 = arith.addi %parallel_loop3A_185, %parallel_loop3A_105 : vector<16xi32>
          %parallel_loop3A_187 = arith.constant 7 : i32
          %parallel_loop3A_188 = vector.broadcast %parallel_loop3A_187 : i32 to vector<16xi32>
          %parallel_loop3A_189 = arith.shrsi %parallel_loop3A_186, %parallel_loop3A_188 : vector<16xi32>
          %parallel_loop3A_190 = arith.constant 127 : i32
          %parallel_loop3A_191 = vector.broadcast %parallel_loop3A_190 : i32 to vector<16xi32>
          %parallel_loop3A_192 = arith.andi %parallel_loop3A_186, %parallel_loop3A_191 : vector<16xi32>
          tpu.vector_store_idx %arg8[%parallel_loop3A_189, %parallel_loop3A_192], %parallel_loop3A_182 : memref<32x128xf32, #tpu.memory_space<vmem>>[vector<16xi32>, vector<16xi32>], vector<16xf32>,
          %parallel_loop3A_193 = arith.constant 96 : i32
          %parallel_loop3A_194 = vector.broadcast %parallel_loop3A_193 : i32 to vector<16xi32>
          %parallel_loop3A_195 = arith.addi %iota3A, %parallel_loop3A_194 : vector<16xi32>
          %parallel_loop3A_196 = tpu.vector_load_idx %arg6[%parallel_loop3A_108, %parallel_loop3A_195] : memref<32x128xf32, #tpu.memory_space<vmem>>[vector<16xi32>, vector<16xi32>], vector<16xf32>,
          %parallel_loop3A_197 = arith.constant 3072 : i32
          %parallel_loop3A_198 = vector.broadcast %parallel_loop3A_197 : i32 to vector<16xi32>
          %parallel_loop3A_199 = arith.addi %shift_left3A_92, %parallel_loop3A_198 : vector<16xi32>
          %parallel_loop3A_200 = arith.addi %parallel_loop3A_199, %parallel_loop3A_105 : vector<16xi32>
          %parallel_loop3A_201 = arith.constant 7 : i32
          %parallel_loop3A_202 = vector.broadcast %parallel_loop3A_201 : i32 to vector<16xi32>
          %parallel_loop3A_203 = arith.shrsi %parallel_loop3A_200, %parallel_loop3A_202 : vector<16xi32>
          %parallel_loop3A_204 = arith.constant 127 : i32
          %parallel_loop3A_205 = vector.broadcast %parallel_loop3A_204 : i32 to vector<16xi32>
          %parallel_loop3A_206 = arith.andi %parallel_loop3A_200, %parallel_loop3A_205 : vector<16xi32>
          tpu.vector_store_idx %arg8[%parallel_loop3A_203, %parallel_loop3A_206], %parallel_loop3A_196 : memref<32x128xf32, #tpu.memory_space<vmem>>[vector<16xi32>, vector<16xi32>], vector<16xf32>,
          %parallel_loop3A_207 = arith.constant 112 : i32
          %parallel_loop3A_208 = vector.broadcast %parallel_loop3A_207 : i32 to vector<16xi32>
          %parallel_loop3A_209 = arith.addi %iota3A, %parallel_loop3A_208 : vector<16xi32>
          %parallel_loop3A_210 = tpu.vector_load_idx %arg6[%parallel_loop3A_108, %parallel_loop3A_209] : memref<32x128xf32, #tpu.memory_space<vmem>>[vector<16xi32>, vector<16xi32>], vector<16xf32>,
          %parallel_loop3A_211 = arith.constant 3584 : i32
          %parallel_loop3A_212 = vector.broadcast %parallel_loop3A_211 : i32 to vector<16xi32>
          %parallel_loop3A_213 = arith.addi %shift_left3A_92, %parallel_loop3A_212 : vector<16xi32>
          %parallel_loop3A_214 = arith.addi %parallel_loop3A_213, %parallel_loop3A_105 : vector<16xi32>
          %parallel_loop3A_215 = arith.constant 7 : i32
          %parallel_loop3A_216 = vector.broadcast %parallel_loop3A_215 : i32 to vector<16xi32>
          %parallel_loop3A_217 = arith.shrsi %parallel_loop3A_214, %parallel_loop3A_216 : vector<16xi32>
          %parallel_loop3A_218 = arith.constant 127 : i32
          %parallel_loop3A_219 = vector.broadcast %parallel_loop3A_218 : i32 to vector<16xi32>
          %parallel_loop3A_220 = arith.andi %parallel_loop3A_214, %parallel_loop3A_219 : vector<16xi32>
          tpu.vector_store_idx %arg8[%parallel_loop3A_217, %parallel_loop3A_220], %parallel_loop3A_210 : memref<32x128xf32, #tpu.memory_space<vmem>>[vector<16xi32>, vector<16xi32>], vector<16xf32>,
          %parallel_loop3A_221 = arith.constant 16 : i32
          %parallel_loop3A_222 = vector.broadcast %parallel_loop3A_221 : i32 to vector<16xi32>
          %parallel_loop3A_223 = arith.addi %parallel_loop3A_105, %parallel_loop3A_222 : vector<16xi32>
          %parallel_loop3A_224 = arith.constant 0 : i32
          %parallel_loop3A_225 = vector.broadcast %parallel_loop3A_224 : i32 to vector<16xi32>
          %parallel_loop3A_226 = arith.addi %iota3A, %parallel_loop3A_225 : vector<16xi32>
          %parallel_loop3A_227 = tpu.vector_load_idx %arg6[%parallel_loop3A_223, %parallel_loop3A_226] : memref<32x128xf32, #tpu.memory_space<vmem>>[vector<16xi32>, vector<16xi32>], vector<16xf32>,
          %parallel_loop3A_228 = arith.constant 16 : i32
          %parallel_loop3A_229 = vector.broadcast %parallel_loop3A_228 : i32 to vector<16xi32>
          %parallel_loop3A_230 = arith.addi %shift_left3A_92, %parallel_loop3A_229 : vector<16xi32>
          %parallel_loop3A_231 = arith.addi %parallel_loop3A_230, %parallel_loop3A_105 : vector<16xi32>
          %parallel_loop3A_232 = arith.constant 7 : i32
          %parallel_loop3A_233 = vector.broadcast %parallel_loop3A_232 : i32 to vector<16xi32>
          %parallel_loop3A_234 = arith.shrsi %parallel_loop3A_231, %parallel_loop3A_233 : vector<16xi32>
          %parallel_loop3A_235 = arith.constant 127 : i32
          %parallel_loop3A_236 = vector.broadcast %parallel_loop3A_235 : i32 to vector<16xi32>
          %parallel_loop3A_237 = arith.andi %parallel_loop3A_231, %parallel_loop3A_236 : vector<16xi32>
          tpu.vector_store_idx %arg8[%parallel_loop3A_234, %parallel_loop3A_237], %parallel_loop3A_227 : memref<32x128xf32, #tpu.memory_space<vmem>>[vector<16xi32>, vector<16xi32>], vector<16xf32>,
          %parallel_loop3A_238 = arith.constant 16 : i32
          %parallel_loop3A_239 = vector.broadcast %parallel_loop3A_238 : i32 to vector<16xi32>
          %parallel_loop3A_240 = arith.addi %iota3A, %parallel_loop3A_239 : vector<16xi32>
          %parallel_loop3A_241 = tpu.vector_load_idx %arg6[%parallel_loop3A_223, %parallel_loop3A_240] : memref<32x128xf32, #tpu.memory_space<vmem>>[vector<16xi32>, vector<16xi32>], vector<16xf32>,
          %parallel_loop3A_242 = arith.constant 528 : i32
          %parallel_loop3A_243 = vector.broadcast %parallel_loop3A_242 : i32 to vector<16xi32>
          %parallel_loop3A_244 = arith.addi %shift_left3A_92, %parallel_loop3A_243 : vector<16xi32>
          %parallel_loop3A_245 = arith.addi %parallel_loop3A_244, %parallel_loop3A_105 : vector<16xi32>
          %parallel_loop3A_246 = arith.constant 7 : i32
          %parallel_loop3A_247 = vector.broadcast %parallel_loop3A_246 : i32 to vector<16xi32>
          %parallel_loop3A_248 = arith.shrsi %parallel_loop3A_245, %parallel_loop3A_247 : vector<16xi32>
          %parallel_loop3A_249 = arith.constant 127 : i32
          %parallel_loop3A_250 = vector.broadcast %parallel_loop3A_249 : i32 to vector<16xi32>
          %parallel_loop3A_251 = arith.andi %parallel_loop3A_245, %parallel_loop3A_250 : vector<16xi32>
          tpu.vector_store_idx %arg8[%parallel_loop3A_248, %parallel_loop3A_251], %parallel_loop3A_241 : memref<32x128xf32, #tpu.memory_space<vmem>>[vector<16xi32>, vector<16xi32>], vector<16xf32>,
          %parallel_loop3A_252 = arith.constant 32 : i32
          %parallel_loop3A_253 = vector.broadcast %parallel_loop3A_252 : i32 to vector<16xi32>
          %parallel_loop3A_254 = arith.addi %iota3A, %parallel_loop3A_253 : vector<16xi32>
          %parallel_loop3A_255 = tpu.vector_load_idx %arg6[%parallel_loop3A_223, %parallel_loop3A_254] : memref<32x128xf32, #tpu.memory_space<vmem>>[vector<16xi32>, vector<16xi32>], vector<16xf32>,
          %parallel_loop3A_256 = arith.constant 1040 : i32
          %parallel_loop3A_257 = vector.broadcast %parallel_loop3A_256 : i32 to vector<16xi32>
          %parallel_loop3A_258 = arith.addi %shift_left3A_92, %parallel_loop3A_257 : vector<16xi32>
          %parallel_loop3A_259 = arith.addi %parallel_loop3A_258, %parallel_loop3A_105 : vector<16xi32>
          %parallel_loop3A_260 = arith.constant 7 : i32
          %parallel_loop3A_261 = vector.broadcast %parallel_loop3A_260 : i32 to vector<16xi32>
          %parallel_loop3A_262 = arith.shrsi %parallel_loop3A_259, %parallel_loop3A_261 : vector<16xi32>
          %parallel_loop3A_263 = arith.constant 127 : i32
          %parallel_loop3A_264 = vector.broadcast %parallel_loop3A_263 : i32 to vector<16xi32>
          %parallel_loop3A_265 = arith.andi %parallel_loop3A_259, %parallel_loop3A_264 : vector<16xi32>
          tpu.vector_store_idx %arg8[%parallel_loop3A_262, %parallel_loop3A_265], %parallel_loop3A_255 : memref<32x128xf32, #tpu.memory_space<vmem>>[vector<16xi32>, vector<16xi32>], vector<16xf32>,
          %parallel_loop3A_266 = arith.constant 48 : i32
          %parallel_loop3A_267 = vector.broadcast %parallel_loop3A_266 : i32 to vector<16xi32>
          %parallel_loop3A_268 = arith.addi %iota3A, %parallel_loop3A_267 : vector<16xi32>
          %parallel_loop3A_269 = tpu.vector_load_idx %arg6[%parallel_loop3A_223, %parallel_loop3A_268] : memref<32x128xf32, #tpu.memory_space<vmem>>[vector<16xi32>, vector<16xi32>], vector<16xf32>,
          %parallel_loop3A_270 = arith.constant 1552 : i32
          %parallel_loop3A_271 = vector.broadcast %parallel_loop3A_270 : i32 to vector<16xi32>
          %parallel_loop3A_272 = arith.addi %shift_left3A_92, %parallel_loop3A_271 : vector<16xi32>
          %parallel_loop3A_273 = arith.addi %parallel_loop3A_272, %parallel_loop3A_105 : vector<16xi32>
          %parallel_loop3A_274 = arith.constant 7 : i32
          %parallel_loop3A_275 = vector.broadcast %parallel_loop3A_274 : i32 to vector<16xi32>
          %parallel_loop3A_276 = arith.shrsi %parallel_loop3A_273, %parallel_loop3A_275 : vector<16xi32>
          %parallel_loop3A_277 = arith.constant 127 : i32
          %parallel_loop3A_278 = vector.broadcast %parallel_loop3A_277 : i32 to vector<16xi32>
          %parallel_loop3A_279 = arith.andi %parallel_loop3A_273, %parallel_loop3A_278 : vector<16xi32>
          tpu.vector_store_idx %arg8[%parallel_loop3A_276, %parallel_loop3A_279], %parallel_loop3A_269 : memref<32x128xf32, #tpu.memory_space<vmem>>[vector<16xi32>, vector<16xi32>], vector<16xf32>,
          %parallel_loop3A_280 = arith.constant 64 : i32
          %parallel_loop3A_281 = vector.broadcast %parallel_loop3A_280 : i32 to vector<16xi32>
          %parallel_loop3A_282 = arith.addi %iota3A, %parallel_loop3A_281 : vector<16xi32>
          %parallel_loop3A_283 = tpu.vector_load_idx %arg6[%parallel_loop3A_223, %parallel_loop3A_282] : memref<32x128xf32, #tpu.memory_space<vmem>>[vector<16xi32>, vector<16xi32>], vector<16xf32>,
          %parallel_loop3A_284 = arith.constant 2064 : i32
          %parallel_loop3A_285 = vector.broadcast %parallel_loop3A_284 : i32 to vector<16xi32>
          %parallel_loop3A_286 = arith.addi %shift_left3A_92, %parallel_loop3A_285 : vector<16xi32>
          %parallel_loop3A_287 = arith.addi %parallel_loop3A_286, %parallel_loop3A_105 : vector<16xi32>
          %parallel_loop3A_288 = arith.constant 7 : i32
          %parallel_loop3A_289 = vector.broadcast %parallel_loop3A_288 : i32 to vector<16xi32>
          %parallel_loop3A_290 = arith.shrsi %parallel_loop3A_287, %parallel_loop3A_289 : vector<16xi32>
          %parallel_loop3A_291 = arith.constant 127 : i32
          %parallel_loop3A_292 = vector.broadcast %parallel_loop3A_291 : i32 to vector<16xi32>
          %parallel_loop3A_293 = arith.andi %parallel_loop3A_287, %parallel_loop3A_292 : vector<16xi32>
          tpu.vector_store_idx %arg8[%parallel_loop3A_290, %parallel_loop3A_293], %parallel_loop3A_283 : memref<32x128xf32, #tpu.memory_space<vmem>>[vector<16xi32>, vector<16xi32>], vector<16xf32>,
          %parallel_loop3A_294 = arith.constant 80 : i32
          %parallel_loop3A_295 = vector.broadcast %parallel_loop3A_294 : i32 to vector<16xi32>
          %parallel_loop3A_296 = arith.addi %iota3A, %parallel_loop3A_295 : vector<16xi32>
          %parallel_loop3A_297 = tpu.vector_load_idx %arg6[%parallel_loop3A_223, %parallel_loop3A_296] : memref<32x128xf32, #tpu.memory_space<vmem>>[vector<16xi32>, vector<16xi32>], vector<16xf32>,
          %parallel_loop3A_298 = arith.constant 2576 : i32
          %parallel_loop3A_299 = vector.broadcast %parallel_loop3A_298 : i32 to vector<16xi32>
          %parallel_loop3A_300 = arith.addi %shift_left3A_92, %parallel_loop3A_299 : vector<16xi32>
          %parallel_loop3A_301 = arith.addi %parallel_loop3A_300, %parallel_loop3A_105 : vector<16xi32>
          %parallel_loop3A_302 = arith.constant 7 : i32
          %parallel_loop3A_303 = vector.broadcast %parallel_loop3A_302 : i32 to vector<16xi32>
          %parallel_loop3A_304 = arith.shrsi %parallel_loop3A_301, %parallel_loop3A_303 : vector<16xi32>
          %parallel_loop3A_305 = arith.constant 127 : i32
          %parallel_loop3A_306 = vector.broadcast %parallel_loop3A_305 : i32 to vector<16xi32>
          %parallel_loop3A_307 = arith.andi %parallel_loop3A_301, %parallel_loop3A_306 : vector<16xi32>
          tpu.vector_store_idx %arg8[%parallel_loop3A_304, %parallel_loop3A_307], %parallel_loop3A_297 : memref<32x128xf32, #tpu.memory_space<vmem>>[vector<16xi32>, vector<16xi32>], vector<16xf32>,
          %parallel_loop3A_308 = arith.constant 96 : i32
          %parallel_loop3A_309 = vector.broadcast %parallel_loop3A_308 : i32 to vector<16xi32>
          %parallel_loop3A_310 = arith.addi %iota3A, %parallel_loop3A_309 : vector<16xi32>
          %parallel_loop3A_311 = tpu.vector_load_idx %arg6[%parallel_loop3A_223, %parallel_loop3A_310] : memref<32x128xf32, #tpu.memory_space<vmem>>[vector<16xi32>, vector<16xi32>], vector<16xf32>,
          %parallel_loop3A_312 = arith.constant 3088 : i32
          %parallel_loop3A_313 = vector.broadcast %parallel_loop3A_312 : i32 to vector<16xi32>
          %parallel_loop3A_314 = arith.addi %shift_left3A_92, %parallel_loop3A_313 : vector<16xi32>
          %parallel_loop3A_315 = arith.addi %parallel_loop3A_314, %parallel_loop3A_105 : vector<16xi32>
          %parallel_loop3A_316 = arith.constant 7 : i32
          %parallel_loop3A_317 = vector.broadcast %parallel_loop3A_316 : i32 to vector<16xi32>
          %parallel_loop3A_318 = arith.shrsi %parallel_loop3A_315, %parallel_loop3A_317 : vector<16xi32>
          %parallel_loop3A_319 = arith.constant 127 : i32
          %parallel_loop3A_320 = vector.broadcast %parallel_loop3A_319 : i32 to vector<16xi32>
          %parallel_loop3A_321 = arith.andi %parallel_loop3A_315, %parallel_loop3A_320 : vector<16xi32>
          tpu.vector_store_idx %arg8[%parallel_loop3A_318, %parallel_loop3A_321], %parallel_loop3A_311 : memref<32x128xf32, #tpu.memory_space<vmem>>[vector<16xi32>, vector<16xi32>], vector<16xf32>,
          %parallel_loop3A_322 = arith.constant 112 : i32
          %parallel_loop3A_323 = vector.broadcast %parallel_loop3A_322 : i32 to vector<16xi32>
          %parallel_loop3A_324 = arith.addi %iota3A, %parallel_loop3A_323 : vector<16xi32>
          %parallel_loop3A_325 = tpu.vector_load_idx %arg6[%parallel_loop3A_223, %parallel_loop3A_324] : memref<32x128xf32, #tpu.memory_space<vmem>>[vector<16xi32>, vector<16xi32>], vector<16xf32>,
          %parallel_loop3A_326 = arith.constant 3600 : i32
          %parallel_loop3A_327 = vector.broadcast %parallel_loop3A_326 : i32 to vector<16xi32>
          %parallel_loop3A_328 = arith.addi %shift_left3A_92, %parallel_loop3A_327 : vector<16xi32>
          %parallel_loop3A_329 = arith.addi %parallel_loop3A_328, %parallel_loop3A_105 : vector<16xi32>
          %parallel_loop3A_330 = arith.constant 7 : i32
          %parallel_loop3A_331 = vector.broadcast %parallel_loop3A_330 : i32 to vector<16xi32>
          %parallel_loop3A_332 = arith.shrsi %parallel_loop3A_329, %parallel_loop3A_331 : vector<16xi32>
          %parallel_loop3A_333 = arith.constant 127 : i32
          %parallel_loop3A_334 = vector.broadcast %parallel_loop3A_333 : i32 to vector<16xi32>
          %parallel_loop3A_335 = arith.andi %parallel_loop3A_329, %parallel_loop3A_334 : vector<16xi32>
          tpu.vector_store_idx %arg8[%parallel_loop3A_332, %parallel_loop3A_335], %parallel_loop3A_325 : memref<32x128xf32, #tpu.memory_space<vmem>>[vector<16xi32>, vector<16xi32>], vector<16xf32>,
        } {sc.loop_unroll_factor = 2 : i64, sc.parallel_access}
        %mul3A_95 = arith.constant 32 : i32
        %mul3A_96 = arith.muli %add3A_76, %mul3A_95 : i32
        %dma_start3A = arith.constant 0 : i32
        %dma_start3A_97 = tpu.memref_slice %arg4[%mul3A_96, %dma_start3A] : memref<250000x128xf32, #tpu.memory_space<hbm>> -> memref<32x128xf32, #tpu.memory_space<hbm>>
        %dma_start3A_98 = arith.constant 0 : i32
        %dma_start3A_99 = tpu.memref_slice %arg4[%mul3A_96, %dma_start3A_98] : memref<250000x128xf32, #tpu.memory_space<hbm>> -> memref<32x128xf32, #tpu.memory_space<hbm>>
        tpu.enqueue_dma source(%arg8 : memref<32x128xf32, #tpu.memory_space<vmem>>) target(%dma_start3A_99 : memref<32x128xf32, #tpu.memory_space<hbm>>) target_semaphore(%arg12 : memref<!tpu.dma_semaphore, #tpu.memory_space<semaphore_mem>>)
      } else {
      }
    }
    %scan3A_9 = arith.constant 122 : i32
    %add3A_10 = arith.constant 7808 : i32
    %add3A_11 = arith.addi %add3A, %add3A_10 : i32
    %lt3A_12 = arith.constant 7812 : i32
    %lt3A_13 = arith.cmpi slt, %add3A_11, %lt3A_12 : i32
    %convert_element_type3A_14 = arith.extui %lt3A_13 : i1 to i32
    %cond3A_15 = arith.constant 0 : i32
    %cond3A_16 = arith.cmpi ne, %convert_element_type3A_14, %cond3A_15 : i32
    scf.if %cond3A_16 {
      %mul3A_35 = arith.constant 128 : i32
      %mul3A_36 = arith.muli %add3A_11, %mul3A_35 : i32
      %dma_wait3A = arith.constant 0 : i32
      %dma_wait3A_37 = tpu.memref_slice %arg2[%dma_wait3A, %mul3A_36] : memref<32x1000000xf32, #tpu.memory_space<hbm>> -> memref<32x128xf32, #tpu.memory_space<hbm>>
      %dma_wait3A_38 = arith.constant 0 : i32
      %dma_wait3A_39 = tpu.memref_slice %arg2[%dma_wait3A_38, %mul3A_36] : memref<32x1000000xf32, #tpu.memory_space<hbm>> -> memref<32x128xf32, #tpu.memory_space<hbm>>
      tpu.wait_dma2 semaphore(%arg9 : memref<!tpu.dma_semaphore, #tpu.memory_space<semaphore_mem>>) src(%dma_wait3A_39 : memref<32x128xf32, #tpu.memory_space<hbm>>) dst(%arg5 : memref<32x128xf32, #tpu.memory_space<vmem>>)
      %sub3A = arith.constant 64 : i32
      %sub3A_40 = arith.subi %add3A_11, %sub3A : i32
      %mul3A_41 = arith.constant 32 : i32
      %mul3A_42 = arith.muli %sub3A_40, %mul3A_41 : i32
      %dma_wait3A_43 = arith.constant 0 : i32
      %dma_wait3A_44 = tpu.memref_slice %arg4[%mul3A_42, %dma_wait3A_43] : memref<250000x128xf32, #tpu.memory_space<hbm>> -> memref<32x128xf32, #tpu.memory_space<hbm>>
      %dma_wait3A_45 = arith.constant 0 : i32
      %dma_wait3A_46 = tpu.memref_slice %arg4[%mul3A_42, %dma_wait3A_45] : memref<250000x128xf32, #tpu.memory_space<hbm>> -> memref<32x128xf32, #tpu.memory_space<hbm>>
      tpu.wait_dma2 semaphore(%arg11 : memref<!tpu.dma_semaphore, #tpu.memory_space<semaphore_mem>>) src(%arg7 : memref<32x128xf32, #tpu.memory_space<vmem>>) dst(%dma_wait3A_46 : memref<32x128xf32, #tpu.memory_space<hbm>>)
      %iota3A = tpu.iota {dimensions = array<i32: 0>} : vector<16xi32>
      %shift_left3A = arith.constant 5 : i32
      %shift_left3A_47 = vector.broadcast %shift_left3A : i32 to vector<16xi32>
      %shift_left3A_48 = arith.shli %iota3A, %shift_left3A_47 : vector<16xi32>
      %parallel_loop3A = arith.constant 0 : i32
      %parallel_loop3A_49 = arith.constant 16 : i32
      %parallel_loop3A_50 = arith.constant 1 : i32
      scf.for %parallel_loop3A_56 = %parallel_loop3A to %parallel_loop3A_49 step %parallel_loop3A_50  : i32 {
        %parallel_loop3A_57 = vector.broadcast %parallel_loop3A_56 : i32 to vector<16xi32>
        %parallel_loop3A_58 = arith.addi %iota3A, %parallel_loop3A_57 : vector<16xi32>
        %parallel_loop3A_59 = arith.constant 15 : i32
        %parallel_loop3A_60 = vector.broadcast %parallel_loop3A_59 : i32 to vector<16xi32>
        %parallel_loop3A_61 = arith.andi %parallel_loop3A_58, %parallel_loop3A_60 : vector<16xi32>
        %parallel_loop3A_62 = arith.constant 0 : i32
        %parallel_loop3A_63 = vector.broadcast %parallel_loop3A_62 : i32 to vector<16xi32>
        %parallel_loop3A_64 = arith.addi %parallel_loop3A_61, %parallel_loop3A_63 : vector<16xi32>
        %parallel_loop3A_65 = arith.constant 0 : i32
        %parallel_loop3A_66 = vector.broadcast %parallel_loop3A_65 : i32 to vector<16xi32>
        %parallel_loop3A_67 = arith.addi %iota3A, %parallel_loop3A_66 : vector<16xi32>
        %parallel_loop3A_68 = tpu.vector_load_idx %arg5[%parallel_loop3A_64, %parallel_loop3A_67] : memref<32x128xf32, #tpu.memory_space<vmem>>[vector<16xi32>, vector<16xi32>], vector<16xf32>,
        %parallel_loop3A_69 = arith.constant 0 : i32
        %parallel_loop3A_70 = vector.broadcast %parallel_loop3A_69 : i32 to vector<16xi32>
        %parallel_loop3A_71 = arith.addi %shift_left3A_48, %parallel_loop3A_70 : vector<16xi32>
        %parallel_loop3A_72 = arith.addi %parallel_loop3A_71, %parallel_loop3A_61 : vector<16xi32>
        %parallel_loop3A_73 = arith.constant 7 : i32
        %parallel_loop3A_74 = vector.broadcast %parallel_loop3A_73 : i32 to vector<16xi32>
        %parallel_loop3A_75 = arith.shrsi %parallel_loop3A_72, %parallel_loop3A_74 : vector<16xi32>
        %parallel_loop3A_76 = arith.constant 127 : i32
        %parallel_loop3A_77 = vector.broadcast %parallel_loop3A_76 : i32 to vector<16xi32>
        %parallel_loop3A_78 = arith.andi %parallel_loop3A_72, %parallel_loop3A_77 : vector<16xi32>
        tpu.vector_store_idx %arg7[%parallel_loop3A_75, %parallel_loop3A_78], %parallel_loop3A_68 : memref<32x128xf32, #tpu.memory_space<vmem>>[vector<16xi32>, vector<16xi32>], vector<16xf32>,
        %parallel_loop3A_79 = arith.constant 16 : i32
        %parallel_loop3A_80 = vector.broadcast %parallel_loop3A_79 : i32 to vector<16xi32>
        %parallel_loop3A_81 = arith.addi %iota3A, %parallel_loop3A_80 : vector<16xi32>
        %parallel_loop3A_82 = tpu.vector_load_idx %arg5[%parallel_loop3A_64, %parallel_loop3A_81] : memref<32x128xf32, #tpu.memory_space<vmem>>[vector<16xi32>, vector<16xi32>], vector<16xf32>,
        %parallel_loop3A_83 = arith.constant 512 : i32
        %parallel_loop3A_84 = vector.broadcast %parallel_loop3A_83 : i32 to vector<16xi32>
        %parallel_loop3A_85 = arith.addi %shift_left3A_48, %parallel_loop3A_84 : vector<16xi32>
        %parallel_loop3A_86 = arith.addi %parallel_loop3A_85, %parallel_loop3A_61 : vector<16xi32>
        %parallel_loop3A_87 = arith.constant 7 : i32
        %parallel_loop3A_88 = vector.broadcast %parallel_loop3A_87 : i32 to vector<16xi32>
        %parallel_loop3A_89 = arith.shrsi %parallel_loop3A_86, %parallel_loop3A_88 : vector<16xi32>
        %parallel_loop3A_90 = arith.constant 127 : i32
        %parallel_loop3A_91 = vector.broadcast %parallel_loop3A_90 : i32 to vector<16xi32>
        %parallel_loop3A_92 = arith.andi %parallel_loop3A_86, %parallel_loop3A_91 : vector<16xi32>
        tpu.vector_store_idx %arg7[%parallel_loop3A_89, %parallel_loop3A_92], %parallel_loop3A_82 : memref<32x128xf32, #tpu.memory_space<vmem>>[vector<16xi32>, vector<16xi32>], vector<16xf32>,
        %parallel_loop3A_93 = arith.constant 32 : i32
        %parallel_loop3A_94 = vector.broadcast %parallel_loop3A_93 : i32 to vector<16xi32>
        %parallel_loop3A_95 = arith.addi %iota3A, %parallel_loop3A_94 : vector<16xi32>
        %parallel_loop3A_96 = tpu.vector_load_idx %arg5[%parallel_loop3A_64, %parallel_loop3A_95] : memref<32x128xf32, #tpu.memory_space<vmem>>[vector<16xi32>, vector<16xi32>], vector<16xf32>,
        %parallel_loop3A_97 = arith.constant 1024 : i32
        %parallel_loop3A_98 = vector.broadcast %parallel_loop3A_97 : i32 to vector<16xi32>
        %parallel_loop3A_99 = arith.addi %shift_left3A_48, %parallel_loop3A_98 : vector<16xi32>
        %parallel_loop3A_100 = arith.addi %parallel_loop3A_99, %parallel_loop3A_61 : vector<16xi32>
        %parallel_loop3A_101 = arith.constant 7 : i32
        %parallel_loop3A_102 = vector.broadcast %parallel_loop3A_101 : i32 to vector<16xi32>
        %parallel_loop3A_103 = arith.shrsi %parallel_loop3A_100, %parallel_loop3A_102 : vector<16xi32>
        %parallel_loop3A_104 = arith.constant 127 : i32
        %parallel_loop3A_105 = vector.broadcast %parallel_loop3A_104 : i32 to vector<16xi32>
        %parallel_loop3A_106 = arith.andi %parallel_loop3A_100, %parallel_loop3A_105 : vector<16xi32>
        tpu.vector_store_idx %arg7[%parallel_loop3A_103, %parallel_loop3A_106], %parallel_loop3A_96 : memref<32x128xf32, #tpu.memory_space<vmem>>[vector<16xi32>, vector<16xi32>], vector<16xf32>,
        %parallel_loop3A_107 = arith.constant 48 : i32
        %parallel_loop3A_108 = vector.broadcast %parallel_loop3A_107 : i32 to vector<16xi32>
        %parallel_loop3A_109 = arith.addi %iota3A, %parallel_loop3A_108 : vector<16xi32>
        %parallel_loop3A_110 = tpu.vector_load_idx %arg5[%parallel_loop3A_64, %parallel_loop3A_109] : memref<32x128xf32, #tpu.memory_space<vmem>>[vector<16xi32>, vector<16xi32>], vector<16xf32>,
        %parallel_loop3A_111 = arith.constant 1536 : i32
        %parallel_loop3A_112 = vector.broadcast %parallel_loop3A_111 : i32 to vector<16xi32>
        %parallel_loop3A_113 = arith.addi %shift_left3A_48, %parallel_loop3A_112 : vector<16xi32>
        %parallel_loop3A_114 = arith.addi %parallel_loop3A_113, %parallel_loop3A_61 : vector<16xi32>
        %parallel_loop3A_115 = arith.constant 7 : i32
        %parallel_loop3A_116 = vector.broadcast %parallel_loop3A_115 : i32 to vector<16xi32>
        %parallel_loop3A_117 = arith.shrsi %parallel_loop3A_114, %parallel_loop3A_116 : vector<16xi32>
        %parallel_loop3A_118 = arith.constant 127 : i32
        %parallel_loop3A_119 = vector.broadcast %parallel_loop3A_118 : i32 to vector<16xi32>
        %parallel_loop3A_120 = arith.andi %parallel_loop3A_114, %parallel_loop3A_119 : vector<16xi32>
        tpu.vector_store_idx %arg7[%parallel_loop3A_117, %parallel_loop3A_120], %parallel_loop3A_110 : memref<32x128xf32, #tpu.memory_space<vmem>>[vector<16xi32>, vector<16xi32>], vector<16xf32>,
        %parallel_loop3A_121 = arith.constant 64 : i32
        %parallel_loop3A_122 = vector.broadcast %parallel_loop3A_121 : i32 to vector<16xi32>
        %parallel_loop3A_123 = arith.addi %iota3A, %parallel_loop3A_122 : vector<16xi32>
        %parallel_loop3A_124 = tpu.vector_load_idx %arg5[%parallel_loop3A_64, %parallel_loop3A_123] : memref<32x128xf32, #tpu.memory_space<vmem>>[vector<16xi32>, vector<16xi32>], vector<16xf32>,
        %parallel_loop3A_125 = arith.constant 2048 : i32
        %parallel_loop3A_126 = vector.broadcast %parallel_loop3A_125 : i32 to vector<16xi32>
        %parallel_loop3A_127 = arith.addi %shift_left3A_48, %parallel_loop3A_126 : vector<16xi32>
        %parallel_loop3A_128 = arith.addi %parallel_loop3A_127, %parallel_loop3A_61 : vector<16xi32>
        %parallel_loop3A_129 = arith.constant 7 : i32
        %parallel_loop3A_130 = vector.broadcast %parallel_loop3A_129 : i32 to vector<16xi32>
        %parallel_loop3A_131 = arith.shrsi %parallel_loop3A_128, %parallel_loop3A_130 : vector<16xi32>
        %parallel_loop3A_132 = arith.constant 127 : i32
        %parallel_loop3A_133 = vector.broadcast %parallel_loop3A_132 : i32 to vector<16xi32>
        %parallel_loop3A_134 = arith.andi %parallel_loop3A_128, %parallel_loop3A_133 : vector<16xi32>
        tpu.vector_store_idx %arg7[%parallel_loop3A_131, %parallel_loop3A_134], %parallel_loop3A_124 : memref<32x128xf32, #tpu.memory_space<vmem>>[vector<16xi32>, vector<16xi32>], vector<16xf32>,
        %parallel_loop3A_135 = arith.constant 80 : i32
        %parallel_loop3A_136 = vector.broadcast %parallel_loop3A_135 : i32 to vector<16xi32>
        %parallel_loop3A_137 = arith.addi %iota3A, %parallel_loop3A_136 : vector<16xi32>
        %parallel_loop3A_138 = tpu.vector_load_idx %arg5[%parallel_loop3A_64, %parallel_loop3A_137] : memref<32x128xf32, #tpu.memory_space<vmem>>[vector<16xi32>, vector<16xi32>], vector<16xf32>,
        %parallel_loop3A_139 = arith.constant 2560 : i32
        %parallel_loop3A_140 = vector.broadcast %parallel_loop3A_139 : i32 to vector<16xi32>
        %parallel_loop3A_141 = arith.addi %shift_left3A_48, %parallel_loop3A_140 : vector<16xi32>
        %parallel_loop3A_142 = arith.addi %parallel_loop3A_141, %parallel_loop3A_61 : vector<16xi32>
        %parallel_loop3A_143 = arith.constant 7 : i32
        %parallel_loop3A_144 = vector.broadcast %parallel_loop3A_143 : i32 to vector<16xi32>
        %parallel_loop3A_145 = arith.shrsi %parallel_loop3A_142, %parallel_loop3A_144 : vector<16xi32>
        %parallel_loop3A_146 = arith.constant 127 : i32
        %parallel_loop3A_147 = vector.broadcast %parallel_loop3A_146 : i32 to vector<16xi32>
        %parallel_loop3A_148 = arith.andi %parallel_loop3A_142, %parallel_loop3A_147 : vector<16xi32>
        tpu.vector_store_idx %arg7[%parallel_loop3A_145, %parallel_loop3A_148], %parallel_loop3A_138 : memref<32x128xf32, #tpu.memory_space<vmem>>[vector<16xi32>, vector<16xi32>], vector<16xf32>,
        %parallel_loop3A_149 = arith.constant 96 : i32
        %parallel_loop3A_150 = vector.broadcast %parallel_loop3A_149 : i32 to vector<16xi32>
        %parallel_loop3A_151 = arith.addi %iota3A, %parallel_loop3A_150 : vector<16xi32>
        %parallel_loop3A_152 = tpu.vector_load_idx %arg5[%parallel_loop3A_64, %parallel_loop3A_151] : memref<32x128xf32, #tpu.memory_space<vmem>>[vector<16xi32>, vector<16xi32>], vector<16xf32>,
        %parallel_loop3A_153 = arith.constant 3072 : i32
        %parallel_loop3A_154 = vector.broadcast %parallel_loop3A_153 : i32 to vector<16xi32>
        %parallel_loop3A_155 = arith.addi %shift_left3A_48, %parallel_loop3A_154 : vector<16xi32>
        %parallel_loop3A_156 = arith.addi %parallel_loop3A_155, %parallel_loop3A_61 : vector<16xi32>
        %parallel_loop3A_157 = arith.constant 7 : i32
        %parallel_loop3A_158 = vector.broadcast %parallel_loop3A_157 : i32 to vector<16xi32>
        %parallel_loop3A_159 = arith.shrsi %parallel_loop3A_156, %parallel_loop3A_158 : vector<16xi32>
        %parallel_loop3A_160 = arith.constant 127 : i32
        %parallel_loop3A_161 = vector.broadcast %parallel_loop3A_160 : i32 to vector<16xi32>
        %parallel_loop3A_162 = arith.andi %parallel_loop3A_156, %parallel_loop3A_161 : vector<16xi32>
        tpu.vector_store_idx %arg7[%parallel_loop3A_159, %parallel_loop3A_162], %parallel_loop3A_152 : memref<32x128xf32, #tpu.memory_space<vmem>>[vector<16xi32>, vector<16xi32>], vector<16xf32>,
        %parallel_loop3A_163 = arith.constant 112 : i32
        %parallel_loop3A_164 = vector.broadcast %parallel_loop3A_163 : i32 to vector<16xi32>
        %parallel_loop3A_165 = arith.addi %iota3A, %parallel_loop3A_164 : vector<16xi32>
        %parallel_loop3A_166 = tpu.vector_load_idx %arg5[%parallel_loop3A_64, %parallel_loop3A_165] : memref<32x128xf32, #tpu.memory_space<vmem>>[vector<16xi32>, vector<16xi32>], vector<16xf32>,
        %parallel_loop3A_167 = arith.constant 3584 : i32
        %parallel_loop3A_168 = vector.broadcast %parallel_loop3A_167 : i32 to vector<16xi32>
        %parallel_loop3A_169 = arith.addi %shift_left3A_48, %parallel_loop3A_168 : vector<16xi32>
        %parallel_loop3A_170 = arith.addi %parallel_loop3A_169, %parallel_loop3A_61 : vector<16xi32>
        %parallel_loop3A_171 = arith.constant 7 : i32
        %parallel_loop3A_172 = vector.broadcast %parallel_loop3A_171 : i32 to vector<16xi32>
        %parallel_loop3A_173 = arith.shrsi %parallel_loop3A_170, %parallel_loop3A_172 : vector<16xi32>
        %parallel_loop3A_174 = arith.constant 127 : i32
        %parallel_loop3A_175 = vector.broadcast %parallel_loop3A_174 : i32 to vector<16xi32>
        %parallel_loop3A_176 = arith.andi %parallel_loop3A_170, %parallel_loop3A_175 : vector<16xi32>
        tpu.vector_store_idx %arg7[%parallel_loop3A_173, %parallel_loop3A_176], %parallel_loop3A_166 : memref<32x128xf32, #tpu.memory_space<vmem>>[vector<16xi32>, vector<16xi32>], vector<16xf32>,
        %parallel_loop3A_177 = arith.constant 16 : i32
        %parallel_loop3A_178 = vector.broadcast %parallel_loop3A_177 : i32 to vector<16xi32>
        %parallel_loop3A_179 = arith.addi %parallel_loop3A_61, %parallel_loop3A_178 : vector<16xi32>
        %parallel_loop3A_180 = arith.constant 0 : i32
        %parallel_loop3A_181 = vector.broadcast %parallel_loop3A_180 : i32 to vector<16xi32>
        %parallel_loop3A_182 = arith.addi %iota3A, %parallel_loop3A_181 : vector<16xi32>
        %parallel_loop3A_183 = tpu.vector_load_idx %arg5[%parallel_loop3A_179, %parallel_loop3A_182] : memref<32x128xf32, #tpu.memory_space<vmem>>[vector<16xi32>, vector<16xi32>], vector<16xf32>,
        %parallel_loop3A_184 = arith.constant 16 : i32
        %parallel_loop3A_185 = vector.broadcast %parallel_loop3A_184 : i32 to vector<16xi32>
        %parallel_loop3A_186 = arith.addi %shift_left3A_48, %parallel_loop3A_185 : vector<16xi32>
        %parallel_loop3A_187 = arith.addi %parallel_loop3A_186, %parallel_loop3A_61 : vector<16xi32>
        %parallel_loop3A_188 = arith.constant 7 : i32
        %parallel_loop3A_189 = vector.broadcast %parallel_loop3A_188 : i32 to vector<16xi32>
        %parallel_loop3A_190 = arith.shrsi %parallel_loop3A_187, %parallel_loop3A_189 : vector<16xi32>
        %parallel_loop3A_191 = arith.constant 127 : i32
        %parallel_loop3A_192 = vector.broadcast %parallel_loop3A_191 : i32 to vector<16xi32>
        %parallel_loop3A_193 = arith.andi %parallel_loop3A_187, %parallel_loop3A_192 : vector<16xi32>
        tpu.vector_store_idx %arg7[%parallel_loop3A_190, %parallel_loop3A_193], %parallel_loop3A_183 : memref<32x128xf32, #tpu.memory_space<vmem>>[vector<16xi32>, vector<16xi32>], vector<16xf32>,
        %parallel_loop3A_194 = arith.constant 16 : i32
        %parallel_loop3A_195 = vector.broadcast %parallel_loop3A_194 : i32 to vector<16xi32>
        %parallel_loop3A_196 = arith.addi %iota3A, %parallel_loop3A_195 : vector<16xi32>
        %parallel_loop3A_197 = tpu.vector_load_idx %arg5[%parallel_loop3A_179, %parallel_loop3A_196] : memref<32x128xf32, #tpu.memory_space<vmem>>[vector<16xi32>, vector<16xi32>], vector<16xf32>,
        %parallel_loop3A_198 = arith.constant 528 : i32
        %parallel_loop3A_199 = vector.broadcast %parallel_loop3A_198 : i32 to vector<16xi32>
        %parallel_loop3A_200 = arith.addi %shift_left3A_48, %parallel_loop3A_199 : vector<16xi32>
        %parallel_loop3A_201 = arith.addi %parallel_loop3A_200, %parallel_loop3A_61 : vector<16xi32>
        %parallel_loop3A_202 = arith.constant 7 : i32
        %parallel_loop3A_203 = vector.broadcast %parallel_loop3A_202 : i32 to vector<16xi32>
        %parallel_loop3A_204 = arith.shrsi %parallel_loop3A_201, %parallel_loop3A_203 : vector<16xi32>
        %parallel_loop3A_205 = arith.constant 127 : i32
        %parallel_loop3A_206 = vector.broadcast %parallel_loop3A_205 : i32 to vector<16xi32>
        %parallel_loop3A_207 = arith.andi %parallel_loop3A_201, %parallel_loop3A_206 : vector<16xi32>
        tpu.vector_store_idx %arg7[%parallel_loop3A_204, %parallel_loop3A_207], %parallel_loop3A_197 : memref<32x128xf32, #tpu.memory_space<vmem>>[vector<16xi32>, vector<16xi32>], vector<16xf32>,
        %parallel_loop3A_208 = arith.constant 32 : i32
        %parallel_loop3A_209 = vector.broadcast %parallel_loop3A_208 : i32 to vector<16xi32>
        %parallel_loop3A_210 = arith.addi %iota3A, %parallel_loop3A_209 : vector<16xi32>
        %parallel_loop3A_211 = tpu.vector_load_idx %arg5[%parallel_loop3A_179, %parallel_loop3A_210] : memref<32x128xf32, #tpu.memory_space<vmem>>[vector<16xi32>, vector<16xi32>], vector<16xf32>,
        %parallel_loop3A_212 = arith.constant 1040 : i32
        %parallel_loop3A_213 = vector.broadcast %parallel_loop3A_212 : i32 to vector<16xi32>
        %parallel_loop3A_214 = arith.addi %shift_left3A_48, %parallel_loop3A_213 : vector<16xi32>
        %parallel_loop3A_215 = arith.addi %parallel_loop3A_214, %parallel_loop3A_61 : vector<16xi32>
        %parallel_loop3A_216 = arith.constant 7 : i32
        %parallel_loop3A_217 = vector.broadcast %parallel_loop3A_216 : i32 to vector<16xi32>
        %parallel_loop3A_218 = arith.shrsi %parallel_loop3A_215, %parallel_loop3A_217 : vector<16xi32>
        %parallel_loop3A_219 = arith.constant 127 : i32
        %parallel_loop3A_220 = vector.broadcast %parallel_loop3A_219 : i32 to vector<16xi32>
        %parallel_loop3A_221 = arith.andi %parallel_loop3A_215, %parallel_loop3A_220 : vector<16xi32>
        tpu.vector_store_idx %arg7[%parallel_loop3A_218, %parallel_loop3A_221], %parallel_loop3A_211 : memref<32x128xf32, #tpu.memory_space<vmem>>[vector<16xi32>, vector<16xi32>], vector<16xf32>,
        %parallel_loop3A_222 = arith.constant 48 : i32
        %parallel_loop3A_223 = vector.broadcast %parallel_loop3A_222 : i32 to vector<16xi32>
        %parallel_loop3A_224 = arith.addi %iota3A, %parallel_loop3A_223 : vector<16xi32>
        %parallel_loop3A_225 = tpu.vector_load_idx %arg5[%parallel_loop3A_179, %parallel_loop3A_224] : memref<32x128xf32, #tpu.memory_space<vmem>>[vector<16xi32>, vector<16xi32>], vector<16xf32>,
        %parallel_loop3A_226 = arith.constant 1552 : i32
        %parallel_loop3A_227 = vector.broadcast %parallel_loop3A_226 : i32 to vector<16xi32>
        %parallel_loop3A_228 = arith.addi %shift_left3A_48, %parallel_loop3A_227 : vector<16xi32>
        %parallel_loop3A_229 = arith.addi %parallel_loop3A_228, %parallel_loop3A_61 : vector<16xi32>
        %parallel_loop3A_230 = arith.constant 7 : i32
        %parallel_loop3A_231 = vector.broadcast %parallel_loop3A_230 : i32 to vector<16xi32>
        %parallel_loop3A_232 = arith.shrsi %parallel_loop3A_229, %parallel_loop3A_231 : vector<16xi32>
        %parallel_loop3A_233 = arith.constant 127 : i32
        %parallel_loop3A_234 = vector.broadcast %parallel_loop3A_233 : i32 to vector<16xi32>
        %parallel_loop3A_235 = arith.andi %parallel_loop3A_229, %parallel_loop3A_234 : vector<16xi32>
        tpu.vector_store_idx %arg7[%parallel_loop3A_232, %parallel_loop3A_235], %parallel_loop3A_225 : memref<32x128xf32, #tpu.memory_space<vmem>>[vector<16xi32>, vector<16xi32>], vector<16xf32>,
        %parallel_loop3A_236 = arith.constant 64 : i32
        %parallel_loop3A_237 = vector.broadcast %parallel_loop3A_236 : i32 to vector<16xi32>
        %parallel_loop3A_238 = arith.addi %iota3A, %parallel_loop3A_237 : vector<16xi32>
        %parallel_loop3A_239 = tpu.vector_load_idx %arg5[%parallel_loop3A_179, %parallel_loop3A_238] : memref<32x128xf32, #tpu.memory_space<vmem>>[vector<16xi32>, vector<16xi32>], vector<16xf32>,
        %parallel_loop3A_240 = arith.constant 2064 : i32
        %parallel_loop3A_241 = vector.broadcast %parallel_loop3A_240 : i32 to vector<16xi32>
        %parallel_loop3A_242 = arith.addi %shift_left3A_48, %parallel_loop3A_241 : vector<16xi32>
        %parallel_loop3A_243 = arith.addi %parallel_loop3A_242, %parallel_loop3A_61 : vector<16xi32>
        %parallel_loop3A_244 = arith.constant 7 : i32
        %parallel_loop3A_245 = vector.broadcast %parallel_loop3A_244 : i32 to vector<16xi32>
        %parallel_loop3A_246 = arith.shrsi %parallel_loop3A_243, %parallel_loop3A_245 : vector<16xi32>
        %parallel_loop3A_247 = arith.constant 127 : i32
        %parallel_loop3A_248 = vector.broadcast %parallel_loop3A_247 : i32 to vector<16xi32>
        %parallel_loop3A_249 = arith.andi %parallel_loop3A_243, %parallel_loop3A_248 : vector<16xi32>
        tpu.vector_store_idx %arg7[%parallel_loop3A_246, %parallel_loop3A_249], %parallel_loop3A_239 : memref<32x128xf32, #tpu.memory_space<vmem>>[vector<16xi32>, vector<16xi32>], vector<16xf32>,
        %parallel_loop3A_250 = arith.constant 80 : i32
        %parallel_loop3A_251 = vector.broadcast %parallel_loop3A_250 : i32 to vector<16xi32>
        %parallel_loop3A_252 = arith.addi %iota3A, %parallel_loop3A_251 : vector<16xi32>
        %parallel_loop3A_253 = tpu.vector_load_idx %arg5[%parallel_loop3A_179, %parallel_loop3A_252] : memref<32x128xf32, #tpu.memory_space<vmem>>[vector<16xi32>, vector<16xi32>], vector<16xf32>,
        %parallel_loop3A_254 = arith.constant 2576 : i32
        %parallel_loop3A_255 = vector.broadcast %parallel_loop3A_254 : i32 to vector<16xi32>
        %parallel_loop3A_256 = arith.addi %shift_left3A_48, %parallel_loop3A_255 : vector<16xi32>
        %parallel_loop3A_257 = arith.addi %parallel_loop3A_256, %parallel_loop3A_61 : vector<16xi32>
        %parallel_loop3A_258 = arith.constant 7 : i32
        %parallel_loop3A_259 = vector.broadcast %parallel_loop3A_258 : i32 to vector<16xi32>
        %parallel_loop3A_260 = arith.shrsi %parallel_loop3A_257, %parallel_loop3A_259 : vector<16xi32>
        %parallel_loop3A_261 = arith.constant 127 : i32
        %parallel_loop3A_262 = vector.broadcast %parallel_loop3A_261 : i32 to vector<16xi32>
        %parallel_loop3A_263 = arith.andi %parallel_loop3A_257, %parallel_loop3A_262 : vector<16xi32>
        tpu.vector_store_idx %arg7[%parallel_loop3A_260, %parallel_loop3A_263], %parallel_loop3A_253 : memref<32x128xf32, #tpu.memory_space<vmem>>[vector<16xi32>, vector<16xi32>], vector<16xf32>,
        %parallel_loop3A_264 = arith.constant 96 : i32
        %parallel_loop3A_265 = vector.broadcast %parallel_loop3A_264 : i32 to vector<16xi32>
        %parallel_loop3A_266 = arith.addi %iota3A, %parallel_loop3A_265 : vector<16xi32>
        %parallel_loop3A_267 = tpu.vector_load_idx %arg5[%parallel_loop3A_179, %parallel_loop3A_266] : memref<32x128xf32, #tpu.memory_space<vmem>>[vector<16xi32>, vector<16xi32>], vector<16xf32>,
        %parallel_loop3A_268 = arith.constant 3088 : i32
        %parallel_loop3A_269 = vector.broadcast %parallel_loop3A_268 : i32 to vector<16xi32>
        %parallel_loop3A_270 = arith.addi %shift_left3A_48, %parallel_loop3A_269 : vector<16xi32>
        %parallel_loop3A_271 = arith.addi %parallel_loop3A_270, %parallel_loop3A_61 : vector<16xi32>
        %parallel_loop3A_272 = arith.constant 7 : i32
        %parallel_loop3A_273 = vector.broadcast %parallel_loop3A_272 : i32 to vector<16xi32>
        %parallel_loop3A_274 = arith.shrsi %parallel_loop3A_271, %parallel_loop3A_273 : vector<16xi32>
        %parallel_loop3A_275 = arith.constant 127 : i32
        %parallel_loop3A_276 = vector.broadcast %parallel_loop3A_275 : i32 to vector<16xi32>
        %parallel_loop3A_277 = arith.andi %parallel_loop3A_271, %parallel_loop3A_276 : vector<16xi32>
        tpu.vector_store_idx %arg7[%parallel_loop3A_274, %parallel_loop3A_277], %parallel_loop3A_267 : memref<32x128xf32, #tpu.memory_space<vmem>>[vector<16xi32>, vector<16xi32>], vector<16xf32>,
        %parallel_loop3A_278 = arith.constant 112 : i32
        %parallel_loop3A_279 = vector.broadcast %parallel_loop3A_278 : i32 to vector<16xi32>
        %parallel_loop3A_280 = arith.addi %iota3A, %parallel_loop3A_279 : vector<16xi32>
        %parallel_loop3A_281 = tpu.vector_load_idx %arg5[%parallel_loop3A_179, %parallel_loop3A_280] : memref<32x128xf32, #tpu.memory_space<vmem>>[vector<16xi32>, vector<16xi32>], vector<16xf32>,
        %parallel_loop3A_282 = arith.constant 3600 : i32
        %parallel_loop3A_283 = vector.broadcast %parallel_loop3A_282 : i32 to vector<16xi32>
        %parallel_loop3A_284 = arith.addi %shift_left3A_48, %parallel_loop3A_283 : vector<16xi32>
        %parallel_loop3A_285 = arith.addi %parallel_loop3A_284, %parallel_loop3A_61 : vector<16xi32>
        %parallel_loop3A_286 = arith.constant 7 : i32
        %parallel_loop3A_287 = vector.broadcast %parallel_loop3A_286 : i32 to vector<16xi32>
        %parallel_loop3A_288 = arith.shrsi %parallel_loop3A_285, %parallel_loop3A_287 : vector<16xi32>
        %parallel_loop3A_289 = arith.constant 127 : i32
        %parallel_loop3A_290 = vector.broadcast %parallel_loop3A_289 : i32 to vector<16xi32>
        %parallel_loop3A_291 = arith.andi %parallel_loop3A_285, %parallel_loop3A_290 : vector<16xi32>
        tpu.vector_store_idx %arg7[%parallel_loop3A_288, %parallel_loop3A_291], %parallel_loop3A_281 : memref<32x128xf32, #tpu.memory_space<vmem>>[vector<16xi32>, vector<16xi32>], vector<16xf32>,
      } {sc.loop_unroll_factor = 2 : i64, sc.parallel_access}
      %mul3A_51 = arith.constant 32 : i32
      %mul3A_52 = arith.muli %add3A_11, %mul3A_51 : i32
      %dma_start3A = arith.constant 0 : i32
      %dma_start3A_53 = tpu.memref_slice %arg4[%mul3A_52, %dma_start3A] : memref<250000x128xf32, #tpu.memory_space<hbm>> -> memref<32x128xf32, #tpu.memory_space<hbm>>
      %dma_start3A_54 = arith.constant 0 : i32
      %dma_start3A_55 = tpu.memref_slice %arg4[%mul3A_52, %dma_start3A_54] : memref<250000x128xf32, #tpu.memory_space<hbm>> -> memref<32x128xf32, #tpu.memory_space<hbm>>
      tpu.enqueue_dma source(%arg7 : memref<32x128xf32, #tpu.memory_space<vmem>>) target(%dma_start3A_55 : memref<32x128xf32, #tpu.memory_space<hbm>>) target_semaphore(%arg11 : memref<!tpu.dma_semaphore, #tpu.memory_space<semaphore_mem>>)
    } else {
    }
    %add3A_17 = arith.constant 7776 : i32
    %add3A_18 = arith.addi %add3A, %add3A_17 : i32
    %lt3A_19 = arith.constant 7812 : i32
    %lt3A_20 = arith.cmpi slt, %add3A_18, %lt3A_19 : i32
    %convert_element_type3A_21 = arith.extui %lt3A_20 : i1 to i32
    %cond3A_22 = arith.constant 0 : i32
    %cond3A_23 = arith.cmpi ne, %convert_element_type3A_21, %cond3A_22 : i32
    scf.if %cond3A_23 {
      %add3A_35 = arith.constant 7776 : i32
      %add3A_36 = arith.addi %add3A, %add3A_35 : i32
      %mul3A_37 = arith.constant 32 : i32
      %mul3A_38 = arith.muli %add3A_36, %mul3A_37 : i32
      %dma_wait3A = arith.constant 0 : i32
      %dma_wait3A_39 = tpu.memref_slice %arg4[%mul3A_38, %dma_wait3A] : memref<250000x128xf32, #tpu.memory_space<hbm>> -> memref<32x128xf32, #tpu.memory_space<hbm>>
      %dma_wait3A_40 = arith.constant 0 : i32
      %dma_wait3A_41 = tpu.memref_slice %arg4[%mul3A_38, %dma_wait3A_40] : memref<250000x128xf32, #tpu.memory_space<hbm>> -> memref<32x128xf32, #tpu.memory_space<hbm>>
      tpu.wait_dma2 semaphore(%arg12 : memref<!tpu.dma_semaphore, #tpu.memory_space<semaphore_mem>>) src(%arg8 : memref<32x128xf32, #tpu.memory_space<vmem>>) dst(%dma_wait3A_41 : memref<32x128xf32, #tpu.memory_space<hbm>>)
    } else {
    }
    %add3A_24 = arith.constant 7808 : i32
    %add3A_25 = arith.addi %add3A, %add3A_24 : i32
    %lt3A_26 = arith.constant 7812 : i32
    %lt3A_27 = arith.cmpi slt, %add3A_25, %lt3A_26 : i32
    %convert_element_type3A_28 = arith.extui %lt3A_27 : i1 to i32
    %cond3A_29 = arith.constant 0 : i32
    %cond3A_30 = arith.cmpi ne, %convert_element_type3A_28, %cond3A_29 : i32
    scf.if %cond3A_30 {
      %add3A_35 = arith.constant 7808 : i32
      %add3A_36 = arith.addi %add3A, %add3A_35 : i32
      %mul3A_37 = arith.constant 32 : i32
      %mul3A_38 = arith.muli %add3A_36, %mul3A_37 : i32
      %dma_wait3A = arith.constant 0 : i32
      %dma_wait3A_39 = tpu.memref_slice %arg4[%mul3A_38, %dma_wait3A] : memref<250000x128xf32, #tpu.memory_space<hbm>> -> memref<32x128xf32, #tpu.memory_space<hbm>>
      %dma_wait3A_40 = arith.constant 0 : i32
      %dma_wait3A_41 = tpu.memref_slice %arg4[%mul3A_38, %dma_wait3A_40] : memref<250000x128xf32, #tpu.memory_space<hbm>> -> memref<32x128xf32, #tpu.memory_space<hbm>>
      tpu.wait_dma2 semaphore(%arg11 : memref<!tpu.dma_semaphore, #tpu.memory_space<semaphore_mem>>) src(%arg7 : memref<32x128xf32, #tpu.memory_space<vmem>>) dst(%dma_wait3A_41 : memref<32x128xf32, #tpu.memory_space<hbm>>)
    } else {
    }
    %eq3A = arith.constant 4 : i32
    %eq3A_31 = arith.cmpi eq, %add3A, %eq3A : i32
    %convert_element_type3A_32 = arith.extui %eq3A_31 : i1 to i32
    %cond3A_33 = arith.constant 0 : i32
    %cond3A_34 = arith.cmpi ne, %convert_element_type3A_32, %cond3A_33 : i32
    scf.if %cond3A_34 {
      "tpu.region"() ({
        %run_scoped3A = tpu.sem_alloc : memref<!tpu.dma_semaphore, #tpu.memory_space<semaphore_mem>>
        %dma_start3A = arith.constant 0 : i32
        %dma_start3A_35 = arith.constant 0 : i32
        %dma_start3A_36 = tpu.memref_slice %arg5[%dma_start3A, %dma_start3A_35] : memref<32x128xf32, #tpu.memory_space<vmem>> -> memref<16x128xf32, #tpu.memory_space<vmem>>
        %dma_start3A_37 = arith.constant 0 : i32
        %dma_start3A_38 = arith.constant 0 : i32
        %dma_start3A_39 = tpu.memref_slice %arg5[%dma_start3A_37, %dma_start3A_38] : memref<32x128xf32, #tpu.memory_space<vmem>> -> memref<16x128xf32, #tpu.memory_space<vmem>>
        tpu.enqueue_dma source(%arg3 : memref<16x128xf32, #tpu.memory_space<hbm>>) target(%dma_start3A_39 : memref<16x128xf32, #tpu.memory_space<vmem>>) target_semaphore(%run_scoped3A : memref<!tpu.dma_semaphore, #tpu.memory_space<semaphore_mem>>)
        %dma_wait3A = arith.constant 0 : i32
        %dma_wait3A_40 = arith.constant 0 : i32
        %dma_wait3A_41 = tpu.memref_slice %arg5[%dma_wait3A, %dma_wait3A_40] : memref<32x128xf32, #tpu.memory_space<vmem>> -> memref<16x128xf32, #tpu.memory_space<vmem>>
        %dma_wait3A_42 = arith.constant 0 : i32
        %dma_wait3A_43 = arith.constant 0 : i32
        %dma_wait3A_44 = tpu.memref_slice %arg5[%dma_wait3A_42, %dma_wait3A_43] : memref<32x128xf32, #tpu.memory_space<vmem>> -> memref<16x128xf32, #tpu.memory_space<vmem>>
        tpu.wait_dma2 semaphore(%run_scoped3A : memref<!tpu.dma_semaphore, #tpu.memory_space<semaphore_mem>>) src(%arg3 : memref<16x128xf32, #tpu.memory_space<hbm>>) dst(%dma_wait3A_44 : memref<16x128xf32, #tpu.memory_space<vmem>>)
        tpu.yield
      }) : () -> ()
      "tpu.region"() ({
        %run_scoped3A = tpu.sem_alloc : memref<!tpu.dma_semaphore, #tpu.memory_space<semaphore_mem>>
        %dma_start3A = arith.constant 0 : i32
        %dma_start3A_35 = arith.constant 0 : i32
        %dma_start3A_36 = tpu.memref_slice %arg5[%dma_start3A, %dma_start3A_35] : memref<32x128xf32, #tpu.memory_space<vmem>> -> memref<16x128xf32, #tpu.memory_space<vmem>>
        %dma_start3A_37 = arith.constant 249984 : i32
        %dma_start3A_38 = arith.constant 0 : i32
        %dma_start3A_39 = tpu.memref_slice %arg4[%dma_start3A_37, %dma_start3A_38] : memref<250000x128xf32, #tpu.memory_space<hbm>> -> memref<16x128xf32, #tpu.memory_space<hbm>>
        %dma_start3A_40 = arith.constant 249984 : i32
        %dma_start3A_41 = arith.constant 0 : i32
        %dma_start3A_42 = tpu.memref_slice %arg4[%dma_start3A_40, %dma_start3A_41] : memref<250000x128xf32, #tpu.memory_space<hbm>> -> memref<16x128xf32, #tpu.memory_space<hbm>>
        %dma_start3A_43 = arith.constant 0 : i32
        %dma_start3A_44 = arith.constant 0 : i32
        %dma_start3A_45 = tpu.memref_slice %arg5[%dma_start3A_43, %dma_start3A_44] : memref<32x128xf32, #tpu.memory_space<vmem>> -> memref<16x128xf32, #tpu.memory_space<vmem>>
        tpu.enqueue_dma source(%dma_start3A_45 : memref<16x128xf32, #tpu.memory_space<vmem>>) target(%dma_start3A_42 : memref<16x128xf32, #tpu.memory_space<hbm>>) target_semaphore(%run_scoped3A : memref<!tpu.dma_semaphore, #tpu.memory_space<semaphore_mem>>)
        %dma_wait3A = arith.constant 0 : i32
        %dma_wait3A_46 = arith.constant 0 : i32
        %dma_wait3A_47 = tpu.memref_slice %arg5[%dma_wait3A, %dma_wait3A_46] : memref<32x128xf32, #tpu.memory_space<vmem>> -> memref<16x128xf32, #tpu.memory_space<vmem>>
        %dma_wait3A_48 = arith.constant 249984 : i32
        %dma_wait3A_49 = arith.constant 0 : i32
        %dma_wait3A_50 = tpu.memref_slice %arg4[%dma_wait3A_48, %dma_wait3A_49] : memref<250000x128xf32, #tpu.memory_space<hbm>> -> memref<16x128xf32, #tpu.memory_space<hbm>>
        %dma_wait3A_51 = arith.constant 249984 : i32
        %dma_wait3A_52 = arith.constant 0 : i32
        %dma_wait3A_53 = tpu.memref_slice %arg4[%dma_wait3A_51, %dma_wait3A_52] : memref<250000x128xf32, #tpu.memory_space<hbm>> -> memref<16x128xf32, #tpu.memory_space<hbm>>
        %dma_wait3A_54 = arith.constant 0 : i32
        %dma_wait3A_55 = arith.constant 0 : i32
        %dma_wait3A_56 = tpu.memref_slice %arg5[%dma_wait3A_54, %dma_wait3A_55] : memref<32x128xf32, #tpu.memory_space<vmem>> -> memref<16x128xf32, #tpu.memory_space<vmem>>
        tpu.wait_dma2 semaphore(%run_scoped3A : memref<!tpu.dma_semaphore, #tpu.memory_space<semaphore_mem>>) src(%dma_wait3A_56 : memref<16x128xf32, #tpu.memory_space<vmem>>) dst(%dma_wait3A_53 : memref<16x128xf32, #tpu.memory_space<hbm>>)
        tpu.yield
      }) : () -> ()
    } else {
    }
    return
  }
}

#map = affine_map<(d0, d1) -> (0)>
#map1 = affine_map<(d0, d1) -> (0, 0)>
#map2 = affine_map<(d0, d1) -> (0, 0, 0, 0, 0)>
module attributes {stable_mosaic.version = 14 : i64} {
  func.func @_gather_embed(%arg0: i32, %arg1: i32, %arg2: memref<819200xi32, #tpu.memory_space<hbm>>, %arg3: memref<1000000x32xf32, #tpu.memory_space<hbm>>, %arg4: memref<200x32xf32, #tpu.memory_space<hbm>>, %arg5: memref<200x4x32x8x128xf32, #tpu.memory_space<hbm>>, %arg6: memref<25600xi32, #tpu.memory_space<vmem>>, %arg7: memref<200x32xf32, #tpu.memory_space<vmem>>, %arg8: memref<128xi32, #tpu.memory_space<vmem>>, %arg9: memref<128xi32, #tpu.memory_space<vmem>>, %arg10: memref<128x32xf32, #tpu.memory_space<vmem>>, %arg11: memref<128x32xf32, #tpu.memory_space<vmem>>, %arg12: memref<32x129xf32, #tpu.memory_space<vmem>>, %arg13: memref<32x129xf32, #tpu.memory_space<vmem>>, %arg14: memref<!tpu.dma_semaphore, #tpu.memory_space<semaphore_mem>>, %arg15: memref<!tpu.dma_semaphore, #tpu.memory_space<semaphore_mem>>, %arg16: memref<!tpu.dma_semaphore, #tpu.memory_space<semaphore_mem>>, %arg17: memref<!tpu.dma_semaphore, #tpu.memory_space<semaphore_mem>>) attributes {dimension_semantics = [#tpu.dimension_semantics<core_parallel>, #tpu.dimension_semantics<subcore_parallel>], iteration_bounds = array<i64: 2, 16>, scalar_prefetch = 0 : i64, scratch_operands = 12 : i64, tpu.core_type = #tpu.core_type<sc_vector_subcore>, window_params = [{transform_indices = #map}, {transform_indices = #map1}, {transform_indices = #map1}, {transform_indices = #map2}]} {
    %mul3A = arith.constant 2 : i32
    %mul3A_0 = arith.muli %arg1, %mul3A : i32
    %add3A = arith.addi %mul3A_0, %arg0 : i32
    %mul3A_1 = arith.constant 128 : i32
    %mul3A_2 = arith.muli %add3A, %mul3A_1 : i32
    %mul3A_3 = arith.constant 200 : i32
    %mul3A_4 = arith.muli %mul3A_2, %mul3A_3 : i32
    "tpu.region"() ({
      %run_scoped3A = tpu.sem_alloc : memref<!tpu.dma_semaphore, #tpu.memory_space<semaphore_mem>>
      %dma_start3A_141 = tpu.memref_slice %arg2[%mul3A_4] : memref<819200xi32, #tpu.memory_space<hbm>> -> memref<25600xi32, #tpu.memory_space<hbm>>
      %dma_start3A_142 = tpu.memref_slice %arg2[%mul3A_4] : memref<819200xi32, #tpu.memory_space<hbm>> -> memref<25600xi32, #tpu.memory_space<hbm>>
      tpu.enqueue_dma source(%dma_start3A_142 : memref<25600xi32, #tpu.memory_space<hbm>>) target(%arg6 : memref<25600xi32, #tpu.memory_space<vmem>>) target_semaphore(%run_scoped3A : memref<!tpu.dma_semaphore, #tpu.memory_space<semaphore_mem>>)
      %dma_wait3A_143 = tpu.memref_slice %arg2[%mul3A_4] : memref<819200xi32, #tpu.memory_space<hbm>> -> memref<25600xi32, #tpu.memory_space<hbm>>
      %dma_wait3A_144 = tpu.memref_slice %arg2[%mul3A_4] : memref<819200xi32, #tpu.memory_space<hbm>> -> memref<25600xi32, #tpu.memory_space<hbm>>
      tpu.wait_dma2 semaphore(%run_scoped3A : memref<!tpu.dma_semaphore, #tpu.memory_space<semaphore_mem>>) src(%dma_wait3A_144 : memref<25600xi32, #tpu.memory_space<hbm>>) dst(%arg6 : memref<25600xi32, #tpu.memory_space<vmem>>)
      tpu.yield
    }) : () -> ()
    "tpu.region"() ({
      %run_scoped3A = tpu.sem_alloc : memref<!tpu.dma_semaphore, #tpu.memory_space<semaphore_mem>>
      tpu.enqueue_dma source(%arg4 : memref<200x32xf32, #tpu.memory_space<hbm>>) target(%arg7 : memref<200x32xf32, #tpu.memory_space<vmem>>) target_semaphore(%run_scoped3A : memref<!tpu.dma_semaphore, #tpu.memory_space<semaphore_mem>>)
      tpu.wait_dma2 semaphore(%run_scoped3A : memref<!tpu.dma_semaphore, #tpu.memory_space<semaphore_mem>>) src(%arg4 : memref<200x32xf32, #tpu.memory_space<hbm>>) dst(%arg7 : memref<200x32xf32, #tpu.memory_space<vmem>>)
      tpu.yield
    }) : () -> ()
    %parallel_loop3A = arith.constant 0 : i32
    %parallel_loop3A_5 = arith.constant 8 : i32
    %parallel_loop3A_6 = arith.constant 1 : i32
    scf.for %parallel_loop3A_141 = %parallel_loop3A to %parallel_loop3A_5 step %parallel_loop3A_6  : i32 {
      %parallel_loop3A_142 = tpu.iota {dimensions = array<i32: 0>} : vector<16xi32>
      %parallel_loop3A_143 = arith.constant 16 : i32
      %parallel_loop3A_144 = arith.muli %parallel_loop3A_143, %parallel_loop3A_141 : i32
      %parallel_loop3A_145 = vector.broadcast %parallel_loop3A_144 : i32 to vector<16xi32>
      %parallel_loop3A_146 = arith.addi %parallel_loop3A_142, %parallel_loop3A_145 : vector<16xi32>
      %parallel_loop3A_147 = arith.constant 200 : i32
      %parallel_loop3A_148 = vector.broadcast %parallel_loop3A_147 : i32 to vector<16xi32>
      %parallel_loop3A_149 = arith.muli %parallel_loop3A_146, %parallel_loop3A_148 : vector<16xi32>
      %parallel_loop3A_150 = arith.constant 0 : i32
      %parallel_loop3A_151 = vector.broadcast %parallel_loop3A_150 : i32 to vector<16xi32>
      %parallel_loop3A_152 = arith.addi %parallel_loop3A_149, %parallel_loop3A_151 : vector<16xi32>
      %parallel_loop3A_153 = tpu.vector_load_idx %arg6[%parallel_loop3A_152] : memref<25600xi32, #tpu.memory_space<vmem>>[vector<16xi32>], vector<16xi32>,
      %parallel_loop3A_154 = arith.constant 16 : i32
      %parallel_loop3A_155 = arith.muli %parallel_loop3A_154, %parallel_loop3A_141 : i32
      %parallel_loop3A_156 = arith.index_cast %parallel_loop3A_155 : i32 to index
      %parallel_loop3A_157 = tpu.vector_load %arg8[%parallel_loop3A_156] {strides = array<i32>} : memref<128xi32, #tpu.memory_space<vmem>>, vector<16xi32>,
      tpu.vector_store %arg8[%parallel_loop3A_156], %parallel_loop3A_153 {strides = array<i32>} : memref<128xi32, #tpu.memory_space<vmem>>, vector<16xi32>,
    } {sc.loop_unroll_factor = 8 : i64, sc.parallel_access}
    %dma_start3A = arith.constant 0 : i32
    %dma_start3A_7 = arith.constant 0 : i32
    %dma_start3A_8 = tpu.memref_slice %arg3[%dma_start3A, %dma_start3A_7] : memref<1000000x32xf32, #tpu.memory_space<hbm>> -> memref<1000000x32xf32, #tpu.memory_space<hbm>>
    tpu.enqueue_indirect_dma source(%dma_start3A_8 : memref<1000000x32xf32, #tpu.memory_space<hbm>>) target(%arg10 : memref<128x32xf32, #tpu.memory_space<vmem>>) offsets(%arg8 : memref<128xi32, #tpu.memory_space<vmem>>) semaphore(%arg14 : memref<!tpu.dma_semaphore, #tpu.memory_space<semaphore_mem>>)
    %scan3A = arith.constant 0 : i32
    %scan3A_9 = arith.constant 0 : i32
    %scan3A_10 = arith.constant 100 : i32
    %scan3A_11 = arith.addi %scan3A_9, %scan3A_10 : i32
    %scan3A_12 = arith.constant 1 : i32
    scf.for %scan3A_141 = %scan3A_9 to %scan3A_11 step %scan3A_12  : i32 {
      %mul3A_142 = arith.constant 2 : i32
      %mul3A_143 = arith.muli %mul3A_142, %scan3A_141 : i32
      %add3A_144 = arith.constant 1 : i32
      %add3A_145 = arith.addi %mul3A_143, %add3A_144 : i32
      %parallel_loop3A_146 = arith.constant 0 : i32
      %parallel_loop3A_147 = arith.constant 8 : i32
      %parallel_loop3A_148 = arith.constant 1 : i32
      scf.for %parallel_loop3A_312 = %parallel_loop3A_146 to %parallel_loop3A_147 step %parallel_loop3A_148  : i32 {
        %parallel_loop3A_313 = tpu.iota {dimensions = array<i32: 0>} : vector<16xi32>
        %parallel_loop3A_314 = arith.constant 16 : i32
        %parallel_loop3A_315 = arith.muli %parallel_loop3A_314, %parallel_loop3A_312 : i32
        %parallel_loop3A_316 = vector.broadcast %parallel_loop3A_315 : i32 to vector<16xi32>
        %parallel_loop3A_317 = arith.addi %parallel_loop3A_313, %parallel_loop3A_316 : vector<16xi32>
        %parallel_loop3A_318 = arith.constant 200 : i32
        %parallel_loop3A_319 = vector.broadcast %parallel_loop3A_318 : i32 to vector<16xi32>
        %parallel_loop3A_320 = arith.muli %parallel_loop3A_317, %parallel_loop3A_319 : vector<16xi32>
        %parallel_loop3A_321 = vector.broadcast %add3A_145 : i32 to vector<16xi32>
        %parallel_loop3A_322 = arith.addi %parallel_loop3A_320, %parallel_loop3A_321 : vector<16xi32>
        %parallel_loop3A_323 = tpu.vector_load_idx %arg6[%parallel_loop3A_322] : memref<25600xi32, #tpu.memory_space<vmem>>[vector<16xi32>], vector<16xi32>,
        %parallel_loop3A_324 = arith.constant 16 : i32
        %parallel_loop3A_325 = arith.muli %parallel_loop3A_324, %parallel_loop3A_312 : i32
        %parallel_loop3A_326 = arith.index_cast %parallel_loop3A_325 : i32 to index
        %parallel_loop3A_327 = tpu.vector_load %arg9[%parallel_loop3A_326] {strides = array<i32>} : memref<128xi32, #tpu.memory_space<vmem>>, vector<16xi32>,
        tpu.vector_store %arg9[%parallel_loop3A_326], %parallel_loop3A_323 {strides = array<i32>} : memref<128xi32, #tpu.memory_space<vmem>>, vector<16xi32>,
      } {sc.loop_unroll_factor = 8 : i64, sc.parallel_access}
      %dma_start3A_149 = arith.constant 0 : i32
      %dma_start3A_150 = arith.constant 0 : i32
      %dma_start3A_151 = tpu.memref_slice %arg3[%dma_start3A_149, %dma_start3A_150] : memref<1000000x32xf32, #tpu.memory_space<hbm>> -> memref<1000000x32xf32, #tpu.memory_space<hbm>>
      tpu.enqueue_indirect_dma source(%dma_start3A_151 : memref<1000000x32xf32, #tpu.memory_space<hbm>>) target(%arg11 : memref<128x32xf32, #tpu.memory_space<vmem>>) offsets(%arg9 : memref<128xi32, #tpu.memory_space<vmem>>) semaphore(%arg15 : memref<!tpu.dma_semaphore, #tpu.memory_space<semaphore_mem>>)
      %mul3A_152 = arith.constant 2 : i32
      %mul3A_153 = arith.muli %mul3A_152, %scan3A_141 : i32
      %dma_wait3A_154 = arith.constant 0 : i32
      %dma_wait3A_155 = arith.constant 0 : i32
      %dma_wait3A_156 = tpu.memref_slice %arg3[%dma_wait3A_154, %dma_wait3A_155] : memref<1000000x32xf32, #tpu.memory_space<hbm>> -> memref<1000000x32xf32, #tpu.memory_space<hbm>>
      tpu.wait_indirect_dma semaphore(%arg14 : memref<!tpu.dma_semaphore, #tpu.memory_space<semaphore_mem>>) src(%dma_wait3A_156 : memref<1000000x32xf32, #tpu.memory_space<hbm>>) dst(%arg10 : memref<128x32xf32, #tpu.memory_space<vmem>>)
      %ge3A = arith.constant 2 : i32
      %ge3A_157 = arith.cmpi sge, %mul3A_153, %ge3A : i32
      %convert_element_type3A = arith.extui %ge3A_157 : i1 to i32
      %cond3A = arith.constant 0 : i32
      %cond3A_158 = arith.cmpi ne, %convert_element_type3A, %cond3A : i32
      scf.if %cond3A_158 {
        %sub3A = arith.constant 2 : i32
        %sub3A_312 = arith.subi %mul3A_153, %sub3A : i32
        %dma_wait3A_313 = arith.constant 0 : i32
        %dma_wait3A_314 = arith.constant 0 : i32
        %dma_wait3A_315 = arith.constant 0 : i32
        %dma_wait3A_316 = tpu.memref_slice %arg12[%dma_wait3A_314, %dma_wait3A_315] : memref<32x129xf32, #tpu.memory_space<vmem>> -> memref<8x128xf32, #tpu.memory_space<vmem>>
        %dma_wait3A_317 = arith.constant 0 : i32
        %dma_wait3A_318 = arith.constant 0 : i32
        %dma_wait3A_319 = tpu.memref_slice %arg5[%sub3A_312, %dma_wait3A_313, %add3A, %dma_wait3A_317, %dma_wait3A_318] : memref<200x4x32x8x128xf32, #tpu.memory_space<hbm>> -> memref<1x1x1x8x128xf32, #tpu.memory_space<hbm>>
        %dma_wait3A_320 = tpu.memref_squeeze %dma_wait3A_319 : memref<1x1x1x8x128xf32, #tpu.memory_space<hbm>> -> memref<8x128xf32, #tpu.memory_space<hbm>>
        %dma_wait3A_321 = arith.constant 0 : i32
        %dma_wait3A_322 = arith.constant 0 : i32
        %dma_wait3A_323 = tpu.memref_slice %arg5[%sub3A_312, %dma_wait3A_313, %add3A, %dma_wait3A_321, %dma_wait3A_322] : memref<200x4x32x8x128xf32, #tpu.memory_space<hbm>> -> memref<1x1x1x8x128xf32, #tpu.memory_space<hbm>>
        %dma_wait3A_324 = tpu.memref_squeeze %dma_wait3A_323 : memref<1x1x1x8x128xf32, #tpu.memory_space<hbm>> -> memref<8x128xf32, #tpu.memory_space<hbm>>
        %dma_wait3A_325 = arith.constant 0 : i32
        %dma_wait3A_326 = arith.constant 0 : i32
        %dma_wait3A_327 = tpu.memref_slice %arg12[%dma_wait3A_325, %dma_wait3A_326] : memref<32x129xf32, #tpu.memory_space<vmem>> -> memref<8x128xf32, #tpu.memory_space<vmem>>
        tpu.wait_dma2 semaphore(%arg16 : memref<!tpu.dma_semaphore, #tpu.memory_space<semaphore_mem>>) src(%dma_wait3A_327 : memref<8x128xf32, #tpu.memory_space<vmem>>) dst(%dma_wait3A_324 : memref<8x128xf32, #tpu.memory_space<hbm>>)
        %sub3A_328 = arith.constant 2 : i32
        %sub3A_329 = arith.subi %mul3A_153, %sub3A_328 : i32
        %dma_wait3A_330 = arith.constant 1 : i32
        %dma_wait3A_331 = arith.constant 8 : i32
        %dma_wait3A_332 = arith.constant 0 : i32
        %dma_wait3A_333 = tpu.memref_slice %arg12[%dma_wait3A_331, %dma_wait3A_332] : memref<32x129xf32, #tpu.memory_space<vmem>> -> memref<8x128xf32, #tpu.memory_space<vmem>>
        %dma_wait3A_334 = arith.constant 0 : i32
        %dma_wait3A_335 = arith.constant 0 : i32
        %dma_wait3A_336 = tpu.memref_slice %arg5[%sub3A_329, %dma_wait3A_330, %add3A, %dma_wait3A_334, %dma_wait3A_335] : memref<200x4x32x8x128xf32, #tpu.memory_space<hbm>> -> memref<1x1x1x8x128xf32, #tpu.memory_space<hbm>>
        %dma_wait3A_337 = tpu.memref_squeeze %dma_wait3A_336 : memref<1x1x1x8x128xf32, #tpu.memory_space<hbm>> -> memref<8x128xf32, #tpu.memory_space<hbm>>
        %dma_wait3A_338 = arith.constant 0 : i32
        %dma_wait3A_339 = arith.constant 0 : i32
        %dma_wait3A_340 = tpu.memref_slice %arg5[%sub3A_329, %dma_wait3A_330, %add3A, %dma_wait3A_338, %dma_wait3A_339] : memref<200x4x32x8x128xf32, #tpu.memory_space<hbm>> -> memref<1x1x1x8x128xf32, #tpu.memory_space<hbm>>
        %dma_wait3A_341 = tpu.memref_squeeze %dma_wait3A_340 : memref<1x1x1x8x128xf32, #tpu.memory_space<hbm>> -> memref<8x128xf32, #tpu.memory_space<hbm>>
        %dma_wait3A_342 = arith.constant 8 : i32
        %dma_wait3A_343 = arith.constant 0 : i32
        %dma_wait3A_344 = tpu.memref_slice %arg12[%dma_wait3A_342, %dma_wait3A_343] : memref<32x129xf32, #tpu.memory_space<vmem>> -> memref<8x128xf32, #tpu.memory_space<vmem>>
        tpu.wait_dma2 semaphore(%arg16 : memref<!tpu.dma_semaphore, #tpu.memory_space<semaphore_mem>>) src(%dma_wait3A_344 : memref<8x128xf32, #tpu.memory_space<vmem>>) dst(%dma_wait3A_341 : memref<8x128xf32, #tpu.memory_space<hbm>>)
        %sub3A_345 = arith.constant 2 : i32
        %sub3A_346 = arith.subi %mul3A_153, %sub3A_345 : i32
        %dma_wait3A_347 = arith.constant 2 : i32
        %dma_wait3A_348 = arith.constant 16 : i32
        %dma_wait3A_349 = arith.constant 0 : i32
        %dma_wait3A_350 = tpu.memref_slice %arg12[%dma_wait3A_348, %dma_wait3A_349] : memref<32x129xf32, #tpu.memory_space<vmem>> -> memref<8x128xf32, #tpu.memory_space<vmem>>
        %dma_wait3A_351 = arith.constant 0 : i32
        %dma_wait3A_352 = arith.constant 0 : i32
        %dma_wait3A_353 = tpu.memref_slice %arg5[%sub3A_346, %dma_wait3A_347, %add3A, %dma_wait3A_351, %dma_wait3A_352] : memref<200x4x32x8x128xf32, #tpu.memory_space<hbm>> -> memref<1x1x1x8x128xf32, #tpu.memory_space<hbm>>
        %dma_wait3A_354 = tpu.memref_squeeze %dma_wait3A_353 : memref<1x1x1x8x128xf32, #tpu.memory_space<hbm>> -> memref<8x128xf32, #tpu.memory_space<hbm>>
        %dma_wait3A_355 = arith.constant 0 : i32
        %dma_wait3A_356 = arith.constant 0 : i32
        %dma_wait3A_357 = tpu.memref_slice %arg5[%sub3A_346, %dma_wait3A_347, %add3A, %dma_wait3A_355, %dma_wait3A_356] : memref<200x4x32x8x128xf32, #tpu.memory_space<hbm>> -> memref<1x1x1x8x128xf32, #tpu.memory_space<hbm>>
        %dma_wait3A_358 = tpu.memref_squeeze %dma_wait3A_357 : memref<1x1x1x8x128xf32, #tpu.memory_space<hbm>> -> memref<8x128xf32, #tpu.memory_space<hbm>>
        %dma_wait3A_359 = arith.constant 16 : i32
        %dma_wait3A_360 = arith.constant 0 : i32
        %dma_wait3A_361 = tpu.memref_slice %arg12[%dma_wait3A_359, %dma_wait3A_360] : memref<32x129xf32, #tpu.memory_space<vmem>> -> memref<8x128xf32, #tpu.memory_space<vmem>>
        tpu.wait_dma2 semaphore(%arg16 : memref<!tpu.dma_semaphore, #tpu.memory_space<semaphore_mem>>) src(%dma_wait3A_361 : memref<8x128xf32, #tpu.memory_space<vmem>>) dst(%dma_wait3A_358 : memref<8x128xf32, #tpu.memory_space<hbm>>)
        %sub3A_362 = arith.constant 2 : i32
        %sub3A_363 = arith.subi %mul3A_153, %sub3A_362 : i32
        %dma_wait3A_364 = arith.constant 3 : i32
        %dma_wait3A_365 = arith.constant 24 : i32
        %dma_wait3A_366 = arith.constant 0 : i32
        %dma_wait3A_367 = tpu.memref_slice %arg12[%dma_wait3A_365, %dma_wait3A_366] : memref<32x129xf32, #tpu.memory_space<vmem>> -> memref<8x128xf32, #tpu.memory_space<vmem>>
        %dma_wait3A_368 = arith.constant 0 : i32
        %dma_wait3A_369 = arith.constant 0 : i32
        %dma_wait3A_370 = tpu.memref_slice %arg5[%sub3A_363, %dma_wait3A_364, %add3A, %dma_wait3A_368, %dma_wait3A_369] : memref<200x4x32x8x128xf32, #tpu.memory_space<hbm>> -> memref<1x1x1x8x128xf32, #tpu.memory_space<hbm>>
        %dma_wait3A_371 = tpu.memref_squeeze %dma_wait3A_370 : memref<1x1x1x8x128xf32, #tpu.memory_space<hbm>> -> memref<8x128xf32, #tpu.memory_space<hbm>>
        %dma_wait3A_372 = arith.constant 0 : i32
        %dma_wait3A_373 = arith.constant 0 : i32
        %dma_wait3A_374 = tpu.memref_slice %arg5[%sub3A_363, %dma_wait3A_364, %add3A, %dma_wait3A_372, %dma_wait3A_373] : memref<200x4x32x8x128xf32, #tpu.memory_space<hbm>> -> memref<1x1x1x8x128xf32, #tpu.memory_space<hbm>>
        %dma_wait3A_375 = tpu.memref_squeeze %dma_wait3A_374 : memref<1x1x1x8x128xf32, #tpu.memory_space<hbm>> -> memref<8x128xf32, #tpu.memory_space<hbm>>
        %dma_wait3A_376 = arith.constant 24 : i32
        %dma_wait3A_377 = arith.constant 0 : i32
        %dma_wait3A_378 = tpu.memref_slice %arg12[%dma_wait3A_376, %dma_wait3A_377] : memref<32x129xf32, #tpu.memory_space<vmem>> -> memref<8x128xf32, #tpu.memory_space<vmem>>
        tpu.wait_dma2 semaphore(%arg16 : memref<!tpu.dma_semaphore, #tpu.memory_space<semaphore_mem>>) src(%dma_wait3A_378 : memref<8x128xf32, #tpu.memory_space<vmem>>) dst(%dma_wait3A_375 : memref<8x128xf32, #tpu.memory_space<hbm>>)
      } else {
      }
      %get3A = arith.index_cast %mul3A_153 : i32 to index
      %get3A_159 = arith.constant 0 : index
      %get3A_160 = tpu.vector_load %arg7[%get3A, %get3A_159] {strides = array<i32>} : memref<200x32xf32, #tpu.memory_space<vmem>>, vector<16xf32>,
      %get3A_161 = arith.index_cast %mul3A_153 : i32 to index
      %get3A_162 = arith.constant 16 : index
      %get3A_163 = tpu.vector_load %arg7[%get3A_161, %get3A_162] {strides = array<i32>} : memref<200x32xf32, #tpu.memory_space<vmem>>, vector<16xf32>,
      %parallel_loop3A_164 = arith.constant 0 : i32
      %parallel_loop3A_165 = arith.constant 128 : i32
      %parallel_loop3A_166 = arith.constant 1 : i32
      scf.for %parallel_loop3A_312 = %parallel_loop3A_164 to %parallel_loop3A_165 step %parallel_loop3A_166  : i32 {
        %parallel_loop3A_313 = tpu.iota {dimensions = array<i32: 0>} : vector<16xi32>
        %parallel_loop3A_314 = arith.constant 0 : i32
        %parallel_loop3A_315 = vector.broadcast %parallel_loop3A_314 : i32 to vector<16xi32>
        %parallel_loop3A_316 = arith.muli %parallel_loop3A_313, %parallel_loop3A_315 : vector<16xi32>
        %parallel_loop3A_317 = vector.broadcast %parallel_loop3A_312 : i32 to vector<16xi32>
        %parallel_loop3A_318 = arith.addi %parallel_loop3A_316, %parallel_loop3A_317 : vector<16xi32>
        %parallel_loop3A_319 = tpu.iota {dimensions = array<i32: 0>} : vector<16xi32>
        %parallel_loop3A_320 = arith.index_cast %parallel_loop3A_312 : i32 to index
        %parallel_loop3A_321 = arith.constant 0 : index
        %parallel_loop3A_322 = tpu.vector_load %arg10[%parallel_loop3A_320, %parallel_loop3A_321] {strides = array<i32>} : memref<128x32xf32, #tpu.memory_space<vmem>>, vector<16xf32>,
        %parallel_loop3A_323 = arith.addf %parallel_loop3A_322, %get3A_160 : vector<16xf32>
        tpu.vector_store_idx %arg12[%parallel_loop3A_319, %parallel_loop3A_318], %parallel_loop3A_323 : memref<32x129xf32, #tpu.memory_space<vmem>>[vector<16xi32>, vector<16xi32>], vector<16xf32>,
        %parallel_loop3A_324 = arith.index_cast %parallel_loop3A_312 : i32 to index
        %parallel_loop3A_325 = arith.constant 16 : index
        %parallel_loop3A_326 = tpu.vector_load %arg10[%parallel_loop3A_324, %parallel_loop3A_325] {strides = array<i32>} : memref<128x32xf32, #tpu.memory_space<vmem>>, vector<16xf32>,
        %parallel_loop3A_327 = arith.addf %parallel_loop3A_326, %get3A_163 : vector<16xf32>
        %parallel_loop3A_328 = arith.constant 16 : i32
        %parallel_loop3A_329 = vector.broadcast %parallel_loop3A_328 : i32 to vector<16xi32>
        %parallel_loop3A_330 = arith.addi %parallel_loop3A_319, %parallel_loop3A_329 : vector<16xi32>
        tpu.vector_store_idx %arg12[%parallel_loop3A_330, %parallel_loop3A_318], %parallel_loop3A_327 : memref<32x129xf32, #tpu.memory_space<vmem>>[vector<16xi32>, vector<16xi32>], vector<16xf32>,
      } {sc.loop_unroll_factor = 8 : i64, sc.parallel_access}
      %dma_start3A_167 = arith.constant 0 : i32
      %dma_start3A_168 = arith.constant 0 : i32
      %dma_start3A_169 = arith.constant 0 : i32
      %dma_start3A_170 = tpu.memref_slice %arg12[%dma_start3A_168, %dma_start3A_169] : memref<32x129xf32, #tpu.memory_space<vmem>> -> memref<8x128xf32, #tpu.memory_space<vmem>>
      %dma_start3A_171 = arith.constant 0 : i32
      %dma_start3A_172 = arith.constant 0 : i32
      %dma_start3A_173 = tpu.memref_slice %arg5[%mul3A_153, %dma_start3A_167, %add3A, %dma_start3A_171, %dma_start3A_172] : memref<200x4x32x8x128xf32, #tpu.memory_space<hbm>> -> memref<1x1x1x8x128xf32, #tpu.memory_space<hbm>>
      %dma_start3A_174 = tpu.memref_squeeze %dma_start3A_173 : memref<1x1x1x8x128xf32, #tpu.memory_space<hbm>> -> memref<8x128xf32, #tpu.memory_space<hbm>>
      %dma_start3A_175 = arith.constant 0 : i32
      %dma_start3A_176 = arith.constant 0 : i32
      %dma_start3A_177 = tpu.memref_slice %arg5[%mul3A_153, %dma_start3A_167, %add3A, %dma_start3A_175, %dma_start3A_176] : memref<200x4x32x8x128xf32, #tpu.memory_space<hbm>> -> memref<1x1x1x8x128xf32, #tpu.memory_space<hbm>>
      %dma_start3A_178 = tpu.memref_squeeze %dma_start3A_177 : memref<1x1x1x8x128xf32, #tpu.memory_space<hbm>> -> memref<8x128xf32, #tpu.memory_space<hbm>>
      %dma_start3A_179 = arith.constant 0 : i32
      %dma_start3A_180 = arith.constant 0 : i32
      %dma_start3A_181 = tpu.memref_slice %arg12[%dma_start3A_179, %dma_start3A_180] : memref<32x129xf32, #tpu.memory_space<vmem>> -> memref<8x128xf32, #tpu.memory_space<vmem>>
      tpu.enqueue_dma source(%dma_start3A_181 : memref<8x128xf32, #tpu.memory_space<vmem>>) target(%dma_start3A_178 : memref<8x128xf32, #tpu.memory_space<hbm>>) target_semaphore(%arg16 : memref<!tpu.dma_semaphore, #tpu.memory_space<semaphore_mem>>)
      %dma_start3A_182 = arith.constant 1 : i32
      %dma_start3A_183 = arith.constant 8 : i32
      %dma_start3A_184 = arith.constant 0 : i32
      %dma_start3A_185 = tpu.memref_slice %arg12[%dma_start3A_183, %dma_start3A_184] : memref<32x129xf32, #tpu.memory_space<vmem>> -> memref<8x128xf32, #tpu.memory_space<vmem>>
      %dma_start3A_186 = arith.constant 0 : i32
      %dma_start3A_187 = arith.constant 0 : i32
      %dma_start3A_188 = tpu.memref_slice %arg5[%mul3A_153, %dma_start3A_182, %add3A, %dma_start3A_186, %dma_start3A_187] : memref<200x4x32x8x128xf32, #tpu.memory_space<hbm>> -> memref<1x1x1x8x128xf32, #tpu.memory_space<hbm>>
      %dma_start3A_189 = tpu.memref_squeeze %dma_start3A_188 : memref<1x1x1x8x128xf32, #tpu.memory_space<hbm>> -> memref<8x128xf32, #tpu.memory_space<hbm>>
      %dma_start3A_190 = arith.constant 0 : i32
      %dma_start3A_191 = arith.constant 0 : i32
      %dma_start3A_192 = tpu.memref_slice %arg5[%mul3A_153, %dma_start3A_182, %add3A, %dma_start3A_190, %dma_start3A_191] : memref<200x4x32x8x128xf32, #tpu.memory_space<hbm>> -> memref<1x1x1x8x128xf32, #tpu.memory_space<hbm>>
      %dma_start3A_193 = tpu.memref_squeeze %dma_start3A_192 : memref<1x1x1x8x128xf32, #tpu.memory_space<hbm>> -> memref<8x128xf32, #tpu.memory_space<hbm>>
      %dma_start3A_194 = arith.constant 8 : i32
      %dma_start3A_195 = arith.constant 0 : i32
      %dma_start3A_196 = tpu.memref_slice %arg12[%dma_start3A_194, %dma_start3A_195] : memref<32x129xf32, #tpu.memory_space<vmem>> -> memref<8x128xf32, #tpu.memory_space<vmem>>
      tpu.enqueue_dma source(%dma_start3A_196 : memref<8x128xf32, #tpu.memory_space<vmem>>) target(%dma_start3A_193 : memref<8x128xf32, #tpu.memory_space<hbm>>) target_semaphore(%arg16 : memref<!tpu.dma_semaphore, #tpu.memory_space<semaphore_mem>>)
      %dma_start3A_197 = arith.constant 2 : i32
      %dma_start3A_198 = arith.constant 16 : i32
      %dma_start3A_199 = arith.constant 0 : i32
      %dma_start3A_200 = tpu.memref_slice %arg12[%dma_start3A_198, %dma_start3A_199] : memref<32x129xf32, #tpu.memory_space<vmem>> -> memref<8x128xf32, #tpu.memory_space<vmem>>
      %dma_start3A_201 = arith.constant 0 : i32
      %dma_start3A_202 = arith.constant 0 : i32
      %dma_start3A_203 = tpu.memref_slice %arg5[%mul3A_153, %dma_start3A_197, %add3A, %dma_start3A_201, %dma_start3A_202] : memref<200x4x32x8x128xf32, #tpu.memory_space<hbm>> -> memref<1x1x1x8x128xf32, #tpu.memory_space<hbm>>
      %dma_start3A_204 = tpu.memref_squeeze %dma_start3A_203 : memref<1x1x1x8x128xf32, #tpu.memory_space<hbm>> -> memref<8x128xf32, #tpu.memory_space<hbm>>
      %dma_start3A_205 = arith.constant 0 : i32
      %dma_start3A_206 = arith.constant 0 : i32
      %dma_start3A_207 = tpu.memref_slice %arg5[%mul3A_153, %dma_start3A_197, %add3A, %dma_start3A_205, %dma_start3A_206] : memref<200x4x32x8x128xf32, #tpu.memory_space<hbm>> -> memref<1x1x1x8x128xf32, #tpu.memory_space<hbm>>
      %dma_start3A_208 = tpu.memref_squeeze %dma_start3A_207 : memref<1x1x1x8x128xf32, #tpu.memory_space<hbm>> -> memref<8x128xf32, #tpu.memory_space<hbm>>
      %dma_start3A_209 = arith.constant 16 : i32
      %dma_start3A_210 = arith.constant 0 : i32
      %dma_start3A_211 = tpu.memref_slice %arg12[%dma_start3A_209, %dma_start3A_210] : memref<32x129xf32, #tpu.memory_space<vmem>> -> memref<8x128xf32, #tpu.memory_space<vmem>>
      tpu.enqueue_dma source(%dma_start3A_211 : memref<8x128xf32, #tpu.memory_space<vmem>>) target(%dma_start3A_208 : memref<8x128xf32, #tpu.memory_space<hbm>>) target_semaphore(%arg16 : memref<!tpu.dma_semaphore, #tpu.memory_space<semaphore_mem>>)
      %dma_start3A_212 = arith.constant 3 : i32
      %dma_start3A_213 = arith.constant 24 : i32
      %dma_start3A_214 = arith.constant 0 : i32
      %dma_start3A_215 = tpu.memref_slice %arg12[%dma_start3A_213, %dma_start3A_214] : memref<32x129xf32, #tpu.memory_space<vmem>> -> memref<8x128xf32, #tpu.memory_space<vmem>>
      %dma_start3A_216 = arith.constant 0 : i32
      %dma_start3A_217 = arith.constant 0 : i32
      %dma_start3A_218 = tpu.memref_slice %arg5[%mul3A_153, %dma_start3A_212, %add3A, %dma_start3A_216, %dma_start3A_217] : memref<200x4x32x8x128xf32, #tpu.memory_space<hbm>> -> memref<1x1x1x8x128xf32, #tpu.memory_space<hbm>>
      %dma_start3A_219 = tpu.memref_squeeze %dma_start3A_218 : memref<1x1x1x8x128xf32, #tpu.memory_space<hbm>> -> memref<8x128xf32, #tpu.memory_space<hbm>>
      %dma_start3A_220 = arith.constant 0 : i32
      %dma_start3A_221 = arith.constant 0 : i32
      %dma_start3A_222 = tpu.memref_slice %arg5[%mul3A_153, %dma_start3A_212, %add3A, %dma_start3A_220, %dma_start3A_221] : memref<200x4x32x8x128xf32, #tpu.memory_space<hbm>> -> memref<1x1x1x8x128xf32, #tpu.memory_space<hbm>>
      %dma_start3A_223 = tpu.memref_squeeze %dma_start3A_222 : memref<1x1x1x8x128xf32, #tpu.memory_space<hbm>> -> memref<8x128xf32, #tpu.memory_space<hbm>>
      %dma_start3A_224 = arith.constant 24 : i32
      %dma_start3A_225 = arith.constant 0 : i32
      %dma_start3A_226 = tpu.memref_slice %arg12[%dma_start3A_224, %dma_start3A_225] : memref<32x129xf32, #tpu.memory_space<vmem>> -> memref<8x128xf32, #tpu.memory_space<vmem>>
      tpu.enqueue_dma source(%dma_start3A_226 : memref<8x128xf32, #tpu.memory_space<vmem>>) target(%dma_start3A_223 : memref<8x128xf32, #tpu.memory_space<hbm>>) target_semaphore(%arg16 : memref<!tpu.dma_semaphore, #tpu.memory_space<semaphore_mem>>)
      %lt3A = arith.constant 99 : i32
      %lt3A_227 = arith.cmpi slt, %scan3A_141, %lt3A : i32
      %convert_element_type3A_228 = arith.extui %lt3A_227 : i1 to i32
      %cond3A_229 = arith.constant 0 : i32
      %cond3A_230 = arith.cmpi ne, %convert_element_type3A_228, %cond3A_229 : i32
      scf.if %cond3A_230 {
        %mul3A_312 = arith.constant 2 : i32
        %mul3A_313 = arith.muli %mul3A_312, %scan3A_141 : i32
        %add3A_314 = arith.constant 2 : i32
        %add3A_315 = arith.addi %mul3A_313, %add3A_314 : i32
        %parallel_loop3A_316 = arith.constant 0 : i32
        %parallel_loop3A_317 = arith.constant 8 : i32
        %parallel_loop3A_318 = arith.constant 1 : i32
        scf.for %parallel_loop3A_322 = %parallel_loop3A_316 to %parallel_loop3A_317 step %parallel_loop3A_318  : i32 {
          %parallel_loop3A_323 = tpu.iota {dimensions = array<i32: 0>} : vector<16xi32>
          %parallel_loop3A_324 = arith.constant 16 : i32
          %parallel_loop3A_325 = arith.muli %parallel_loop3A_324, %parallel_loop3A_322 : i32
          %parallel_loop3A_326 = vector.broadcast %parallel_loop3A_325 : i32 to vector<16xi32>
          %parallel_loop3A_327 = arith.addi %parallel_loop3A_323, %parallel_loop3A_326 : vector<16xi32>
          %parallel_loop3A_328 = arith.constant 200 : i32
          %parallel_loop3A_329 = vector.broadcast %parallel_loop3A_328 : i32 to vector<16xi32>
          %parallel_loop3A_330 = arith.muli %parallel_loop3A_327, %parallel_loop3A_329 : vector<16xi32>
          %parallel_loop3A_331 = vector.broadcast %add3A_315 : i32 to vector<16xi32>
          %parallel_loop3A_332 = arith.addi %parallel_loop3A_330, %parallel_loop3A_331 : vector<16xi32>
          %parallel_loop3A_333 = tpu.vector_load_idx %arg6[%parallel_loop3A_332] : memref<25600xi32, #tpu.memory_space<vmem>>[vector<16xi32>], vector<16xi32>,
          %parallel_loop3A_334 = arith.constant 16 : i32
          %parallel_loop3A_335 = arith.muli %parallel_loop3A_334, %parallel_loop3A_322 : i32
          %parallel_loop3A_336 = arith.index_cast %parallel_loop3A_335 : i32 to index
          %parallel_loop3A_337 = tpu.vector_load %arg8[%parallel_loop3A_336] {strides = array<i32>} : memref<128xi32, #tpu.memory_space<vmem>>, vector<16xi32>,
          tpu.vector_store %arg8[%parallel_loop3A_336], %parallel_loop3A_333 {strides = array<i32>} : memref<128xi32, #tpu.memory_space<vmem>>, vector<16xi32>,
        } {sc.loop_unroll_factor = 8 : i64, sc.parallel_access}
        %dma_start3A_319 = arith.constant 0 : i32
        %dma_start3A_320 = arith.constant 0 : i32
        %dma_start3A_321 = tpu.memref_slice %arg3[%dma_start3A_319, %dma_start3A_320] : memref<1000000x32xf32, #tpu.memory_space<hbm>> -> memref<1000000x32xf32, #tpu.memory_space<hbm>>
        tpu.enqueue_indirect_dma source(%dma_start3A_321 : memref<1000000x32xf32, #tpu.memory_space<hbm>>) target(%arg10 : memref<128x32xf32, #tpu.memory_space<vmem>>) offsets(%arg8 : memref<128xi32, #tpu.memory_space<vmem>>) semaphore(%arg14 : memref<!tpu.dma_semaphore, #tpu.memory_space<semaphore_mem>>)
      } else {
      }
      %mul3A_231 = arith.constant 2 : i32
      %mul3A_232 = arith.muli %mul3A_231, %scan3A_141 : i32
      %add3A_233 = arith.constant 1 : i32
      %add3A_234 = arith.addi %mul3A_232, %add3A_233 : i32
      %dma_wait3A_235 = arith.constant 0 : i32
      %dma_wait3A_236 = arith.constant 0 : i32
      %dma_wait3A_237 = tpu.memref_slice %arg3[%dma_wait3A_235, %dma_wait3A_236] : memref<1000000x32xf32, #tpu.memory_space<hbm>> -> memref<1000000x32xf32, #tpu.memory_space<hbm>>
      tpu.wait_indirect_dma semaphore(%arg15 : memref<!tpu.dma_semaphore, #tpu.memory_space<semaphore_mem>>) src(%dma_wait3A_237 : memref<1000000x32xf32, #tpu.memory_space<hbm>>) dst(%arg11 : memref<128x32xf32, #tpu.memory_space<vmem>>)
      %ge3A_238 = arith.constant 2 : i32
      %ge3A_239 = arith.cmpi sge, %add3A_234, %ge3A_238 : i32
      %convert_element_type3A_240 = arith.extui %ge3A_239 : i1 to i32
      %cond3A_241 = arith.constant 0 : i32
      %cond3A_242 = arith.cmpi ne, %convert_element_type3A_240, %cond3A_241 : i32
      scf.if %cond3A_242 {
        %sub3A = arith.constant 2 : i32
        %sub3A_312 = arith.subi %add3A_234, %sub3A : i32
        %dma_wait3A_313 = arith.constant 0 : i32
        %dma_wait3A_314 = arith.constant 0 : i32
        %dma_wait3A_315 = arith.constant 0 : i32
        %dma_wait3A_316 = tpu.memref_slice %arg13[%dma_wait3A_314, %dma_wait3A_315] : memref<32x129xf32, #tpu.memory_space<vmem>> -> memref<8x128xf32, #tpu.memory_space<vmem>>
        %dma_wait3A_317 = arith.constant 0 : i32
        %dma_wait3A_318 = arith.constant 0 : i32
        %dma_wait3A_319 = tpu.memref_slice %arg5[%sub3A_312, %dma_wait3A_313, %add3A, %dma_wait3A_317, %dma_wait3A_318] : memref<200x4x32x8x128xf32, #tpu.memory_space<hbm>> -> memref<1x1x1x8x128xf32, #tpu.memory_space<hbm>>
        %dma_wait3A_320 = tpu.memref_squeeze %dma_wait3A_319 : memref<1x1x1x8x128xf32, #tpu.memory_space<hbm>> -> memref<8x128xf32, #tpu.memory_space<hbm>>
        %dma_wait3A_321 = arith.constant 0 : i32
        %dma_wait3A_322 = arith.constant 0 : i32
        %dma_wait3A_323 = tpu.memref_slice %arg5[%sub3A_312, %dma_wait3A_313, %add3A, %dma_wait3A_321, %dma_wait3A_322] : memref<200x4x32x8x128xf32, #tpu.memory_space<hbm>> -> memref<1x1x1x8x128xf32, #tpu.memory_space<hbm>>
        %dma_wait3A_324 = tpu.memref_squeeze %dma_wait3A_323 : memref<1x1x1x8x128xf32, #tpu.memory_space<hbm>> -> memref<8x128xf32, #tpu.memory_space<hbm>>
        %dma_wait3A_325 = arith.constant 0 : i32
        %dma_wait3A_326 = arith.constant 0 : i32
        %dma_wait3A_327 = tpu.memref_slice %arg13[%dma_wait3A_325, %dma_wait3A_326] : memref<32x129xf32, #tpu.memory_space<vmem>> -> memref<8x128xf32, #tpu.memory_space<vmem>>
        tpu.wait_dma2 semaphore(%arg17 : memref<!tpu.dma_semaphore, #tpu.memory_space<semaphore_mem>>) src(%dma_wait3A_327 : memref<8x128xf32, #tpu.memory_space<vmem>>) dst(%dma_wait3A_324 : memref<8x128xf32, #tpu.memory_space<hbm>>)
        %sub3A_328 = arith.constant 2 : i32
        %sub3A_329 = arith.subi %add3A_234, %sub3A_328 : i32
        %dma_wait3A_330 = arith.constant 1 : i32
        %dma_wait3A_331 = arith.constant 8 : i32
        %dma_wait3A_332 = arith.constant 0 : i32
        %dma_wait3A_333 = tpu.memref_slice %arg13[%dma_wait3A_331, %dma_wait3A_332] : memref<32x129xf32, #tpu.memory_space<vmem>> -> memref<8x128xf32, #tpu.memory_space<vmem>>
        %dma_wait3A_334 = arith.constant 0 : i32
        %dma_wait3A_335 = arith.constant 0 : i32
        %dma_wait3A_336 = tpu.memref_slice %arg5[%sub3A_329, %dma_wait3A_330, %add3A, %dma_wait3A_334, %dma_wait3A_335] : memref<200x4x32x8x128xf32, #tpu.memory_space<hbm>> -> memref<1x1x1x8x128xf32, #tpu.memory_space<hbm>>
        %dma_wait3A_337 = tpu.memref_squeeze %dma_wait3A_336 : memref<1x1x1x8x128xf32, #tpu.memory_space<hbm>> -> memref<8x128xf32, #tpu.memory_space<hbm>>
        %dma_wait3A_338 = arith.constant 0 : i32
        %dma_wait3A_339 = arith.constant 0 : i32
        %dma_wait3A_340 = tpu.memref_slice %arg5[%sub3A_329, %dma_wait3A_330, %add3A, %dma_wait3A_338, %dma_wait3A_339] : memref<200x4x32x8x128xf32, #tpu.memory_space<hbm>> -> memref<1x1x1x8x128xf32, #tpu.memory_space<hbm>>
        %dma_wait3A_341 = tpu.memref_squeeze %dma_wait3A_340 : memref<1x1x1x8x128xf32, #tpu.memory_space<hbm>> -> memref<8x128xf32, #tpu.memory_space<hbm>>
        %dma_wait3A_342 = arith.constant 8 : i32
        %dma_wait3A_343 = arith.constant 0 : i32
        %dma_wait3A_344 = tpu.memref_slice %arg13[%dma_wait3A_342, %dma_wait3A_343] : memref<32x129xf32, #tpu.memory_space<vmem>> -> memref<8x128xf32, #tpu.memory_space<vmem>>
        tpu.wait_dma2 semaphore(%arg17 : memref<!tpu.dma_semaphore, #tpu.memory_space<semaphore_mem>>) src(%dma_wait3A_344 : memref<8x128xf32, #tpu.memory_space<vmem>>) dst(%dma_wait3A_341 : memref<8x128xf32, #tpu.memory_space<hbm>>)
        %sub3A_345 = arith.constant 2 : i32
        %sub3A_346 = arith.subi %add3A_234, %sub3A_345 : i32
        %dma_wait3A_347 = arith.constant 2 : i32
        %dma_wait3A_348 = arith.constant 16 : i32
        %dma_wait3A_349 = arith.constant 0 : i32
        %dma_wait3A_350 = tpu.memref_slice %arg13[%dma_wait3A_348, %dma_wait3A_349] : memref<32x129xf32, #tpu.memory_space<vmem>> -> memref<8x128xf32, #tpu.memory_space<vmem>>
        %dma_wait3A_351 = arith.constant 0 : i32
        %dma_wait3A_352 = arith.constant 0 : i32
        %dma_wait3A_353 = tpu.memref_slice %arg5[%sub3A_346, %dma_wait3A_347, %add3A, %dma_wait3A_351, %dma_wait3A_352] : memref<200x4x32x8x128xf32, #tpu.memory_space<hbm>> -> memref<1x1x1x8x128xf32, #tpu.memory_space<hbm>>
        %dma_wait3A_354 = tpu.memref_squeeze %dma_wait3A_353 : memref<1x1x1x8x128xf32, #tpu.memory_space<hbm>> -> memref<8x128xf32, #tpu.memory_space<hbm>>
        %dma_wait3A_355 = arith.constant 0 : i32
        %dma_wait3A_356 = arith.constant 0 : i32
        %dma_wait3A_357 = tpu.memref_slice %arg5[%sub3A_346, %dma_wait3A_347, %add3A, %dma_wait3A_355, %dma_wait3A_356] : memref<200x4x32x8x128xf32, #tpu.memory_space<hbm>> -> memref<1x1x1x8x128xf32, #tpu.memory_space<hbm>>
        %dma_wait3A_358 = tpu.memref_squeeze %dma_wait3A_357 : memref<1x1x1x8x128xf32, #tpu.memory_space<hbm>> -> memref<8x128xf32, #tpu.memory_space<hbm>>
        %dma_wait3A_359 = arith.constant 16 : i32
        %dma_wait3A_360 = arith.constant 0 : i32
        %dma_wait3A_361 = tpu.memref_slice %arg13[%dma_wait3A_359, %dma_wait3A_360] : memref<32x129xf32, #tpu.memory_space<vmem>> -> memref<8x128xf32, #tpu.memory_space<vmem>>
        tpu.wait_dma2 semaphore(%arg17 : memref<!tpu.dma_semaphore, #tpu.memory_space<semaphore_mem>>) src(%dma_wait3A_361 : memref<8x128xf32, #tpu.memory_space<vmem>>) dst(%dma_wait3A_358 : memref<8x128xf32, #tpu.memory_space<hbm>>)
        %sub3A_362 = arith.constant 2 : i32
        %sub3A_363 = arith.subi %add3A_234, %sub3A_362 : i32
        %dma_wait3A_364 = arith.constant 3 : i32
        %dma_wait3A_365 = arith.constant 24 : i32
        %dma_wait3A_366 = arith.constant 0 : i32
        %dma_wait3A_367 = tpu.memref_slice %arg13[%dma_wait3A_365, %dma_wait3A_366] : memref<32x129xf32, #tpu.memory_space<vmem>> -> memref<8x128xf32, #tpu.memory_space<vmem>>
        %dma_wait3A_368 = arith.constant 0 : i32
        %dma_wait3A_369 = arith.constant 0 : i32
        %dma_wait3A_370 = tpu.memref_slice %arg5[%sub3A_363, %dma_wait3A_364, %add3A, %dma_wait3A_368, %dma_wait3A_369] : memref<200x4x32x8x128xf32, #tpu.memory_space<hbm>> -> memref<1x1x1x8x128xf32, #tpu.memory_space<hbm>>
        %dma_wait3A_371 = tpu.memref_squeeze %dma_wait3A_370 : memref<1x1x1x8x128xf32, #tpu.memory_space<hbm>> -> memref<8x128xf32, #tpu.memory_space<hbm>>
        %dma_wait3A_372 = arith.constant 0 : i32
        %dma_wait3A_373 = arith.constant 0 : i32
        %dma_wait3A_374 = tpu.memref_slice %arg5[%sub3A_363, %dma_wait3A_364, %add3A, %dma_wait3A_372, %dma_wait3A_373] : memref<200x4x32x8x128xf32, #tpu.memory_space<hbm>> -> memref<1x1x1x8x128xf32, #tpu.memory_space<hbm>>
        %dma_wait3A_375 = tpu.memref_squeeze %dma_wait3A_374 : memref<1x1x1x8x128xf32, #tpu.memory_space<hbm>> -> memref<8x128xf32, #tpu.memory_space<hbm>>
        %dma_wait3A_376 = arith.constant 24 : i32
        %dma_wait3A_377 = arith.constant 0 : i32
        %dma_wait3A_378 = tpu.memref_slice %arg13[%dma_wait3A_376, %dma_wait3A_377] : memref<32x129xf32, #tpu.memory_space<vmem>> -> memref<8x128xf32, #tpu.memory_space<vmem>>
        tpu.wait_dma2 semaphore(%arg17 : memref<!tpu.dma_semaphore, #tpu.memory_space<semaphore_mem>>) src(%dma_wait3A_378 : memref<8x128xf32, #tpu.memory_space<vmem>>) dst(%dma_wait3A_375 : memref<8x128xf32, #tpu.memory_space<hbm>>)
      } else {
      }
      %get3A_243 = arith.index_cast %add3A_234 : i32 to index
      %get3A_244 = arith.constant 0 : index
      %get3A_245 = tpu.vector_load %arg7[%get3A_243, %get3A_244] {strides = array<i32>} : memref<200x32xf32, #tpu.memory_space<vmem>>, vector<16xf32>,
      %get3A_246 = arith.index_cast %add3A_234 : i32 to index
      %get3A_247 = arith.constant 16 : index
      %get3A_248 = tpu.vector_load %arg7[%get3A_246, %get3A_247] {strides = array<i32>} : memref<200x32xf32, #tpu.memory_space<vmem>>, vector<16xf32>,
      %parallel_loop3A_249 = arith.constant 0 : i32
      %parallel_loop3A_250 = arith.constant 128 : i32
      %parallel_loop3A_251 = arith.constant 1 : i32
      scf.for %parallel_loop3A_312 = %parallel_loop3A_249 to %parallel_loop3A_250 step %parallel_loop3A_251  : i32 {
        %parallel_loop3A_313 = tpu.iota {dimensions = array<i32: 0>} : vector<16xi32>
        %parallel_loop3A_314 = arith.constant 0 : i32
        %parallel_loop3A_315 = vector.broadcast %parallel_loop3A_314 : i32 to vector<16xi32>
        %parallel_loop3A_316 = arith.muli %parallel_loop3A_313, %parallel_loop3A_315 : vector<16xi32>
        %parallel_loop3A_317 = vector.broadcast %parallel_loop3A_312 : i32 to vector<16xi32>
        %parallel_loop3A_318 = arith.addi %parallel_loop3A_316, %parallel_loop3A_317 : vector<16xi32>
        %parallel_loop3A_319 = tpu.iota {dimensions = array<i32: 0>} : vector<16xi32>
        %parallel_loop3A_320 = arith.index_cast %parallel_loop3A_312 : i32 to index
        %parallel_loop3A_321 = arith.constant 0 : index
        %parallel_loop3A_322 = tpu.vector_load %arg11[%parallel_loop3A_320, %parallel_loop3A_321] {strides = array<i32>} : memref<128x32xf32, #tpu.memory_space<vmem>>, vector<16xf32>,
        %parallel_loop3A_323 = arith.addf %parallel_loop3A_322, %get3A_245 : vector<16xf32>
        tpu.vector_store_idx %arg13[%parallel_loop3A_319, %parallel_loop3A_318], %parallel_loop3A_323 : memref<32x129xf32, #tpu.memory_space<vmem>>[vector<16xi32>, vector<16xi32>], vector<16xf32>,
        %parallel_loop3A_324 = arith.index_cast %parallel_loop3A_312 : i32 to index
        %parallel_loop3A_325 = arith.constant 16 : index
        %parallel_loop3A_326 = tpu.vector_load %arg11[%parallel_loop3A_324, %parallel_loop3A_325] {strides = array<i32>} : memref<128x32xf32, #tpu.memory_space<vmem>>, vector<16xf32>,
        %parallel_loop3A_327 = arith.addf %parallel_loop3A_326, %get3A_248 : vector<16xf32>
        %parallel_loop3A_328 = arith.constant 16 : i32
        %parallel_loop3A_329 = vector.broadcast %parallel_loop3A_328 : i32 to vector<16xi32>
        %parallel_loop3A_330 = arith.addi %parallel_loop3A_319, %parallel_loop3A_329 : vector<16xi32>
        tpu.vector_store_idx %arg13[%parallel_loop3A_330, %parallel_loop3A_318], %parallel_loop3A_327 : memref<32x129xf32, #tpu.memory_space<vmem>>[vector<16xi32>, vector<16xi32>], vector<16xf32>,
      } {sc.loop_unroll_factor = 8 : i64, sc.parallel_access}
      %dma_start3A_252 = arith.constant 0 : i32
      %dma_start3A_253 = arith.constant 0 : i32
      %dma_start3A_254 = arith.constant 0 : i32
      %dma_start3A_255 = tpu.memref_slice %arg13[%dma_start3A_253, %dma_start3A_254] : memref<32x129xf32, #tpu.memory_space<vmem>> -> memref<8x128xf32, #tpu.memory_space<vmem>>
      %dma_start3A_256 = arith.constant 0 : i32
      %dma_start3A_257 = arith.constant 0 : i32
      %dma_start3A_258 = tpu.memref_slice %arg5[%add3A_234, %dma_start3A_252, %add3A, %dma_start3A_256, %dma_start3A_257] : memref<200x4x32x8x128xf32, #tpu.memory_space<hbm>> -> memref<1x1x1x8x128xf32, #tpu.memory_space<hbm>>
      %dma_start3A_259 = tpu.memref_squeeze %dma_start3A_258 : memref<1x1x1x8x128xf32, #tpu.memory_space<hbm>> -> memref<8x128xf32, #tpu.memory_space<hbm>>
      %dma_start3A_260 = arith.constant 0 : i32
      %dma_start3A_261 = arith.constant 0 : i32
      %dma_start3A_262 = tpu.memref_slice %arg5[%add3A_234, %dma_start3A_252, %add3A, %dma_start3A_260, %dma_start3A_261] : memref<200x4x32x8x128xf32, #tpu.memory_space<hbm>> -> memref<1x1x1x8x128xf32, #tpu.memory_space<hbm>>
      %dma_start3A_263 = tpu.memref_squeeze %dma_start3A_262 : memref<1x1x1x8x128xf32, #tpu.memory_space<hbm>> -> memref<8x128xf32, #tpu.memory_space<hbm>>
      %dma_start3A_264 = arith.constant 0 : i32
      %dma_start3A_265 = arith.constant 0 : i32
      %dma_start3A_266 = tpu.memref_slice %arg13[%dma_start3A_264, %dma_start3A_265] : memref<32x129xf32, #tpu.memory_space<vmem>> -> memref<8x128xf32, #tpu.memory_space<vmem>>
      tpu.enqueue_dma source(%dma_start3A_266 : memref<8x128xf32, #tpu.memory_space<vmem>>) target(%dma_start3A_263 : memref<8x128xf32, #tpu.memory_space<hbm>>) target_semaphore(%arg17 : memref<!tpu.dma_semaphore, #tpu.memory_space<semaphore_mem>>)
      %dma_start3A_267 = arith.constant 1 : i32
      %dma_start3A_268 = arith.constant 8 : i32
      %dma_start3A_269 = arith.constant 0 : i32
      %dma_start3A_270 = tpu.memref_slice %arg13[%dma_start3A_268, %dma_start3A_269] : memref<32x129xf32, #tpu.memory_space<vmem>> -> memref<8x128xf32, #tpu.memory_space<vmem>>
      %dma_start3A_271 = arith.constant 0 : i32
      %dma_start3A_272 = arith.constant 0 : i32
      %dma_start3A_273 = tpu.memref_slice %arg5[%add3A_234, %dma_start3A_267, %add3A, %dma_start3A_271, %dma_start3A_272] : memref<200x4x32x8x128xf32, #tpu.memory_space<hbm>> -> memref<1x1x1x8x128xf32, #tpu.memory_space<hbm>>
      %dma_start3A_274 = tpu.memref_squeeze %dma_start3A_273 : memref<1x1x1x8x128xf32, #tpu.memory_space<hbm>> -> memref<8x128xf32, #tpu.memory_space<hbm>>
      %dma_start3A_275 = arith.constant 0 : i32
      %dma_start3A_276 = arith.constant 0 : i32
      %dma_start3A_277 = tpu.memref_slice %arg5[%add3A_234, %dma_start3A_267, %add3A, %dma_start3A_275, %dma_start3A_276] : memref<200x4x32x8x128xf32, #tpu.memory_space<hbm>> -> memref<1x1x1x8x128xf32, #tpu.memory_space<hbm>>
      %dma_start3A_278 = tpu.memref_squeeze %dma_start3A_277 : memref<1x1x1x8x128xf32, #tpu.memory_space<hbm>> -> memref<8x128xf32, #tpu.memory_space<hbm>>
      %dma_start3A_279 = arith.constant 8 : i32
      %dma_start3A_280 = arith.constant 0 : i32
      %dma_start3A_281 = tpu.memref_slice %arg13[%dma_start3A_279, %dma_start3A_280] : memref<32x129xf32, #tpu.memory_space<vmem>> -> memref<8x128xf32, #tpu.memory_space<vmem>>
      tpu.enqueue_dma source(%dma_start3A_281 : memref<8x128xf32, #tpu.memory_space<vmem>>) target(%dma_start3A_278 : memref<8x128xf32, #tpu.memory_space<hbm>>) target_semaphore(%arg17 : memref<!tpu.dma_semaphore, #tpu.memory_space<semaphore_mem>>)
      %dma_start3A_282 = arith.constant 2 : i32
      %dma_start3A_283 = arith.constant 16 : i32
      %dma_start3A_284 = arith.constant 0 : i32
      %dma_start3A_285 = tpu.memref_slice %arg13[%dma_start3A_283, %dma_start3A_284] : memref<32x129xf32, #tpu.memory_space<vmem>> -> memref<8x128xf32, #tpu.memory_space<vmem>>
      %dma_start3A_286 = arith.constant 0 : i32
      %dma_start3A_287 = arith.constant 0 : i32
      %dma_start3A_288 = tpu.memref_slice %arg5[%add3A_234, %dma_start3A_282, %add3A, %dma_start3A_286, %dma_start3A_287] : memref<200x4x32x8x128xf32, #tpu.memory_space<hbm>> -> memref<1x1x1x8x128xf32, #tpu.memory_space<hbm>>
      %dma_start3A_289 = tpu.memref_squeeze %dma_start3A_288 : memref<1x1x1x8x128xf32, #tpu.memory_space<hbm>> -> memref<8x128xf32, #tpu.memory_space<hbm>>
      %dma_start3A_290 = arith.constant 0 : i32
      %dma_start3A_291 = arith.constant 0 : i32
      %dma_start3A_292 = tpu.memref_slice %arg5[%add3A_234, %dma_start3A_282, %add3A, %dma_start3A_290, %dma_start3A_291] : memref<200x4x32x8x128xf32, #tpu.memory_space<hbm>> -> memref<1x1x1x8x128xf32, #tpu.memory_space<hbm>>
      %dma_start3A_293 = tpu.memref_squeeze %dma_start3A_292 : memref<1x1x1x8x128xf32, #tpu.memory_space<hbm>> -> memref<8x128xf32, #tpu.memory_space<hbm>>
      %dma_start3A_294 = arith.constant 16 : i32
      %dma_start3A_295 = arith.constant 0 : i32
      %dma_start3A_296 = tpu.memref_slice %arg13[%dma_start3A_294, %dma_start3A_295] : memref<32x129xf32, #tpu.memory_space<vmem>> -> memref<8x128xf32, #tpu.memory_space<vmem>>
      tpu.enqueue_dma source(%dma_start3A_296 : memref<8x128xf32, #tpu.memory_space<vmem>>) target(%dma_start3A_293 : memref<8x128xf32, #tpu.memory_space<hbm>>) target_semaphore(%arg17 : memref<!tpu.dma_semaphore, #tpu.memory_space<semaphore_mem>>)
      %dma_start3A_297 = arith.constant 3 : i32
      %dma_start3A_298 = arith.constant 24 : i32
      %dma_start3A_299 = arith.constant 0 : i32
      %dma_start3A_300 = tpu.memref_slice %arg13[%dma_start3A_298, %dma_start3A_299] : memref<32x129xf32, #tpu.memory_space<vmem>> -> memref<8x128xf32, #tpu.memory_space<vmem>>
      %dma_start3A_301 = arith.constant 0 : i32
      %dma_start3A_302 = arith.constant 0 : i32
      %dma_start3A_303 = tpu.memref_slice %arg5[%add3A_234, %dma_start3A_297, %add3A, %dma_start3A_301, %dma_start3A_302] : memref<200x4x32x8x128xf32, #tpu.memory_space<hbm>> -> memref<1x1x1x8x128xf32, #tpu.memory_space<hbm>>
      %dma_start3A_304 = tpu.memref_squeeze %dma_start3A_303 : memref<1x1x1x8x128xf32, #tpu.memory_space<hbm>> -> memref<8x128xf32, #tpu.memory_space<hbm>>
      %dma_start3A_305 = arith.constant 0 : i32
      %dma_start3A_306 = arith.constant 0 : i32
      %dma_start3A_307 = tpu.memref_slice %arg5[%add3A_234, %dma_start3A_297, %add3A, %dma_start3A_305, %dma_start3A_306] : memref<200x4x32x8x128xf32, #tpu.memory_space<hbm>> -> memref<1x1x1x8x128xf32, #tpu.memory_space<hbm>>
      %dma_start3A_308 = tpu.memref_squeeze %dma_start3A_307 : memref<1x1x1x8x128xf32, #tpu.memory_space<hbm>> -> memref<8x128xf32, #tpu.memory_space<hbm>>
      %dma_start3A_309 = arith.constant 24 : i32
      %dma_start3A_310 = arith.constant 0 : i32
      %dma_start3A_311 = tpu.memref_slice %arg13[%dma_start3A_309, %dma_start3A_310] : memref<32x129xf32, #tpu.memory_space<vmem>> -> memref<8x128xf32, #tpu.memory_space<vmem>>
      tpu.enqueue_dma source(%dma_start3A_311 : memref<8x128xf32, #tpu.memory_space<vmem>>) target(%dma_start3A_308 : memref<8x128xf32, #tpu.memory_space<hbm>>) target_semaphore(%arg17 : memref<!tpu.dma_semaphore, #tpu.memory_space<semaphore_mem>>)
    }
    %scan3A_13 = arith.constant 100 : i32
    %dma_wait3A = arith.constant 198 : i32
    %dma_wait3A_14 = arith.constant 0 : i32
    %dma_wait3A_15 = arith.constant 0 : i32
    %dma_wait3A_16 = arith.constant 0 : i32
    %dma_wait3A_17 = tpu.memref_slice %arg12[%dma_wait3A_15, %dma_wait3A_16] : memref<32x129xf32, #tpu.memory_space<vmem>> -> memref<8x128xf32, #tpu.memory_space<vmem>>
    %dma_wait3A_18 = arith.constant 0 : i32
    %dma_wait3A_19 = arith.constant 0 : i32
    %dma_wait3A_20 = tpu.memref_slice %arg5[%dma_wait3A, %dma_wait3A_14, %add3A, %dma_wait3A_18, %dma_wait3A_19] : memref<200x4x32x8x128xf32, #tpu.memory_space<hbm>> -> memref<1x1x1x8x128xf32, #tpu.memory_space<hbm>>
    %dma_wait3A_21 = tpu.memref_squeeze %dma_wait3A_20 : memref<1x1x1x8x128xf32, #tpu.memory_space<hbm>> -> memref<8x128xf32, #tpu.memory_space<hbm>>
    %dma_wait3A_22 = arith.constant 0 : i32
    %dma_wait3A_23 = arith.constant 0 : i32
    %dma_wait3A_24 = tpu.memref_slice %arg5[%dma_wait3A, %dma_wait3A_14, %add3A, %dma_wait3A_22, %dma_wait3A_23] : memref<200x4x32x8x128xf32, #tpu.memory_space<hbm>> -> memref<1x1x1x8x128xf32, #tpu.memory_space<hbm>>
    %dma_wait3A_25 = tpu.memref_squeeze %dma_wait3A_24 : memref<1x1x1x8x128xf32, #tpu.memory_space<hbm>> -> memref<8x128xf32, #tpu.memory_space<hbm>>
    %dma_wait3A_26 = arith.constant 0 : i32
    %dma_wait3A_27 = arith.constant 0 : i32
    %dma_wait3A_28 = tpu.memref_slice %arg12[%dma_wait3A_26, %dma_wait3A_27] : memref<32x129xf32, #tpu.memory_space<vmem>> -> memref<8x128xf32, #tpu.memory_space<vmem>>
    tpu.wait_dma2 semaphore(%arg16 : memref<!tpu.dma_semaphore, #tpu.memory_space<semaphore_mem>>) src(%dma_wait3A_28 : memref<8x128xf32, #tpu.memory_space<vmem>>) dst(%dma_wait3A_25 : memref<8x128xf32, #tpu.memory_space<hbm>>)
    %dma_wait3A_29 = arith.constant 198 : i32
    %dma_wait3A_30 = arith.constant 1 : i32
    %dma_wait3A_31 = arith.constant 8 : i32
    %dma_wait3A_32 = arith.constant 0 : i32
    %dma_wait3A_33 = tpu.memref_slice %arg12[%dma_wait3A_31, %dma_wait3A_32] : memref<32x129xf32, #tpu.memory_space<vmem>> -> memref<8x128xf32, #tpu.memory_space<vmem>>
    %dma_wait3A_34 = arith.constant 0 : i32
    %dma_wait3A_35 = arith.constant 0 : i32
    %dma_wait3A_36 = tpu.memref_slice %arg5[%dma_wait3A_29, %dma_wait3A_30, %add3A, %dma_wait3A_34, %dma_wait3A_35] : memref<200x4x32x8x128xf32, #tpu.memory_space<hbm>> -> memref<1x1x1x8x128xf32, #tpu.memory_space<hbm>>
    %dma_wait3A_37 = tpu.memref_squeeze %dma_wait3A_36 : memref<1x1x1x8x128xf32, #tpu.memory_space<hbm>> -> memref<8x128xf32, #tpu.memory_space<hbm>>
    %dma_wait3A_38 = arith.constant 0 : i32
    %dma_wait3A_39 = arith.constant 0 : i32
    %dma_wait3A_40 = tpu.memref_slice %arg5[%dma_wait3A_29, %dma_wait3A_30, %add3A, %dma_wait3A_38, %dma_wait3A_39] : memref<200x4x32x8x128xf32, #tpu.memory_space<hbm>> -> memref<1x1x1x8x128xf32, #tpu.memory_space<hbm>>
    %dma_wait3A_41 = tpu.memref_squeeze %dma_wait3A_40 : memref<1x1x1x8x128xf32, #tpu.memory_space<hbm>> -> memref<8x128xf32, #tpu.memory_space<hbm>>
    %dma_wait3A_42 = arith.constant 8 : i32
    %dma_wait3A_43 = arith.constant 0 : i32
    %dma_wait3A_44 = tpu.memref_slice %arg12[%dma_wait3A_42, %dma_wait3A_43] : memref<32x129xf32, #tpu.memory_space<vmem>> -> memref<8x128xf32, #tpu.memory_space<vmem>>
    tpu.wait_dma2 semaphore(%arg16 : memref<!tpu.dma_semaphore, #tpu.memory_space<semaphore_mem>>) src(%dma_wait3A_44 : memref<8x128xf32, #tpu.memory_space<vmem>>) dst(%dma_wait3A_41 : memref<8x128xf32, #tpu.memory_space<hbm>>)
    %dma_wait3A_45 = arith.constant 198 : i32
    %dma_wait3A_46 = arith.constant 2 : i32
    %dma_wait3A_47 = arith.constant 16 : i32
    %dma_wait3A_48 = arith.constant 0 : i32
    %dma_wait3A_49 = tpu.memref_slice %arg12[%dma_wait3A_47, %dma_wait3A_48] : memref<32x129xf32, #tpu.memory_space<vmem>> -> memref<8x128xf32, #tpu.memory_space<vmem>>
    %dma_wait3A_50 = arith.constant 0 : i32
    %dma_wait3A_51 = arith.constant 0 : i32
    %dma_wait3A_52 = tpu.memref_slice %arg5[%dma_wait3A_45, %dma_wait3A_46, %add3A, %dma_wait3A_50, %dma_wait3A_51] : memref<200x4x32x8x128xf32, #tpu.memory_space<hbm>> -> memref<1x1x1x8x128xf32, #tpu.memory_space<hbm>>
    %dma_wait3A_53 = tpu.memref_squeeze %dma_wait3A_52 : memref<1x1x1x8x128xf32, #tpu.memory_space<hbm>> -> memref<8x128xf32, #tpu.memory_space<hbm>>
    %dma_wait3A_54 = arith.constant 0 : i32
    %dma_wait3A_55 = arith.constant 0 : i32
    %dma_wait3A_56 = tpu.memref_slice %arg5[%dma_wait3A_45, %dma_wait3A_46, %add3A, %dma_wait3A_54, %dma_wait3A_55] : memref<200x4x32x8x128xf32, #tpu.memory_space<hbm>> -> memref<1x1x1x8x128xf32, #tpu.memory_space<hbm>>
    %dma_wait3A_57 = tpu.memref_squeeze %dma_wait3A_56 : memref<1x1x1x8x128xf32, #tpu.memory_space<hbm>> -> memref<8x128xf32, #tpu.memory_space<hbm>>
    %dma_wait3A_58 = arith.constant 16 : i32
    %dma_wait3A_59 = arith.constant 0 : i32
    %dma_wait3A_60 = tpu.memref_slice %arg12[%dma_wait3A_58, %dma_wait3A_59] : memref<32x129xf32, #tpu.memory_space<vmem>> -> memref<8x128xf32, #tpu.memory_space<vmem>>
    tpu.wait_dma2 semaphore(%arg16 : memref<!tpu.dma_semaphore, #tpu.memory_space<semaphore_mem>>) src(%dma_wait3A_60 : memref<8x128xf32, #tpu.memory_space<vmem>>) dst(%dma_wait3A_57 : memref<8x128xf32, #tpu.memory_space<hbm>>)
    %dma_wait3A_61 = arith.constant 198 : i32
    %dma_wait3A_62 = arith.constant 3 : i32
    %dma_wait3A_63 = arith.constant 24 : i32
    %dma_wait3A_64 = arith.constant 0 : i32
    %dma_wait3A_65 = tpu.memref_slice %arg12[%dma_wait3A_63, %dma_wait3A_64] : memref<32x129xf32, #tpu.memory_space<vmem>> -> memref<8x128xf32, #tpu.memory_space<vmem>>
    %dma_wait3A_66 = arith.constant 0 : i32
    %dma_wait3A_67 = arith.constant 0 : i32
    %dma_wait3A_68 = tpu.memref_slice %arg5[%dma_wait3A_61, %dma_wait3A_62, %add3A, %dma_wait3A_66, %dma_wait3A_67] : memref<200x4x32x8x128xf32, #tpu.memory_space<hbm>> -> memref<1x1x1x8x128xf32, #tpu.memory_space<hbm>>
    %dma_wait3A_69 = tpu.memref_squeeze %dma_wait3A_68 : memref<1x1x1x8x128xf32, #tpu.memory_space<hbm>> -> memref<8x128xf32, #tpu.memory_space<hbm>>
    %dma_wait3A_70 = arith.constant 0 : i32
    %dma_wait3A_71 = arith.constant 0 : i32
    %dma_wait3A_72 = tpu.memref_slice %arg5[%dma_wait3A_61, %dma_wait3A_62, %add3A, %dma_wait3A_70, %dma_wait3A_71] : memref<200x4x32x8x128xf32, #tpu.memory_space<hbm>> -> memref<1x1x1x8x128xf32, #tpu.memory_space<hbm>>
    %dma_wait3A_73 = tpu.memref_squeeze %dma_wait3A_72 : memref<1x1x1x8x128xf32, #tpu.memory_space<hbm>> -> memref<8x128xf32, #tpu.memory_space<hbm>>
    %dma_wait3A_74 = arith.constant 24 : i32
    %dma_wait3A_75 = arith.constant 0 : i32
    %dma_wait3A_76 = tpu.memref_slice %arg12[%dma_wait3A_74, %dma_wait3A_75] : memref<32x129xf32, #tpu.memory_space<vmem>> -> memref<8x128xf32, #tpu.memory_space<vmem>>
    tpu.wait_dma2 semaphore(%arg16 : memref<!tpu.dma_semaphore, #tpu.memory_space<semaphore_mem>>) src(%dma_wait3A_76 : memref<8x128xf32, #tpu.memory_space<vmem>>) dst(%dma_wait3A_73 : memref<8x128xf32, #tpu.memory_space<hbm>>)
    %dma_wait3A_77 = arith.constant 199 : i32
    %dma_wait3A_78 = arith.constant 0 : i32
    %dma_wait3A_79 = arith.constant 0 : i32
    %dma_wait3A_80 = arith.constant 0 : i32
    %dma_wait3A_81 = tpu.memref_slice %arg13[%dma_wait3A_79, %dma_wait3A_80] : memref<32x129xf32, #tpu.memory_space<vmem>> -> memref<8x128xf32, #tpu.memory_space<vmem>>
    %dma_wait3A_82 = arith.constant 0 : i32
    %dma_wait3A_83 = arith.constant 0 : i32
    %dma_wait3A_84 = tpu.memref_slice %arg5[%dma_wait3A_77, %dma_wait3A_78, %add3A, %dma_wait3A_82, %dma_wait3A_83] : memref<200x4x32x8x128xf32, #tpu.memory_space<hbm>> -> memref<1x1x1x8x128xf32, #tpu.memory_space<hbm>>
    %dma_wait3A_85 = tpu.memref_squeeze %dma_wait3A_84 : memref<1x1x1x8x128xf32, #tpu.memory_space<hbm>> -> memref<8x128xf32, #tpu.memory_space<hbm>>
    %dma_wait3A_86 = arith.constant 0 : i32
    %dma_wait3A_87 = arith.constant 0 : i32
    %dma_wait3A_88 = tpu.memref_slice %arg5[%dma_wait3A_77, %dma_wait3A_78, %add3A, %dma_wait3A_86, %dma_wait3A_87] : memref<200x4x32x8x128xf32, #tpu.memory_space<hbm>> -> memref<1x1x1x8x128xf32, #tpu.memory_space<hbm>>
    %dma_wait3A_89 = tpu.memref_squeeze %dma_wait3A_88 : memref<1x1x1x8x128xf32, #tpu.memory_space<hbm>> -> memref<8x128xf32, #tpu.memory_space<hbm>>
    %dma_wait3A_90 = arith.constant 0 : i32
    %dma_wait3A_91 = arith.constant 0 : i32
    %dma_wait3A_92 = tpu.memref_slice %arg13[%dma_wait3A_90, %dma_wait3A_91] : memref<32x129xf32, #tpu.memory_space<vmem>> -> memref<8x128xf32, #tpu.memory_space<vmem>>
    tpu.wait_dma2 semaphore(%arg17 : memref<!tpu.dma_semaphore, #tpu.memory_space<semaphore_mem>>) src(%dma_wait3A_92 : memref<8x128xf32, #tpu.memory_space<vmem>>) dst(%dma_wait3A_89 : memref<8x128xf32, #tpu.memory_space<hbm>>)
    %dma_wait3A_93 = arith.constant 199 : i32
    %dma_wait3A_94 = arith.constant 1 : i32
    %dma_wait3A_95 = arith.constant 8 : i32
    %dma_wait3A_96 = arith.constant 0 : i32
    %dma_wait3A_97 = tpu.memref_slice %arg13[%dma_wait3A_95, %dma_wait3A_96] : memref<32x129xf32, #tpu.memory_space<vmem>> -> memref<8x128xf32, #tpu.memory_space<vmem>>
    %dma_wait3A_98 = arith.constant 0 : i32
    %dma_wait3A_99 = arith.constant 0 : i32
    %dma_wait3A_100 = tpu.memref_slice %arg5[%dma_wait3A_93, %dma_wait3A_94, %add3A, %dma_wait3A_98, %dma_wait3A_99] : memref<200x4x32x8x128xf32, #tpu.memory_space<hbm>> -> memref<1x1x1x8x128xf32, #tpu.memory_space<hbm>>
    %dma_wait3A_101 = tpu.memref_squeeze %dma_wait3A_100 : memref<1x1x1x8x128xf32, #tpu.memory_space<hbm>> -> memref<8x128xf32, #tpu.memory_space<hbm>>
    %dma_wait3A_102 = arith.constant 0 : i32
    %dma_wait3A_103 = arith.constant 0 : i32
    %dma_wait3A_104 = tpu.memref_slice %arg5[%dma_wait3A_93, %dma_wait3A_94, %add3A, %dma_wait3A_102, %dma_wait3A_103] : memref<200x4x32x8x128xf32, #tpu.memory_space<hbm>> -> memref<1x1x1x8x128xf32, #tpu.memory_space<hbm>>
    %dma_wait3A_105 = tpu.memref_squeeze %dma_wait3A_104 : memref<1x1x1x8x128xf32, #tpu.memory_space<hbm>> -> memref<8x128xf32, #tpu.memory_space<hbm>>
    %dma_wait3A_106 = arith.constant 8 : i32
    %dma_wait3A_107 = arith.constant 0 : i32
    %dma_wait3A_108 = tpu.memref_slice %arg13[%dma_wait3A_106, %dma_wait3A_107] : memref<32x129xf32, #tpu.memory_space<vmem>> -> memref<8x128xf32, #tpu.memory_space<vmem>>
    tpu.wait_dma2 semaphore(%arg17 : memref<!tpu.dma_semaphore, #tpu.memory_space<semaphore_mem>>) src(%dma_wait3A_108 : memref<8x128xf32, #tpu.memory_space<vmem>>) dst(%dma_wait3A_105 : memref<8x128xf32, #tpu.memory_space<hbm>>)
    %dma_wait3A_109 = arith.constant 199 : i32
    %dma_wait3A_110 = arith.constant 2 : i32
    %dma_wait3A_111 = arith.constant 16 : i32
    %dma_wait3A_112 = arith.constant 0 : i32
    %dma_wait3A_113 = tpu.memref_slice %arg13[%dma_wait3A_111, %dma_wait3A_112] : memref<32x129xf32, #tpu.memory_space<vmem>> -> memref<8x128xf32, #tpu.memory_space<vmem>>
    %dma_wait3A_114 = arith.constant 0 : i32
    %dma_wait3A_115 = arith.constant 0 : i32
    %dma_wait3A_116 = tpu.memref_slice %arg5[%dma_wait3A_109, %dma_wait3A_110, %add3A, %dma_wait3A_114, %dma_wait3A_115] : memref<200x4x32x8x128xf32, #tpu.memory_space<hbm>> -> memref<1x1x1x8x128xf32, #tpu.memory_space<hbm>>
    %dma_wait3A_117 = tpu.memref_squeeze %dma_wait3A_116 : memref<1x1x1x8x128xf32, #tpu.memory_space<hbm>> -> memref<8x128xf32, #tpu.memory_space<hbm>>
    %dma_wait3A_118 = arith.constant 0 : i32
    %dma_wait3A_119 = arith.constant 0 : i32
    %dma_wait3A_120 = tpu.memref_slice %arg5[%dma_wait3A_109, %dma_wait3A_110, %add3A, %dma_wait3A_118, %dma_wait3A_119] : memref<200x4x32x8x128xf32, #tpu.memory_space<hbm>> -> memref<1x1x1x8x128xf32, #tpu.memory_space<hbm>>
    %dma_wait3A_121 = tpu.memref_squeeze %dma_wait3A_120 : memref<1x1x1x8x128xf32, #tpu.memory_space<hbm>> -> memref<8x128xf32, #tpu.memory_space<hbm>>
    %dma_wait3A_122 = arith.constant 16 : i32
    %dma_wait3A_123 = arith.constant 0 : i32
    %dma_wait3A_124 = tpu.memref_slice %arg13[%dma_wait3A_122, %dma_wait3A_123] : memref<32x129xf32, #tpu.memory_space<vmem>> -> memref<8x128xf32, #tpu.memory_space<vmem>>
    tpu.wait_dma2 semaphore(%arg17 : memref<!tpu.dma_semaphore, #tpu.memory_space<semaphore_mem>>) src(%dma_wait3A_124 : memref<8x128xf32, #tpu.memory_space<vmem>>) dst(%dma_wait3A_121 : memref<8x128xf32, #tpu.memory_space<hbm>>)
    %dma_wait3A_125 = arith.constant 199 : i32
    %dma_wait3A_126 = arith.constant 3 : i32
    %dma_wait3A_127 = arith.constant 24 : i32
    %dma_wait3A_128 = arith.constant 0 : i32
    %dma_wait3A_129 = tpu.memref_slice %arg13[%dma_wait3A_127, %dma_wait3A_128] : memref<32x129xf32, #tpu.memory_space<vmem>> -> memref<8x128xf32, #tpu.memory_space<vmem>>
    %dma_wait3A_130 = arith.constant 0 : i32
    %dma_wait3A_131 = arith.constant 0 : i32
    %dma_wait3A_132 = tpu.memref_slice %arg5[%dma_wait3A_125, %dma_wait3A_126, %add3A, %dma_wait3A_130, %dma_wait3A_131] : memref<200x4x32x8x128xf32, #tpu.memory_space<hbm>> -> memref<1x1x1x8x128xf32, #tpu.memory_space<hbm>>
    %dma_wait3A_133 = tpu.memref_squeeze %dma_wait3A_132 : memref<1x1x1x8x128xf32, #tpu.memory_space<hbm>> -> memref<8x128xf32, #tpu.memory_space<hbm>>
    %dma_wait3A_134 = arith.constant 0 : i32
    %dma_wait3A_135 = arith.constant 0 : i32
    %dma_wait3A_136 = tpu.memref_slice %arg5[%dma_wait3A_125, %dma_wait3A_126, %add3A, %dma_wait3A_134, %dma_wait3A_135] : memref<200x4x32x8x128xf32, #tpu.memory_space<hbm>> -> memref<1x1x1x8x128xf32, #tpu.memory_space<hbm>>
    %dma_wait3A_137 = tpu.memref_squeeze %dma_wait3A_136 : memref<1x1x1x8x128xf32, #tpu.memory_space<hbm>> -> memref<8x128xf32, #tpu.memory_space<hbm>>
    %dma_wait3A_138 = arith.constant 24 : i32
    %dma_wait3A_139 = arith.constant 0 : i32
    %dma_wait3A_140 = tpu.memref_slice %arg13[%dma_wait3A_138, %dma_wait3A_139] : memref<32x129xf32, #tpu.memory_space<vmem>> -> memref<8x128xf32, #tpu.memory_space<vmem>>
    tpu.wait_dma2 semaphore(%arg17 : memref<!tpu.dma_semaphore, #tpu.memory_space<semaphore_mem>>) src(%dma_wait3A_140 : memref<8x128xf32, #tpu.memory_space<vmem>>) dst(%dma_wait3A_137 : memref<8x128xf32, #tpu.memory_space<hbm>>)
    return
  }
}

</mosaic_0001>

<sc_bundles>
// kernel: kernel.4.cloned.1.call-start
scs
__scs_entry_jumppad:
0x0: {  	(pc) =	sbr.rel $0x88, $3  }
0x1: {  	(tag) =	ssettag $0x0;
	lr =	simm.s32 $0x1  }
0x2: {  	[smem:$0x3F9E] =	sst lr;
	_ =	strace $0xD0000000  }
0x3: {  	_ = 	snop  }
0x4: {  	_ = 	snop  }
0x5: {  	_ = 	snop  }
0x6: {  	_ = 	snop  }
0x7: {  	_ = 	snop  }
__scs_overlays_trampoline_lowered:
0x8: {  	[smem:$0x3FAD] =	sst s0  }
0x9: {  	[smem:$0x3FAE] =	sst s1  }
0xa: {  	[smem:$0x3FAF] =	sst s2  }
0xb: {  	[smem:$0x3FB0] =	sst s3  }
0xc: {  	[smem:$0x3FB1] =	sst s4  }
0xd: {  	[smem:$0x3FB2] =	sst s5  }
0xe: {  	[smem:$0x3FB3] =	sst s6  }
0xf: {  	[smem:$0x3FB4] =	sst s7  }
0x10: {  	[smem:$0x3FB5] =	sst s8  }
0x11: {  	[smem:$0x3FB6] =	sst s9;
	s0 =	simm.s32 @!p0 $0x0  }
0x12: {  	s1 =	sld [smem:$0x3F9C];
	s0 =	simm.s32 @p0 $0x1  }
0x13: {  	[smem:$0x3FB7] =	sst s0;
	s0 =	simm.s32 @!p1 $0x0  }
0x14: {  	s2 =	sld [smem:$0x3F9B];
	s0 =	simm.s32 @p1 $0x1  }
0x15: {  	[smem:$0x3FB8] =	sst s0;
	s0 =	simm.s32 @!p2 $0x0  }
0x16: {  	s3 =	sld [smem:$0x3FDB];
	s0 =	simm.s32 @p2 $0x1  }
0x17: {  	s4 =	simm.s32 $0x1BF5;
	[smem:$0x3FBA] =	sst s0  }
0x18: {  	s0 =	sld [smem:$0x3F9D];
	_ =	swait.ge [sflag:s4], $0x0  }
0x19: {  	s7 =	sld [smem:$0x3F9E]  }
0x1a: {  	s8 =	sadd.s32 $0xFFFFE003, lr  }
0x1b: {  	s9 =	sadd.s32 $0xFFFFFEF7, lr;
	s5 =	simm.s32 $0xFFFFFFFF;
	p2 =	slt.u32 s8, $0xFFFFF086  }
0x1c: {  	p1 =	slt.u32 s9, $0xF7A;
	s5 =	simm.s32 @!p2 $0x0  }
0x1d: {  	s5 =	simm.s32 @p1 $0x1;
	p0 =	seq.s32 s7, s2  }
0x1e: {  	s7 =	smul.u32 @!p0 $0xF7A, s2;
	p2 =	seq.s32 @!p0 s5, $0x0  }
0x1f: {  	s9 =	smul.u32 $0xF7A, s1;
	s8 =	simm.s32 @!p0 $0x1BF5;
	p2 =	por !p2, p0  }
0x20: {  	[sflag:s8] =	ssyncset.s32 @!p0 $0xFFFFF086;
	s6 =	sadd.s32 @!p0 s3, s7;
	s7 =	simm.s32 @!p0 $0x108  }
0x21: {  	s3 =	sadd.s32 s3, s9;
	s6 =	sadd.s32 @!p0 $0x88, s6;
	s7 =	simm.s32 @p2 $0x1082  }
0x22: {  	[simem:s7], [sflag:s8] =	dma.local @!p0 [hbm:s6], $0xF7A  }
0x23: {  	s9 =	sor.u32 $0xD0000000, s2;
	s6 =	simm.s32 $0x108;
	_ =	swait.ge @!p0 [sflag:s8], $0x0  }
0x24: {  	s3 =	sadd.s32 $0x88, s3;
	s6 =	simm.s32 @!p1 $0x1082;
	[sflag:s4] =	ssyncset.s32 $0xFFFFF086  }
0x25: {  	[simem:s6], [sflag:s4] =	dma.local [hbm:s3], $0xF7A  }
0x26: {  	[smem:$0x3F9E] =	sst s1;
	(tag) =	ssettag s2;
	_ =	strace s9  }
0x27: {  	s1 =	sld [smem:$0x3FAE]  }
0x28: {  	s2 =	sld [smem:$0x3FAF]  }
0x29: {  	s4 =	sld [smem:$0x3FB1]  }
0x2a: {  	p0 =	seq.s32 s5, $0x0;
	s5 =	sld [smem:$0x3FB2]  }
0x2b: {  	s6 =	sld [smem:$0x3FB3]  }
0x2c: {  	s7 =	sld [smem:$0x3FB4]  }
0x2d: {  	s3 =	simm.s32 $0x108;
	s8 =	sld [smem:$0x3FB5]  }
0x2e: {  	s3 =	simm.s32 @!p0 $0x1082;
	s9 =	sld [smem:$0x3FB6]  }
0x2f: {  	lr =	sadd.s32 s0, s3;
	s0 =	sld [smem:$0x3FAD]  }
0x30: {  	s3 =	sld [smem:$0x3FB0]  }
0x31: {  	[smem:$0x3FB9] =	sst s10  }
0x32: {  	s10 =	sld [smem:$0x3FB7];
	_ =	sdelay $0x3  }
0x33: {  	p0 =	seq.s32 s10, $0x1;
	s10 =	sld [smem:$0x3FB9];
	_ =	sdelay $0x3  }
0x34: {  	[smem:$0x3FB9] =	sst s10  }
0x35: {  	s10 =	sld [smem:$0x3FB8];
	_ =	sdelay $0x3  }
0x36: {  	p1 =	seq.s32 s10, $0x1;
	s10 =	sld [smem:$0x3FB9];
	_ =	sdelay $0x3  }
0x37: {  	[smem:$0x3FB9] =	sst s10  }
0x38: {  	s10 =	sld [smem:$0x3FBA]  }
0x39: {  	_ = 	snop;
	(pc) =	sbr.ind lr, $3  }
0x3a: {  	_ = 	snop  }
0x3b: {  	_ = 	snop  }
0x3c: {  	p2 =	seq.s32 s10, $0x1;
	s10 =	sld [smem:$0x3FB9]  }
0x3d: {  	_ =	shalt  }
0x3e: {  	_ =	shalt  }
0x3f: {  	_ =	shalt  }
0x40: {  	_ =	shalt  }
0x41: {  	_ =	shalt  }
0x42: {  	_ =	shalt  }
0x43: {  	_ =	shalt  }
0x44: {  	_ =	shalt  }
0x45: {  	_ =	shalt  }
0x46: {  	_ =	shalt  }
0x47: {  	_ =	shalt  }
0x48: {  	_ =	shalt  }
0x49: {  	_ =	shalt  }
0x4a: {  	_ =	shalt  }
0x4b: {  	_ =	shalt  }
0x4c: {  	_ =	shalt  }
0x4d: {  	_ =	shalt  }
0x4e: {  	_ =	shalt  }
0x4f: {  	_ =	shalt  }
0x50: {  	_ =	shalt  }
0x51: {  	_ =	shalt  }
0x52: {  	_ =	shalt  }
0x53: {  	_ =	shalt  }
0x54: {  	_ =	shalt  }
0x55: {  	_ =	shalt  }
0x56: {  	_ =	shalt  }
0x57: {  	_ =	shalt  }
0x58: {  	_ =	shalt  }
0x59: {  	_ =	shalt  }
0x5a: {  	_ =	shalt  }
0x5b: {  	_ =	shalt  }
0x5c: {  	_ =	shalt  }
0x5d: {  	_ =	shalt  }
0x5e: {  	_ =	shalt  }
0x5f: {  	_ =	shalt  }
0x60: {  	_ =	shalt  }
0x61: {  	_ =	shalt  }
0x62: {  	_ =	shalt  }
0x63: {  	_ =	shalt  }
0x64: {  	_ =	shalt  }
0x65: {  	_ =	shalt  }
0x66: {  	_ =	shalt  }
0x67: {  	_ =	shalt  }
0x68: {  	_ =	shalt  }
0x69: {  	_ =	shalt  }
0x6a: {  	_ =	shalt  }
0x6b: {  	_ =	shalt  }
0x6c: {  	_ =	shalt  }
0x6d: {  	_ =	shalt  }
0x6e: {  	_ =	shalt  }
0x6f: {  	_ =	shalt  }
0x70: {  	_ =	shalt  }
0x71: {  	_ =	shalt  }
0x72: {  	_ =	shalt  }
0x73: {  	_ =	shalt  }
0x74: {  	_ =	shalt  }
0x75: {  	_ =	shalt  }
0x76: {  	_ =	shalt  }
0x77: {  	_ =	shalt  }
0x78: {  	_ =	shalt  }
0x79: {  	_ =	shalt  }
0x7a: {  	_ =	shalt  }
0x7b: {  	_ =	shalt  }
0x7c: {  	_ =	shalt  }
0x7d: {  	_ =	shalt  }
0x7e: {  	_ =	shalt  }
0x7f: {  	_ =	shalt  }
0x80: {  	_ =	shalt  }
0x81: {  	_ =	shalt  }
0x82: {  	_ =	shalt  }
0x83: {  	_ =	shalt  }
0x84: {  	_ =	shalt  }
0x85: {  	_ =	shalt  }
0x86: {  	_ =	shalt  }
0x87: {  	_ =	shalt  }
.Lfunc_end0:
.L_simem_size_0:
called_computation_lowered:
.L_overlay_start_0:
0x88: {  	s2 =	sld [smem:$0x3FD9]  }
0x89: {  	s3 =	sld [smem:$0x3FFE];
	_ =	sdelay $0x1  }
0x8a: {  	s1 =	srdreg.scid  }
0x8b: {  	s0 =	sand.u32 $0x1, s1  }
0x8c: {  	s17 =	sshll.u32 s0, $0xA;
	s2 =	sadd.s32 s3, s2  }
0x8d: {  	s2 =	sadd.s32 s2, s17  }
0x8e: {  	[smem:$0x3FC5] =	sst s2  }
0x8f: {  	_ = 	snop  }
0x90: {  	s2 =	sld [smem:$0x3FC8]  }
0x91: {  	s18 =	sld [smem:$0x3FD0];
	(tm) =	ssettm $0x1  }
0x92: {  	s4 =	sld [smem:$0x3FFB];
	_ =	sdelay $0x3  }
0x93: {  	_ =	strace s4  }
0x94: {  	s4 =	sld [smem:$0x3FFC];
	_ =	sdelay $0x3  }
0x95: {  	_ =	strace s4  }
0x96: {  	s4 =	sld [smem:$0x3FFD];
	_ =	sdelay $0x3  }
0x97: {  	_ =	strace s4  }
0x98: {  	_ =	strace $0x8FFFFFFF  }
0x99: {  	s19 =	sld [smem:$0x3FDB];
	_ =	sdelay $0x1  }
0x9a: {  	s5 =	simm.s32 $_scs_section_size  }
0x9b: {  	s6 =	simm.s32 $_size__tile_overlayer_lowered;
	s7 =	simm.s32 $_tile_overlayer_lowered  }
0x9c: {  	s22 =	simm.s32 $0x1BFF;
	s21 =	sshll.u32 s7, $0x1;
	s4 =	sadd.s32 s5, s19  }
0x9d: {  	s8 =	simm.s32 $0x0;
	s20 =	sshll.u32 s6, $0x1;
	s6 =	sadd.s32 s21, s4  }
0x9e: {  	[timem:s8], [sflag:s22] =	dma.local [hbm:s6], s20  }
0x9f: {  	_ =	swait.ge [sflag:s22], s20  }
0xa0: {  	s5 =	ssub.s32 $0x0, s20;
	[sflag:s22] =	ssyncset.done $0x0  }
0xa1: {  	[sflag:s22] =	ssyncadd.s32 s5;
	_ =	sdelay $0x1  }
0xa2: {  	s23 =	simm.s32 $0x1B8B  }
0xa3: {  	_ =	swait.ge [sflag:s23], $0x1  }
0xa4: {  	[sflag:s23] =	ssyncset.done $0x0  }
0xa5: {  	s25 =	simm.s32 $0x1B8E;
	s24 =	sld [smem:$0x3FFE];
	[sflag:s23] =	ssyncadd.s32 $0xFFFFFFFF  }
0xa6: {  	s26 =	simm.s32 $execute0_lowered;
	[smem:$0x3FD2] =	sst s25  }
0xa7: {  	s6 =	sshll.u32 s26, $0x1;
	_ =	strace $0x80000046;
	[dreg:$0x1] =	wrdreg $0xFFFFFFFF  }
0xa8: {  	s28 =	simm.s32 $_size_execute0_lowered;
	s4 =	sadd.s32 s4, s6;
	[dreg:$0x0] =	wrdreg $0x0  }
0xa9: {  	s6 =	sshll.u32 s28, $0x1;
	[dreg:$0x2] =	wrdreg s4  }
0xaa: {  	[dreg:$0x3] =	wrdreg s6  }
0xab: {  	[dreg:$0x4] =	wrdreg $0xC0  }
0xac: {  	_ =	task [dreg:s8], $0x5FFFF  }
0xad: {  	[dreg:$0x1] =	wrdreg $0xFFFFFFFF  }
0xae: {  	[dreg:$0x0] =	wrdreg $0x60  }
0xaf: {  	[dreg:$0x2] =	wrdreg s2  }
0xb0: {  	[dreg:$0x3] =	wrdreg s18  }
0xb1: {  	[dreg:$0x4] =	wrdreg s24  }
0xb2: {  	[dreg:$0x5] =	wrdreg $0x9  }
0xb3: {  	_ =	task.clear_ibuf [dreg:s8], $0x6FFFF;
	_ =	strace $0x90000046  }
0xb4: {  	s29 =	simm.s32 $0x9;
	_ =	strace $0x80000048  }
0xb5: {  	_ =	swait.ge [sflag:s29], $0x1  }
0xb6: {  	[sflag:s29] =	ssyncadd.s32 $0xFFFFFFFF  }
0xb7: {  	_ =	strace $0x90000048  }
0xb8: {  	_ =	sfence  }
0xb9: {  	s30 =	sld [smem:$0x0];
	_ =	sdelay $0x2  }
0xba: {  	s31 =	sshll.u32 s1, $0xD;
	s1 =	sshrl.u32 s1, $0x2  }
0xbb: {  	s3 =	sand.u32 $0x4000, s31;
	s1 =	sadd.s32 s1, s30  }
0xbc: {  	s0 =	sor.u32 s3, s0;
	s1 =	sshll.u32 s1, $0x11  }
0xbd: {  	s0 =	sor.u32 s1, s0  }
0xbe: {  	s0 =	sadd.s32 $0x8F2B, s0  }
0xbf: {  	[sflag:s0] =	ssyncadd.remote.s32 $0x1  }
0xc0: {  	_ =	sfence.sel $0xFFFF  }
0xc1: {  	[dreg:$0x0] =	wrdreg $0xFFFFFFFF;
	(pc) =	sbr.abs _section_cstart, $3  }
0xc2: {  	[dreg:$0x1] =	wrdreg $0xFFFFFFFF  }
0xc3: {  	_ =	task.clear_ibuf [dreg:s8], $0x2FFFF;
	_ =	strace $0x9FFFFFFF  }
0xc4: {  	(tm) =	ssettm $0x7FFFFFFF  }
0xc5: {  	_ =	shalt  }
tec
execute0_lowered:
.L_overlay_start_1:
0x0: {  	(tag) =	ssettag $0x1  }
0x1: {  	s1 =	rddreg [dreg:$0x0]  }
0x2: {  	s2 =	rddreg [dreg:$0x1]  }
0x3: {  	s10 =	rddreg [dreg:$0x2];
	v9 =	vlaneseq.u32;
	s4 =	simm.s32 $0x0  }
0x4: {  	[smem:$0x7FF] =	sst s4;
	v0 =	vor.u32 $0x40, v9  }
0x5: {  	s0 =	rddreg [dreg:$0x3];
	v1 =	vor.u32 $0x870, v9;
	_ =	strace $0x80000047;
	[tilespmem:$0x1FE60] =	vst v0  }
0x6: {  	v57 =	vor.u32 $0x810, v9;
	[tilespmem:$0x1FE70] =	vst v1  }
0x7: {  	v8 =	vor.u32 $0x820, v9;
	[tilespmem:$0x1FE90] =	vst v57  }
0x8: {  	v18 =	vor.u32 $0x860, v9;
	[tilespmem:$0x1FEA0] =	vst v8  }
0x9: {  	v25 =	vor.u32 $0x800, v9;
	[tilespmem:$0x1FED0] =	vst v18  }
0xa: {  	v11 =	vor.u32 $0x10, v9;
	[tilespmem:$0x1FF10] =	vst v25  }
0xb: {  	v13 =	vor.u32 $0x20, v9;
	[tilespmem:$0x1FF30] =	vst v11  }
0xc: {  	v15 =	vor.u32 $0x30, v9;
	[tilespmem:$0x1FF50] =	vst v13  }
0xd: {  	v26 =	vor.u32 $0x850, v9;
	[tilespmem:$0x1FF70] =	vst v15  }
0xe: {  	v61 =	vor.u32 $0x60, v9;
	[tilespmem:$0x1FF80] =	vst v26  }
0xf: {  	v63 =	vor.u32 $0x70, v9;
	[tilespmem:$0x1FF90] =	vst v61  }
0x10: {  	v5 =	vmul.u32 $0x20, v9;
	v4 =	vor.u32 $0x50, v9;
	[tilespmem:$0x1FFA0] =	vst v63  }
0x11: {  	[tilespmem:$0x1FFF0] =	vst v4  }
0x12: {  	v2 =	vor.u32 $0xE10, v5;
	[tilespmem:$0x1FFD0] =	vst v5  }
0x13: {  	v58 =	vor.u32 $0x10, v5;
	[tilespmem:$0x1FE80] =	vst v2  }
0x14: {  	v19 =	vor.u32 $0x210, v5;
	[tilespmem:$0x1FEB0] =	vst v58  }
0x15: {  	s5 =	srdreg.scid;
	s3 =	stileid.u32;
	s13 =	simm.s32 $0x7A1400;
	v22 =	vor.u32 $0xA10, v5;
	[tilespmem:$0x1FEC0] =	vst v19  }
0x16: {  	s14 =	simm.s32 $0x1000;
	s15 =	simm.s32 $0x1;
	s16 =	simm.s32 $0x2000;
	v28 =	vor.u32 $0xC10, v5;
	[tilespmem:$0x1FEE0] =	vst v22  }
0x17: {  	s17 =	simm.s32 $0x2;
	s18 =	simm.s32 $0x3000;
	s19 =	simm.s32 $0x3;
	v29 =	vor.u32 $0x810, v5;
	[tilespmem:$0x1FEF0] =	vst v28  }
0x18: {  	s20 =	simm.s32 $0x4;
	s21 =	simm.s32 $0x0;
	s7 =	sand.u32 $0x1, s5;
	v24 =	vor.u32 $0xE00, v5;
	[tilespmem:$0x1FF00] =	vst v29  }
0x19: {  	s31 =	sshll.u32 s3, $0x1;
	s6 =	sadd.s32 $0xC00, s10;
	s10 =	sadd.s32 $0x3D1400, s10;
	v12 =	vor.u32 $0x200, v5;
	[tilespmem:$0x1FF20] =	vst v24  }
.Ltmp0:
0x1a: {  	s5 =	sor.u32 s7, s31;
	s7 =	ssub.s32 $0x2, s7;
	v14 =	vor.u32 $0x400, v5;
	[tilespmem:$0x1FF40] =	vst v12;
	(pc) =	sbr.rel .LBB2_1-.Ltmp0, $4  }
0x1b: {  	p0 =	sgt.u32 s3, $0x1;
	s8 =	sshll.u32 s5, $0x9;
	s9 =	sshrl.u32 s7, $0x1;
	v20 =	vor.u32 $0xA00, v5;
	[tilespmem:$0x1FF60] =	vst v14  }
0x1c: {  	s11 =	sshll.u32 s5, $0x7;
	v59 =	vor.u32 $0xC00, v5;
	p1 =	sne.s32 s5, $0x4;
	s8 =	sadd.s32 s8, s6;
	[tilespmem:$0x1FFB0] =	vst v20  }
0x1d: {  	v60 =	vor.u32 $0x830, v9;
	v10 =	vor.u32 $0x840, v9;
	v3 =	vor.u32 $0x800, v5;
	s12 =	ssub.s32 s7, s9;
	s7 =	sadd.s32 s1, s11;
	s9 =	sor.u32 $0x40, s5;
	[tilespmem:$0x1FFC0] =	vst v59  }
0x1e: {  	v16 =	vor.u32 $0x600, v5;
	v30 =	vor.u32 $0x410, v5;
	v62 =	vor.u32 $0x610, v5;
	s11 =	simm.s32 $0x400;
	[tilespmem:$0x1FFE0] =	vst v3;
	s8 =	sadd.s32 $0x3D0000, s8;
	s12 =	smax.u32 s12, $0x1  }
.LBB2_11:
0x1f: {  	_ =	swait.ge [sflag:s22], $0x1000  }
0x20: {  	[sflag:s22] =	ssyncset.done $0x0  }
0x21: {  	s23 =	simm.s32 @!p1 $0x5;
	[sflag:s22] =	ssyncadd.s32 $0xFFFFF000;
	s22 =	simm.s32 @!p1 $0x0  }
0x22: {  	[tilespmem:s22], [sflag:$0x5] =	stream.linear.gather @!p1 [hbm4b:s2+s22], $0x800, $0x38;
	[tilespmem:$0x4000] =	vst v63  }
0x23: {  	s21 =	sadd.s32 $0x1, s21;
	_ =	swait.ge @!p1 [sflag:s23], $0x800  }
0x24: {  	p2 =	sne.s32 s21, s12;
	[sflag:s23] =	ssyncset.done @!p1 $0x0  }
.Ltmp1:
0x25: {  	[sflag:s23] =	ssyncadd.s32 @!p1 $0xFFFFF800;
	(pc) =	sbr.rel @!p2 .LBB2_12-.Ltmp1, $4  }
0x26: {  	[hbm4b:s10+s22] =	stream.linear.scatter @!p1 [tilespmem:s22], [sflag:$0x5], $0x800, $0x38;
	[tilespmem:$0x4000] =	vst v63  }
0x27: {  	_ =	swait.ge @!p1 [sflag:s23], $0x800  }
0x28: {  	[sflag:s23] =	ssyncset.done @!p1 $0x0  }
0x29: {  	[sflag:s23] =	ssyncadd.s32 @!p1 $0xFFFFF800  }
.LBB2_1:
0x2a: {  	[tilespmem:s4], [sflag:$0x1] =	stream.strided.gather [hbm4b:s7+s11], $0x1000, s13, s11, $0x38;
	[tilespmem:$0x4000] =	vst v63  }
0x2b: {  	s22 =	simm.s32 $0x0  }
.LBB2_2:
0x2c: {  	s24 =	sshll.u32 s22, $0x6  }
0x2d: {  	s25 =	sor.u32 s24, s5  }
0x2e: {  	s23 =	sor.u32 $0x20, s25  }
0x2f: {  	s28 =	simm.s32 $0x0;
	s26 =	sshll.u32 s23, $0x7  }
0x30: {  	v38 =	vadd.s32 s28, v9;
	s26 =	sadd.s32 s1, s26  }
0x31: {  	v0 =	vand.u32 $0xF, v38;
	[tilespmem:s14], [sflag:$0x2] =	stream.strided.gather [hbm4b:s26+s11], $0x1000, s13, s11, $0x38;
	[tilespmem:$0x4000] =	vst v63  }
0x32: {  	v50 =	vshll.u32 v0, $0x7;
	_ =	swait.ge [sflag:s15], $0x1000  }
0x33: {  	v7 =	vmov v1;
	p2 =	seq.s32 s22, $0x0;
	v1 =	vor.u32 v9, v50;
	[sflag:s15] =	ssyncset.done $0x0  }
0x34: {  	s29 =	simm.s32 $0x1;
	s26 =	simm.s32 @!p2 $0x3;
	[sflag:s15] =	ssyncadd.s32 $0xFFFFF000  }
0x35: {  	v40 =	vadd.s32 s29, v9;
	_ =	swait.ge @!p2 [sflag:s26], $0x1000  }
0x36: {  	v2 =	vand.u32 $0xF, v40;
	[sflag:s26] =	ssyncset.done @!p2 $0x0  }
0x37: {  	v42 =	vshll.u32 v2, $0x7;
	[sflag:s26] =	ssyncadd.s32 @!p2 $0xFFFFF000  }
0x38: {  	v33 =	vor.u32 v5, v0;
	v32 =	vor.u32 v9, v42;
	v1 =	vld.idx.msk [tilespmem:v1+s4+$0x0], $0xffff  }
0x39: {  	v34 =	vor.u32 v11, v50;
	_ =	sdelay $0x3  }
0x3a: {  	v35 =	vor.u32 v5, v2;
	v32 =	vld.idx.msk [tilespmem:v32+s4+$0x0], $0xffff;
	[tilespmem:v33+s16+$0x0] =	vst.idx.msk $0xffff, v1  }
0x3b: {  	v44 =	vor.u32 v12, v0;
	v36 =	vor.u32 v11, v42;
	v1 =	vld.idx.msk [tilespmem:v34+s4+$0x0], $0xffff  }
0x3c: {  	v45 =	vor.u32 v13, v50;
	_ =	sdelay $0x2  }
0x3d: {  	[tilespmem:v35+s16+$0x0] =	vst.idx.msk $0xffff, v32  }
0x3e: {  	v46 =	vor.u32 v12, v2;
	v32 =	vld.idx.msk [tilespmem:v36+s4+$0x0], $0xffff;
	[tilespmem:v44+s16+$0x0] =	vst.idx.msk $0xffff, v1  }
0x3f: {  	v48 =	vor.u32 v14, v0;
	v1 =	vld.idx.msk [tilespmem:v45+s4+$0x0], $0xffff;
	_ =	sdelay $0x1  }
0x40: {  	v47 =	vor.u32 v13, v42;
	_ =	sdelay $0x1  }
0x41: {  	[tilespmem:v46+s16+$0x0] =	vst.idx.msk $0xffff, v32  }
0x42: {  	v49 =	vor.u32 v15, v50;
	[tilespmem:v48+s16+$0x0] =	vst.idx.msk $0xffff, v1  }
0x43: {  	v6 =	vld [tilespmem:$0x1FE60]  }
0x44: {  	v51 =	vor.u32 v14, v2;
	v32 =	vld.idx.msk [tilespmem:v47+s4+$0x0], $0xffff  }
0x45: {  	v52 =	vor.u32 v15, v42;
	_ =	sdelay $0x1  }
0x46: {  	v53 =	vor.u32 v16, v0;
	v1 =	vld.idx.msk [tilespmem:v49+s4+$0x0], $0xffff  }
0x47: {  	v37 =	vor.u32 v6, v50  }
0x48: {  	s30 =	simm.s32 $0x2;
	[tilespmem:v51+s16+$0x0] =	vst.idx.msk $0xffff, v32  }
0x49: {  	v54 =	vor.u32 v16, v2;
	v32 =	vadd.s32 s30, v9;
	v35 =	vld.idx.msk [tilespmem:v52+s4+$0x0], $0xffff  }
0x4a: {  	v43 =	vand.u32 $0xF, v32;
	v39 =	vor.u32 v6, v42  }
0x4b: {  	s31 =	simm.s32 $0x3;
	v34 =	vshll.u32 v43, $0x7;
	[tilespmem:v53+s16+$0x0] =	vst.idx.msk $0xffff, v1  }
0x4c: {  	v41 =	vor.u32 v3, v0;
	v33 =	vadd.s32 s31, v9;
	v1 =	vor.u32 v9, v34;
	v37 =	vld.idx.msk [tilespmem:v37+s4+$0x0], $0xffff  }
0x4d: {  	v44 =	vand.u32 $0xF, v33;
	v45 =	vor.u32 v4, v50  }
0x4e: {  	[tilespmem:v54+s16+$0x0] =	vst.idx.msk $0xffff, v35;
	v35 =	vshll.u32 v44, $0x7  }
0x4f: {  	v46 =	vor.u32 v3, v2;
	v55 =	vor.u32 v9, v35;
	v36 =	vld.idx.msk [tilespmem:v39+s4+$0x0], $0xffff  }
0x50: {  	v47 =	vor.u32 v4, v42  }
0x51: {  	v48 =	vor.u32 v5, v43;
	v1 =	vld.idx.msk [tilespmem:v1+s4+$0x0], $0xffff;
	[tilespmem:v41+s16+$0x0] =	vst.idx.msk $0xffff, v37  }
0x52: {  	v56 =	vor.u32 v11, v34;
	v41 =	vor.u32 v20, v0;
	v37 =	vld.idx.msk [tilespmem:v45+s4+$0x0], $0xffff  }
0x53: {  	v49 =	vor.u32 v61, v50  }
0x54: {  	v54 =	vor.u32 v5, v44;
	v39 =	vld.idx.msk [tilespmem:v55+s4+$0x0], $0xffff;
	[tilespmem:v46+s16+$0x0] =	vst.idx.msk $0xffff, v36  }
0x55: {  	v51 =	vor.u32 v11, v35;
	v55 =	vor.u32 v20, v2;
	v46 =	vld.idx.msk [tilespmem:v47+s4+$0x0], $0xffff  }
0x56: {  	[tilespmem:v48+s16+$0x0] =	vst.idx.msk $0xffff, v1;
	v1 =	vor.u32 v61, v42  }
0x57: {  	[tilespmem:v41+s16+$0x0] =	vst.idx.msk $0xffff, v37;
	v37 =	vld.idx.msk [tilespmem:v56+s4+$0x0], $0xffff;
	v56 =	vor.u32 v12, v43  }
0x58: {  	v48 =	vor.u32 v13, v34;
	v45 =	vld.idx.msk [tilespmem:v49+s4+$0x0], $0xffff;
	v49 =	vor.u32 v59, v0  }
0x59: {  	v36 =	vor.u32 v63, v50;
	[tilespmem:v54+s16+$0x0] =	vst.idx.msk $0xffff, v39  }
0x5a: {  	v54 =	vor.u32 v12, v44;
	v39 =	vld.idx.msk [tilespmem:v51+s4+$0x0], $0xffff;
	[tilespmem:v55+s16+$0x0] =	vst.idx.msk $0xffff, v46  }
0x5b: {  	v47 =	vor.u32 v13, v35;
	v55 =	vor.u32 v59, v2;
	v1 =	vld.idx.msk [tilespmem:v1+s4+$0x0], $0xffff  }
0x5c: {  	[tilespmem:v56+s16+$0x0] =	vst.idx.msk $0xffff, v37;
	v56 =	vor.u32 v63, v42  }
0x5d: {  	v52 =	vor.u32 v14, v43;
	v41 =	vld.idx.msk [tilespmem:v48+s4+$0x0], $0xffff;
	[tilespmem:v49+s16+$0x0] =	vst.idx.msk $0xffff, v45  }
0x5e: {  	v53 =	vor.u32 v15, v34;
	v0 =	vor.u32 v24, v0;
	v36 =	vld.idx.msk [tilespmem:v36+s4+$0x0], $0xffff  }
0x5f: {  	[tilespmem:v54+s16+$0x0] =	vst.idx.msk $0xffff, v39;
	v54 =	vor.u32 v25, v50  }
0x60: {  	v46 =	vld.idx.msk [tilespmem:v47+s4+$0x0], $0xffff;
	[tilespmem:v55+s16+$0x0] =	vst.idx.msk $0xffff, v1;
	v1 =	vor.u32 v14, v44  }
0x61: {  	v2 =	vor.u32 v24, v2;
	v55 =	vor.u32 v15, v35;
	v37 =	vld.idx.msk [tilespmem:v56+s4+$0x0], $0xffff  }
0x62: {  	v56 =	vor.u32 v25, v42;
	[tilespmem:v52+s16+$0x0] =	vst.idx.msk $0xffff, v41  }
0x63: {  	v48 =	vld.idx.msk [tilespmem:v53+s4+$0x0], $0xffff;
	[tilespmem:v0+s16+$0x0] =	vst.idx.msk $0xffff, v36;
	v0 =	vor.u32 v16, v43  }
0x64: {  	v51 =	vor.u32 v58, v38;
	v49 =	vor.u32 v6, v34;
	v39 =	vld.idx.msk [tilespmem:v54+s4+$0x0], $0xffff  }
0x65: {  	[tilespmem:v1+s16+$0x0] =	vst.idx.msk $0xffff, v46;
	v1 =	vor.u32 v57, v50  }
0x66: {  	v46 =	vld.idx.msk [tilespmem:v55+s4+$0x0], $0xffff;
	[tilespmem:v2+s16+$0x0] =	vst.idx.msk $0xffff, v37;
	v2 =	vor.u32 v16, v44  }
0x67: {  	v52 =	vor.u32 v6, v35;
	v53 =	vor.u32 v58, v40;
	v47 =	vld.idx.msk [tilespmem:v56+s4+$0x0], $0xffff  }
0x68: {  	s28 =	simm.s32 $0x4;
	s29 =	simm.s32 $0x5;
	[tilespmem:v0+s16+$0x0] =	vst.idx.msk $0xffff, v48;
	v0 =	vor.u32 v57, v42  }
0x69: {  	v36 =	vadd.s32 s28, v9;
	v49 =	vld.idx.msk [tilespmem:v49+s4+$0x0], $0xffff;
	[tilespmem:v51+s16+$0x0] =	vst.idx.msk $0xffff, v39;
	v51 =	vor.u32 v3, v43;
	v39 =	vadd.s32 s29, v9  }
0x6a: {  	v17 =	vmovc v8;
	v55 =	vor.u32 v19, v38;
	v56 =	vor.u32 v4, v34;
	v1 =	vld.idx.msk [tilespmem:v1+s4+$0x0], $0xffff;
	v48 =	vand.u32 $0xF, v39  }
0x6b: {  	v27 =	vmovc v19;
	v45 =	vand.u32 $0xF, v36;
	[tilespmem:v2+s16+$0x0] =	vst.idx.msk $0xffff, v46;
	v2 =	vor.u32 v8, v50;
	v41 =	vshll.u32 v48, $0x7  }
0x6c: {  	v46 =	vld.idx.msk [tilespmem:v52+s4+$0x0], $0xffff;
	[tilespmem:v53+s16+$0x0] =	vst.idx.msk $0xffff, v47;
	v47 =	vor.u32 v9, v41;
	v52 =	vor.u32 v3, v44  }
0x6d: {  	v37 =	vshll.u32 v45, $0x7;
	v8 =	vmovc v57;
	v57 =	vor.u32 v27, v40;
	v53 =	vor.u32 v4, v35;
	v0 =	vld.idx.msk [tilespmem:v0+s4+$0x0], $0xffff  }
0x6e: {  	v54 =	vor.u32 v9, v37;
	[tilespmem:v51+s16+$0x0] =	vst.idx.msk $0xffff, v49  }
0x6f: {  	v49 =	vor.u32 v17, v42;
	v51 =	vld.idx.msk [tilespmem:v56+s4+$0x0], $0xffff;
	[tilespmem:v55+s16+$0x0] =	vst.idx.msk $0xffff, v1;
	v1 =	vor.u32 v20, v43  }
0x70: {  	v19 =	vmovc v17;
	v17 =	vmov v59;
	v59 =	vor.u32 v61, v34;
	v56 =	vor.u32 v30, v38;
	v2 =	vld.idx.msk [tilespmem:v2+s4+$0x0], $0xffff  }
0x71: {  	v47 =	vld.idx.msk [tilespmem:v47+s4+$0x0], $0xffff;
	[tilespmem:v52+s16+$0x0] =	vst.idx.msk $0xffff, v46;
	v46 =	vor.u32 v5, v48  }
0x72: {  	v53 =	vld.idx.msk [tilespmem:v53+s4+$0x0], $0xffff;
	[tilespmem:v57+s16+$0x0] =	vst.idx.msk $0xffff, v0;
	v0 =	vor.u32 v20, v44;
	v57 =	vor.u32 v11, v41  }
0x73: {  	v31 =	vmov v58;
	v58 =	vor.u32 v5, v45;
	v54 =	vld.idx.msk [tilespmem:v54+s4+$0x0], $0xffff  }
0x74: {  	v55 =	vor.u32 v11, v37;
	[tilespmem:v1+s16+$0x0] =	vst.idx.msk $0xffff, v51  }
0x75: {  	[tilespmem:v56+s16+$0x0] =	vst.idx.msk $0xffff, v2;
	v2 =	vld.idx.msk [tilespmem:v59+s4+$0x0], $0xffff;
	v59 =	vor.u32 v17, v43  }
0x76: {  	[tilespmem:v46+s16+$0x0] =	vst.idx.msk $0xffff, v47;
	v47 =	vor.u32 v63, v34  }
0x77: {  	v52 =	vor.u32 v60, v50;
	[tilespmem:v0+s16+$0x0] =	vst.idx.msk $0xffff, v53;
	v0 =	vld.idx.msk [tilespmem:v57+s4+$0x0], $0xffff;
	v57 =	vor.u32 v12, v48  }
0x78: {  	[tilespmem:v58+s16+$0x0] =	vst.idx.msk $0xffff, v54;
	v54 =	vor.u32 v30, v40;
	v58 =	vor.u32 v61, v35;
	v49 =	vld.idx.msk [tilespmem:v49+s4+$0x0], $0xffff  }
0x79: {  	v1 =	vld.idx.msk [tilespmem:v55+s4+$0x0], $0xffff;
	v51 =	vor.u32 v12, v45;
	v55 =	vor.u32 v60, v42  }
0x7a: {  	[tilespmem:v59+s16+$0x0] =	vst.idx.msk $0xffff, v2  }
0x7b: {  	v21 =	vmov v60;
	v60 =	vor.u32 v24, v43;
	v56 =	vor.u32 v13, v37;
	v47 =	vld.idx.msk [tilespmem:v47+s4+$0x0], $0xffff  }
0x7c: {  	v46 =	vld.idx.msk [tilespmem:v52+s4+$0x0], $0xffff;
	v52 =	vor.u32 v62, v38;
	[tilespmem:v57+s16+$0x0] =	vst.idx.msk $0xffff, v0;
	v0 =	vor.u32 v25, v34  }
0x7d: {  	[tilespmem:v54+s16+$0x0] =	vst.idx.msk $0xffff, v49;
	v49 =	vld.idx.msk [tilespmem:v58+s4+$0x0], $0xffff;
	v54 =	vor.u32 v13, v41;
	v58 =	vor.u32 v17, v44  }
0x7e: {  	v53 =	vor.u32 v10, v50;
	[tilespmem:v51+s16+$0x0] =	vst.idx.msk $0xffff, v1;
	v1 =	vld.idx.msk [tilespmem:v55+s4+$0x0], $0xffff;
	v55 =	vor.u32 v62, v40  }
0x7f: {  	v51 =	vor.u32 v63, v35  }
0x80: {  	v56 =	vld.idx.msk [tilespmem:v56+s4+$0x0], $0xffff;
	v2 =	vor.u32 v14, v45;
	v59 =	vor.u32 v10, v42;
	[tilespmem:v60+s16+$0x0] =	vst.idx.msk $0xffff, v47  }
0x81: {  	[tilespmem:v52+s16+$0x0] =	vst.idx.msk $0xffff, v46;
	v46 =	vor.u32 v15, v37;
	v0 =	vld.idx.msk [tilespmem:v0+s4+$0x0], $0xffff  }
0x82: {  	v54 =	vld.idx.msk [tilespmem:v54+s4+$0x0], $0xffff;
	[tilespmem:v58+s16+$0x0] =	vst.idx.msk $0xffff, v49;
	v58 =	vor.u32 v14, v48  }
0x83: {  	v53 =	vld.idx.msk [tilespmem:v53+s4+$0x0], $0xffff;
	[tilespmem:v55+s16+$0x0] =	vst.idx.msk $0xffff, v1;
	v1 =	vor.u32 v15, v41  }
0x84: {  	v51 =	vld.idx.msk [tilespmem:v51+s4+$0x0], $0xffff  }
0x85: {  	[tilespmem:v2+s16+$0x0] =	vst.idx.msk $0xffff, v56;
	v55 =	vld.idx.msk [tilespmem:v59+s4+$0x0], $0xffff  }
0x86: {  	v52 =	vor.u32 v28, v38;
	v28 =	vmov v30;
	v30 =	vmov v61;
	v61 =	vld.idx.msk [tilespmem:v46+s4+$0x0], $0xffff;
	[tilespmem:$0x1FE40] =	vst v0  }
0x87: {  	v57 =	vor.u32 v29, v38;
	[tilespmem:v58+s16+$0x0] =	vst.idx.msk $0xffff, v54  }
0x88: {  	v49 =	vor.u32 v26, v50;
	v1 =	vld.idx.msk [tilespmem:v1+s4+$0x0], $0xffff  }
0x89: {  	v2 =	vor.u32 v24, v44  }
0x8a: {  	v56 =	vor.u32 v29, v40  }
0x8b: {  	v59 =	vor.u32 v16, v45  }
0x8c: {  	[tilespmem:v57+s16+$0x0] =	vst.idx.msk $0xffff, v53  }
0x8d: {  	v47 =	vor.u32 v25, v35;
	v25 =	vld.idx.msk [tilespmem:v49+s4+$0x0], $0xffff;
	[tilespmem:$0x1FE50] =	vst v1  }
0x8e: {  	[tilespmem:v2+s16+$0x0] =	vst.idx.msk $0xffff, v51  }
0x8f: {  	[tilespmem:v56+s16+$0x0] =	vst.idx.msk $0xffff, v55  }
0x90: {  	v0 =	vor.u32 v22, v38;
	[tilespmem:v59+s16+$0x0] =	vst.idx.msk $0xffff, v61  }
0x91: {  	v29 =	vmov v62;
	v62 =	vor.u32 v31, v32;
	v1 =	vld [tilespmem:$0x1FE40]  }
0x92: {  	s30 =	simm.s32 $0x6  }
0x93: {  	v43 =	vadd.s32 s30, v9;
	v57 =	vor.u32 v26, v42  }
0x94: {  	v23 =	vmovc v10;
	v10 =	vmov v22;
	v60 =	vor.u32 v6, v37;
	v49 =	vand.u32 $0xF, v43  }
0x95: {  	v44 =	vor.u32 v31, v33;
	v46 =	vshll.u32 v49, $0x7;
	v2 =	vor.u32 v18, v50;
	[tilespmem:v0+s16+$0x0] =	vst.idx.msk $0xffff, v25  }
0x96: {  	v24 =	vmov v63;
	v22 =	vmov v17;
	v63 =	vor.u32 v9, v46;
	v17 =	vld.idx.msk [tilespmem:v47+s4+$0x0], $0xffff;
	[tilespmem:v62+s16+$0x0] =	vst.idx.msk $0xffff, v1  }
0x97: {  	v54 =	vor.u32 v8, v34;
	v51 =	vor.u32 v16, v48;
	v0 =	vld [tilespmem:$0x1FE50]  }
0x98: {  	v6 =	vor.u32 v6, v41;
	v59 =	vld.idx.msk [tilespmem:v57+s4+$0x0], $0xffff  }
0x99: {  	v53 =	vor.u32 v27, v32;
	v55 =	vor.u32 v8, v35;
	v61 =	vld.idx.msk [tilespmem:v60+s4+$0x0], $0xffff  }
0x9a: {  	s31 =	simm.s32 $0x7;
	v56 =	vor.u32 v18, v42;
	v50 =	vor.u32 v7, v50;
	v60 =	vor.u32 v10, v40;
	v58 =	vld.idx.msk [tilespmem:v2+s4+$0x0], $0xffff  }
0x9b: {  	v18 =	vmov v3;
	v47 =	vadd.s32 s31, v9;
	v2 =	vld.idx.msk [tilespmem:v63+s4+$0x0], $0xffff;
	v62 =	vor.u32 v3, v45;
	[tilespmem:v44+s16+$0x0] =	vst.idx.msk $0xffff, v17  }
0x9c: {  	v10 =	vmov v5;
	v1 =	vor.u32 v5, v49;
	v57 =	vld.idx.msk [tilespmem:v54+s4+$0x0], $0xffff;
	[tilespmem:v51+s16+$0x0] =	vst.idx.msk $0xffff, v0;
	v51 =	vand.u32 $0xF, v47  }
0x9d: {  	s26 =	simm.s32 $0x8;
	v54 =	vor.u32 v19, v34;
	v19 =	vmovc v4;
	v0 =	vor.u32 v4, v37;
	v44 =	vshll.u32 v51, $0x7;
	v63 =	vld.idx.msk [tilespmem:v6+s4+$0x0], $0xffff  }
.LBB2_3:
0x9e: {  	_ = 	snop  }
0x9f: {  	v55 =	vld.idx.msk [tilespmem:v55+s4+$0x0], $0xffff  }
0xa0: {  	v6 =	vld [tilespmem:$0x1FEC0]  }
0xa1: {  	v31 =	vld [tilespmem:$0x1FEA0]  }
0xa2: {  	v7 =	vld [tilespmem:$0x1FEF0]  }
0xa3: {  	v27 =	vld [tilespmem:$0x1FE70]  }
0xa4: {  	v5 =	vld [tilespmem:$0x1FE80];
	[tilespmem:v62+s16+$0x0] =	vst.idx.msk $0xffff, v61  }
0xa5: {  	v3 =	vor.u32 v9, v44;
	v25 =	vld [tilespmem:$0x1FF20];
	[tilespmem:v60+s16+$0x0] =	vst.idx.msk $0xffff, v59  }
0xa6: {  	v4 =	vor.u32 v18, v48;
	v0 =	vld.idx.msk [tilespmem:v0+s4+$0x0], $0xffff;
	[tilespmem:v53+s16+$0x0] =	vst.idx.msk $0xffff, v57  }
0xa7: {  	v61 =	vor.u32 v20, v45;
	v59 =	vor.u32 v19, v41;
	v54 =	vld.idx.msk [tilespmem:v54+s4+$0x0], $0xffff;
	[tilespmem:v52+s16+$0x0] =	vst.idx.msk $0xffff, v58  }
0xa8: {  	v17 =	vld [tilespmem:$0x1FF10];
	v60 =	vor.u32 v6, v33;
	[tilespmem:v1+s16+$0x0] =	vst.idx.msk $0xffff, v2;
	v1 =	vor.u32 v11, v46  }
0xa9: {  	v56 =	vld.idx.msk [tilespmem:v56+s4+$0x0], $0xffff;
	v53 =	vor.u32 v31, v35;
	v2 =	vor.u32 v28, v32  }
0xaa: {  	v52 =	vor.u32 v30, v37;
	v57 =	vor.u32 v7, v40;
	v3 =	vld.idx.msk [tilespmem:v3+s4+$0x0], $0xffff  }
0xab: {  	v42 =	vor.u32 v27, v42;
	[tilespmem:v4+s16+$0x0] =	vst.idx.msk $0xffff, v63;
	v4 =	vor.u32 v5, v38;
	v50 =	vld.idx.msk [tilespmem:v50+s4+$0x0], $0xffff  }
0xac: {  	v58 =	vor.u32 v10, v51;
	v59 =	vld.idx.msk [tilespmem:v59+s4+$0x0], $0xffff;
	[tilespmem:v61+s16+$0x0] =	vst.idx.msk $0xffff, v0  }
0xad: {  	v62 =	vor.u32 v21, v34;
	[tilespmem:v60+s16+$0x0] =	vst.idx.msk $0xffff, v55;
	v55 =	vor.u32 v20, v48;
	v1 =	vld.idx.msk [tilespmem:v1+s4+$0x0], $0xffff  }
0xae: {  	v38 =	vmov v32;
	[tilespmem:v2+s16+$0x0] =	vst.idx.msk $0xffff, v54;
	v54 =	vor.u32 v12, v49;
	v53 =	vld.idx.msk [tilespmem:v53+s4+$0x0], $0xffff  }
0xaf: {  	v0 =	vor.u32 v28, v33;
	[tilespmem:v57+s16+$0x0] =	vst.idx.msk $0xffff, v56;
	v56 =	vor.u32 v11, v44;
	v52 =	vld.idx.msk [tilespmem:v52+s4+$0x0], $0xffff  }
0xb0: {  	v2 =	vor.u32 v5, v40;
	v57 =	vor.u32 v30, v41;
	[tilespmem:v4+s16+$0x0] =	vst.idx.msk $0xffff, v50;
	v42 =	vld.idx.msk [tilespmem:v42+s4+$0x0], $0xffff  }
0xb1: {  	v8 =	vld [tilespmem:$0x1FF00];
	v32 =	vmov v36;
	v63 =	vor.u32 v23, v34;
	v4 =	vor.u32 v13, v46;
	[tilespmem:v58+s16+$0x0] =	vst.idx.msk $0xffff, v3  }
0xb2: {  	v60 =	vor.u32 v21, v35;
	v3 =	vor.u32 v22, v45;
	v50 =	vld.idx.msk [tilespmem:v62+s4+$0x0], $0xffff;
	[tilespmem:v55+s16+$0x0] =	vst.idx.msk $0xffff, v59  }
0xb3: {  	v36 =	vmov v43;
	v61 =	vor.u32 v24, v37;
	v62 =	vor.u32 v29, v38;
	[tilespmem:v54+s16+$0x0] =	vst.idx.msk $0xffff, v1;
	v59 =	vld [tilespmem:$0x1FEB0]  }
0xb4: {  	v5 =	vmov v37;
	v37 =	vmov v46;
	v43 =	vld.idx.msk [tilespmem:v56+s4+$0x0], $0xffff;
	[tilespmem:v0+s16+$0x0] =	vst.idx.msk $0xffff, v53;
	v0 =	vor.u32 v12, v51  }
0xb5: {  	v1 =	vor.u32 v13, v44;
	v46 =	vld.idx.msk [tilespmem:v57+s4+$0x0], $0xffff;
	[tilespmem:v2+s16+$0x0] =	vst.idx.msk $0xffff, v42;
	v2 =	vor.u32 v22, v48  }
0xb6: {  	v4 =	vld.idx.msk [tilespmem:v4+s4+$0x0], $0xffff;
	v57 =	vor.u32 v14, v49  }
0xb7: {  	v40 =	vmov v33;
	[tilespmem:v3+s16+$0x0] =	vst.idx.msk $0xffff, v52;
	v3 =	vor.u32 v24, v41;
	v53 =	vld.idx.msk [tilespmem:v60+s4+$0x0], $0xffff  }
0xb8: {  	v54 =	vor.u32 v29, v40;
	v58 =	vld.idx.msk [tilespmem:v61+s4+$0x0], $0xffff;
	[tilespmem:v62+s16+$0x0] =	vst.idx.msk $0xffff, v50;
	v61 =	vor.u32 v15, v37  }
0xb9: {  	v60 =	vor.u32 v23, v35;
	v62 =	vor.u32 v25, v45;
	v56 =	vld.idx.msk [tilespmem:v63+s4+$0x0], $0xffff;
	[tilespmem:v0+s16+$0x0] =	vst.idx.msk $0xffff, v43  }
0xba: {  	v42 =	vmov v35;
	v35 =	vmov v41;
	v41 =	vor.u32 v14, v51;
	v1 =	vld.idx.msk [tilespmem:v1+s4+$0x0], $0xffff;
	[tilespmem:v2+s16+$0x0] =	vst.idx.msk $0xffff, v46  }
0xbb: {  	v63 =	vor.u32 v8, v38;
	[tilespmem:v57+s16+$0x0] =	vst.idx.msk $0xffff, v4;
	v57 =	vor.u32 v8, v40;
	v8 =	vld [tilespmem:$0x1FE60]  }
0xbc: {  	v3 =	vld.idx.msk [tilespmem:v3+s4+$0x0], $0xffff  }
0xbd: {  	v0 =	vor.u32 v17, v5;
	[tilespmem:v54+s16+$0x0] =	vst.idx.msk $0xffff, v53;
	v54 =	vld.idx.msk [tilespmem:v61+s4+$0x0], $0xffff  }
0xbe: {  	v48 =	vor.u32 v25, v48;
	v4 =	vor.u32 v15, v44;
	v50 =	vld.idx.msk [tilespmem:v60+s4+$0x0], $0xffff  }
0xbf: {  	v2 =	vor.u32 v26, v34;
	[tilespmem:v41+s16+$0x0] =	vst.idx.msk $0xffff, v1;
	v41 =	vld [tilespmem:$0x1FE90]  }
0xc0: {  	v52 =	vor.u32 v7, v38;
	v45 =	vmov v49;
	v55 =	vor.u32 v17, v35;
	[tilespmem:v62+s16+$0x0] =	vst.idx.msk $0xffff, v58;
	v62 =	vld [tilespmem:$0x1FEE0]  }
0xc1: {  	v33 =	vmovc v39;
	v39 =	vmovc v47;
	v47 =	vor.u32 v26, v42;
	v43 =	vadd.s32 s26, v9;
	v17 =	vld [tilespmem:$0x1FED0];
	v58 =	vor.u32 v16, v45  }
0xc2: {  	v53 =	vor.u32 v6, v32;
	v60 =	vor.u32 v59, v32;
	v0 =	vld.idx.msk [tilespmem:v0+s4+$0x0], $0xffff;
	[tilespmem:v63+s16+$0x0] =	vst.idx.msk $0xffff, v56  }
0xc3: {  	v49 =	vand.u32 $0xF, v43;
	v56 =	vor.u32 v8, v37;
	v4 =	vld.idx.msk [tilespmem:v4+s4+$0x0], $0xffff;
	[tilespmem:v48+s16+$0x0] =	vst.idx.msk $0xffff, v3;
	v48 =	vmov v51  }
0xc4: {  	v46 =	vshll.u32 v49, $0x7;
	v2 =	vld.idx.msk [tilespmem:v2+s4+$0x0], $0xffff;
	v6 =	vor.u32 v16, v48;
	v1 =	vor.u32 v41, v5  }
0xc5: {  	v63 =	vor.u32 v62, v38;
	v7 =	vld.idx.msk [tilespmem:v55+s4+$0x0], $0xffff;
	[tilespmem:v57+s16+$0x0] =	vst.idx.msk $0xffff, v50;
	v50 =	vor.u32 v8, v44  }
0xc6: {  	v51 =	vor.u32 v9, v46  }
0xc7: {  	p3 =	slt.u32 s26, $0xE;
	s28 =	sadd.s32 $0x1, s26;
	v3 =	vor.u32 v17, v34;
	[tilespmem:v58+s16+$0x0] =	vst.idx.msk $0xffff, v54;
	v8 =	vor.u32 v59, v33;
	v59 =	vld.idx.msk [tilespmem:v47+s4+$0x0], $0xffff  }
.Ltmp2:
0xc8: {  	v54 =	vor.u32 v31, v5;
	v47 =	vadd.s32 s28, v9;
	v61 =	vld.idx.msk [tilespmem:v56+s4+$0x0], $0xffff;
	[tilespmem:v60+s16+$0x0] =	vst.idx.msk $0xffff, v0;
	(pc) =	sbr.rel @p3 .LBB2_3-.Ltmp2, $4  }
0xc9: {  	v55 =	vor.u32 v41, v35;
	v60 =	vor.u32 v62, v40;
	[tilespmem:v6+s16+$0x0] =	vst.idx.msk $0xffff, v4;
	v57 =	vld.idx.msk [tilespmem:v1+s4+$0x0], $0xffff  }
0xca: {  	v62 =	vor.u32 v18, v45;
	v56 =	vor.u32 v17, v42;
	[tilespmem:v63+s16+$0x0] =	vst.idx.msk $0xffff, v2;
	v63 =	vld.idx.msk [tilespmem:v50+s4+$0x0], $0xffff  }
0xcb: {  	v0 =	vor.u32 v19, v37;
	v41 =	vmovc v44;
	v1 =	vor.u32 v10, v49;
	v2 =	vld.idx.msk [tilespmem:v51+s4+$0x0], $0xffff;
	v51 =	vand.u32 $0xF, v47  }
0xcc: {  	s26 =	sadd.s32 $0x2, s26;
	[tilespmem:v8+s16+$0x0] =	vst.idx.msk $0xffff, v7;
	v50 =	vor.u32 v27, v34;
	v34 =	vmov v5;
	v58 =	vld.idx.msk [tilespmem:v3+s4+$0x0], $0xffff;
	v44 =	vshll.u32 v51, $0x7  }
0xcd: {  	v3 =	vor.u32 v9, v44;
	_ =	sdelay $0x4  }
0xce: {  	v4 =	vor.u32 v11, v46;
	v5 =	vor.u32 v10, v51;
	v3 =	vld.idx.msk [tilespmem:v3+s4+$0x0], $0xffff  }
0xcf: {  	v6 =	vor.u32 v11, v44;
	_ =	sdelay $0x2  }
0xd0: {  	[tilespmem:v1+s16+$0x0] =	vst.idx.msk $0xffff, v2  }
0xd1: {  	v2 =	vor.u32 v12, v49;
	v1 =	vld.idx.msk [tilespmem:v4+s4+$0x0], $0xffff;
	[tilespmem:v5+s16+$0x0] =	vst.idx.msk $0xffff, v3  }
0xd2: {  	v3 =	vor.u32 v13, v46;
	v5 =	vor.u32 v12, v51;
	v4 =	vld.idx.msk [tilespmem:v6+s4+$0x0], $0xffff  }
0xd3: {  	v6 =	vor.u32 v13, v44;
	_ =	sdelay $0x2  }
0xd4: {  	[tilespmem:v2+s16+$0x0] =	vst.idx.msk $0xffff, v1  }
0xd5: {  	v2 =	vor.u32 v14, v49;
	v1 =	vld.idx.msk [tilespmem:v3+s4+$0x0], $0xffff;
	[tilespmem:v5+s16+$0x0] =	vst.idx.msk $0xffff, v4  }
0xd6: {  	v5 =	vor.u32 v14, v51;
	v4 =	vld.idx.msk [tilespmem:v6+s4+$0x0], $0xffff;
	_ =	sdelay $0x3  }
0xd7: {  	[tilespmem:v2+s16+$0x0] =	vst.idx.msk $0xffff, v1  }
0xd8: {  	v3 =	vor.u32 v15, v46;
	[tilespmem:v5+s16+$0x0] =	vst.idx.msk $0xffff, v4  }
0xd9: {  	v7 =	vld [tilespmem:$0x1FE60]  }
0xda: {  	v6 =	vor.u32 v15, v44;
	_ =	sdelay $0x2  }
0xdb: {  	v2 =	vor.u32 v16, v49;
	v1 =	vld.idx.msk [tilespmem:v3+s4+$0x0], $0xffff  }
0xdc: {  	v3 =	vor.u32 v7, v46  }
0xdd: {  	v5 =	vor.u32 v16, v51;
	v4 =	vld.idx.msk [tilespmem:v6+s4+$0x0], $0xffff  }
0xde: {  	v6 =	vor.u32 v7, v44;
	v7 =	vor.u32 v18, v48;
	_ =	sdelay $0x1  }
0xdf: {  	[tilespmem:v2+s16+$0x0] =	vst.idx.msk $0xffff, v1;
	v1 =	vor.u32 v19, v41  }
0xe0: {  	[tilespmem:v62+s16+$0x0] =	vst.idx.msk $0xffff, v61;
	v2 =	vld.idx.msk [tilespmem:v3+s4+$0x0], $0xffff;
	v3 =	vor.u32 v18, v49  }
0xe1: {  	v61 =	vor.u32 v20, v45;
	v0 =	vld.idx.msk [tilespmem:v0+s4+$0x0], $0xffff;
	[tilespmem:v5+s16+$0x0] =	vst.idx.msk $0xffff, v4  }
0xe2: {  	[tilespmem:v7+s16+$0x0] =	vst.idx.msk $0xffff, v63;
	v7 =	vor.u32 v30, v37  }
0xe3: {  	v4 =	vor.u32 v19, v46;
	v5 =	vld.idx.msk [tilespmem:v6+s4+$0x0], $0xffff;
	v6 =	vor.u32 v18, v51  }
0xe4: {  	v8 =	vor.u32 v19, v44;
	v62 =	vor.u32 v20, v48;
	v1 =	vld.idx.msk [tilespmem:v1+s4+$0x0], $0xffff  }
0xe5: {  	[tilespmem:v3+s16+$0x0] =	vst.idx.msk $0xffff, v2;
	v2 =	vor.u32 v30, v41  }
0xe6: {  	[tilespmem:v61+s16+$0x0] =	vst.idx.msk $0xffff, v0  }
0xe7: {  	v0 =	vld.idx.msk [tilespmem:v7+s4+$0x0], $0xffff;
	v7 =	vor.u32 v22, v45  }
0xe8: {  	[tilespmem:v6+s16+$0x0] =	vst.idx.msk $0xffff, v5;
	v3 =	vld.idx.msk [tilespmem:v4+s4+$0x0], $0xffff;
	v4 =	vor.u32 v20, v49  }
0xe9: {  	v5 =	vor.u32 v30, v46;
	v6 =	vld.idx.msk [tilespmem:v8+s4+$0x0], $0xffff;
	v8 =	vor.u32 v20, v51;
	[tilespmem:v62+s16+$0x0] =	vst.idx.msk $0xffff, v1  }
0xea: {  	v61 =	vor.u32 v22, v48;
	v63 =	vor.u32 v30, v44;
	v2 =	vld.idx.msk [tilespmem:v2+s4+$0x0], $0xffff  }
0xeb: {  	[tilespmem:v60+s16+$0x0] =	vst.idx.msk $0xffff, v59  }
0xec: {  	[tilespmem:v7+s16+$0x0] =	vst.idx.msk $0xffff, v0  }
0xed: {  	[tilespmem:v4+s16+$0x0] =	vst.idx.msk $0xffff, v3  }
0xee: {  	v1 =	vor.u32 v24, v37;
	[tilespmem:v8+s16+$0x0] =	vst.idx.msk $0xffff, v6;
	v4 =	vld.idx.msk [tilespmem:v5+s4+$0x0], $0xffff;
	v5 =	vor.u32 v22, v49  }
0xef: {  	v62 =	vor.u32 v22, v51;
	v8 =	vld.idx.msk [tilespmem:v63+s4+$0x0], $0xffff;
	[tilespmem:v61+s16+$0x0] =	vst.idx.msk $0xffff, v2  }
0xf0: {  	v59 =	vor.u32 v24, v44;
	v63 =	vld [tilespmem:$0x1FF20];
	_ =	sdelay $0x2  }
0xf1: {  	v3 =	vor.u32 v24, v41;
	v0 =	vld.idx.msk [tilespmem:v1+s4+$0x0], $0xffff;
	[tilespmem:v5+s16+$0x0] =	vst.idx.msk $0xffff, v4  }
0xf2: {  	v6 =	vor.u32 v24, v46;
	v61 =	vld [tilespmem:$0x1FF10];
	[tilespmem:v62+s16+$0x0] =	vst.idx.msk $0xffff, v8  }
0xf3: {  	[tilespmem:v53+s16+$0x0] =	vst.idx.msk $0xffff, v57;
	v1 =	vor.u32 v63, v45;
	v45 =	vld.idx.msk [tilespmem:v59+s4+$0x0], $0xffff  }
0xf4: {  	v59 =	vld [tilespmem:$0x1FEC0];
	[tilespmem:v52+s16+$0x0] =	vst.idx.msk $0xffff, v58  }
0xf5: {  	v25 =	vld [tilespmem:$0x1FEF0]  }
0xf6: {  	v3 =	vld.idx.msk [tilespmem:v3+s4+$0x0], $0xffff;
	v4 =	vor.u32 v63, v48  }
0xf7: {  	v6 =	vld.idx.msk [tilespmem:v6+s4+$0x0], $0xffff;
	v7 =	vor.u32 v63, v49  }
0xf8: {  	v48 =	vor.u32 v63, v51;
	v49 =	vld.idx.msk [tilespmem:v55+s4+$0x0], $0xffff;
	v2 =	vor.u32 v61, v37;
	[tilespmem:v1+s16+$0x0] =	vst.idx.msk $0xffff, v0  }
0xf9: {  	v5 =	vor.u32 v61, v41;
	v51 =	vor.u32 v59, v33;
	v60 =	vld [tilespmem:$0x1FEB0]  }
0xfa: {  	v53 =	vld.idx.msk [tilespmem:v56+s4+$0x0], $0xffff;
	v8 =	vor.u32 v61, v46;
	v55 =	vor.u32 v25, v40  }
0xfb: {  	[tilespmem:v4+s16+$0x0] =	vst.idx.msk $0xffff, v3  }
0xfc: {  	v57 =	vld [tilespmem:$0x1FE90];
	[tilespmem:v7+s16+$0x0] =	vst.idx.msk $0xffff, v6  }
0xfd: {  	v52 =	vor.u32 v61, v44;
	v0 =	vld.idx.msk [tilespmem:v2+s4+$0x0], $0xffff;
	[tilespmem:v48+s16+$0x0] =	vst.idx.msk $0xffff, v45  }
0xfe: {  	v3 =	vld.idx.msk [tilespmem:v5+s4+$0x0], $0xffff;
	[tilespmem:v51+s16+$0x0] =	vst.idx.msk $0xffff, v49;
	v1 =	vor.u32 v60, v36  }
0xff: {  	v6 =	vld.idx.msk [tilespmem:v8+s4+$0x0], $0xffff;
	[tilespmem:v55+s16+$0x0] =	vst.idx.msk $0xffff, v53  }
0x100: {  	v27 =	vld [tilespmem:$0x1FE80]  }
0x101: {  	v4 =	vor.u32 v60, v39;
	v2 =	vor.u32 v57, v37;
	v17 =	vld [tilespmem:$0x1FEA0]  }
0x102: {  	v45 =	vld.idx.msk [tilespmem:v52+s4+$0x0], $0xffff;
	v62 =	vor.u32 v60, v43;
	v58 =	vor.u32 v57, v41  }
0x103: {  	v49 =	vld.idx.msk [tilespmem:v54+s4+$0x0], $0xffff;
	v48 =	vor.u32 v60, v47;
	[tilespmem:v1+s16+$0x0] =	vst.idx.msk $0xffff, v0  }
0x104: {  	v51 =	vor.u32 v28, v32;
	v8 =	vor.u32 v57, v46;
	v54 =	vld [tilespmem:$0x1FE70]  }
0x105: {  	v50 =	vld.idx.msk [tilespmem:v50+s4+$0x0], $0xffff;
	v52 =	vor.u32 v57, v44;
	v38 =	vor.u32 v27, v38  }
0x106: {  	v1 =	vor.u32 v59, v36;
	v53 =	vor.u32 v17, v35;
	v2 =	vld.idx.msk [tilespmem:v2+s4+$0x0], $0xffff;
	[tilespmem:v4+s16+$0x0] =	vst.idx.msk $0xffff, v3  }
0x107: {  	v5 =	vor.u32 v59, v39;
	v3 =	vor.u32 v17, v37;
	[tilespmem:v62+s16+$0x0] =	vst.idx.msk $0xffff, v6;
	v4 =	vld.idx.msk [tilespmem:v58+s4+$0x0], $0xffff  }
0x108: {  	[tilespmem:v48+s16+$0x0] =	vst.idx.msk $0xffff, v45;
	v58 =	vor.u32 v17, v41  }
0x109: {  	v62 =	vor.u32 v59, v43;
	[tilespmem:v51+s16+$0x0] =	vst.idx.msk $0xffff, v49;
	v8 =	vld.idx.msk [tilespmem:v8+s4+$0x0], $0xffff;
	v0 =	vor.u32 v54, v42  }
0x10a: {  	v48 =	vor.u32 v59, v47;
	v45 =	vld.idx.msk [tilespmem:v52+s4+$0x0], $0xffff;
	v42 =	vor.u32 v17, v46;
	[tilespmem:v38+s16+$0x0] =	vst.idx.msk $0xffff, v50  }
0x10b: {  	v51 =	vor.u32 v28, v33;
	v49 =	vld.idx.msk [tilespmem:v53+s4+$0x0], $0xffff;
	v38 =	vor.u32 v17, v44;
	[tilespmem:v1+s16+$0x0] =	vst.idx.msk $0xffff, v2  }
0x10c: {  	v55 =	vor.u32 v21, v34;
	v2 =	vld.idx.msk [tilespmem:v3+s4+$0x0], $0xffff;
	v3 =	vor.u32 v28, v36;
	[tilespmem:v5+s16+$0x0] =	vst.idx.msk $0xffff, v4  }
0x10d: {  	v5 =	vld.idx.msk [tilespmem:v58+s4+$0x0], $0xffff;
	v58 =	vor.u32 v28, v39  }
0x10e: {  	v56 =	vor.u32 v27, v40;
	[tilespmem:v62+s16+$0x0] =	vst.idx.msk $0xffff, v8;
	v0 =	vld.idx.msk [tilespmem:v0+s4+$0x0], $0xffff  }
0x10f: {  	[tilespmem:v48+s16+$0x0] =	vst.idx.msk $0xffff, v45;
	v8 =	vld.idx.msk [tilespmem:v42+s4+$0x0], $0xffff;
	v42 =	vor.u32 v28, v43  }
0x110: {  	v48 =	vor.u32 v28, v47;
	[tilespmem:v51+s16+$0x0] =	vst.idx.msk $0xffff, v49;
	v38 =	vld.idx.msk [tilespmem:v38+s4+$0x0], $0xffff  }
0x111: {  	v1 =	vor.u32 v21, v35;
	v49 =	vld.idx.msk [tilespmem:v55+s4+$0x0], $0xffff;
	v55 =	vor.u32 v29, v32;
	[tilespmem:v3+s16+$0x0] =	vst.idx.msk $0xffff, v2  }
0x112: {  	[tilespmem:v58+s16+$0x0] =	vst.idx.msk $0xffff, v5  }
0x113: {  	v4 =	vor.u32 v21, v37;
	[tilespmem:v56+s16+$0x0] =	vst.idx.msk $0xffff, v0  }
0x114: {  	v62 =	vor.u32 v21, v41;
	[tilespmem:v42+s16+$0x0] =	vst.idx.msk $0xffff, v8  }
0x115: {  	v45 =	vor.u32 v21, v46;
	[tilespmem:v48+s16+$0x0] =	vst.idx.msk $0xffff, v38  }
0x116: {  	v1 =	vld.idx.msk [tilespmem:v1+s4+$0x0], $0xffff;
	v0 =	vor.u32 v21, v44;
	[tilespmem:v55+s16+$0x0] =	vst.idx.msk $0xffff, v49  }
0x117: {  	v51 =	vor.u32 v29, v33;
	v56 =	vor.u32 v23, v34;
	v55 =	vld [tilespmem:$0x1FF00]  }
0x118: {  	v2 =	vor.u32 v23, v35;
	v3 =	vld.idx.msk [tilespmem:v4+s4+$0x0], $0xffff;
	v4 =	vor.u32 v29, v36  }
0x119: {  	v6 =	vld.idx.msk [tilespmem:v62+s4+$0x0], $0xffff;
	v62 =	vor.u32 v29, v39  }
0x11a: {  	v42 =	vld.idx.msk [tilespmem:v45+s4+$0x0], $0xffff;
	v45 =	vor.u32 v29, v43  }
0x11b: {  	v48 =	vor.u32 v29, v47;
	v0 =	vld.idx.msk [tilespmem:v0+s4+$0x0], $0xffff  }
0x11c: {  	v58 =	vor.u32 v23, v37;
	[tilespmem:v51+s16+$0x0] =	vst.idx.msk $0xffff, v1;
	v40 =	vld.idx.msk [tilespmem:v56+s4+$0x0], $0xffff;
	v49 =	vor.u32 v55, v32  }
0x11d: {  	v2 =	vld.idx.msk [tilespmem:v2+s4+$0x0], $0xffff;
	[tilespmem:v4+s16+$0x0] =	vst.idx.msk $0xffff, v3;
	v56 =	vor.u32 v55, v33  }
0x11e: {  	[tilespmem:v62+s16+$0x0] =	vst.idx.msk $0xffff, v6  }
0x11f: {  	v8 =	vor.u32 v23, v41;
	[tilespmem:v45+s16+$0x0] =	vst.idx.msk $0xffff, v42  }
0x120: {  	v38 =	vor.u32 v23, v46;
	[tilespmem:v48+s16+$0x0] =	vst.idx.msk $0xffff, v0  }
0x121: {  	v1 =	vor.u32 v23, v44;
	v4 =	vld.idx.msk [tilespmem:v58+s4+$0x0], $0xffff;
	[tilespmem:v49+s16+$0x0] =	vst.idx.msk $0xffff, v40  }
0x122: {  	v52 =	vmov v17;
	v50 =	vor.u32 v26, v34;
	v17 =	vld [tilespmem:$0x1FEE0];
	[tilespmem:v56+s16+$0x0] =	vst.idx.msk $0xffff, v2  }
0x123: {  	v3 =	vor.u32 v26, v35;
	v58 =	vor.u32 v55, v36;
	v31 =	vld [tilespmem:$0x1FED0]  }
0x124: {  	v62 =	vor.u32 v26, v37;
	v7 =	vld.idx.msk [tilespmem:v8+s4+$0x0], $0xffff;
	v8 =	vor.u32 v55, v39  }
0x125: {  	v42 =	vor.u32 v26, v41;
	v45 =	vor.u32 v55, v43;
	v38 =	vld.idx.msk [tilespmem:v38+s4+$0x0], $0xffff  }
0x126: {  	v0 =	vor.u32 v26, v46;
	v1 =	vld.idx.msk [tilespmem:v1+s4+$0x0], $0xffff;
	v40 =	vor.u32 v55, v47  }
0x127: {  	v48 =	vld.idx.msk [tilespmem:v50+s4+$0x0], $0xffff;
	v2 =	vor.u32 v26, v44;
	v49 =	vor.u32 v17, v32  }
0x128: {  	v3 =	vld.idx.msk [tilespmem:v3+s4+$0x0], $0xffff;
	[tilespmem:v58+s16+$0x0] =	vst.idx.msk $0xffff, v4;
	v56 =	vor.u32 v17, v33;
	v50 =	vor.u32 v31, v34  }
0x129: {  	[tilespmem:v8+s16+$0x0] =	vst.idx.msk $0xffff, v7;
	v5 =	vld.idx.msk [tilespmem:v62+s4+$0x0], $0xffff;
	v62 =	vor.u32 v17, v36;
	v58 =	vor.u32 v31, v35  }
0x12a: {  	[tilespmem:v45+s16+$0x0] =	vst.idx.msk $0xffff, v38;
	v8 =	vld.idx.msk [tilespmem:v42+s4+$0x0], $0xffff;
	v42 =	vor.u32 v17, v39;
	v7 =	vor.u32 v31, v37  }
0x12b: {  	v0 =	vld.idx.msk [tilespmem:v0+s4+$0x0], $0xffff;
	[tilespmem:v40+s16+$0x0] =	vst.idx.msk $0xffff, v1;
	v45 =	vor.u32 v17, v43;
	v38 =	vor.u32 v31, v41  }
0x12c: {  	v2 =	vld.idx.msk [tilespmem:v2+s4+$0x0], $0xffff;
	v40 =	vor.u32 v17, v47;
	v1 =	vor.u32 v31, v46;
	[tilespmem:v49+s16+$0x0] =	vst.idx.msk $0xffff, v48  }
0x12d: {  	v48 =	vor.u32 v25, v32;
	[tilespmem:v56+s16+$0x0] =	vst.idx.msk $0xffff, v3;
	v3 =	vor.u32 v31, v44;
	v49 =	vld.idx.msk [tilespmem:v50+s4+$0x0], $0xffff  }
0x12e: {  	v53 =	vor.u32 v54, v34;
	v56 =	vor.u32 v25, v33;
	[tilespmem:v62+s16+$0x0] =	vst.idx.msk $0xffff, v5;
	v4 =	vld.idx.msk [tilespmem:v58+s4+$0x0], $0xffff  }
0x12f: {  	v62 =	vor.u32 v25, v36;
	[tilespmem:v42+s16+$0x0] =	vst.idx.msk $0xffff, v8;
	v58 =	vor.u32 v54, v35;
	v7 =	vld.idx.msk [tilespmem:v7+s4+$0x0], $0xffff  }
0x130: {  	v8 =	vor.u32 v54, v37;
	v37 =	vor.u32 v25, v39;
	[tilespmem:v45+s16+$0x0] =	vst.idx.msk $0xffff, v0;
	v35 =	vld.idx.msk [tilespmem:v38+s4+$0x0], $0xffff  }
0x131: {  	v0 =	vor.u32 v54, v41;
	v45 =	vor.u32 v25, v43;
	[tilespmem:v40+s16+$0x0] =	vst.idx.msk $0xffff, v2;
	v1 =	vld.idx.msk [tilespmem:v1+s4+$0x0], $0xffff  }
0x132: {  	v51 =	vor.u32 v25, v47;
	v2 =	vor.u32 v54, v46;
	v3 =	vld.idx.msk [tilespmem:v3+s4+$0x0], $0xffff;
	[tilespmem:v48+s16+$0x0] =	vst.idx.msk $0xffff, v49  }
0x133: {  	[tilespmem:v56+s16+$0x0] =	vst.idx.msk $0xffff, v4;
	v56 =	vor.u32 v54, v44;
	v34 =	vld.idx.msk [tilespmem:v53+s4+$0x0], $0xffff;
	v53 =	vor.u32 v27, v32  }
0x134: {  	[tilespmem:v62+s16+$0x0] =	vst.idx.msk $0xffff, v7;
	v5 =	vld.idx.msk [tilespmem:v58+s4+$0x0], $0xffff;
	v58 =	vor.u32 v27, v33  }
0x135: {  	v62 =	vor.u32 v27, v36;
	[tilespmem:v37+s16+$0x0] =	vst.idx.msk $0xffff, v35;
	v6 =	vld.idx.msk [tilespmem:v8+s4+$0x0], $0xffff  }
0x136: {  	[tilespmem:v45+s16+$0x0] =	vst.idx.msk $0xffff, v1;
	v0 =	vld.idx.msk [tilespmem:v0+s4+$0x0], $0xffff;
	v8 =	vor.u32 v27, v39  }
0x137: {  	v1 =	vld.idx.msk [tilespmem:v2+s4+$0x0], $0xffff;
	v2 =	vor.u32 v27, v43;
	[tilespmem:v51+s16+$0x0] =	vst.idx.msk $0xffff, v3  }
0x138: {  	v32 =	vor.u32 v27, v47;
	v3 =	vld.idx.msk [tilespmem:v56+s4+$0x0], $0xffff;
	[tilespmem:v53+s16+$0x0] =	vst.idx.msk $0xffff, v34  }
0x139: {  	[tilespmem:v58+s16+$0x0] =	vst.idx.msk $0xffff, v5  }
0x13a: {  	[tilespmem:v62+s16+$0x0] =	vst.idx.msk $0xffff, v6  }
0x13b: {  	s24 =	sadd.s32 s9, s24;
	[tilespmem:v8+s16+$0x0] =	vst.idx.msk $0xffff, v0  }
0x13c: {  	s25 =	sshll.u32 s25, $0x9;
	s30 =	simm.s32 $0x0;
	p3 =	sgt.u32 s24, $0x1E83;
	[tilespmem:v2+s16+$0x0] =	vst.idx.msk $0xffff, v1  }
0x13d: {  	s25 =	sadd.s32 s6, s25;
	s24 =	sshll.u32 @!p3 s24, $0x7;
	s26 =	simm.s32 @!p3 $0x400;
	[tilespmem:v32+s16+$0x0] =	vst.idx.msk $0xffff, v3  }
0x13e: {  	[hbm4b:s25+s4] =	stream.linear.scatter [tilespmem:s16], [sflag:$0x3], $0x1000, $0x38;
	[tilespmem:$0x4000] =	vst v63  }
0x13f: {  	s28 =	simm.s32 @!p3 $0x7A1400;
	s24 =	sadd.s32 @!p3 s1, s24;
	v38 =	vadd.s32 s30, v9;
	s25 =	simm.s32 @!p3 $0x0  }
0x140: {  	v0 =	vand.u32 $0xF, v38;
	[tilespmem:s25], [sflag:$0x1] =	stream.strided.gather @!p3 [hbm4b:s24+s26], $0x1000, s28, s26, $0x38;
	[tilespmem:$0x4000] =	vst v63  }
0x141: {  	v50 =	vshll.u32 v0, $0x7;
	_ =	swait.ge [sflag:s17], $0x1000  }
0x142: {  	v1 =	vor.u32 v9, v50;
	[sflag:s17] =	ssyncset.done $0x0  }
0x143: {  	s31 =	simm.s32 $0x1;
	s24 =	simm.s32 @!p2 $0x4;
	[sflag:s17] =	ssyncadd.s32 $0xFFFFF000  }
0x144: {  	v40 =	vadd.s32 s31, v9;
	_ =	swait.ge @!p2 [sflag:s24], $0x1000  }
0x145: {  	v2 =	vand.u32 $0xF, v40;
	[sflag:s24] =	ssyncset.done @!p2 $0x0  }
0x146: {  	v42 =	vshll.u32 v2, $0x7;
	[sflag:s24] =	ssyncadd.s32 @!p2 $0xFFFFF000  }
0x147: {  	v34 =	vor.u32 v10, v0;
	v3 =	vor.u32 v9, v42;
	v1 =	vld.idx.msk [tilespmem:v1+s14+$0x0], $0xffff  }
0x148: {  	v35 =	vor.u32 v11, v50;
	_ =	sdelay $0x3  }
0x149: {  	v36 =	vor.u32 v10, v2;
	v3 =	vld.idx.msk [tilespmem:v3+s14+$0x0], $0xffff;
	[tilespmem:v34+s18+$0x0] =	vst.idx.msk $0xffff, v1  }
0x14a: {  	v39 =	vor.u32 v12, v0;
	v37 =	vor.u32 v11, v42;
	v1 =	vld.idx.msk [tilespmem:v35+s14+$0x0], $0xffff  }
0x14b: {  	v41 =	vor.u32 v13, v50;
	_ =	sdelay $0x2  }
0x14c: {  	[tilespmem:v36+s18+$0x0] =	vst.idx.msk $0xffff, v3  }
0x14d: {  	v43 =	vor.u32 v12, v2;
	v3 =	vld.idx.msk [tilespmem:v37+s14+$0x0], $0xffff;
	[tilespmem:v39+s18+$0x0] =	vst.idx.msk $0xffff, v1  }
0x14e: {  	v45 =	vor.u32 v14, v0;
	v1 =	vld.idx.msk [tilespmem:v41+s14+$0x0], $0xffff;
	_ =	sdelay $0x1  }
0x14f: {  	v44 =	vor.u32 v13, v42;
	_ =	sdelay $0x1  }
0x150: {  	[tilespmem:v43+s18+$0x0] =	vst.idx.msk $0xffff, v3  }
0x151: {  	v46 =	vor.u32 v15, v50;
	[tilespmem:v45+s18+$0x0] =	vst.idx.msk $0xffff, v1  }
0x152: {  	v27 =	vld [tilespmem:$0x1FE60]  }
0x153: {  	v47 =	vor.u32 v14, v2;
	v3 =	vld.idx.msk [tilespmem:v44+s14+$0x0], $0xffff  }
0x154: {  	v48 =	vor.u32 v15, v42;
	_ =	sdelay $0x1  }
0x155: {  	v49 =	vor.u32 v16, v0;
	v1 =	vld.idx.msk [tilespmem:v46+s14+$0x0], $0xffff  }
0x156: {  	v51 =	vor.u32 v27, v50  }
0x157: {  	s25 =	simm.s32 $0x2;
	[tilespmem:v47+s18+$0x0] =	vst.idx.msk $0xffff, v3  }
0x158: {  	v53 =	vor.u32 v16, v2;
	v32 =	vadd.s32 s25, v9;
	v3 =	vld.idx.msk [tilespmem:v48+s14+$0x0], $0xffff  }
0x159: {  	v43 =	vand.u32 $0xF, v32;
	v54 =	vor.u32 v27, v42  }
0x15a: {  	s26 =	simm.s32 $0x3;
	v34 =	vshll.u32 v43, $0x7;
	[tilespmem:v49+s18+$0x0] =	vst.idx.msk $0xffff, v1  }
0x15b: {  	v56 =	vor.u32 v18, v0;
	v33 =	vadd.s32 s26, v9;
	v1 =	vor.u32 v9, v34;
	v4 =	vld.idx.msk [tilespmem:v51+s14+$0x0], $0xffff  }
0x15c: {  	v8 =	vor.u32 v19, v50;
	v44 =	vand.u32 $0xF, v33  }
0x15d: {  	v35 =	vshll.u32 v44, $0x7;
	[tilespmem:v53+s18+$0x0] =	vst.idx.msk $0xffff, v3  }
0x15e: {  	v62 =	vor.u32 v18, v2;
	v58 =	vor.u32 v9, v35;
	v3 =	vld.idx.msk [tilespmem:v54+s14+$0x0], $0xffff  }
0x15f: {  	v45 =	vor.u32 v19, v42  }
0x160: {  	v46 =	vor.u32 v10, v43;
	v1 =	vld.idx.msk [tilespmem:v1+s14+$0x0], $0xffff;
	[tilespmem:v56+s18+$0x0] =	vst.idx.msk $0xffff, v4  }
0x161: {  	v47 =	vor.u32 v20, v0;
	v4 =	vld.idx.msk [tilespmem:v8+s14+$0x0], $0xffff;
	v8 =	vor.u32 v11, v34  }
0x162: {  	v48 =	vor.u32 v30, v50  }
0x163: {  	v6 =	vld.idx.msk [tilespmem:v58+s14+$0x0], $0xffff;
	[tilespmem:v62+s18+$0x0] =	vst.idx.msk $0xffff, v3;
	v3 =	vor.u32 v10, v44  }
0x164: {  	v49 =	vor.u32 v20, v2;
	v51 =	vor.u32 v11, v35;
	v7 =	vld.idx.msk [tilespmem:v45+s14+$0x0], $0xffff  }
0x165: {  	[tilespmem:v46+s18+$0x0] =	vst.idx.msk $0xffff, v1;
	v1 =	vor.u32 v30, v42  }
0x166: {  	v54 =	vor.u32 v12, v43;
	[tilespmem:v47+s18+$0x0] =	vst.idx.msk $0xffff, v4;
	v53 =	vld.idx.msk [tilespmem:v8+s14+$0x0], $0xffff  }
0x167: {  	v58 =	vor.u32 v22, v0;
	v56 =	vor.u32 v13, v34;
	v8 =	vld.idx.msk [tilespmem:v48+s14+$0x0], $0xffff  }
0x168: {  	[tilespmem:v3+s18+$0x0] =	vst.idx.msk $0xffff, v6;
	v3 =	vor.u32 v24, v50  }
0x169: {  	v62 =	vor.u32 v12, v44;
	[tilespmem:v49+s18+$0x0] =	vst.idx.msk $0xffff, v7;
	v6 =	vld.idx.msk [tilespmem:v51+s14+$0x0], $0xffff  }
0x16a: {  	v46 =	vor.u32 v22, v2;
	v45 =	vor.u32 v13, v35;
	v1 =	vld.idx.msk [tilespmem:v1+s14+$0x0], $0xffff  }
0x16b: {  	v47 =	vor.u32 v24, v42;
	[tilespmem:v54+s18+$0x0] =	vst.idx.msk $0xffff, v53  }
0x16c: {  	v5 =	vld.idx.msk [tilespmem:v56+s14+$0x0], $0xffff;
	[tilespmem:v58+s18+$0x0] =	vst.idx.msk $0xffff, v8;
	v8 =	vor.u32 v14, v43  }
0x16d: {  	v0 =	vor.u32 v63, v0;
	v48 =	vor.u32 v15, v34;
	v3 =	vld.idx.msk [tilespmem:v3+s14+$0x0], $0xffff  }
0x16e: {  	v49 =	vor.u32 v61, v50;
	[tilespmem:v62+s18+$0x0] =	vst.idx.msk $0xffff, v6  }
0x16f: {  	v7 =	vld.idx.msk [tilespmem:v45+s14+$0x0], $0xffff;
	[tilespmem:v46+s18+$0x0] =	vst.idx.msk $0xffff, v1;
	v1 =	vor.u32 v14, v44  }
0x170: {  	v2 =	vor.u32 v63, v2;
	v51 =	vor.u32 v15, v35;
	v4 =	vld.idx.msk [tilespmem:v47+s14+$0x0], $0xffff  }
0x171: {  	v53 =	vor.u32 v61, v42;
	[tilespmem:v8+s18+$0x0] =	vst.idx.msk $0xffff, v5  }
0x172: {  	v8 =	vld.idx.msk [tilespmem:v48+s14+$0x0], $0xffff;
	[tilespmem:v0+s18+$0x0] =	vst.idx.msk $0xffff, v3;
	v0 =	vor.u32 v16, v43  }
0x173: {  	v54 =	vor.u32 v27, v34;
	v58 =	vor.u32 v60, v38;
	v3 =	vld.idx.msk [tilespmem:v49+s14+$0x0], $0xffff  }
0x174: {  	s28 =	simm.s32 $0x4;
	[tilespmem:v1+s18+$0x0] =	vst.idx.msk $0xffff, v7;
	v1 =	vor.u32 v57, v50  }
0x175: {  	v36 =	vadd.s32 s28, v9;
	v7 =	vld.idx.msk [tilespmem:v51+s14+$0x0], $0xffff;
	[tilespmem:v2+s18+$0x0] =	vst.idx.msk $0xffff, v4;
	v2 =	vor.u32 v16, v44  }
0x176: {  	s29 =	simm.s32 $0x5;
	v62 =	vor.u32 v27, v35;
	v45 =	vand.u32 $0xF, v36;
	v56 =	vor.u32 v60, v40;
	v4 =	vld.idx.msk [tilespmem:v53+s14+$0x0], $0xffff  }
0x177: {  	v39 =	vadd.s32 s29, v9;
	v37 =	vshll.u32 v45, $0x7;
	[tilespmem:v0+s18+$0x0] =	vst.idx.msk $0xffff, v8;
	v0 =	vor.u32 v57, v42  }
0x178: {  	v47 =	vor.u32 v9, v37;
	v6 =	vld.idx.msk [tilespmem:v54+s14+$0x0], $0xffff;
	[tilespmem:v58+s18+$0x0] =	vst.idx.msk $0xffff, v3;
	v3 =	vor.u32 v18, v43  }
0x179: {  	v48 =	vand.u32 $0xF, v39;
	v49 =	vor.u32 v19, v34;
	v8 =	vor.u32 v59, v38;
	v1 =	vld.idx.msk [tilespmem:v1+s14+$0x0], $0xffff  }
0x17a: {  	v41 =	vshll.u32 v48, $0x7;
	[tilespmem:v2+s18+$0x0] =	vst.idx.msk $0xffff, v7;
	v2 =	vor.u32 v52, v50  }
0x17b: {  	v7 =	vor.u32 v18, v44;
	v5 =	vld.idx.msk [tilespmem:v62+s14+$0x0], $0xffff;
	[tilespmem:v56+s18+$0x0] =	vst.idx.msk $0xffff, v4;
	v4 =	vor.u32 v9, v41  }
0x17c: {  	v53 =	vmov v52;
	v58 =	vor.u32 v19, v35;
	v62 =	vor.u32 v59, v40;
	v0 =	vld.idx.msk [tilespmem:v0+s14+$0x0], $0xffff  }
0x17d: {  	v47 =	vld.idx.msk [tilespmem:v47+s14+$0x0], $0xffff;
	v56 =	vor.u32 v10, v45;
	[tilespmem:v3+s18+$0x0] =	vst.idx.msk $0xffff, v6;
	v3 =	vor.u32 v53, v42  }
0x17e: {  	v6 =	vld.idx.msk [tilespmem:v49+s14+$0x0], $0xffff;
	[tilespmem:v8+s18+$0x0] =	vst.idx.msk $0xffff, v1;
	v1 =	vor.u32 v20, v43;
	v8 =	vor.u32 v11, v37  }
0x17f: {  	v53 =	vor.u32 v30, v34;
	v49 =	vor.u32 v28, v38;
	v2 =	vld.idx.msk [tilespmem:v2+s14+$0x0], $0xffff  }
0x180: {  	v4 =	vld.idx.msk [tilespmem:v4+s14+$0x0], $0xffff;
	[tilespmem:v7+s18+$0x0] =	vst.idx.msk $0xffff, v5;
	v5 =	vor.u32 v10, v48;
	v7 =	vor.u32 v21, v50  }
0x181: {  	v46 =	vld.idx.msk [tilespmem:v58+s14+$0x0], $0xffff;
	v58 =	vor.u32 v11, v41;
	[tilespmem:v62+s18+$0x0] =	vst.idx.msk $0xffff, v0;
	v0 =	vor.u32 v20, v44  }
0x182: {  	[tilespmem:v56+s18+$0x0] =	vst.idx.msk $0xffff, v47;
	v56 =	vor.u32 v30, v35;
	v62 =	vor.u32 v28, v40;
	v3 =	vld.idx.msk [tilespmem:v3+s14+$0x0], $0xffff  }
0x183: {  	[tilespmem:v1+s18+$0x0] =	vst.idx.msk $0xffff, v6;
	v1 =	vld.idx.msk [tilespmem:v8+s14+$0x0], $0xffff;
	v6 =	vor.u32 v12, v45;
	v8 =	vor.u32 v21, v42  }
0x184: {  	[tilespmem:v49+s18+$0x0] =	vst.idx.msk $0xffff, v2;
	v2 =	vld.idx.msk [tilespmem:v53+s14+$0x0], $0xffff;
	v49 =	vor.u32 v13, v37;
	v53 =	vor.u32 v22, v43  }
0x185: {  	[tilespmem:v5+s18+$0x0] =	vst.idx.msk $0xffff, v4;
	v5 =	vor.u32 v24, v34;
	v4 =	vld.idx.msk [tilespmem:v7+s14+$0x0], $0xffff;
	v7 =	vor.u32 v29, v38  }
0x186: {  	[tilespmem:v0+s18+$0x0] =	vst.idx.msk $0xffff, v46;
	v0 =	vld.idx.msk [tilespmem:v58+s14+$0x0], $0xffff;
	v58 =	vor.u32 v12, v48  }
0x187: {  	v46 =	vor.u32 v23, v50;
	[tilespmem:v62+s18+$0x0] =	vst.idx.msk $0xffff, v3;
	v3 =	vld.idx.msk [tilespmem:v56+s14+$0x0], $0xffff;
	v56 =	vor.u32 v22, v44  }
0x188: {  	v62 =	vor.u32 v13, v41;
	[tilespmem:v6+s18+$0x0] =	vst.idx.msk $0xffff, v1;
	v1 =	vld.idx.msk [tilespmem:v8+s14+$0x0], $0xffff;
	v8 =	vor.u32 v29, v40  }
0x189: {  	v6 =	vor.u32 v24, v35;
	v49 =	vld.idx.msk [tilespmem:v49+s14+$0x0], $0xffff;
	[tilespmem:v53+s18+$0x0] =	vst.idx.msk $0xffff, v2;
	v2 =	vor.u32 v14, v45  }
0x18a: {  	v53 =	vor.u32 v23, v42;
	v5 =	vld.idx.msk [tilespmem:v5+s14+$0x0], $0xffff;
	[tilespmem:v7+s18+$0x0] =	vst.idx.msk $0xffff, v4;
	v7 =	vor.u32 v63, v43  }
0x18b: {  	v4 =	vor.u32 v15, v37;
	[tilespmem:v58+s18+$0x0] =	vst.idx.msk $0xffff, v0  }
0x18c: {  	v46 =	vld.idx.msk [tilespmem:v46+s14+$0x0], $0xffff;
	v0 =	vor.u32 v61, v34;
	v58 =	vor.u32 v55, v38;
	[tilespmem:v56+s18+$0x0] =	vst.idx.msk $0xffff, v3  }
0x18d: {  	v47 =	vld.idx.msk [tilespmem:v62+s14+$0x0], $0xffff;
	v3 =	vor.u32 v26, v50;
	v62 =	vor.u32 v14, v48;
	[tilespmem:v8+s18+$0x0] =	vst.idx.msk $0xffff, v1  }
0x18e: {  	v6 =	vld.idx.msk [tilespmem:v6+s14+$0x0], $0xffff;
	v1 =	vor.u32 v15, v41;
	[tilespmem:v2+s18+$0x0] =	vst.idx.msk $0xffff, v49;
	v2 =	vor.u32 v63, v44  }
0x18f: {  	v8 =	vld.idx.msk [tilespmem:v53+s14+$0x0], $0xffff;
	[tilespmem:v7+s18+$0x0] =	vst.idx.msk $0xffff, v5;
	v5 =	vor.u32 v61, v35;
	v7 =	vor.u32 v55, v40  }
0x190: {  	v44 =	vor.u32 v16, v45;
	v4 =	vld.idx.msk [tilespmem:v4+s14+$0x0], $0xffff  }
0x191: {  	v56 =	vor.u32 v60, v32;
	v0 =	vld.idx.msk [tilespmem:v0+s14+$0x0], $0xffff;
	[tilespmem:v58+s18+$0x0] =	vst.idx.msk $0xffff, v46  }
0x192: {  	v58 =	vor.u32 v17, v38;
	v3 =	vld.idx.msk [tilespmem:v3+s14+$0x0], $0xffff;
	[tilespmem:v62+s18+$0x0] =	vst.idx.msk $0xffff, v47  }
0x193: {  	v54 =	vld.idx.msk [tilespmem:v1+s14+$0x0], $0xffff;
	[tilespmem:v2+s18+$0x0] =	vst.idx.msk $0xffff, v6;
	v6 =	vor.u32 v16, v48  }
0x194: {  	v5 =	vld.idx.msk [tilespmem:v5+s14+$0x0], $0xffff;
	[tilespmem:v7+s18+$0x0] =	vst.idx.msk $0xffff, v8;
	v7 =	vor.u32 v60, v33  }
0x195: {  	[tilespmem:v44+s18+$0x0] =	vst.idx.msk $0xffff, v4  }
0x196: {  	[tilespmem:v56+s18+$0x0] =	vst.idx.msk $0xffff, v0  }
0x197: {  	[tilespmem:v58+s18+$0x0] =	vst.idx.msk $0xffff, v3  }
0x198: {  	[tilespmem:v6+s18+$0x0] =	vst.idx.msk $0xffff, v54  }
0x199: {  	v51 =	vor.u32 v26, v42;
	[tilespmem:v7+s18+$0x0] =	vst.idx.msk $0xffff, v5  }
0x19a: {  	s30 =	simm.s32 $0x6;
	v3 =	vld [tilespmem:$0x1FEA0]  }
0x19b: {  	v43 =	vadd.s32 s30, v9;
	v55 =	vor.u32 v27, v37  }
0x19c: {  	v49 =	vand.u32 $0xF, v43;
	v47 =	vor.u32 v57, v34  }
0x19d: {  	v46 =	vshll.u32 v49, $0x7;
	v2 =	vor.u32 v31, v50  }
0x19e: {  	v53 =	vor.u32 v59, v32;
	v63 =	vor.u32 v9, v46;
	v59 =	vld.idx.msk [tilespmem:v51+s14+$0x0], $0xffff  }
0x19f: {  	v4 =	vor.u32 v27, v41;
	v54 =	vor.u32 v3, v34;
	v3 =	vld [tilespmem:$0x1FE70]  }
0x1a0: {  	v61 =	vld.idx.msk [tilespmem:v55+s14+$0x0], $0xffff;
	v55 =	vor.u32 v57, v35  }
0x1a1: {  	s31 =	simm.s32 $0x7;
	v52 =	vor.u32 v25, v38;
	v57 =	vld.idx.msk [tilespmem:v47+s14+$0x0], $0xffff  }
0x1a2: {  	v62 =	vor.u32 v18, v45;
	v1 =	vor.u32 v10, v49;
	v47 =	vadd.s32 s31, v9;
	v58 =	vld.idx.msk [tilespmem:v2+s14+$0x0], $0xffff  }
0x1a3: {  	v60 =	vor.u32 v17, v40;
	v56 =	vor.u32 v31, v42;
	v51 =	vand.u32 $0xF, v47;
	v2 =	vld.idx.msk [tilespmem:v63+s14+$0x0], $0xffff  }
0x1a4: {  	s24 =	simm.s32 $0x8;
	v0 =	vor.u32 v19, v37;
	v44 =	vshll.u32 v51, $0x7;
	v63 =	vld.idx.msk [tilespmem:v4+s14+$0x0], $0xffff;
	v50 =	vor.u32 v3, v50  }
.LBB2_5:
0x1a5: {  	v5 =	vld.idx.msk [tilespmem:v55+s14+$0x0], $0xffff  }
0x1a6: {  	v31 =	vld [tilespmem:$0x1FEA0]  }
0x1a7: {  	v17 =	vld [tilespmem:$0x1FEF0]  }
0x1a8: {  	v27 =	vld [tilespmem:$0x1FE70]  }
0x1a9: {  	[tilespmem:v62+s18+$0x0] =	vst.idx.msk $0xffff, v61;
	v62 =	vld [tilespmem:$0x1FEC0]  }
0x1aa: {  	v0 =	vld.idx.msk [tilespmem:v0+s14+$0x0], $0xffff;
	[tilespmem:v53+s18+$0x0] =	vst.idx.msk $0xffff, v57  }
0x1ab: {  	v54 =	vld.idx.msk [tilespmem:v54+s14+$0x0], $0xffff  }
0x1ac: {  	v3 =	vor.u32 v9, v44;
	v4 =	vor.u32 v18, v48;
	[tilespmem:v60+s18+$0x0] =	vst.idx.msk $0xffff, v59;
	v59 =	vld [tilespmem:$0x1FE80]  }
0x1ad: {  	v8 =	vld.idx.msk [tilespmem:v56+s14+$0x0], $0xffff;
	v56 =	vor.u32 v20, v45;
	[tilespmem:v52+s18+$0x0] =	vst.idx.msk $0xffff, v58  }
0x1ae: {  	[tilespmem:v1+s18+$0x0] =	vst.idx.msk $0xffff, v2;
	v1 =	vor.u32 v11, v46;
	v2 =	vor.u32 v28, v32  }
0x1af: {  	v6 =	vor.u32 v19, v41;
	v7 =	vor.u32 v62, v33  }
0x1b0: {  	v25 =	vld [tilespmem:$0x1FF00];
	v53 =	vor.u32 v31, v35;
	v55 =	vor.u32 v17, v40  }
0x1b1: {  	v52 =	vor.u32 v30, v37;
	v3 =	vld.idx.msk [tilespmem:v3+s14+$0x0], $0xffff;
	[tilespmem:v4+s18+$0x0] =	vst.idx.msk $0xffff, v63  }
0x1b2: {  	v42 =	vor.u32 v27, v42;
	v50 =	vld.idx.msk [tilespmem:v50+s14+$0x0], $0xffff;
	v60 =	vor.u32 v59, v38;
	[tilespmem:v56+s18+$0x0] =	vst.idx.msk $0xffff, v0  }
0x1b3: {  	v57 =	vor.u32 v10, v51;
	v1 =	vld.idx.msk [tilespmem:v1+s14+$0x0], $0xffff;
	[tilespmem:v2+s18+$0x0] =	vst.idx.msk $0xffff, v54  }
0x1b4: {  	v61 =	vor.u32 v21, v34;
	v63 =	vor.u32 v20, v48;
	v6 =	vld.idx.msk [tilespmem:v6+s14+$0x0], $0xffff;
	[tilespmem:v7+s18+$0x0] =	vst.idx.msk $0xffff, v5  }
0x1b5: {  	v0 =	vor.u32 v28, v33;
	v7 =	vld.idx.msk [tilespmem:v53+s14+$0x0], $0xffff;
	[tilespmem:v55+s18+$0x0] =	vst.idx.msk $0xffff, v8;
	v8 =	vor.u32 v11, v44  }
0x1b6: {  	v54 =	vor.u32 v12, v49;
	v52 =	vld.idx.msk [tilespmem:v52+s14+$0x0], $0xffff;
	v53 =	vor.u32 v30, v41  }
0x1b7: {  	v2 =	vor.u32 v59, v40;
	v42 =	vld.idx.msk [tilespmem:v42+s14+$0x0], $0xffff;
	[tilespmem:v60+s18+$0x0] =	vst.idx.msk $0xffff, v50;
	v60 =	vor.u32 v13, v46  }
0x1b8: {  	v58 =	vld [tilespmem:$0x1FF20];
	v55 =	vor.u32 v21, v35;
	[tilespmem:v57+s18+$0x0] =	vst.idx.msk $0xffff, v3;
	v3 =	vor.u32 v22, v45  }
0x1b9: {  	v50 =	vld.idx.msk [tilespmem:v61+s14+$0x0], $0xffff;
	v61 =	vor.u32 v24, v37;
	[tilespmem:v63+s18+$0x0] =	vst.idx.msk $0xffff, v6  }
0x1ba: {  	v38 =	vmov v32;
	v40 =	vmov v33;
	v6 =	vld.idx.msk [tilespmem:v8+s14+$0x0], $0xffff;
	[tilespmem:v0+s18+$0x0] =	vst.idx.msk $0xffff, v7  }
0x1bb: {  	v63 =	vor.u32 v29, v38;
	[tilespmem:v54+s18+$0x0] =	vst.idx.msk $0xffff, v1;
	v7 =	vmov v37;
	v37 =	vmov v46;
	v46 =	vld.idx.msk [tilespmem:v53+s14+$0x0], $0xffff  }
0x1bc: {  	v8 =	vor.u32 v23, v34;
	v0 =	vor.u32 v12, v51;
	[tilespmem:v2+s18+$0x0] =	vst.idx.msk $0xffff, v42;
	v4 =	vld.idx.msk [tilespmem:v60+s14+$0x0], $0xffff  }
0x1bd: {  	v1 =	vor.u32 v13, v44;
	v2 =	vor.u32 v22, v48;
	[tilespmem:v3+s18+$0x0] =	vst.idx.msk $0xffff, v52;
	v53 =	vld.idx.msk [tilespmem:v55+s14+$0x0], $0xffff  }
0x1be: {  	v54 =	vor.u32 v29, v40;
	v3 =	vor.u32 v24, v41;
	v56 =	vld.idx.msk [tilespmem:v61+s14+$0x0], $0xffff  }
0x1bf: {  	v55 =	vor.u32 v14, v49;
	v61 =	vld [tilespmem:$0x1FF10]  }
0x1c0: {  	v59 =	vld [tilespmem:$0x1FE60];
	[tilespmem:v63+s18+$0x0] =	vst.idx.msk $0xffff, v50  }
0x1c1: {  	v5 =	vor.u32 v23, v35;
	v50 =	vor.u32 v15, v37;
	v8 =	vld.idx.msk [tilespmem:v8+s14+$0x0], $0xffff;
	[tilespmem:v0+s18+$0x0] =	vst.idx.msk $0xffff, v6  }
0x1c2: {  	v60 =	vor.u32 v58, v45;
	v42 =	vmov v35;
	v35 =	vmov v41;
	v1 =	vld.idx.msk [tilespmem:v1+s14+$0x0], $0xffff;
	[tilespmem:v2+s18+$0x0] =	vst.idx.msk $0xffff, v46  }
0x1c3: {  	v41 =	vor.u32 v14, v51;
	v63 =	vor.u32 v25, v38;
	v3 =	vld.idx.msk [tilespmem:v3+s14+$0x0], $0xffff;
	[tilespmem:v54+s18+$0x0] =	vst.idx.msk $0xffff, v53  }
0x1c4: {  	v0 =	vor.u32 v61, v7;
	[tilespmem:v55+s18+$0x0] =	vst.idx.msk $0xffff, v4;
	v54 =	vor.u32 v61, v35;
	v61 =	vld [tilespmem:$0x1FEB0]  }
0x1c5: {  	v55 =	vor.u32 v25, v40;
	v25 =	vmovc v29;
	v29 =	vmovc v28;
	v28 =	vmov v23;
	v23 =	vmov v21;
	v21 =	vld [tilespmem:$0x1FEE0]  }
0x1c6: {  	v32 =	vmovc v36;
	v36 =	vmovc v43;
	v43 =	vadd.s32 s24, v9;
	v33 =	vmov v39;
	v4 =	vor.u32 v15, v44;
	v50 =	vld.idx.msk [tilespmem:v50+s14+$0x0], $0xffff  }
0x1c7: {  	v39 =	vmov v47;
	v47 =	vor.u32 v58, v48;
	v2 =	vor.u32 v26, v34;
	[tilespmem:v60+s18+$0x0] =	vst.idx.msk $0xffff, v56;
	v60 =	vld [tilespmem:$0x1FE90]  }
0x1c8: {  	v45 =	vmov v49;
	v49 =	vand.u32 $0xF, v43;
	v5 =	vld.idx.msk [tilespmem:v5+s14+$0x0], $0xffff  }
0x1c9: {  	v52 =	vor.u32 v17, v38;
	v17 =	vld [tilespmem:$0x1FED0];
	v48 =	vmovc v51;
	v6 =	vor.u32 v26, v42;
	v46 =	vshll.u32 v49, $0x7  }
0x1ca: {  	v51 =	vor.u32 v9, v46;
	v56 =	vor.u32 v16, v45;
	[tilespmem:v41+s18+$0x0] =	vst.idx.msk $0xffff, v1;
	v0 =	vld.idx.msk [tilespmem:v0+s14+$0x0], $0xffff  }
0x1cb: {  	[tilespmem:v63+s18+$0x0] =	vst.idx.msk $0xffff, v8;
	v8 =	vor.u32 v59, v37;
	v57 =	vor.u32 v61, v32;
	v4 =	vld.idx.msk [tilespmem:v4+s14+$0x0], $0xffff  }
0x1cc: {  	[tilespmem:v47+s18+$0x0] =	vst.idx.msk $0xffff, v3;
	v63 =	vor.u32 v16, v48;
	v2 =	vld.idx.msk [tilespmem:v2+s14+$0x0], $0xffff;
	v1 =	vor.u32 v60, v7  }
0x1cd: {  	v58 =	vor.u32 v21, v38;
	v9 =	vld.idx.msk [tilespmem:v54+s14+$0x0], $0xffff;
	[tilespmem:v55+s18+$0x0] =	vst.idx.msk $0xffff, v5;
	v5 =	vor.u32 v59, v44  }
0x1ce: {  	v53 =	vor.u32 v62, v32;
	v62 =	vor.u32 v18, v45;
	v41 =	vmov v44  }
0x1cf: {  	p2 =	slt.u32 s24, $0xE;
	v3 =	vor.u32 v17, v34;
	[tilespmem:v56+s18+$0x0] =	vst.idx.msk $0xffff, v50;
	v50 =	vor.u32 v61, v33;
	v59 =	vld.idx.msk [tilespmem:v6+s14+$0x0], $0xffff  }
.Ltmp3:
0x1d0: {  	v55 =	vor.u32 v60, v35;
	v60 =	vor.u32 v21, v40;
	v61 =	vld.idx.msk [tilespmem:v8+s14+$0x0], $0xffff;
	[tilespmem:v57+s18+$0x0] =	vst.idx.msk $0xffff, v0;
	(pc) =	sbr.rel @p2 .LBB2_5-.Ltmp3, $4  }
0x1d1: {  	s25 =	sadd.s32 $0x1, s24;
	v47 =	vlaneseq.u32;
	v21 =	vmovc v23;
	v23 =	vmov v28;
	v56 =	vor.u32 v17, v42;
	[tilespmem:v63+s18+$0x0] =	vst.idx.msk $0xffff, v4;
	v57 =	vld.idx.msk [tilespmem:v1+s14+$0x0], $0xffff  }
0x1d2: {  	v28 =	vmov v29;
	v47 =	vadd.s32 s25, v47;
	v54 =	vor.u32 v31, v7;
	[tilespmem:v58+s18+$0x0] =	vst.idx.msk $0xffff, v2;
	v63 =	vld.idx.msk [tilespmem:v5+s14+$0x0], $0xffff  }
0x1d3: {  	v29 =	vmovc v25;
	v0 =	vor.u32 v19, v37;
	v1 =	vor.u32 v10, v49;
	v2 =	vld.idx.msk [tilespmem:v51+s14+$0x0], $0xffff;
	v51 =	vand.u32 $0xF, v47  }
0x1d4: {  	s24 =	sadd.s32 $0x2, s24;
	[tilespmem:v50+s18+$0x0] =	vst.idx.msk $0xffff, v9;
	v9 =	vlaneseq.u32;
	v50 =	vor.u32 v27, v34;
	v34 =	vmovc v7;
	v58 =	vld.idx.msk [tilespmem:v3+s14+$0x0], $0xffff;
	v44 =	vshll.u32 v51, $0x7  }
0x1d5: {  	v3 =	vor.u32 v9, v44;
	_ =	sdelay $0x4  }
0x1d6: {  	v4 =	vor.u32 v11, v46;
	v5 =	vor.u32 v10, v51;
	v3 =	vld.idx.msk [tilespmem:v3+s14+$0x0], $0xffff  }
0x1d7: {  	v6 =	vor.u32 v11, v44;
	_ =	sdelay $0x2  }
0x1d8: {  	[tilespmem:v1+s18+$0x0] =	vst.idx.msk $0xffff, v2  }
0x1d9: {  	v2 =	vor.u32 v12, v49;
	v1 =	vld.idx.msk [tilespmem:v4+s14+$0x0], $0xffff;
	[tilespmem:v5+s18+$0x0] =	vst.idx.msk $0xffff, v3  }
0x1da: {  	v3 =	vor.u32 v13, v46;
	v5 =	vor.u32 v12, v51;
	v4 =	vld.idx.msk [tilespmem:v6+s14+$0x0], $0xffff  }
0x1db: {  	v6 =	vor.u32 v13, v44;
	_ =	sdelay $0x2  }
0x1dc: {  	[tilespmem:v2+s18+$0x0] =	vst.idx.msk $0xffff, v1  }
0x1dd: {  	v2 =	vor.u32 v14, v49;
	v1 =	vld.idx.msk [tilespmem:v3+s14+$0x0], $0xffff;
	[tilespmem:v5+s18+$0x0] =	vst.idx.msk $0xffff, v4  }
0x1de: {  	v5 =	vor.u32 v14, v51;
	v4 =	vld.idx.msk [tilespmem:v6+s14+$0x0], $0xffff;
	_ =	sdelay $0x3  }
0x1df: {  	[tilespmem:v2+s18+$0x0] =	vst.idx.msk $0xffff, v1  }
0x1e0: {  	v3 =	vor.u32 v15, v46;
	[tilespmem:v5+s18+$0x0] =	vst.idx.msk $0xffff, v4  }
0x1e1: {  	v7 =	vld [tilespmem:$0x1FE60]  }
0x1e2: {  	v6 =	vor.u32 v15, v44;
	_ =	sdelay $0x2  }
0x1e3: {  	v2 =	vor.u32 v16, v49;
	v1 =	vld.idx.msk [tilespmem:v3+s14+$0x0], $0xffff  }
0x1e4: {  	v3 =	vor.u32 v7, v46  }
0x1e5: {  	v5 =	vor.u32 v16, v51;
	v4 =	vld.idx.msk [tilespmem:v6+s14+$0x0], $0xffff  }
0x1e6: {  	v6 =	vor.u32 v7, v44;
	v7 =	vor.u32 v18, v48;
	_ =	sdelay $0x1  }
0x1e7: {  	[tilespmem:v2+s18+$0x0] =	vst.idx.msk $0xffff, v1;
	v1 =	vor.u32 v19, v41  }
0x1e8: {  	[tilespmem:v62+s18+$0x0] =	vst.idx.msk $0xffff, v61;
	v2 =	vld.idx.msk [tilespmem:v3+s14+$0x0], $0xffff;
	v3 =	vor.u32 v18, v49  }
0x1e9: {  	v9 =	vor.u32 v20, v45;
	v0 =	vld.idx.msk [tilespmem:v0+s14+$0x0], $0xffff;
	[tilespmem:v5+s18+$0x0] =	vst.idx.msk $0xffff, v4  }
0x1ea: {  	[tilespmem:v7+s18+$0x0] =	vst.idx.msk $0xffff, v63;
	v7 =	vor.u32 v30, v37  }
0x1eb: {  	v4 =	vor.u32 v19, v46;
	v5 =	vld.idx.msk [tilespmem:v6+s14+$0x0], $0xffff;
	v6 =	vor.u32 v18, v51  }
0x1ec: {  	v8 =	vor.u32 v19, v44;
	v61 =	vor.u32 v20, v48;
	v1 =	vld.idx.msk [tilespmem:v1+s14+$0x0], $0xffff  }
0x1ed: {  	[tilespmem:v3+s18+$0x0] =	vst.idx.msk $0xffff, v2;
	v2 =	vor.u32 v30, v41  }
0x1ee: {  	[tilespmem:v9+s18+$0x0] =	vst.idx.msk $0xffff, v0  }
0x1ef: {  	v0 =	vld.idx.msk [tilespmem:v7+s14+$0x0], $0xffff;
	v7 =	vor.u32 v22, v45  }
0x1f0: {  	[tilespmem:v6+s18+$0x0] =	vst.idx.msk $0xffff, v5;
	v3 =	vld.idx.msk [tilespmem:v4+s14+$0x0], $0xffff;
	v4 =	vor.u32 v20, v49  }
0x1f1: {  	v6 =	vld.idx.msk [tilespmem:v8+s14+$0x0], $0xffff;
	v8 =	vor.u32 v20, v51;
	[tilespmem:v61+s18+$0x0] =	vst.idx.msk $0xffff, v1  }
0x1f2: {  	v9 =	vor.u32 v22, v48;
	v2 =	vld.idx.msk [tilespmem:v2+s14+$0x0], $0xffff  }
0x1f3: {  	[tilespmem:v60+s18+$0x0] =	vst.idx.msk $0xffff, v59  }
0x1f4: {  	v5 =	vor.u32 v30, v46;
	[tilespmem:v7+s18+$0x0] =	vst.idx.msk $0xffff, v0  }
0x1f5: {  	v62 =	vor.u32 v30, v44;
	[tilespmem:v4+s18+$0x0] =	vst.idx.msk $0xffff, v3  }
0x1f6: {  	[tilespmem:v8+s18+$0x0] =	vst.idx.msk $0xffff, v6  }
0x1f7: {  	[tilespmem:v9+s18+$0x0] =	vst.idx.msk $0xffff, v2  }
0x1f8: {  	v1 =	vor.u32 v24, v37;
	v60 =	vld [tilespmem:$0x1FF20]  }
0x1f9: {  	v3 =	vor.u32 v24, v41;
	v4 =	vld.idx.msk [tilespmem:v5+s14+$0x0], $0xffff;
	v5 =	vor.u32 v22, v49  }
0x1fa: {  	v61 =	vor.u32 v22, v51;
	v8 =	vld.idx.msk [tilespmem:v62+s14+$0x0], $0xffff;
	_ =	sdelay $0x2  }
0x1fb: {  	v0 =	vld.idx.msk [tilespmem:v1+s14+$0x0], $0xffff;
	v1 =	vor.u32 v60, v45  }
0x1fc: {  	v3 =	vld.idx.msk [tilespmem:v3+s14+$0x0], $0xffff;
	[tilespmem:v5+s18+$0x0] =	vst.idx.msk $0xffff, v4;
	v4 =	vor.u32 v60, v48  }
0x1fd: {  	v25 =	vld [tilespmem:$0x1FF10];
	[tilespmem:v61+s18+$0x0] =	vst.idx.msk $0xffff, v8  }
0x1fe: {  	v6 =	vor.u32 v24, v46;
	[tilespmem:v53+s18+$0x0] =	vst.idx.msk $0xffff, v57  }
0x1ff: {  	v59 =	vor.u32 v24, v44;
	[tilespmem:v52+s18+$0x0] =	vst.idx.msk $0xffff, v58  }
0x200: {  	v31 =	vld [tilespmem:$0x1FEC0];
	[tilespmem:v1+s18+$0x0] =	vst.idx.msk $0xffff, v0  }
0x201: {  	v53 =	vld [tilespmem:$0x1FEF0];
	[tilespmem:v4+s18+$0x0] =	vst.idx.msk $0xffff, v3  }
0x202: {  	v2 =	vor.u32 v25, v37;
	v58 =	vld [tilespmem:$0x1FEB0]  }
0x203: {  	v6 =	vld.idx.msk [tilespmem:v6+s14+$0x0], $0xffff;
	v7 =	vor.u32 v60, v49;
	v5 =	vor.u32 v25, v41  }
0x204: {  	v9 =	vld.idx.msk [tilespmem:v59+s14+$0x0], $0xffff;
	v45 =	vor.u32 v60, v51  }
0x205: {  	v61 =	vld.idx.msk [tilespmem:v55+s14+$0x0], $0xffff;
	v62 =	vor.u32 v31, v33  }
0x206: {  	v0 =	vld.idx.msk [tilespmem:v56+s14+$0x0], $0xffff;
	v1 =	vor.u32 v53, v40  }
0x207: {  	v2 =	vld.idx.msk [tilespmem:v2+s14+$0x0], $0xffff;
	v3 =	vor.u32 v58, v36  }
0x208: {  	[tilespmem:v7+s18+$0x0] =	vst.idx.msk $0xffff, v6;
	v5 =	vld.idx.msk [tilespmem:v5+s14+$0x0], $0xffff  }
0x209: {  	v57 =	vld [tilespmem:$0x1FE90];
	[tilespmem:v45+s18+$0x0] =	vst.idx.msk $0xffff, v9;
	v6 =	vor.u32 v58, v39  }
0x20a: {  	[tilespmem:v62+s18+$0x0] =	vst.idx.msk $0xffff, v61  }
0x20b: {  	v8 =	vor.u32 v25, v46;
	[tilespmem:v1+s18+$0x0] =	vst.idx.msk $0xffff, v0  }
0x20c: {  	v63 =	vor.u32 v25, v44;
	[tilespmem:v3+s18+$0x0] =	vst.idx.msk $0xffff, v2;
	v3 =	vld.idx.msk [tilespmem:v50+s14+$0x0], $0xffff  }
0x20d: {  	v27 =	vld [tilespmem:$0x1FEA0]  }
0x20e: {  	v52 =	vld [tilespmem:$0x1FE80];
	[tilespmem:v6+s18+$0x0] =	vst.idx.msk $0xffff, v5  }
0x20f: {  	v4 =	vor.u32 v57, v37;
	v50 =	vld [tilespmem:$0x1FE70]  }
0x210: {  	v8 =	vld.idx.msk [tilespmem:v8+s14+$0x0], $0xffff;
	v9 =	vor.u32 v58, v43;
	v7 =	vor.u32 v57, v41  }
0x211: {  	v56 =	vld.idx.msk [tilespmem:v63+s14+$0x0], $0xffff;
	v59 =	vor.u32 v58, v47;
	v45 =	vor.u32 v57, v46  }
0x212: {  	v61 =	vld.idx.msk [tilespmem:v54+s14+$0x0], $0xffff;
	v0 =	vor.u32 v28, v32;
	v1 =	vor.u32 v57, v44  }
0x213: {  	v2 =	vor.u32 v27, v35;
	v38 =	vor.u32 v52, v38  }
0x214: {  	v6 =	vor.u32 v31, v36;
	v4 =	vld.idx.msk [tilespmem:v4+s14+$0x0], $0xffff;
	v5 =	vor.u32 v50, v42  }
0x215: {  	[tilespmem:v9+s18+$0x0] =	vst.idx.msk $0xffff, v8;
	v7 =	vld.idx.msk [tilespmem:v7+s14+$0x0], $0xffff;
	v9 =	vor.u32 v31, v39;
	v8 =	vor.u32 v27, v37  }
0x216: {  	v63 =	vor.u32 v31, v43;
	[tilespmem:v59+s18+$0x0] =	vst.idx.msk $0xffff, v56;
	v45 =	vld.idx.msk [tilespmem:v45+s14+$0x0], $0xffff;
	v62 =	vor.u32 v27, v41  }
0x217: {  	v54 =	vor.u32 v31, v47;
	[tilespmem:v0+s18+$0x0] =	vst.idx.msk $0xffff, v61;
	v1 =	vld.idx.msk [tilespmem:v1+s14+$0x0], $0xffff;
	v0 =	vor.u32 v27, v46  }
0x218: {  	v55 =	vor.u32 v27, v44;
	v2 =	vld.idx.msk [tilespmem:v2+s14+$0x0], $0xffff;
	[tilespmem:v38+s18+$0x0] =	vst.idx.msk $0xffff, v3;
	v3 =	vor.u32 v28, v33  }
0x219: {  	[tilespmem:v6+s18+$0x0] =	vst.idx.msk $0xffff, v4;
	v4 =	vor.u32 v21, v34;
	v6 =	vor.u32 v52, v40;
	v5 =	vld.idx.msk [tilespmem:v5+s14+$0x0], $0xffff  }
0x21a: {  	[tilespmem:v9+s18+$0x0] =	vst.idx.msk $0xffff, v7;
	v7 =	vor.u32 v21, v35;
	v9 =	vor.u32 v28, v36;
	v8 =	vld.idx.msk [tilespmem:v8+s14+$0x0], $0xffff  }
0x21b: {  	v59 =	vor.u32 v28, v39;
	[tilespmem:v63+s18+$0x0] =	vst.idx.msk $0xffff, v45;
	v42 =	vld.idx.msk [tilespmem:v62+s14+$0x0], $0xffff  }
0x21c: {  	v61 =	vor.u32 v28, v43;
	[tilespmem:v54+s18+$0x0] =	vst.idx.msk $0xffff, v1;
	v0 =	vld.idx.msk [tilespmem:v0+s14+$0x0], $0xffff  }
0x21d: {  	v62 =	vor.u32 v28, v47;
	[tilespmem:v3+s18+$0x0] =	vst.idx.msk $0xffff, v2;
	v3 =	vld.idx.msk [tilespmem:v55+s14+$0x0], $0xffff  }
0x21e: {  	v4 =	vld.idx.msk [tilespmem:v4+s14+$0x0], $0xffff;
	[tilespmem:v6+s18+$0x0] =	vst.idx.msk $0xffff, v5;
	v5 =	vor.u32 v29, v32  }
0x21f: {  	[tilespmem:v9+s18+$0x0] =	vst.idx.msk $0xffff, v8;
	v9 =	vor.u32 v29, v33;
	v7 =	vld.idx.msk [tilespmem:v7+s14+$0x0], $0xffff  }
0x220: {  	[tilespmem:v59+s18+$0x0] =	vst.idx.msk $0xffff, v42  }
0x221: {  	v56 =	vor.u32 v21, v37;
	[tilespmem:v61+s18+$0x0] =	vst.idx.msk $0xffff, v0  }
0x222: {  	v1 =	vor.u32 v21, v41;
	[tilespmem:v62+s18+$0x0] =	vst.idx.msk $0xffff, v3  }
0x223: {  	v2 =	vor.u32 v21, v46;
	[tilespmem:v5+s18+$0x0] =	vst.idx.msk $0xffff, v4  }
0x224: {  	v6 =	vor.u32 v21, v44;
	[tilespmem:v9+s18+$0x0] =	vst.idx.msk $0xffff, v7  }
0x225: {  	v8 =	vor.u32 v23, v34;
	v51 =	vld [tilespmem:$0x1FF00]  }
0x226: {  	v63 =	vor.u32 v23, v35;
	v54 =	vor.u32 v29, v36;
	v40 =	vld.idx.msk [tilespmem:v56+s14+$0x0], $0xffff  }
0x227: {  	v0 =	vor.u32 v23, v37;
	v55 =	vor.u32 v29, v39;
	v1 =	vld.idx.msk [tilespmem:v1+s14+$0x0], $0xffff  }
0x228: {  	v56 =	vor.u32 v29, v43;
	v2 =	vld.idx.msk [tilespmem:v2+s14+$0x0], $0xffff  }
0x229: {  	v5 =	vld.idx.msk [tilespmem:v6+s14+$0x0], $0xffff;
	v6 =	vor.u32 v29, v47  }
0x22a: {  	v8 =	vld.idx.msk [tilespmem:v8+s14+$0x0], $0xffff;
	v7 =	vor.u32 v51, v32  }
0x22b: {  	[tilespmem:v54+s18+$0x0] =	vst.idx.msk $0xffff, v40;
	v42 =	vld.idx.msk [tilespmem:v63+s14+$0x0], $0xffff;
	v61 =	vor.u32 v51, v33  }
0x22c: {  	[tilespmem:v55+s18+$0x0] =	vst.idx.msk $0xffff, v1;
	v0 =	vld.idx.msk [tilespmem:v0+s14+$0x0], $0xffff;
	v62 =	vor.u32 v51, v36  }
0x22d: {  	[tilespmem:v56+s18+$0x0] =	vst.idx.msk $0xffff, v2  }
0x22e: {  	v3 =	vor.u32 v23, v41;
	[tilespmem:v6+s18+$0x0] =	vst.idx.msk $0xffff, v5  }
0x22f: {  	v4 =	vor.u32 v23, v46;
	[tilespmem:v7+s18+$0x0] =	vst.idx.msk $0xffff, v8  }
0x230: {  	v9 =	vor.u32 v23, v44;
	[tilespmem:v61+s18+$0x0] =	vst.idx.msk $0xffff, v42  }
0x231: {  	v59 =	vor.u32 v26, v34;
	v17 =	vld [tilespmem:$0x1FEE0];
	[tilespmem:v62+s18+$0x0] =	vst.idx.msk $0xffff, v0  }
0x232: {  	v1 =	vor.u32 v26, v35;
	v49 =	vld [tilespmem:$0x1FED0]  }
0x233: {  	v2 =	vor.u32 v26, v37;
	v3 =	vld.idx.msk [tilespmem:v3+s14+$0x0], $0xffff;
	v63 =	vor.u32 v51, v39  }
0x234: {  	v5 =	vor.u32 v26, v41;
	v4 =	vld.idx.msk [tilespmem:v4+s14+$0x0], $0xffff;
	v6 =	vor.u32 v51, v43  }
0x235: {  	v7 =	vor.u32 v26, v46;
	v8 =	vld.idx.msk [tilespmem:v9+s14+$0x0], $0xffff;
	v9 =	vor.u32 v51, v47  }
0x236: {  	v55 =	vor.u32 v26, v44;
	v40 =	vld.idx.msk [tilespmem:v59+s14+$0x0], $0xffff;
	v54 =	vor.u32 v17, v32  }
0x237: {  	v1 =	vld.idx.msk [tilespmem:v1+s14+$0x0], $0xffff;
	v56 =	vor.u32 v17, v33;
	v0 =	vor.u32 v49, v34  }
0x238: {  	[tilespmem:v63+s18+$0x0] =	vst.idx.msk $0xffff, v3;
	v2 =	vld.idx.msk [tilespmem:v2+s14+$0x0], $0xffff;
	v59 =	vor.u32 v17, v36;
	v3 =	vor.u32 v49, v35  }
0x239: {  	[tilespmem:v6+s18+$0x0] =	vst.idx.msk $0xffff, v4;
	v5 =	vld.idx.msk [tilespmem:v5+s14+$0x0], $0xffff;
	v6 =	vor.u32 v17, v39;
	v4 =	vor.u32 v49, v37  }
0x23a: {  	[tilespmem:v9+s18+$0x0] =	vst.idx.msk $0xffff, v8;
	v7 =	vld.idx.msk [tilespmem:v7+s14+$0x0], $0xffff;
	v9 =	vor.u32 v17, v43;
	v8 =	vor.u32 v49, v41  }
0x23b: {  	v62 =	vld.idx.msk [tilespmem:v55+s14+$0x0], $0xffff;
	v63 =	vor.u32 v17, v47;
	v61 =	vor.u32 v49, v46;
	[tilespmem:v54+s18+$0x0] =	vst.idx.msk $0xffff, v40  }
0x23c: {  	[tilespmem:v56+s18+$0x0] =	vst.idx.msk $0xffff, v1;
	v1 =	vor.u32 v53, v32;
	v54 =	vor.u32 v49, v44;
	v0 =	vld.idx.msk [tilespmem:v0+s14+$0x0], $0xffff  }
0x23d: {  	v55 =	vor.u32 v53, v33;
	[tilespmem:v59+s18+$0x0] =	vst.idx.msk $0xffff, v2;
	v2 =	vor.u32 v50, v34;
	v3 =	vld.idx.msk [tilespmem:v3+s14+$0x0], $0xffff  }
0x23e: {  	[tilespmem:v6+s18+$0x0] =	vst.idx.msk $0xffff, v5;
	v5 =	vor.u32 v50, v35;
	v6 =	vor.u32 v53, v36;
	v4 =	vld.idx.msk [tilespmem:v4+s14+$0x0], $0xffff  }
0x23f: {  	[tilespmem:v9+s18+$0x0] =	vst.idx.msk $0xffff, v7;
	v7 =	vor.u32 v50, v37;
	v9 =	vor.u32 v53, v39;
	v8 =	vld.idx.msk [tilespmem:v8+s14+$0x0], $0xffff  }
0x240: {  	[tilespmem:v63+s18+$0x0] =	vst.idx.msk $0xffff, v62;
	v56 =	vor.u32 v50, v41;
	v59 =	vor.u32 v53, v43;
	v61 =	vld.idx.msk [tilespmem:v61+s14+$0x0], $0xffff  }
0x241: {  	v62 =	vor.u32 v53, v47;
	[tilespmem:v1+s18+$0x0] =	vst.idx.msk $0xffff, v0;
	v0 =	vor.u32 v50, v46;
	v1 =	vld.idx.msk [tilespmem:v54+s14+$0x0], $0xffff  }
0x242: {  	v63 =	vor.u32 v50, v44;
	[tilespmem:v55+s18+$0x0] =	vst.idx.msk $0xffff, v3;
	v3 =	vor.u32 v52, v32;
	v2 =	vld.idx.msk [tilespmem:v2+s14+$0x0], $0xffff  }
0x243: {  	[tilespmem:v6+s18+$0x0] =	vst.idx.msk $0xffff, v4;
	v4 =	vld.idx.msk [tilespmem:v5+s14+$0x0], $0xffff;
	v5 =	vor.u32 v52, v33  }
0x244: {  	[tilespmem:v9+s18+$0x0] =	vst.idx.msk $0xffff, v8;
	v6 =	vld.idx.msk [tilespmem:v7+s14+$0x0], $0xffff;
	v7 =	vor.u32 v52, v36  }
0x245: {  	[tilespmem:v59+s18+$0x0] =	vst.idx.msk $0xffff, v61;
	v9 =	vor.u32 v52, v39;
	v8 =	vld.idx.msk [tilespmem:v56+s14+$0x0], $0xffff  }
0x246: {  	[tilespmem:v62+s18+$0x0] =	vst.idx.msk $0xffff, v1;
	v0 =	vld.idx.msk [tilespmem:v0+s14+$0x0], $0xffff;
	v1 =	vor.u32 v52, v43  }
0x247: {  	s22 =	sadd.s32 $0x1, s22;
	[tilespmem:v3+s18+$0x0] =	vst.idx.msk $0xffff, v2;
	v2 =	vld.idx.msk [tilespmem:v63+s14+$0x0], $0xffff;
	v3 =	vor.u32 v52, v47  }
0x248: {  	p2 =	sne.s32 s22, $0x7A;
	[tilespmem:v5+s18+$0x0] =	vst.idx.msk $0xffff, v4  }
.Ltmp4:
0x249: {  	[tilespmem:v7+s18+$0x0] =	vst.idx.msk $0xffff, v6;
	(pc) =	sbr.rel @p2 .LBB2_2-.Ltmp4, $4  }
0x24a: {  	v61 =	vmovc v30;
	v59 =	vmov v22;
	v30 =	vmov v28;
	v22 =	vmov v17;
	[tilespmem:v9+s18+$0x0] =	vst.idx.msk $0xffff, v8  }
0x24b: {  	s23 =	sshll.u32 s23, $0x9;
	v28 =	vmovc v53;
	v62 =	vmovc v29;
	v29 =	vmov v51;
	v9 =	vlaneseq.u32;
	v5 =	vmov v10;
	[tilespmem:v1+s18+$0x0] =	vst.idx.msk $0xffff, v0  }
0x24c: {  	s23 =	sadd.s32 s6, s23;
	v4 =	vmovc v19;
	v63 =	vmovc v24;
	v24 =	vmov v60;
	v19 =	vmov v31;
	v8 =	vmov v27;
	[tilespmem:v3+s18+$0x0] =	vst.idx.msk $0xffff, v2  }
0x24d: {  	v60 =	vmovc v21;
	v10 =	vmovc v23;
	v1 =	vmov v50;
	v3 =	vmov v18;
	v18 =	vmov v49;
	[hbm4b:s23+s4] =	stream.linear.scatter [tilespmem:s18], [sflag:$0x4], $0x1000, $0x38;
	[tilespmem:$0x4000] =	vst v63  }
.Ltmp5:
0x24e: {  	(pc) =	sbr.rel @p0 .LBB2_11-.Ltmp5, $2  }
0x24f: {  	_ =	sdelay $0x2  }
0x250: {  	s22 =	simm.s32 $0x4  }
0x251: {  	s22 =	simm.s32 $0x0  }
0x252: {  	v40 =	vadd.s32 s22, v9  }
0x253: {  	v0 =	vand.u32 $0xF, v40  }
0x254: {  	_ =	swait.ge [sflag:s15], $0x1000;
	v50 =	vshll.u32 v0, $0x7  }
0x255: {  	[sflag:s15] =	ssyncset.done $0x0;
	v1 =	vor.u32 v9, v50  }
0x256: {  	s24 =	simm.s32 $0x1;
	[sflag:s15] =	ssyncadd.s32 $0xFFFFF000  }
0x257: {  	v39 =	vadd.s32 s24, v9;
	_ =	swait.ge [sflag:s19], $0x1000  }
0x258: {  	v2 =	vand.u32 $0xF, v39;
	[sflag:s19] =	ssyncset.done $0x0  }
0x259: {  	v42 =	vshll.u32 v2, $0x7;
	[sflag:s19] =	ssyncadd.s32 $0xFFFFF000  }
0x25a: {  	v27 =	vmov v3;
	v41 =	vor.u32 v5, v0;
	v3 =	vor.u32 v9, v42;
	v1 =	vld.idx.msk [tilespmem:v1+s4+$0x0], $0xffff  }
0x25b: {  	v43 =	vor.u32 v11, v50;
	_ =	sdelay $0x2  }
0x25c: {  	v23 =	vmov v5  }
0x25d: {  	v6 =	vor.u32 v23, v2;
	v3 =	vld.idx.msk [tilespmem:v3+s4+$0x0], $0xffff;
	[tilespmem:v41+s16+$0x0] =	vst.idx.msk $0xffff, v1  }
0x25e: {  	v44 =	vor.u32 v12, v0;
	v7 =	vor.u32 v11, v42;
	v1 =	vld.idx.msk [tilespmem:v43+s4+$0x0], $0xffff  }
0x25f: {  	v45 =	vor.u32 v13, v50;
	_ =	sdelay $0x2  }
0x260: {  	[tilespmem:v6+s16+$0x0] =	vst.idx.msk $0xffff, v3  }
0x261: {  	v6 =	vor.u32 v12, v2;
	v3 =	vld.idx.msk [tilespmem:v7+s4+$0x0], $0xffff;
	[tilespmem:v44+s16+$0x0] =	vst.idx.msk $0xffff, v1  }
0x262: {  	v46 =	vor.u32 v14, v0;
	v1 =	vld.idx.msk [tilespmem:v45+s4+$0x0], $0xffff;
	_ =	sdelay $0x1  }
0x263: {  	v7 =	vor.u32 v13, v42;
	_ =	sdelay $0x1  }
0x264: {  	[tilespmem:v6+s16+$0x0] =	vst.idx.msk $0xffff, v3  }
0x265: {  	v47 =	vor.u32 v15, v50;
	[tilespmem:v46+s16+$0x0] =	vst.idx.msk $0xffff, v1  }
0x266: {  	v17 =	vld [tilespmem:$0x1FE60]  }
0x267: {  	v6 =	vor.u32 v14, v2;
	v3 =	vld.idx.msk [tilespmem:v7+s4+$0x0], $0xffff  }
0x268: {  	v7 =	vor.u32 v15, v42;
	_ =	sdelay $0x1  }
0x269: {  	v48 =	vor.u32 v16, v0;
	v1 =	vld.idx.msk [tilespmem:v47+s4+$0x0], $0xffff  }
0x26a: {  	v49 =	vor.u32 v17, v50  }
0x26b: {  	s25 =	simm.s32 $0x2;
	[tilespmem:v6+s16+$0x0] =	vst.idx.msk $0xffff, v3  }
0x26c: {  	v32 =	vadd.s32 s25, v9;
	v6 =	vor.u32 v16, v2;
	v3 =	vld.idx.msk [tilespmem:v7+s4+$0x0], $0xffff  }
0x26d: {  	v43 =	vand.u32 $0xF, v32;
	v7 =	vor.u32 v17, v42  }
0x26e: {  	s26 =	simm.s32 $0x3;
	v34 =	vshll.u32 v43, $0x7;
	[tilespmem:v48+s16+$0x0] =	vst.idx.msk $0xffff, v1  }
0x26f: {  	v31 =	vmovc v4;
	v33 =	vadd.s32 s26, v9;
	v5 =	vor.u32 v27, v0;
	v1 =	vor.u32 v9, v34;
	v4 =	vld.idx.msk [tilespmem:v49+s4+$0x0], $0xffff  }
0x270: {  	v44 =	vand.u32 $0xF, v33;
	v49 =	vmov v8;
	v8 =	vor.u32 v31, v50  }
0x271: {  	v35 =	vshll.u32 v44, $0x7;
	[tilespmem:v6+s16+$0x0] =	vst.idx.msk $0xffff, v3  }
0x272: {  	v6 =	vor.u32 v9, v35;
	v3 =	vld.idx.msk [tilespmem:v7+s4+$0x0], $0xffff;
	v7 =	vor.u32 v27, v2  }
0x273: {  	v9 =	vor.u32 v31, v42  }
0x274: {  	v21 =	vmov v20;
	v36 =	vor.u32 v23, v43;
	v1 =	vld.idx.msk [tilespmem:v1+s4+$0x0], $0xffff;
	[tilespmem:v5+s16+$0x0] =	vst.idx.msk $0xffff, v4  }
0x275: {  	v51 =	vor.u32 v21, v0;
	v4 =	vld.idx.msk [tilespmem:v8+s4+$0x0], $0xffff;
	v8 =	vor.u32 v11, v34  }
0x276: {  	v37 =	vor.u32 v61, v50  }
0x277: {  	v6 =	vld.idx.msk [tilespmem:v6+s4+$0x0], $0xffff;
	[tilespmem:v7+s16+$0x0] =	vst.idx.msk $0xffff, v3;
	v3 =	vor.u32 v23, v44  }
0x278: {  	v38 =	vor.u32 v11, v35;
	v7 =	vld.idx.msk [tilespmem:v9+s4+$0x0], $0xffff;
	v9 =	vor.u32 v21, v2  }
0x279: {  	[tilespmem:v36+s16+$0x0] =	vst.idx.msk $0xffff, v1;
	v1 =	vor.u32 v61, v42  }
0x27a: {  	v53 =	vor.u32 v12, v43;
	[tilespmem:v51+s16+$0x0] =	vst.idx.msk $0xffff, v4;
	v52 =	vld.idx.msk [tilespmem:v8+s4+$0x0], $0xffff  }
0x27b: {  	v56 =	vor.u32 v59, v0;
	v54 =	vor.u32 v13, v34;
	v8 =	vld.idx.msk [tilespmem:v37+s4+$0x0], $0xffff  }
0x27c: {  	[tilespmem:v3+s16+$0x0] =	vst.idx.msk $0xffff, v6;
	v3 =	vor.u32 v63, v50  }
0x27d: {  	[tilespmem:v9+s16+$0x0] =	vst.idx.msk $0xffff, v7;
	v6 =	vld.idx.msk [tilespmem:v38+s4+$0x0], $0xffff;
	v7 =	vor.u32 v12, v44  }
0x27e: {  	v45 =	vor.u32 v59, v2;
	v9 =	vor.u32 v13, v35;
	v1 =	vld.idx.msk [tilespmem:v1+s4+$0x0], $0xffff  }
0x27f: {  	v46 =	vor.u32 v63, v42;
	[tilespmem:v53+s16+$0x0] =	vst.idx.msk $0xffff, v52  }
0x280: {  	v5 =	vld.idx.msk [tilespmem:v54+s4+$0x0], $0xffff;
	[tilespmem:v56+s16+$0x0] =	vst.idx.msk $0xffff, v8;
	v8 =	vor.u32 v14, v43  }
0x281: {  	v0 =	vor.u32 v24, v0;
	v47 =	vor.u32 v15, v34;
	v3 =	vld.idx.msk [tilespmem:v3+s4+$0x0], $0xffff  }
0x282: {  	[tilespmem:v7+s16+$0x0] =	vst.idx.msk $0xffff, v6;
	v6 =	vor.u32 v25, v50  }
0x283: {  	v7 =	vld.idx.msk [tilespmem:v9+s4+$0x0], $0xffff;
	[tilespmem:v45+s16+$0x0] =	vst.idx.msk $0xffff, v1;
	v1 =	vor.u32 v14, v44  }
0x284: {  	v2 =	vor.u32 v24, v2;
	v9 =	vor.u32 v15, v35;
	v4 =	vld.idx.msk [tilespmem:v46+s4+$0x0], $0xffff  }
0x285: {  	v48 =	vor.u32 v25, v42;
	[tilespmem:v8+s16+$0x0] =	vst.idx.msk $0xffff, v5  }
0x286: {  	v8 =	vld.idx.msk [tilespmem:v47+s4+$0x0], $0xffff;
	[tilespmem:v0+s16+$0x0] =	vst.idx.msk $0xffff, v3;
	v0 =	vor.u32 v16, v43  }
0x287: {  	v51 =	vor.u32 v58, v40;
	v3 =	vld.idx.msk [tilespmem:v6+s4+$0x0], $0xffff;
	v6 =	vor.u32 v17, v34  }
0x288: {  	v20 =	vmov v16;
	v55 =	vlaneseq.u32;
	s28 =	simm.s32 $0x4;
	[tilespmem:v1+s16+$0x0] =	vst.idx.msk $0xffff, v7;
	v1 =	vor.u32 v57, v50  }
0x289: {  	v41 =	vmov v19;
	v16 =	vadd.s32 s28, v55;
	v7 =	vld.idx.msk [tilespmem:v9+s4+$0x0], $0xffff;
	[tilespmem:v2+s16+$0x0] =	vst.idx.msk $0xffff, v4;
	v2 =	vor.u32 v20, v44  }
0x28a: {  	s29 =	simm.s32 $0x5;
	v19 =	vmovc v15;
	v52 =	vor.u32 v17, v35;
	v9 =	vor.u32 v58, v39;
	v45 =	vand.u32 $0xF, v16;
	v4 =	vld.idx.msk [tilespmem:v48+s4+$0x0], $0xffff  }
0x28b: {  	v15 =	vmovc v16;
	v16 =	vadd.s32 s29, v55;
	v37 =	vshll.u32 v45, $0x7;
	[tilespmem:v0+s16+$0x0] =	vst.idx.msk $0xffff, v8;
	v0 =	vor.u32 v57, v42  }
0x28c: {  	v46 =	vor.u32 v55, v37;
	v6 =	vld.idx.msk [tilespmem:v6+s4+$0x0], $0xffff;
	[tilespmem:v51+s16+$0x0] =	vst.idx.msk $0xffff, v3;
	v3 =	vor.u32 v27, v43  }
0x28d: {  	v47 =	vor.u32 v31, v34;
	v48 =	vand.u32 $0xF, v16;
	v8 =	vor.u32 v41, v40;
	v1 =	vld.idx.msk [tilespmem:v1+s4+$0x0], $0xffff  }
0x28e: {  	v53 =	vmovc v41;
	v54 =	vmov v31;
	[tilespmem:v2+s16+$0x0] =	vst.idx.msk $0xffff, v7;
	v2 =	vor.u32 v49, v50;
	v41 =	vshll.u32 v48, $0x7  }
0x28f: {  	v7 =	vor.u32 v27, v44;
	v5 =	vld.idx.msk [tilespmem:v52+s4+$0x0], $0xffff;
	[tilespmem:v9+s16+$0x0] =	vst.idx.msk $0xffff, v4;
	v56 =	vor.u32 v55, v41  }
0x290: {  	v38 =	vor.u32 v53, v39;
	v31 =	vmovc v16;
	v16 =	vmov v49;
	v9 =	vor.u32 v54, v35;
	v0 =	vld.idx.msk [tilespmem:v0+s4+$0x0], $0xffff  }
0x291: {  	v51 =	vor.u32 v23, v45;
	v46 =	vld.idx.msk [tilespmem:v46+s4+$0x0], $0xffff;
	[tilespmem:v3+s16+$0x0] =	vst.idx.msk $0xffff, v6;
	v3 =	vor.u32 v16, v42  }
0x292: {  	v6 =	vld.idx.msk [tilespmem:v47+s4+$0x0], $0xffff;
	[tilespmem:v8+s16+$0x0] =	vst.idx.msk $0xffff, v1;
	v1 =	vor.u32 v21, v43;
	v8 =	vor.u32 v11, v37  }
0x293: {  	v52 =	vor.u32 v61, v34;
	v47 =	vor.u32 v30, v40;
	v2 =	vld.idx.msk [tilespmem:v2+s4+$0x0], $0xffff  }
0x294: {  	v4 =	vld.idx.msk [tilespmem:v56+s4+$0x0], $0xffff;
	[tilespmem:v7+s16+$0x0] =	vst.idx.msk $0xffff, v5;
	v56 =	vor.u32 v23, v48;
	v7 =	vor.u32 v60, v50  }
0x295: {  	v49 =	vor.u32 v11, v41;
	v9 =	vld.idx.msk [tilespmem:v9+s4+$0x0], $0xffff;
	[tilespmem:v38+s16+$0x0] =	vst.idx.msk $0xffff, v0;
	v0 =	vor.u32 v21, v44  }
0x296: {  	v36 =	vor.u32 v30, v39;
	[tilespmem:v51+s16+$0x0] =	vst.idx.msk $0xffff, v46;
	v38 =	vor.u32 v61, v35;
	v3 =	vld.idx.msk [tilespmem:v3+s4+$0x0], $0xffff  }
0x297: {  	[tilespmem:v1+s16+$0x0] =	vst.idx.msk $0xffff, v6;
	v1 =	vld.idx.msk [tilespmem:v8+s4+$0x0], $0xffff;
	v6 =	vor.u32 v12, v45;
	v8 =	vor.u32 v60, v42  }
0x298: {  	[tilespmem:v47+s16+$0x0] =	vst.idx.msk $0xffff, v2;
	v2 =	vld.idx.msk [tilespmem:v52+s4+$0x0], $0xffff;
	v47 =	vor.u32 v13, v37;
	v52 =	vor.u32 v59, v43  }
0x299: {  	[tilespmem:v56+s16+$0x0] =	vst.idx.msk $0xffff, v4;
	v56 =	vor.u32 v63, v34;
	v4 =	vld.idx.msk [tilespmem:v7+s4+$0x0], $0xffff;
	v7 =	vor.u32 v62, v40  }
0x29a: {  	v61 =	vor.u32 v12, v48;
	[tilespmem:v0+s16+$0x0] =	vst.idx.msk $0xffff, v9;
	v0 =	vld.idx.msk [tilespmem:v49+s4+$0x0], $0xffff  }
0x29b: {  	v9 =	vor.u32 v10, v50;
	[tilespmem:v36+s16+$0x0] =	vst.idx.msk $0xffff, v3;
	v3 =	vld.idx.msk [tilespmem:v38+s4+$0x0], $0xffff;
	v38 =	vor.u32 v59, v44  }
0x29c: {  	v36 =	vor.u32 v13, v41;
	[tilespmem:v6+s16+$0x0] =	vst.idx.msk $0xffff, v1;
	v1 =	vld.idx.msk [tilespmem:v8+s4+$0x0], $0xffff;
	v8 =	vor.u32 v62, v39  }
0x29d: {  	v6 =	vor.u32 v63, v35;
	v47 =	vld.idx.msk [tilespmem:v47+s4+$0x0], $0xffff;
	[tilespmem:v52+s16+$0x0] =	vst.idx.msk $0xffff, v2;
	v2 =	vor.u32 v14, v45  }
0x29e: {  	v53 =	vor.u32 v10, v42;
	v5 =	vld.idx.msk [tilespmem:v56+s4+$0x0], $0xffff;
	[tilespmem:v7+s16+$0x0] =	vst.idx.msk $0xffff, v4;
	v7 =	vor.u32 v24, v43  }
0x29f: {  	v56 =	vor.u32 v19, v37;
	[tilespmem:v61+s16+$0x0] =	vst.idx.msk $0xffff, v0  }
0x2a0: {  	v59 =	vor.u32 v29, v40;
	v9 =	vld.idx.msk [tilespmem:v9+s4+$0x0], $0xffff;
	v0 =	vor.u32 v25, v34;
	[tilespmem:v38+s16+$0x0] =	vst.idx.msk $0xffff, v3  }
0x2a1: {  	v51 =	vor.u32 v14, v48;
	v46 =	vld.idx.msk [tilespmem:v36+s4+$0x0], $0xffff;
	v3 =	vor.u32 v26, v50;
	[tilespmem:v8+s16+$0x0] =	vst.idx.msk $0xffff, v1  }
0x2a2: {  	v6 =	vld.idx.msk [tilespmem:v6+s4+$0x0], $0xffff;
	v1 =	vor.u32 v19, v41;
	[tilespmem:v2+s16+$0x0] =	vst.idx.msk $0xffff, v47;
	v2 =	vor.u32 v24, v44  }
0x2a3: {  	v8 =	vld.idx.msk [tilespmem:v53+s4+$0x0], $0xffff;
	[tilespmem:v7+s16+$0x0] =	vst.idx.msk $0xffff, v5;
	v5 =	vor.u32 v25, v35;
	v7 =	vor.u32 v29, v39  }
0x2a4: {  	s30 =	simm.s32 $0x6;
	v61 =	vor.u32 v20, v45;
	v4 =	vld.idx.msk [tilespmem:v56+s4+$0x0], $0xffff  }
0x2a5: {  	v54 =	vor.u32 v58, v32;
	v43 =	vadd.s32 s30, v55;
	v0 =	vld.idx.msk [tilespmem:v0+s4+$0x0], $0xffff;
	[tilespmem:v59+s16+$0x0] =	vst.idx.msk $0xffff, v9  }
0x2a6: {  	v49 =	vand.u32 $0xF, v43;
	v56 =	vor.u32 v22, v40;
	v36 =	vld.idx.msk [tilespmem:v3+s4+$0x0], $0xffff;
	[tilespmem:v51+s16+$0x0] =	vst.idx.msk $0xffff, v46  }
0x2a7: {  	v46 =	vshll.u32 v49, $0x7;
	v38 =	vld.idx.msk [tilespmem:v1+s4+$0x0], $0xffff;
	[tilespmem:v2+s16+$0x0] =	vst.idx.msk $0xffff, v6;
	v2 =	vor.u32 v18, v50  }
0x2a8: {  	v3 =	vor.u32 v55, v46;
	v6 =	vor.u32 v20, v48;
	v5 =	vld.idx.msk [tilespmem:v5+s4+$0x0], $0xffff;
	[tilespmem:v7+s16+$0x0] =	vst.idx.msk $0xffff, v8  }
0x2a9: {  	v52 =	vor.u32 v28, v40;
	v7 =	vor.u32 v58, v33;
	v28 =	vld [tilespmem:$0x1FEC0];
	[tilespmem:v61+s16+$0x0] =	vst.idx.msk $0xffff, v4  }
0x2aa: {  	[tilespmem:v54+s16+$0x0] =	vst.idx.msk $0xffff, v0  }
0x2ab: {  	v19 =	vmov v29;
	v9 =	vor.u32 v26, v42;
	v29 =	vld [tilespmem:$0x1FEA0];
	[tilespmem:v56+s16+$0x0] =	vst.idx.msk $0xffff, v36  }
0x2ac: {  	v63 =	vor.u32 v17, v37;
	v26 =	vmov v58;
	v58 =	vld.idx.msk [tilespmem:v2+s4+$0x0], $0xffff  }
0x2ad: {  	v51 =	vor.u32 v57, v34;
	[tilespmem:v6+s16+$0x0] =	vst.idx.msk $0xffff, v38;
	v2 =	vld.idx.msk [tilespmem:v3+s4+$0x0], $0xffff  }
0x2ae: {  	v4 =	vor.u32 v17, v41;
	v0 =	vld [tilespmem:$0x1FFF0];
	[tilespmem:v7+s16+$0x0] =	vst.idx.msk $0xffff, v5  }
0x2af: {  	v3 =	vld [tilespmem:$0x1FE70]  }
0x2b0: {  	s31 =	simm.s32 $0x7;
	v16 =	vmovc v20;
	v21 =	vmov v60;
	v55 =	vor.u32 v57, v35;
	v8 =	vlaneseq.u32;
	v59 =	vld.idx.msk [tilespmem:v9+s4+$0x0], $0xffff  }
0x2b1: {  	v60 =	vor.u32 v22, v39;
	v14 =	vmovc v23;
	v22 =	vmovc v57;
	v1 =	vmov v18;
	v47 =	vadd.s32 s31, v8;
	v61 =	vld.idx.msk [tilespmem:v63+s4+$0x0], $0xffff  }
0x2b2: {  	v18 =	vmovc v62;
	v62 =	vor.u32 v27, v45;
	v57 =	vld.idx.msk [tilespmem:v51+s4+$0x0], $0xffff;
	v56 =	vor.u32 v1, v42;
	v51 =	vand.u32 $0xF, v47  }
0x2b3: {  	v20 =	vmovc v27;
	v1 =	vor.u32 v23, v49;
	v44 =	vshll.u32 v51, $0x7;
	v53 =	vor.u32 v28, v32;
	v63 =	vld.idx.msk [tilespmem:v4+s4+$0x0], $0xffff  }
0x2b4: {  	s22 =	simm.s32 $0x8;
	v54 =	vor.u32 v29, v34;
	v12 =	vmovc v0;
	v0 =	vor.u32 v0, v37;
	v50 =	vor.u32 v3, v50  }
.LBB2_9:
0x2b5: {  	v5 =	vld.idx.msk [tilespmem:v55+s4+$0x0], $0xffff  }
0x2b6: {  	v11 =	vld [tilespmem:$0x1FE70]  }
0x2b7: {  	v36 =	vld [tilespmem:$0x1FE80]  }
0x2b8: {  	[tilespmem:v62+s16+$0x0] =	vst.idx.msk $0xffff, v61;
	v61 =	vld [tilespmem:$0x1FEF0]  }
0x2b9: {  	v0 =	vld.idx.msk [tilespmem:v0+s4+$0x0], $0xffff  }
0x2ba: {  	v3 =	vor.u32 v8, v44;
	[tilespmem:v60+s16+$0x0] =	vst.idx.msk $0xffff, v59;
	v60 =	vld [tilespmem:$0x1FFB0]  }
0x2bb: {  	v4 =	vor.u32 v20, v48;
	v59 =	vld [tilespmem:$0x1FF90]  }
0x2bc: {  	v6 =	vor.u32 v12, v41;
	v7 =	vor.u32 v28, v33;
	[tilespmem:v53+s16+$0x0] =	vst.idx.msk $0xffff, v57;
	v8 =	vld.idx.msk [tilespmem:v56+s4+$0x0], $0xffff  }
0x2bd: {  	v9 =	vor.u32 v29, v35;
	v54 =	vld.idx.msk [tilespmem:v54+s4+$0x0], $0xffff  }
0x2be: {  	[tilespmem:v52+s16+$0x0] =	vst.idx.msk $0xffff, v58;
	v58 =	vld [tilespmem:$0x1FF30]  }
0x2bf: {  	[tilespmem:v1+s16+$0x0] =	vst.idx.msk $0xffff, v2;
	v3 =	vld.idx.msk [tilespmem:v3+s4+$0x0], $0xffff;
	v53 =	vor.u32 v61, v39  }
0x2c0: {  	v42 =	vor.u32 v11, v42;
	[tilespmem:v4+s16+$0x0] =	vst.idx.msk $0xffff, v63;
	v50 =	vld.idx.msk [tilespmem:v50+s4+$0x0], $0xffff  }
0x2c1: {  	v6 =	vld.idx.msk [tilespmem:v6+s4+$0x0], $0xffff;
	[tilespmem:v7+s16+$0x0] =	vst.idx.msk $0xffff, v5  }
0x2c2: {  	v62 =	vor.u32 v14, v51;
	v7 =	vld.idx.msk [tilespmem:v9+s4+$0x0], $0xffff  }
0x2c3: {  	v2 =	vor.u32 v30, v32;
	v55 =	vor.u32 v60, v45;
	v5 =	vor.u32 v60, v48;
	v60 =	vld [tilespmem:$0x1FF40]  }
0x2c4: {  	v1 =	vor.u32 v58, v46;
	[tilespmem:v53+s16+$0x0] =	vst.idx.msk $0xffff, v8;
	v8 =	vor.u32 v58, v44;
	v58 =	vld [tilespmem:$0x1FF50]  }
0x2c5: {  	v4 =	vor.u32 v36, v40;
	v52 =	vor.u32 v59, v37;
	v9 =	vld.idx.msk [tilespmem:v42+s4+$0x0], $0xffff  }
0x2c6: {  	v42 =	vor.u32 v59, v41;
	v59 =	vld [tilespmem:$0x1FFC0]  }
0x2c7: {  	v63 =	vor.u32 v21, v34;
	[tilespmem:v62+s16+$0x0] =	vst.idx.msk $0xffff, v3;
	v62 =	vld [tilespmem:$0x1FFA0]  }
0x2c8: {  	[tilespmem:v55+s16+$0x0] =	vst.idx.msk $0xffff, v0;
	v0 =	vor.u32 v30, v33  }
0x2c9: {  	v53 =	vor.u32 v60, v49;
	v1 =	vld.idx.msk [tilespmem:v1+s4+$0x0], $0xffff;
	[tilespmem:v2+s16+$0x0] =	vst.idx.msk $0xffff, v54  }
0x2ca: {  	v52 =	vld.idx.msk [tilespmem:v52+s4+$0x0], $0xffff;
	[tilespmem:v4+s16+$0x0] =	vst.idx.msk $0xffff, v50;
	v4 =	vor.u32 v58, v46  }
0x2cb: {  	v3 =	vor.u32 v59, v45  }
0x2cc: {  	v2 =	vor.u32 v36, v39;
	[tilespmem:v5+s16+$0x0] =	vst.idx.msk $0xffff, v6;
	v50 =	vld.idx.msk [tilespmem:v63+s4+$0x0], $0xffff;
	v63 =	vor.u32 v62, v37  }
0x2cd: {  	v6 =	vld.idx.msk [tilespmem:v8+s4+$0x0], $0xffff;
	[tilespmem:v0+s16+$0x0] =	vst.idx.msk $0xffff, v7  }
0x2ce: {  	v0 =	vor.u32 v60, v51;
	v60 =	vld.idx.msk [tilespmem:v42+s4+$0x0], $0xffff;
	[tilespmem:v53+s16+$0x0] =	vst.idx.msk $0xffff, v1  }
0x2cf: {  	v54 =	vor.u32 v21, v35;
	v4 =	vld.idx.msk [tilespmem:v4+s4+$0x0], $0xffff  }
0x2d0: {  	v1 =	vor.u32 v58, v44;
	[tilespmem:v3+s16+$0x0] =	vst.idx.msk $0xffff, v52;
	v3 =	vor.u32 v62, v41;
	v62 =	vld [tilespmem:$0x1FF60]  }
0x2d1: {  	v40 =	vmov v32;
	[tilespmem:v2+s16+$0x0] =	vst.idx.msk $0xffff, v9;
	v2 =	vor.u32 v59, v48;
	v55 =	vld.idx.msk [tilespmem:v63+s4+$0x0], $0xffff  }
0x2d2: {  	v57 =	vor.u32 v18, v40;
	v63 =	vld [tilespmem:$0x1FF70];
	_ =	sdelay $0x1  }
0x2d3: {  	v39 =	vmov v33;
	v8 =	vor.u32 v10, v34;
	v9 =	vld.idx.msk [tilespmem:v54+s4+$0x0], $0xffff;
	[tilespmem:v0+s16+$0x0] =	vst.idx.msk $0xffff, v6  }
0x2d4: {  	v5 =	vor.u32 v10, v35;
	v53 =	vor.u32 v18, v39;
	v1 =	vld.idx.msk [tilespmem:v1+s4+$0x0], $0xffff  }
0x2d5: {  	v7 =	vmovc v37;
	v37 =	vmov v46;
	v42 =	vmov v35;
	[tilespmem:v2+s16+$0x0] =	vst.idx.msk $0xffff, v60;
	v60 =	vld [tilespmem:$0x1FF80];
	v54 =	vor.u32 v62, v49  }
0x2d6: {  	v35 =	vmov v41;
	v41 =	vld [tilespmem:$0x1FED0];
	[tilespmem:v57+s16+$0x0] =	vst.idx.msk $0xffff, v50;
	v62 =	vor.u32 v62, v51;
	v50 =	vor.u32 v63, v37  }
0x2d7: {  	v56 =	vor.u32 v24, v45;
	v32 =	vmov v15;
	v57 =	vld [tilespmem:$0x1FEE0]  }
0x2d8: {  	v15 =	vmovc v43;
	v33 =	vmov v31;
	v0 =	vor.u32 v25, v7;
	v6 =	vor.u32 v19, v40;
	v8 =	vld.idx.msk [tilespmem:v8+s4+$0x0], $0xffff  }
0x2d9: {  	v31 =	vmov v47;
	v45 =	vmov v49;
	v3 =	vld.idx.msk [tilespmem:v3+s4+$0x0], $0xffff;
	[tilespmem:v53+s16+$0x0] =	vst.idx.msk $0xffff, v9;
	v63 =	vor.u32 v63, v44  }
0x2da: {  	v9 =	vor.u32 v24, v48;
	v2 =	vor.u32 v60, v34;
	v5 =	vld.idx.msk [tilespmem:v5+s4+$0x0], $0xffff;
	[tilespmem:v54+s16+$0x0] =	vst.idx.msk $0xffff, v4  }
0x2db: {  	v38 =	vlaneseq.u32;
	v36 =	vor.u32 v16, v45;
	[tilespmem:v62+s16+$0x0] =	vst.idx.msk $0xffff, v1;
	v47 =	vld.idx.msk [tilespmem:v50+s4+$0x0], $0xffff;
	v50 =	vor.u32 v25, v35  }
0x2dc: {  	v43 =	vadd.s32 s22, v38;
	v52 =	vor.u32 v61, v40;
	v54 =	vor.u32 v19, v39;
	[tilespmem:v56+s16+$0x0] =	vst.idx.msk $0xffff, v55  }
0x2dd: {  	v49 =	vand.u32 $0xF, v43;
	v0 =	vld.idx.msk [tilespmem:v0+s4+$0x0], $0xffff;
	[tilespmem:v6+s16+$0x0] =	vst.idx.msk $0xffff, v8;
	v6 =	vor.u32 v60, v42  }
0x2de: {  	v58 =	vor.u32 v57, v40;
	v56 =	vor.u32 v26, v32;
	v4 =	vld.idx.msk [tilespmem:v63+s4+$0x0], $0xffff;
	v8 =	vor.u32 v17, v37  }
0x2df: {  	v46 =	vshll.u32 v49, $0x7;
	v1 =	vor.u32 v22, v7;
	[tilespmem:v9+s16+$0x0] =	vst.idx.msk $0xffff, v3;
	v2 =	vld.idx.msk [tilespmem:v2+s4+$0x0], $0xffff  }
0x2e0: {  	v48 =	vmov v51;
	v3 =	vor.u32 v41, v34;
	v9 =	vor.u32 v38, v46;
	v50 =	vld.idx.msk [tilespmem:v50+s4+$0x0], $0xffff  }
0x2e1: {  	v63 =	vor.u32 v16, v48;
	[tilespmem:v54+s16+$0x0] =	vst.idx.msk $0xffff, v5;
	v5 =	vor.u32 v17, v44;
	v17 =	vld [tilespmem:$0x1FE60]  }
0x2e2: {  	p2 =	slt.u32 s22, $0xE;
	v53 =	vor.u32 v28, v32;
	[tilespmem:v36+s16+$0x0] =	vst.idx.msk $0xffff, v47;
	v36 =	vor.u32 v26, v33;
	v59 =	vld.idx.msk [tilespmem:v6+s4+$0x0], $0xffff  }
.Ltmp6:
0x2e3: {  	s23 =	sadd.s32 $0x1, s22;
	v62 =	vor.u32 v20, v45;
	v55 =	vor.u32 v22, v35;
	v61 =	vld.idx.msk [tilespmem:v8+s4+$0x0], $0xffff;
	[tilespmem:v56+s16+$0x0] =	vst.idx.msk $0xffff, v0;
	(pc) =	sbr.rel @p2 .LBB2_9-.Ltmp6, $4  }
0x2e4: {  	v60 =	vor.u32 v57, v39;
	v47 =	vadd.s32 s23, v38;
	v57 =	vld.idx.msk [tilespmem:v1+s4+$0x0], $0xffff;
	[tilespmem:v58+s16+$0x0] =	vst.idx.msk $0xffff, v2  }
0x2e5: {  	v54 =	vor.u32 v29, v7;
	v56 =	vor.u32 v41, v42;
	v0 =	vor.u32 v12, v37;
	v58 =	vld.idx.msk [tilespmem:v3+s4+$0x0], $0xffff  }
0x2e6: {  	v41 =	vmov v44;
	v51 =	vand.u32 $0xF, v47;
	[tilespmem:v63+s16+$0x0] =	vst.idx.msk $0xffff, v4;
	v1 =	vor.u32 v14, v49;
	v2 =	vld.idx.msk [tilespmem:v9+s4+$0x0], $0xffff  }
0x2e7: {  	s22 =	sadd.s32 $0x2, s22;
	v8 =	vlaneseq.u32;
	v44 =	vshll.u32 v51, $0x7;
	v63 =	vld.idx.msk [tilespmem:v5+s4+$0x0], $0xffff;
	[tilespmem:v36+s16+$0x0] =	vst.idx.msk $0xffff, v50;
	v50 =	vor.u32 v11, v34;
	v34 =	vmovc v7  }
0x2e8: {  	v3 =	vor.u32 v8, v44;
	v11 =	vld [tilespmem:$0x1FF30];
	_ =	sdelay $0x4  }
0x2e9: {  	v5 =	vor.u32 v14, v51;
	[tilespmem:v1+s16+$0x0] =	vst.idx.msk $0xffff, v2;
	v4 =	vor.u32 v11, v46;
	v3 =	vld.idx.msk [tilespmem:v3+s4+$0x0], $0xffff  }
0x2ea: {  	v7 =	vld [tilespmem:$0x1FF40]  }
0x2eb: {  	v6 =	vor.u32 v11, v44;
	_ =	sdelay $0x2  }
0x2ec: {  	v1 =	vld.idx.msk [tilespmem:v4+s4+$0x0], $0xffff;
	[tilespmem:v5+s16+$0x0] =	vst.idx.msk $0xffff, v3  }
0x2ed: {  	v2 =	vor.u32 v7, v49;
	v13 =	vld [tilespmem:$0x1FF50]  }
0x2ee: {  	v5 =	vor.u32 v7, v51;
	v4 =	vld.idx.msk [tilespmem:v6+s4+$0x0], $0xffff;
	_ =	sdelay $0x3  }
0x2ef: {  	[tilespmem:v2+s16+$0x0] =	vst.idx.msk $0xffff, v1  }
0x2f0: {  	v3 =	vor.u32 v13, v46;
	v14 =	vld [tilespmem:$0x1FF60];
	[tilespmem:v5+s16+$0x0] =	vst.idx.msk $0xffff, v4  }
0x2f1: {  	v6 =	vor.u32 v13, v44;
	v7 =	vld [tilespmem:$0x1FF70];
	_ =	sdelay $0x3  }
0x2f2: {  	v1 =	vld.idx.msk [tilespmem:v3+s4+$0x0], $0xffff;
	v2 =	vor.u32 v14, v49  }
0x2f3: {  	v4 =	vld.idx.msk [tilespmem:v6+s4+$0x0], $0xffff;
	v5 =	vor.u32 v14, v51;
	v3 =	vor.u32 v7, v46  }
0x2f4: {  	v6 =	vor.u32 v7, v44;
	_ =	sdelay $0x2  }
0x2f5: {  	[tilespmem:v2+s16+$0x0] =	vst.idx.msk $0xffff, v1  }
0x2f6: {  	v2 =	vor.u32 v16, v49;
	[tilespmem:v5+s16+$0x0] =	vst.idx.msk $0xffff, v4;
	v1 =	vld.idx.msk [tilespmem:v3+s4+$0x0], $0xffff  }
0x2f7: {  	v5 =	vor.u32 v16, v51;
	v3 =	vor.u32 v17, v46;
	v4 =	vld.idx.msk [tilespmem:v6+s4+$0x0], $0xffff  }
0x2f8: {  	v6 =	vor.u32 v17, v44;
	_ =	sdelay $0x2  }
0x2f9: {  	[tilespmem:v2+s16+$0x0] =	vst.idx.msk $0xffff, v1  }
0x2fa: {  	[tilespmem:v5+s16+$0x0] =	vst.idx.msk $0xffff, v4;
	v2 =	vld.idx.msk [tilespmem:v3+s4+$0x0], $0xffff  }
0x2fb: {  	[tilespmem:v62+s16+$0x0] =	vst.idx.msk $0xffff, v61;
	v7 =	vor.u32 v20, v48;
	v5 =	vld.idx.msk [tilespmem:v6+s4+$0x0], $0xffff  }
0x2fc: {  	v3 =	vor.u32 v20, v49;
	v6 =	vor.u32 v20, v51;
	v20 =	vld [tilespmem:$0x1FFB0]  }
0x2fd: {  	v1 =	vor.u32 v12, v41;
	_ =	sdelay $0x2  }
0x2fe: {  	v0 =	vld.idx.msk [tilespmem:v0+s4+$0x0], $0xffff;
	[tilespmem:v7+s16+$0x0] =	vst.idx.msk $0xffff, v63  }
0x2ff: {  	v62 =	vld [tilespmem:$0x1FF90];
	v9 =	vor.u32 v20, v45  }
0x300: {  	v1 =	vld.idx.msk [tilespmem:v1+s4+$0x0], $0xffff;
	v36 =	vor.u32 v20, v48;
	_ =	sdelay $0x1  }
0x301: {  	v4 =	vor.u32 v12, v46;
	[tilespmem:v3+s16+$0x0] =	vst.idx.msk $0xffff, v2  }
0x302: {  	v8 =	vor.u32 v12, v44;
	[tilespmem:v6+s16+$0x0] =	vst.idx.msk $0xffff, v5  }
0x303: {  	[tilespmem:v9+s16+$0x0] =	vst.idx.msk $0xffff, v0  }
0x304: {  	v7 =	vor.u32 v62, v37;
	v23 =	vld [tilespmem:$0x1FFC0];
	[tilespmem:v36+s16+$0x0] =	vst.idx.msk $0xffff, v1  }
0x305: {  	v63 =	vld [tilespmem:$0x1FFA0]  }
0x306: {  	v3 =	vld.idx.msk [tilespmem:v4+s4+$0x0], $0xffff;
	v4 =	vor.u32 v20, v49  }
0x307: {  	v2 =	vor.u32 v62, v41;
	v6 =	vld.idx.msk [tilespmem:v8+s4+$0x0], $0xffff;
	v8 =	vor.u32 v20, v51  }
0x308: {  	v5 =	vor.u32 v62, v46  }
0x309: {  	v38 =	vor.u32 v62, v44;
	v0 =	vld.idx.msk [tilespmem:v7+s4+$0x0], $0xffff;
	v7 =	vor.u32 v23, v45  }
0x30a: {  	v1 =	vor.u32 v63, v37  }
0x30b: {  	[tilespmem:v4+s16+$0x0] =	vst.idx.msk $0xffff, v3  }
0x30c: {  	v2 =	vld.idx.msk [tilespmem:v2+s4+$0x0], $0xffff;
	[tilespmem:v8+s16+$0x0] =	vst.idx.msk $0xffff, v6;
	v9 =	vor.u32 v23, v48  }
0x30d: {  	[tilespmem:v60+s16+$0x0] =	vst.idx.msk $0xffff, v59;
	v4 =	vld.idx.msk [tilespmem:v5+s4+$0x0], $0xffff;
	v5 =	vor.u32 v23, v49  }
0x30e: {  	v8 =	vld.idx.msk [tilespmem:v38+s4+$0x0], $0xffff;
	v61 =	vor.u32 v23, v51;
	[tilespmem:v7+s16+$0x0] =	vst.idx.msk $0xffff, v0  }
0x30f: {  	[tilespmem:v53+s16+$0x0] =	vst.idx.msk $0xffff, v57;
	v3 =	vor.u32 v63, v41;
	v0 =	vld.idx.msk [tilespmem:v1+s4+$0x0], $0xffff;
	v1 =	vor.u32 v24, v45  }
0x310: {  	[tilespmem:v52+s16+$0x0] =	vst.idx.msk $0xffff, v58  }
0x311: {  	v6 =	vor.u32 v63, v46;
	[tilespmem:v9+s16+$0x0] =	vst.idx.msk $0xffff, v2  }
0x312: {  	v60 =	vor.u32 v63, v44;
	[tilespmem:v5+s16+$0x0] =	vst.idx.msk $0xffff, v4  }
0x313: {  	[tilespmem:v61+s16+$0x0] =	vst.idx.msk $0xffff, v8  }
0x314: {  	v2 =	vor.u32 v25, v37;
	v4 =	vor.u32 v24, v48;
	v3 =	vld.idx.msk [tilespmem:v3+s4+$0x0], $0xffff;
	[tilespmem:v1+s16+$0x0] =	vst.idx.msk $0xffff, v0  }
0x315: {  	v61 =	vor.u32 v24, v51;
	v51 =	vld [tilespmem:$0x1FEF0]  }
0x316: {  	v5 =	vor.u32 v25, v41;
	v7 =	vor.u32 v24, v49;
	v6 =	vld.idx.msk [tilespmem:v6+s4+$0x0], $0xffff  }
0x317: {  	v9 =	vld.idx.msk [tilespmem:v60+s4+$0x0], $0xffff  }
0x318: {  	v38 =	vld.idx.msk [tilespmem:v55+s4+$0x0], $0xffff;
	v55 =	vor.u32 v28, v33;
	v8 =	vor.u32 v25, v46  }
0x319: {  	v57 =	vor.u32 v25, v44;
	[tilespmem:v4+s16+$0x0] =	vst.idx.msk $0xffff, v3;
	v2 =	vld.idx.msk [tilespmem:v2+s4+$0x0], $0xffff;
	v3 =	vor.u32 v26, v15  }
0x31a: {  	v0 =	vld.idx.msk [tilespmem:v56+s4+$0x0], $0xffff;
	v4 =	vor.u32 v22, v37;
	v1 =	vor.u32 v51, v39  }
0x31b: {  	[tilespmem:v7+s16+$0x0] =	vst.idx.msk $0xffff, v6;
	v6 =	vor.u32 v26, v31;
	v5 =	vld.idx.msk [tilespmem:v5+s4+$0x0], $0xffff  }
0x31c: {  	[tilespmem:v61+s16+$0x0] =	vst.idx.msk $0xffff, v9;
	v61 =	vld.idx.msk [tilespmem:v54+s4+$0x0], $0xffff  }
0x31d: {  	v7 =	vor.u32 v22, v41;
	v9 =	vor.u32 v26, v43;
	[tilespmem:v55+s16+$0x0] =	vst.idx.msk $0xffff, v38;
	v8 =	vld.idx.msk [tilespmem:v8+s4+$0x0], $0xffff  }
0x31e: {  	v58 =	vor.u32 v22, v46;
	v59 =	vld.idx.msk [tilespmem:v57+s4+$0x0], $0xffff;
	[tilespmem:v3+s16+$0x0] =	vst.idx.msk $0xffff, v2  }
0x31f: {  	v4 =	vld.idx.msk [tilespmem:v4+s4+$0x0], $0xffff;
	[tilespmem:v1+s16+$0x0] =	vst.idx.msk $0xffff, v0;
	v0 =	vor.u32 v30, v32  }
0x320: {  	v60 =	vor.u32 v26, v47;
	v38 =	vld [tilespmem:$0x1FE80];
	[tilespmem:v6+s16+$0x0] =	vst.idx.msk $0xffff, v5  }
0x321: {  	v6 =	vor.u32 v28, v15;
	v17 =	vld [tilespmem:$0x1FE70]  }
0x322: {  	[tilespmem:v9+s16+$0x0] =	vst.idx.msk $0xffff, v8;
	v8 =	vor.u32 v29, v37;
	v7 =	vld.idx.msk [tilespmem:v7+s4+$0x0], $0xffff;
	v9 =	vor.u32 v28, v31  }
0x323: {  	v53 =	vor.u32 v28, v43;
	v1 =	vor.u32 v22, v44;
	v36 =	vld.idx.msk [tilespmem:v58+s4+$0x0], $0xffff  }
0x324: {  	[tilespmem:v0+s16+$0x0] =	vst.idx.msk $0xffff, v61;
	v0 =	vor.u32 v29, v46  }
0x325: {  	v2 =	vor.u32 v29, v35;
	v3 =	vld.idx.msk [tilespmem:v50+s4+$0x0], $0xffff;
	[tilespmem:v60+s16+$0x0] =	vst.idx.msk $0xffff, v59;
	v40 =	vor.u32 v38, v40  }
0x326: {  	[tilespmem:v6+s16+$0x0] =	vst.idx.msk $0xffff, v4;
	v5 =	vor.u32 v17, v42  }
0x327: {  	v52 =	vor.u32 v29, v41;
	[tilespmem:v9+s16+$0x0] =	vst.idx.msk $0xffff, v7;
	v8 =	vld.idx.msk [tilespmem:v8+s4+$0x0], $0xffff;
	v9 =	vor.u32 v30, v15  }
0x328: {  	v56 =	vor.u32 v21, v37;
	v54 =	vor.u32 v28, v47;
	v1 =	vld.idx.msk [tilespmem:v1+s4+$0x0], $0xffff;
	[tilespmem:v53+s16+$0x0] =	vst.idx.msk $0xffff, v36  }
0x329: {  	v59 =	vor.u32 v30, v43;
	v0 =	vld.idx.msk [tilespmem:v0+s4+$0x0], $0xffff  }
0x32a: {  	v55 =	vor.u32 v29, v44;
	v2 =	vld.idx.msk [tilespmem:v2+s4+$0x0], $0xffff;
	[tilespmem:v40+s16+$0x0] =	vst.idx.msk $0xffff, v3;
	v3 =	vor.u32 v30, v33  }
0x32b: {  	v4 =	vor.u32 v21, v34;
	v6 =	vor.u32 v38, v39;
	v5 =	vld.idx.msk [tilespmem:v5+s4+$0x0], $0xffff  }
0x32c: {  	v58 =	vor.u32 v30, v31;
	v7 =	vor.u32 v21, v35;
	v57 =	vld.idx.msk [tilespmem:v52+s4+$0x0], $0xffff;
	[tilespmem:v9+s16+$0x0] =	vst.idx.msk $0xffff, v8  }
0x32d: {  	v52 =	vor.u32 v18, v15;
	[tilespmem:v54+s16+$0x0] =	vst.idx.msk $0xffff, v1;
	v1 =	vor.u32 v21, v41;
	v36 =	vld.idx.msk [tilespmem:v56+s4+$0x0], $0xffff  }
0x32e: {  	[tilespmem:v59+s16+$0x0] =	vst.idx.msk $0xffff, v0;
	v0 =	vor.u32 v10, v37  }
0x32f: {  	v60 =	vor.u32 v30, v47;
	[tilespmem:v3+s16+$0x0] =	vst.idx.msk $0xffff, v2;
	v2 =	vor.u32 v21, v46;
	v3 =	vld.idx.msk [tilespmem:v55+s4+$0x0], $0xffff  }
0x330: {  	v4 =	vld.idx.msk [tilespmem:v4+s4+$0x0], $0xffff;
	[tilespmem:v6+s16+$0x0] =	vst.idx.msk $0xffff, v5;
	v5 =	vor.u32 v18, v32;
	v6 =	vor.u32 v21, v44  }
0x331: {  	v8 =	vor.u32 v10, v34;
	v9 =	vor.u32 v18, v33;
	[tilespmem:v58+s16+$0x0] =	vst.idx.msk $0xffff, v57;
	v7 =	vld.idx.msk [tilespmem:v7+s4+$0x0], $0xffff  }
0x332: {  	v61 =	vor.u32 v10, v35;
	v1 =	vld.idx.msk [tilespmem:v1+s4+$0x0], $0xffff;
	[tilespmem:v52+s16+$0x0] =	vst.idx.msk $0xffff, v36  }
0x333: {  	v53 =	vor.u32 v18, v31;
	v0 =	vld.idx.msk [tilespmem:v0+s4+$0x0], $0xffff  }
0x334: {  	v54 =	vor.u32 v18, v43;
	[tilespmem:v60+s16+$0x0] =	vst.idx.msk $0xffff, v3;
	v2 =	vld.idx.msk [tilespmem:v2+s4+$0x0], $0xffff  }
0x335: {  	[tilespmem:v5+s16+$0x0] =	vst.idx.msk $0xffff, v4;
	v5 =	vld.idx.msk [tilespmem:v6+s4+$0x0], $0xffff;
	v6 =	vor.u32 v18, v47  }
0x336: {  	[tilespmem:v9+s16+$0x0] =	vst.idx.msk $0xffff, v7;
	v7 =	vor.u32 v19, v32;
	v8 =	vld.idx.msk [tilespmem:v8+s4+$0x0], $0xffff  }
0x337: {  	v56 =	vor.u32 v19, v33;
	v39 =	vld.idx.msk [tilespmem:v61+s4+$0x0], $0xffff  }
0x338: {  	v57 =	vor.u32 v19, v15;
	v48 =	vld [tilespmem:$0x1FF80];
	[tilespmem:v53+s16+$0x0] =	vst.idx.msk $0xffff, v1  }
0x339: {  	[tilespmem:v54+s16+$0x0] =	vst.idx.msk $0xffff, v2  }
0x33a: {  	v3 =	vor.u32 v10, v41;
	[tilespmem:v6+s16+$0x0] =	vst.idx.msk $0xffff, v5  }
0x33b: {  	v4 =	vor.u32 v10, v46;
	[tilespmem:v7+s16+$0x0] =	vst.idx.msk $0xffff, v8  }
0x33c: {  	v9 =	vor.u32 v10, v44;
	[tilespmem:v56+s16+$0x0] =	vst.idx.msk $0xffff, v39  }
0x33d: {  	v55 =	vor.u32 v48, v34;
	v50 =	vld [tilespmem:$0x1FEE0];
	[tilespmem:v57+s16+$0x0] =	vst.idx.msk $0xffff, v0  }
0x33e: {  	v1 =	vor.u32 v48, v35;
	v49 =	vld [tilespmem:$0x1FED0]  }
0x33f: {  	v58 =	vor.u32 v19, v31;
	v3 =	vld.idx.msk [tilespmem:v3+s4+$0x0], $0xffff;
	v2 =	vor.u32 v48, v37  }
0x340: {  	v4 =	vld.idx.msk [tilespmem:v4+s4+$0x0], $0xffff;
	v6 =	vor.u32 v19, v43;
	v5 =	vor.u32 v48, v41  }
0x341: {  	v7 =	vor.u32 v48, v46;
	v8 =	vld.idx.msk [tilespmem:v9+s4+$0x0], $0xffff;
	v9 =	vor.u32 v19, v47  }
0x342: {  	v60 =	vor.u32 v48, v44;
	v36 =	vld.idx.msk [tilespmem:v55+s4+$0x0], $0xffff;
	v59 =	vor.u32 v50, v32  }
0x343: {  	v1 =	vld.idx.msk [tilespmem:v1+s4+$0x0], $0xffff;
	v61 =	vor.u32 v50, v33;
	v0 =	vor.u32 v49, v34  }
0x344: {  	[tilespmem:v58+s16+$0x0] =	vst.idx.msk $0xffff, v3;
	v2 =	vld.idx.msk [tilespmem:v2+s4+$0x0], $0xffff;
	v52 =	vor.u32 v50, v15;
	v3 =	vor.u32 v49, v35  }
0x345: {  	[tilespmem:v6+s16+$0x0] =	vst.idx.msk $0xffff, v4;
	v5 =	vld.idx.msk [tilespmem:v5+s4+$0x0], $0xffff;
	v6 =	vor.u32 v50, v31;
	v4 =	vor.u32 v49, v37  }
0x346: {  	[tilespmem:v9+s16+$0x0] =	vst.idx.msk $0xffff, v8;
	v7 =	vld.idx.msk [tilespmem:v7+s4+$0x0], $0xffff;
	v9 =	vor.u32 v50, v43;
	v8 =	vor.u32 v49, v41  }
0x347: {  	v54 =	vld.idx.msk [tilespmem:v60+s4+$0x0], $0xffff;
	v55 =	vor.u32 v50, v47;
	v53 =	vor.u32 v49, v46;
	[tilespmem:v59+s16+$0x0] =	vst.idx.msk $0xffff, v36  }
0x348: {  	v56 =	vor.u32 v49, v44;
	[tilespmem:v61+s16+$0x0] =	vst.idx.msk $0xffff, v1;
	v1 =	vor.u32 v51, v32;
	v0 =	vld.idx.msk [tilespmem:v0+s4+$0x0], $0xffff  }
0x349: {  	v57 =	vor.u32 v51, v33;
	[tilespmem:v52+s16+$0x0] =	vst.idx.msk $0xffff, v2;
	v2 =	vor.u32 v17, v34;
	v3 =	vld.idx.msk [tilespmem:v3+s4+$0x0], $0xffff  }
0x34a: {  	[tilespmem:v6+s16+$0x0] =	vst.idx.msk $0xffff, v5;
	v5 =	vor.u32 v17, v35;
	v6 =	vor.u32 v51, v15;
	v4 =	vld.idx.msk [tilespmem:v4+s4+$0x0], $0xffff  }
0x34b: {  	[tilespmem:v9+s16+$0x0] =	vst.idx.msk $0xffff, v7;
	v7 =	vor.u32 v17, v37;
	v9 =	vor.u32 v51, v31;
	v8 =	vld.idx.msk [tilespmem:v8+s4+$0x0], $0xffff  }
0x34c: {  	v58 =	vor.u32 v17, v41;
	[tilespmem:v55+s16+$0x0] =	vst.idx.msk $0xffff, v54;
	v59 =	vor.u32 v51, v43;
	v36 =	vld.idx.msk [tilespmem:v53+s4+$0x0], $0xffff  }
0x34d: {  	v60 =	vor.u32 v51, v47;
	[tilespmem:v1+s16+$0x0] =	vst.idx.msk $0xffff, v0;
	v0 =	vor.u32 v17, v46;
	v1 =	vld.idx.msk [tilespmem:v56+s4+$0x0], $0xffff  }
0x34e: {  	v61 =	vor.u32 v17, v44;
	[tilespmem:v57+s16+$0x0] =	vst.idx.msk $0xffff, v3;
	v3 =	vor.u32 v38, v32;
	v2 =	vld.idx.msk [tilespmem:v2+s4+$0x0], $0xffff  }
0x34f: {  	[tilespmem:v6+s16+$0x0] =	vst.idx.msk $0xffff, v4;
	v4 =	vld.idx.msk [tilespmem:v5+s4+$0x0], $0xffff;
	v5 =	vor.u32 v38, v33  }
0x350: {  	[tilespmem:v9+s16+$0x0] =	vst.idx.msk $0xffff, v8;
	v6 =	vld.idx.msk [tilespmem:v7+s4+$0x0], $0xffff;
	v7 =	vor.u32 v38, v15  }
0x351: {  	[tilespmem:v59+s16+$0x0] =	vst.idx.msk $0xffff, v36;
	v9 =	vor.u32 v38, v31;
	v8 =	vld.idx.msk [tilespmem:v58+s4+$0x0], $0xffff  }
0x352: {  	[tilespmem:v60+s16+$0x0] =	vst.idx.msk $0xffff, v1;
	v0 =	vld.idx.msk [tilespmem:v0+s4+$0x0], $0xffff;
	v1 =	vor.u32 v38, v43  }
0x353: {  	[tilespmem:v3+s16+$0x0] =	vst.idx.msk $0xffff, v2;
	v2 =	vld.idx.msk [tilespmem:v61+s4+$0x0], $0xffff;
	v3 =	vor.u32 v38, v47  }
0x354: {  	[tilespmem:v5+s16+$0x0] =	vst.idx.msk $0xffff, v4  }
0x355: {  	[tilespmem:v7+s16+$0x0] =	vst.idx.msk $0xffff, v6  }
0x356: {  	[tilespmem:v9+s16+$0x0] =	vst.idx.msk $0xffff, v8  }
0x357: {  	[tilespmem:v1+s16+$0x0] =	vst.idx.msk $0xffff, v0  }
0x358: {  	[tilespmem:v3+s16+$0x0] =	vst.idx.msk $0xffff, v2  }
0x359: {  	[hbm4b:s8+s4] =	stream.linear.scatter [tilespmem:s16], [sflag:$0x3], $0x1000, $0x38;
	[tilespmem:$0x4000] =	vst v63  }
.Ltmp7:
0x35a: {  	_ =	swait.ge [sflag:s20], $0x1000;
	(pc) =	sbr.rel .LBB2_11-.Ltmp7, $4  }
0x35b: {  	v27 =	vmov v12;
	v59 =	vmov v23;
	v5 =	vld [tilespmem:$0x1FFD0]  }
0x35c: {  	v57 =	vmovc v22;
	v22 =	vmovc v50;
	v58 =	vmov v26;
	v26 =	vmov v48;
	v60 =	vmov v21;
	v12 =	vld [tilespmem:$0x1FF40]  }
0x35d: {  	v9 =	vlaneseq.u32;
	v4 =	vmovc v27;
	v61 =	vmovc v62;
	v8 =	vmov v29;
	v62 =	vmov v18;
	[sflag:s20] =	ssyncset.done $0x0;
	v15 =	vld [tilespmem:$0x1FF70]  }
0x35e: {  	s22 =	simm.s32 $0x3;
	v29 =	vmovc v19;
	v19 =	vmovc v28;
	v18 =	vmov v49;
	v28 =	vmov v51;
	v1 =	vmov v17;
	v3 =	vld [tilespmem:$0x1FFE0];
	[sflag:s20] =	ssyncadd.s32 $0xFFFFF000  }
.LBB2_12:
0x35f: {  	_ =	sfence.sel $0x180000  }
0x360: {  	[bflag:$0x0] =	sbarrier.arrive $0xFFFF  }
0x361: {  	p0 =	sne.s32 s3, $0x0;
	_ =	strace $0x90000047  }
0x362: {  	s0 =	sadd.s32 @!p0 $0x100000, s0;
	[bflag:$0x2] =	sbarrier.arrive $0xFFFF  }
0x363: {  	[sflag:s0] =	ssyncadd.tile.s32 @!p0 $0x1;
	_ =	shalt  }
.Lfunc_end2:
_tile_overlayer_lowered:
.L_overlay_start_2:
0x364: {  	(tag) =	ssettag $0x2  }
0x365: {  	s0 =	rddreg [dreg:$0x0];
	s2 =	stileid.u32  }
0x366: {  	s1 =	rddreg [dreg:$0x1];
	p0 =	sne.s32 s2, $0x0  }
0x367: {  	s3 =	rddreg [dreg:$0x2];
	[bflag:$0x3] =	sbarrier.arrive $0xFFFF;
	s2 =	simm.s32 @!p0 $0x1C05  }
0x368: {  	[timem:s3], [sflag:s2] =	dma.local @!p0 [hbm:s0], s1  }
0x369: {  	s0 =	simm.s32 @!p0 $0x5  }
0x36a: {  	_ =	swait.ge @!p0 [sflag:s0], s1  }
0x36b: {  	s1 =	ssub.s32 @!p0 $0x0, s1;
	[sflag:s0] =	ssyncset.done @!p0 $0x0  }
0x36c: {  	[sflag:s0] =	ssyncadd.s32 @!p0 s1  }
0x36d: {  	[bflag:$0x3] =	sbarrier.arrive $0xFFFF  }
0x36e: {  	_ =	shalt  }

// kernel: kernel.7.cloned.1.call-start
scs
__scs_entry_jumppad:
0x0: {  	(pc) =	sbr.rel $0x88, $3  }
0x1: {  	(tag) =	ssettag $0x0;
	lr =	simm.s32 $0x1  }
0x2: {  	[smem:$0x3F9E] =	sst lr;
	_ =	strace $0xD0000000  }
0x3: {  	_ = 	snop  }
0x4: {  	_ = 	snop  }
0x5: {  	_ = 	snop  }
0x6: {  	_ = 	snop  }
0x7: {  	_ = 	snop  }
__scs_overlays_trampoline_lowered:
0x8: {  	[smem:$0x3FAD] =	sst s0  }
0x9: {  	[smem:$0x3FAE] =	sst s1  }
0xa: {  	[smem:$0x3FAF] =	sst s2  }
0xb: {  	[smem:$0x3FB0] =	sst s3  }
0xc: {  	[smem:$0x3FB1] =	sst s4  }
0xd: {  	[smem:$0x3FB2] =	sst s5  }
0xe: {  	[smem:$0x3FB3] =	sst s6  }
0xf: {  	[smem:$0x3FB4] =	sst s7  }
0x10: {  	[smem:$0x3FB5] =	sst s8  }
0x11: {  	[smem:$0x3FB6] =	sst s9;
	s0 =	simm.s32 @!p0 $0x0  }
0x12: {  	s1 =	sld [smem:$0x3F9C];
	s0 =	simm.s32 @p0 $0x1  }
0x13: {  	[smem:$0x3FB7] =	sst s0;
	s0 =	simm.s32 @!p1 $0x0  }
0x14: {  	s2 =	sld [smem:$0x3F9B];
	s0 =	simm.s32 @p1 $0x1  }
0x15: {  	[smem:$0x3FB8] =	sst s0;
	s0 =	simm.s32 @!p2 $0x0  }
0x16: {  	s3 =	sld [smem:$0x3FDB];
	s0 =	simm.s32 @p2 $0x1  }
0x17: {  	s4 =	simm.s32 $0x1BF5;
	[smem:$0x3FBA] =	sst s0  }
0x18: {  	s0 =	sld [smem:$0x3F9D];
	_ =	swait.ge [sflag:s4], $0x0  }
0x19: {  	s7 =	sld [smem:$0x3F9E]  }
0x1a: {  	s8 =	sadd.s32 $0xFFFFE003, lr  }
0x1b: {  	s9 =	sadd.s32 $0xFFFFFEF7, lr;
	s5 =	simm.s32 $0xFFFFFFFF;
	p2 =	slt.u32 s8, $0xFFFFF086  }
0x1c: {  	p1 =	slt.u32 s9, $0xF7A;
	s5 =	simm.s32 @!p2 $0x0  }
0x1d: {  	s5 =	simm.s32 @p1 $0x1;
	p0 =	seq.s32 s7, s2  }
0x1e: {  	s7 =	smul.u32 @!p0 $0xF7A, s2;
	p2 =	seq.s32 @!p0 s5, $0x0  }
0x1f: {  	s9 =	smul.u32 $0xF7A, s1;
	s8 =	simm.s32 @!p0 $0x1BF5;
	p2 =	por !p2, p0  }
0x20: {  	[sflag:s8] =	ssyncset.s32 @!p0 $0xFFFFF086;
	s6 =	sadd.s32 @!p0 s3, s7;
	s7 =	simm.s32 @!p0 $0x108  }
0x21: {  	s3 =	sadd.s32 s3, s9;
	s6 =	sadd.s32 @!p0 $0x88, s6;
	s7 =	simm.s32 @p2 $0x1082  }
0x22: {  	[simem:s7], [sflag:s8] =	dma.local @!p0 [hbm:s6], $0xF7A  }
0x23: {  	s9 =	sor.u32 $0xD0000000, s2;
	s6 =	simm.s32 $0x108;
	_ =	swait.ge @!p0 [sflag:s8], $0x0  }
0x24: {  	s3 =	sadd.s32 $0x88, s3;
	s6 =	simm.s32 @!p1 $0x1082;
	[sflag:s4] =	ssyncset.s32 $0xFFFFF086  }
0x25: {  	[simem:s6], [sflag:s4] =	dma.local [hbm:s3], $0xF7A  }
0x26: {  	[smem:$0x3F9E] =	sst s1;
	(tag) =	ssettag s2;
	_ =	strace s9  }
0x27: {  	s1 =	sld [smem:$0x3FAE]  }
0x28: {  	s2 =	sld [smem:$0x3FAF]  }
0x29: {  	s4 =	sld [smem:$0x3FB1]  }
0x2a: {  	p0 =	seq.s32 s5, $0x0;
	s5 =	sld [smem:$0x3FB2]  }
0x2b: {  	s6 =	sld [smem:$0x3FB3]  }
0x2c: {  	s7 =	sld [smem:$0x3FB4]  }
0x2d: {  	s3 =	simm.s32 $0x108;
	s8 =	sld [smem:$0x3FB5]  }
0x2e: {  	s3 =	simm.s32 @!p0 $0x1082;
	s9 =	sld [smem:$0x3FB6]  }
0x2f: {  	lr =	sadd.s32 s0, s3;
	s0 =	sld [smem:$0x3FAD]  }
0x30: {  	s3 =	sld [smem:$0x3FB0]  }
0x31: {  	[smem:$0x3FB9] =	sst s10  }
0x32: {  	s10 =	sld [smem:$0x3FB7];
	_ =	sdelay $0x3  }
0x33: {  	p0 =	seq.s32 s10, $0x1;
	s10 =	sld [smem:$0x3FB9];
	_ =	sdelay $0x3  }
0x34: {  	[smem:$0x3FB9] =	sst s10  }
0x35: {  	s10 =	sld [smem:$0x3FB8];
	_ =	sdelay $0x3  }
0x36: {  	p1 =	seq.s32 s10, $0x1;
	s10 =	sld [smem:$0x3FB9];
	_ =	sdelay $0x3  }
0x37: {  	[smem:$0x3FB9] =	sst s10  }
0x38: {  	s10 =	sld [smem:$0x3FBA]  }
0x39: {  	_ = 	snop;
	(pc) =	sbr.ind lr, $3  }
0x3a: {  	_ = 	snop  }
0x3b: {  	_ = 	snop  }
0x3c: {  	p2 =	seq.s32 s10, $0x1;
	s10 =	sld [smem:$0x3FB9]  }
0x3d: {  	_ =	shalt  }
0x3e: {  	_ =	shalt  }
0x3f: {  	_ =	shalt  }
0x40: {  	_ =	shalt  }
0x41: {  	_ =	shalt  }
0x42: {  	_ =	shalt  }
0x43: {  	_ =	shalt  }
0x44: {  	_ =	shalt  }
0x45: {  	_ =	shalt  }
0x46: {  	_ =	shalt  }
0x47: {  	_ =	shalt  }
0x48: {  	_ =	shalt  }
0x49: {  	_ =	shalt  }
0x4a: {  	_ =	shalt  }
0x4b: {  	_ =	shalt  }
0x4c: {  	_ =	shalt  }
0x4d: {  	_ =	shalt  }
0x4e: {  	_ =	shalt  }
0x4f: {  	_ =	shalt  }
0x50: {  	_ =	shalt  }
0x51: {  	_ =	shalt  }
0x52: {  	_ =	shalt  }
0x53: {  	_ =	shalt  }
0x54: {  	_ =	shalt  }
0x55: {  	_ =	shalt  }
0x56: {  	_ =	shalt  }
0x57: {  	_ =	shalt  }
0x58: {  	_ =	shalt  }
0x59: {  	_ =	shalt  }
0x5a: {  	_ =	shalt  }
0x5b: {  	_ =	shalt  }
0x5c: {  	_ =	shalt  }
0x5d: {  	_ =	shalt  }
0x5e: {  	_ =	shalt  }
0x5f: {  	_ =	shalt  }
0x60: {  	_ =	shalt  }
0x61: {  	_ =	shalt  }
0x62: {  	_ =	shalt  }
0x63: {  	_ =	shalt  }
0x64: {  	_ =	shalt  }
0x65: {  	_ =	shalt  }
0x66: {  	_ =	shalt  }
0x67: {  	_ =	shalt  }
0x68: {  	_ =	shalt  }
0x69: {  	_ =	shalt  }
0x6a: {  	_ =	shalt  }
0x6b: {  	_ =	shalt  }
0x6c: {  	_ =	shalt  }
0x6d: {  	_ =	shalt  }
0x6e: {  	_ =	shalt  }
0x6f: {  	_ =	shalt  }
0x70: {  	_ =	shalt  }
0x71: {  	_ =	shalt  }
0x72: {  	_ =	shalt  }
0x73: {  	_ =	shalt  }
0x74: {  	_ =	shalt  }
0x75: {  	_ =	shalt  }
0x76: {  	_ =	shalt  }
0x77: {  	_ =	shalt  }
0x78: {  	_ =	shalt  }
0x79: {  	_ =	shalt  }
0x7a: {  	_ =	shalt  }
0x7b: {  	_ =	shalt  }
0x7c: {  	_ =	shalt  }
0x7d: {  	_ =	shalt  }
0x7e: {  	_ =	shalt  }
0x7f: {  	_ =	shalt  }
0x80: {  	_ =	shalt  }
0x81: {  	_ =	shalt  }
0x82: {  	_ =	shalt  }
0x83: {  	_ =	shalt  }
0x84: {  	_ =	shalt  }
0x85: {  	_ =	shalt  }
0x86: {  	_ =	shalt  }
0x87: {  	_ =	shalt  }
.Lfunc_end0:
.L_simem_size_0:
called_computation.1_lowered:
.L_overlay_start_0:
0x88: {  	s2 =	sld [smem:$0x3FD9]  }
0x89: {  	s3 =	sld [smem:$0x3FFE];
	_ =	sdelay $0x1  }
0x8a: {  	s1 =	srdreg.scid  }
0x8b: {  	s0 =	sand.u32 $0x1, s1  }
0x8c: {  	s17 =	sshll.u32 s0, $0xA;
	s2 =	sadd.s32 s3, s2  }
0x8d: {  	s2 =	sadd.s32 s2, s17  }
0x8e: {  	[smem:$0x3FC5] =	sst s2  }
0x8f: {  	_ = 	snop  }
0x90: {  	s2 =	sld [smem:$0x3FD0];
	(tm) =	ssettm $0x1  }
0x91: {  	s18 =	sld [smem:$0x3FFB];
	_ =	sdelay $0x3  }
0x92: {  	_ =	strace s18  }
0x93: {  	s3 =	sld [smem:$0x3FFC];
	_ =	sdelay $0x3  }
0x94: {  	_ =	strace s3  }
0x95: {  	s3 =	sld [smem:$0x3FFD];
	_ =	sdelay $0x3  }
0x96: {  	_ =	strace s3  }
0x97: {  	_ =	strace $0x8FFFFFFF  }
0x98: {  	s19 =	sld [smem:$0x3FDB];
	_ =	sdelay $0x1  }
0x99: {  	s4 =	simm.s32 $_scs_section_size  }
0x9a: {  	s5 =	simm.s32 $_size__tile_overlayer_lowered;
	s6 =	simm.s32 $_tile_overlayer_lowered  }
0x9b: {  	s22 =	simm.s32 $0x1BFF;
	s21 =	sshll.u32 s6, $0x1;
	s3 =	sadd.s32 s4, s19  }
0x9c: {  	s7 =	simm.s32 $0x0;
	s20 =	sshll.u32 s5, $0x1;
	s5 =	sadd.s32 s21, s3  }
0x9d: {  	[timem:s7], [sflag:s22] =	dma.local [hbm:s5], s20  }
0x9e: {  	_ =	swait.ge [sflag:s22], s20  }
0x9f: {  	s4 =	ssub.s32 $0x0, s20;
	[sflag:s22] =	ssyncset.done $0x0  }
0xa0: {  	[sflag:s22] =	ssyncadd.s32 s4;
	_ =	sdelay $0x1  }
0xa1: {  	s23 =	simm.s32 $0x1B8B  }
0xa2: {  	_ =	swait.ge [sflag:s23], $0x1  }
0xa3: {  	[sflag:s23] =	ssyncset.done $0x0  }
0xa4: {  	s25 =	simm.s32 $0x1B8E;
	s24 =	sld [smem:$0x3FFE];
	[sflag:s23] =	ssyncadd.s32 $0xFFFFFFFF  }
0xa5: {  	s26 =	simm.s32 $execute0_lowered;
	[smem:$0x3FD2] =	sst s25  }
0xa6: {  	s5 =	sshll.u32 s26, $0x1;
	_ =	strace $0x80000049;
	[dreg:$0x1] =	wrdreg $0xFFFFFFFF  }
0xa7: {  	s28 =	simm.s32 $_size_execute0_lowered;
	s3 =	sadd.s32 s3, s5;
	[dreg:$0x0] =	wrdreg $0x0  }
0xa8: {  	s5 =	sshll.u32 s28, $0x1;
	[dreg:$0x2] =	wrdreg s3  }
0xa9: {  	[dreg:$0x3] =	wrdreg s5  }
0xaa: {  	[dreg:$0x4] =	wrdreg $0xC0  }
0xab: {  	_ =	task [dreg:s7], $0x5FFFF  }
0xac: {  	[dreg:$0x1] =	wrdreg $0xFFFFFFFF  }
0xad: {  	[dreg:$0x0] =	wrdreg $0x60  }
0xae: {  	[dreg:$0x2] =	wrdreg s24  }
0xaf: {  	[dreg:$0x3] =	wrdreg s2  }
0xb0: {  	[dreg:$0x4] =	wrdreg $0x9  }
0xb1: {  	_ =	task.clear_ibuf [dreg:s7], $0x5FFFF;
	_ =	strace $0x90000049  }
0xb2: {  	s29 =	simm.s32 $0x9;
	_ =	strace $0x8000004B  }
0xb3: {  	_ =	swait.ge [sflag:s29], $0x1  }
0xb4: {  	[sflag:s29] =	ssyncadd.s32 $0xFFFFFFFF  }
0xb5: {  	_ =	strace $0x9000004B  }
0xb6: {  	_ =	sfence  }
0xb7: {  	s30 =	sld [smem:$0x0];
	_ =	sdelay $0x2  }
0xb8: {  	s31 =	sshll.u32 s1, $0xD;
	s1 =	sshrl.u32 s1, $0x2  }
0xb9: {  	s3 =	sand.u32 $0x4000, s31;
	s1 =	sadd.s32 s1, s30  }
0xba: {  	s0 =	sor.u32 s3, s0;
	s1 =	sshll.u32 s1, $0x11  }
0xbb: {  	s0 =	sor.u32 s1, s0  }
0xbc: {  	s0 =	sadd.s32 $0x8F2B, s0  }
0xbd: {  	[sflag:s0] =	ssyncadd.remote.s32 $0x1  }
0xbe: {  	_ =	sfence.sel $0xFFFF  }
0xbf: {  	[dreg:$0x0] =	wrdreg $0xFFFFFFFF;
	(pc) =	sbr.abs _section_cstart, $3  }
0xc0: {  	[dreg:$0x1] =	wrdreg $0xFFFFFFFF  }
0xc1: {  	_ =	task.clear_ibuf [dreg:s7], $0x2FFFF;
	_ =	strace $0x9FFFFFFF  }
0xc2: {  	(tm) =	ssettm $0x7FFFFFFF  }
0xc3: {  	_ =	shalt  }
tec
execute0_lowered:
.L_overlay_start_1:
0x0: {  	(tag) =	ssettag $0x1  }
0x1: {  	s0 =	rddreg [dreg:$0x0];
	s1 =	srdreg.scid  }
0x2: {  	s3 =	stileid.u32;
	s2 =	rddreg [dreg:$0x1];
	s14 =	simm.s32 $0x80  }
0x3: {  	s19 =	simm.s32 $0x1;
	s20 =	simm.s32 $0x9E00;
	s13 =	simm.s32 $0xAF00  }
0x4: {  	s11 =	simm.s32 $0xBA28;
	s12 =	simm.s32 $0xBAB0;
	s15 =	simm.s32 $0xBB38  }
0x5: {  	v6 =	vlaneseq.u32;
	s16 =	simm.s32 $0xBBC0;
	s17 =	simm.s32 $0xBC48;
	s18 =	simm.s32 $0xBCD0  }
0x6: {  	s21 =	simm.s32 $0xBD58;
	s22 =	simm.s32 $0xBDE0;
	s23 =	simm.s32 $0xBE68;
	v0 =	vmul.u32 $0xC8, v6  }
0x7: {  	v9 =	vimm.s32 $0x0;
	vm0 =	vcmask $0x300;
	s24 =	simm.s32 $0xBEF0;
	s25 =	simm.s32 $0xBF78;
	s1 =	sand.u32 $0x1, s1  }
0x8: {  	s4 =	sshll.u32 s3, $0x1;
	s3 =	simm.s32 $0x0;
	s8 =	sadd.s32 $0x1000, s2;
	v6 =	vmul.u32 $0x88, v6;
	v9 =	vsel vm0, $0x3, v9;
	v1 =	vadd.s32 $0xC80, v0  }
0x9: {  	s9 =	sadd.s32 $0x2000, s2;
	s5 =	sor.u32 s1, s4;
	s1 =	ssub.s32 $0x2, s1;
	v2 =	vadd.s32 $0x1900, v0;
	v3 =	vadd.s32 $0x2580, v0;
	v4 =	vadd.s32 $0x3200, v0  }
0xa: {  	[smem:$0x7FF] =	sst s3;
	s4 =	smul.u32 $0xC80, s5;
	s7 =	sshrl.u32 s1, $0x1;
	v5 =	vadd.s32 $0x3E80, v0;
	v7 =	vadd.s32 $0x4B00, v0;
	v8 =	vadd.s32 $0x5780, v0  }
0xb: {  	s10 =	sadd.s32 $0x3000, s2;
	_ =	strace $0x8000004A;
	v10 =	vadd.s32 $0x880, v6;
	v11 =	vor.u32 $0x1, v6;
	v12 =	vadd.s32 $0x881, v6;
	s30 =	ssub.s32 s1, s7  }
0xc: {  	v13 =	vor.u32 $0x2, v6;
	v14 =	vadd.s32 $0x882, v6;
	v15 =	vor.u32 $0x3, v6;
	s6 =	sadd.s32 s4, s0;
	s4 =	sadd.s32 $0xC00, s0;
	s0 =	sadd.s32 $0x3D1600, s0  }
0xd: {  	v16 =	vadd.s32 $0x883, v6;
	v17 =	vor.u32 $0x4, v6;
	v18 =	vadd.s32 $0x884, v6;
	s7 =	sshll.u32 s5, $0xA;
	[dreg:$0x3] =	wrdreg s0;
	s31 =	sadd.s32 $0x3D1A00, s6  }
0xe: {  	v19 =	vor.u32 $0x5, v6;
	v20 =	vadd.s32 $0x885, v6;
	v21 =	vor.u32 $0x6, v6;
	s1 =	simm.s32 $0x2;
	s0 =	smax.u32 s30, $0x1;
	[dreg:$0x4] =	wrdreg s31  }
0xf: {  	v22 =	vadd.s32 $0x886, v6;
	v23 =	vor.u32 $0x7, v6;
	v24 =	vadd.s32 $0x887, v6;
	s6 =	simm.s32 $0x0;
	[dreg:$0x5] =	wrdreg s0;
	s0 =	simm.s32 $0x4  }
.LBB2_1:
0x10: {  	[dreg:$0x6] =	wrdreg s6  }
0x11: {  	s5 =	rddreg [dreg:$0x4];
	s26 =	simm.s32 $0x5  }
0x12: {  	[tilespmem:s3], [sflag:$0x5] =	stream.linear.gather [hbm4b:s5+s3], $0x6400, $0x38;
	[tilespmem:$0xC000] =	vst v63  }
0x13: {  	_ =	swait.ge [sflag:s26], $0x6400  }
0x14: {  	[sflag:s26] =	ssyncset.done $0x0  }
0x15: {  	s28 =	simm.s32 $0x6400;
	s29 =	rddreg [dreg:$0x3];
	[sflag:s26] =	ssyncadd.s32 $0xFFFF9C00  }
0x16: {  	[tilespmem:s28], [sflag:$0x5] =	stream.linear.gather [hbm4b:s29+s3], $0x1900, $0x38;
	[tilespmem:$0xC000] =	vst v63  }
0x17: {  	_ =	swait.ge [sflag:s26], $0x1900  }
0x18: {  	[sflag:s26] =	ssyncset.done $0x0  }
0x19: {  	[sflag:s26] =	ssyncadd.s32 $0xFFFFE700  }
0x1a: {  	v25 =	vld.idx.msk [tilespmem:v0+s3+$0x0], $0xffff  }
0x1b: {  	v26 =	vld.idx.msk [tilespmem:v1+s3+$0x0], $0xffff  }
0x1c: {  	v27 =	vld.idx.msk [tilespmem:v2+s3+$0x0], $0xffff  }
0x1d: {  	v28 =	vld.idx.msk [tilespmem:v3+s3+$0x0], $0xffff  }
0x1e: {  	v29 =	vld.idx.msk [tilespmem:v4+s3+$0x0], $0xffff  }
0x1f: {  	[tilespmem:$0x7D00] =	vst v25;
	v25 =	vld.idx.msk [tilespmem:v5+s3+$0x0], $0xffff  }
0x20: {  	[tilespmem:$0x7D10] =	vst v26;
	v26 =	vld.idx.msk [tilespmem:v7+s3+$0x0], $0xffff  }
0x21: {  	[tilespmem:$0x7D20] =	vst v27;
	v27 =	vld.idx.msk [tilespmem:v8+s3+$0x0], $0xffff  }
0x22: {  	[tilespmem:$0x7D30] =	vst v28  }
0x23: {  	[tilespmem:$0x7D40] =	vst v29  }
0x24: {  	[tilespmem:$0x7D50] =	vst v25  }
0x25: {  	[tilespmem:$0x7D60] =	vst v26  }
0x26: {  	s30 =	simm.s32 $0x7D00;
	s31 =	simm.s32 $0x7E00;
	s26 =	simm.s32 $0x0;
	[tilespmem:$0x7D70] =	vst v27  }
0x27: {  	[tilespmem:s31], [sflag:$0x1] =	stream.indirect.gather [hbm4b:s4+s14], $0x20, s30, s14, $0xb8;
	[tilespmem:$0xC000] =	vst v63  }
.LBB2_2:
0x28: {  	s28 =	sshllo.u32 s26, $0x1  }
0x29: {  	v25 =	vadd.s32 s28, v0  }
0x2a: {  	v26 =	vadd.s32 s28, v1  }
0x2b: {  	v27 =	vadd.s32 s28, v2  }
0x2c: {  	v28 =	vadd.s32 s28, v3  }
0x2d: {  	v29 =	vadd.s32 s28, v4  }
0x2e: {  	v30 =	vadd.s32 s28, v5;
	v25 =	vld.idx.msk [tilespmem:v25+s3+$0x0], $0xffff  }
0x2f: {  	v31 =	vadd.s32 s28, v7;
	v26 =	vld.idx.msk [tilespmem:v26+s3+$0x0], $0xffff  }
0x30: {  	v32 =	vadd.s32 s28, v8;
	v27 =	vld.idx.msk [tilespmem:v27+s3+$0x0], $0xffff  }
0x31: {  	v28 =	vld.idx.msk [tilespmem:v28+s3+$0x0], $0xffff  }
0x32: {  	v29 =	vld.idx.msk [tilespmem:v29+s3+$0x0], $0xffff  }
0x33: {  	[tilespmem:$0x7D80] =	vst v25;
	v25 =	vld.idx.msk [tilespmem:v30+s3+$0x0], $0xffff  }
0x34: {  	[tilespmem:$0x7D90] =	vst v26;
	v26 =	vld.idx.msk [tilespmem:v31+s3+$0x0], $0xffff  }
0x35: {  	[tilespmem:$0x7DA0] =	vst v27;
	v27 =	vld.idx.msk [tilespmem:v32+s3+$0x0], $0xffff  }
0x36: {  	[tilespmem:$0x7DB0] =	vst v28  }
0x37: {  	[tilespmem:$0x7DC0] =	vst v29  }
0x38: {  	[tilespmem:$0x7DD0] =	vst v25  }
0x39: {  	[tilespmem:$0x7DE0] =	vst v26  }
0x3a: {  	s5 =	simm.s32 $0x7D80;
	s29 =	simm.s32 $0x8E00;
	[tilespmem:$0x7DF0] =	vst v27  }
0x3b: {  	[tilespmem:s29], [sflag:$0x2] =	stream.indirect.gather [hbm4b:s4+s14], $0x20, s5, s14, $0xb8;
	[tilespmem:$0xC000] =	vst v63  }
0x3c: {  	_ =	swait.ge [sflag:s19], $0x1000  }
0x3d: {  	p0 =	seq.s32 s26, $0x0;
	[sflag:s19] =	ssyncset.done $0x0  }
0x3e: {  	s5 =	simm.s32 @!p0 $0x3;
	[sflag:s19] =	ssyncadd.s32 $0xFFFFF000  }
0x3f: {  	_ =	swait.ge @!p0 [sflag:s5], $0x400  }
0x40: {  	[sflag:s5] =	ssyncset.done @!p0 $0x0  }
0x41: {  	[sflag:s5] =	ssyncadd.s32 @!p0 $0xFFFFFC00  }
0x42: {  	s31 =	simm.s32 $0x4;
	_ =	swait.ge @!p0 [sflag:s5], $0x400  }
0x43: {  	v29 =	vmov s31;
	[sflag:s5] =	ssyncset.done @!p0 $0x0  }
0x44: {  	v29 =	vshrl.u32 v29, $0x3;
	[sflag:s5] =	ssyncadd.s32 @!p0 $0xFFFFFC00  }
0x45: {  	v29 =	vshll.u32 v29, v9;
	_ =	swait.ge @!p0 [sflag:s5], $0x400  }
0x46: {  	v29 =	vbroadcast v29, $0x0;
	s29 =	simm.s32 $0x0;
	[sflag:s5] =	ssyncset.done @!p0 $0x0  }
0x47: {  	s30 =	simm.s32 $0x1;
	v25 =	vmov s29;
	s29 =	simm.s32 $0x2;
	[sflag:s5] =	ssyncadd.s32 @!p0 $0xFFFFFC00  }
0x48: {  	v26 =	vmov s30;
	s30 =	simm.s32 $0x3;
	v60 =	vadd.s32 v17, v29;
	v27 =	vmov s29;
	s29 =	simm.s32 $0x5;
	_ =	swait.ge @!p0 [sflag:s5], $0x400  }
0x49: {  	s31 =	sshll.u32 s26, $0x6;
	v28 =	vmov s30;
	v25 =	vshrl.u32 v25, $0x3;
	v30 =	vmov s29;
	s29 =	simm.s32 $0x7;
	[sflag:s5] =	ssyncset.done @!p0 $0x0  }
0x4a: {  	s6 =	sand.u32 $0x3FFFFFC0, s31;
	s30 =	simm.s32 $0x6;
	v33 =	vshrl.u32 v26, $0x3;
	v59 =	vshll.u32 v25, v9;
	v25 =	vmov s29;
	[sflag:s5] =	ssyncadd.s32 @!p0 $0xFFFFFC00  }
0x4b: {  	v31 =	vmov s30;
	v28 =	vshrl.u32 v28, $0x3;
	v34 =	vshrl.u32 v25, $0x3;
	v26 =	vld [tilespmem:s6+$0x6400]  }
0x4c: {  	s30 =	simm.s32 $0x7E80;
	v33 =	vshll.u32 v33, v9;
	v31 =	vshrl.u32 v31, $0x3;
	v34 =	vshll.u32 v34, v9;
	v25 =	vld [tilespmem:s6+$0x6410]  }
0x4d: {  	v28 =	vshll.u32 v28, v9;
	v33 =	vbroadcast v33, $0x0;
	v34 =	vbroadcast v34, $0x0;
	v35 =	vld [tilespmem:s30+$0x60]  }
0x4e: {  	v27 =	vshrl.u32 v27, $0x3;
	v28 =	vbroadcast v28, $0x0;
	v32 =	vbroadcast v59, $0x0;
	v36 =	vld [tilespmem:s30+$0xFFFFFF80]  }
0x4f: {  	v31 =	vshll.u32 v31, v9;
	v27 =	vshll.u32 v27, v9;
	v38 =	vadd.s32 v23, v34;
	v37 =	vld [tilespmem:s30+$0xFFFFFFA0]  }
0x50: {  	v30 =	vshrl.u32 v30, $0x3;
	v27 =	vbroadcast v27, $0x0;
	v39 =	vadd.s32 v6, v32;
	v40 =	vld [tilespmem:s30+$0xFFFFFFC0]  }
0x51: {  	v41 =	vadd.s32 v11, v33;
	v49 =	vbroadcast v31, $0x0;
	v57 =	vadd.s32 v12, v33;
	v42 =	vld [tilespmem:s30+$0xFFFFFFE0]  }
0x52: {  	v30 =	vshll.u32 v30, v9;
	v43 =	vadd.s32 v13, v27;
	v44 =	vld [tilespmem:s30+$0x0];
	v35 =	vadd.f32 v35, v26  }
0x53: {  	v45 =	vadd.s32 v15, v28;
	v47 =	vbroadcast v30, $0x0;
	v46 =	vld [tilespmem:s30+$0x20];
	v36 =	vadd.f32 v36, v26  }
0x54: {  	v52 =	vadd.s32 v21, v49;
	v48 =	vld [tilespmem:s30+$0x40];
	v30 =	vadd.f32 v37, v26;
	[tilespmem:v38+s20+$0x0] =	vst.idx.msk $0xffff, v35  }
0x55: {  	v61 =	vadd.s32 v19, v47;
	v31 =	vadd.f32 v40, v26;
	[tilespmem:v39+s20+$0x0] =	vst.idx.msk $0xffff, v36;
	v62 =	vld [tilespmem:s30+$0x70]  }
0x56: {  	v54 =	vadd.s32 v10, v32;
	[tilespmem:v41+s20+$0x0] =	vst.idx.msk $0xffff, v30;
	v30 =	vadd.f32 v42, v26;
	v63 =	vld [tilespmem:s30+$0xFFFFFF90]  }
0x57: {  	v34 =	vadd.s32 v24, v34;
	[tilespmem:v43+s20+$0x0] =	vst.idx.msk $0xffff, v31;
	v31 =	vadd.f32 v44, v26;
	v41 =	vld [tilespmem:s30+$0xFFFFFFB0]  }
0x58: {  	v59 =	vadd.s32 v14, v27;
	s6 =	simm.s32 $0x8;
	v55 =	vadd.f32 v46, v26;
	v43 =	vld [tilespmem:s30+$0xFFFFFFD0];
	[tilespmem:v45+s20+$0x0] =	vst.idx.msk $0xffff, v30  }
0x59: {  	v27 =	vadd.s32 v16, v28;
	v53 =	vmov s6;
	s6 =	simm.s32 $0x9;
	[tilespmem:v60+s20+$0x0] =	vst.idx.msk $0xffff, v31;
	v31 =	vadd.f32 v48, v26;
	v58 =	vld [tilespmem:s30+$0xFFFFFFF0]  }
0x5a: {  	v28 =	vadd.s32 v18, v29;
	v56 =	vmov s6;
	s6 =	simm.s32 $0xA;
	[tilespmem:v61+s20+$0x0] =	vst.idx.msk $0xffff, v55;
	v50 =	vld [tilespmem:s30+$0x10];
	v60 =	vadd.f32 v62, v25  }
0x5b: {  	v29 =	vadd.s32 v22, v49;
	v37 =	vld [tilespmem:s30+$0x30];
	v30 =	vmov s6;
	s6 =	simm.s32 $0xB;
	[tilespmem:v52+s20+$0x0] =	vst.idx.msk $0xffff, v31;
	v61 =	vadd.f32 v63, v25  }
0x5c: {  	v40 =	vshrl.u32 v53, $0x3;
	v32 =	vmov s6;
	s6 =	simm.s32 $0xC;
	v39 =	vld [tilespmem:s30+$0x50];
	v62 =	vadd.f32 v41, v25;
	[tilespmem:v34+s20+$0x0] =	vst.idx.msk $0xffff, v60  }
0x5d: {  	v33 =	vmov s6;
	s6 =	simm.s32 $0xD;
	v31 =	vadd.s32 v20, v47;
	v63 =	vadd.f32 v43, v25;
	[tilespmem:v54+s20+$0x0] =	vst.idx.msk $0xffff, v61  }
0x5e: {  	v40 =	vshll.u32 v40, v9;
	v34 =	vmov s6;
	s6 =	simm.s32 $0xE;
	[tilespmem:v57+s20+$0x0] =	vst.idx.msk $0xffff, v62;
	v38 =	vadd.f32 v58, v25  }
0x5f: {  	s31 =	simm.s32 $0x10;
	s29 =	sshll.u32 s26, $0x1;
	s5 =	simm.s32 $0xF;
	v36 =	vshrl.u32 v56, $0x3;
	[tilespmem:v59+s20+$0x0] =	vst.idx.msk $0xffff, v63;
	v41 =	vadd.f32 v50, v25;
	v35 =	vmov s6  }
.LBB2_3:
0x60: {  	p1 =	slt.u32 s31, $0x78;
	v30 =	vshrl.u32 v30, $0x3;
	v42 =	vmov s5;
	[tilespmem:v27+s20+$0x0] =	vst.idx.msk $0xffff, v38;
	v27 =	vadd.f32 v37, v25  }
0x61: {  	v32 =	vshrl.u32 v32, $0x3;
	v37 =	vshrl.u32 v42, $0x3;
	[tilespmem:v28+s20+$0x0] =	vst.idx.msk $0xffff, v41;
	v28 =	vadd.f32 v39, v25  }
0x62: {  	v33 =	vshrl.u32 v33, $0x3;
	v34 =	vshrl.u32 v34, $0x3;
	s30 =	sadd.s32 $0x100, s30;
	v37 =	vshll.u32 v37, v9;
	[tilespmem:v31+s20+$0x0] =	vst.idx.msk $0xffff, v27  }
0x63: {  	v27 =	vbroadcast v40, $0x0;
	v31 =	vshrl.u32 v35, $0x3;
	v35 =	vld [tilespmem:s30+$0x60];
	v37 =	vbroadcast v37, $0x0;
	[tilespmem:v29+s20+$0x0] =	vst.idx.msk $0xffff, v28  }
0x64: {  	v30 =	vshll.u32 v30, v9;
	v32 =	vshll.u32 v32, v9;
	v29 =	vshll.u32 v36, v9;
	v28 =	vld [tilespmem:s30+$0xFFFFFF80]  }
0x65: {  	v33 =	vshll.u32 v33, v9;
	v29 =	vbroadcast v29, $0x0;
	v36 =	vld [tilespmem:s30+$0xFFFFFFA0];
	v38 =	vadd.s32 v23, v37  }
0x66: {  	v41 =	vbroadcast v30, $0x0;
	v30 =	vshll.u32 v34, v9;
	v39 =	vadd.s32 v6, v27;
	v40 =	vld [tilespmem:s30+$0xFFFFFFC0]  }
0x67: {  	v43 =	vbroadcast v32, $0x0;
	v31 =	vshll.u32 v31, v9;
	v34 =	vadd.s32 v11, v29;
	v42 =	vld [tilespmem:s30+$0xFFFFFFE0]  }
0x68: {  	v45 =	vbroadcast v33, $0x0;
	v32 =	vadd.s32 v13, v41;
	v44 =	vld [tilespmem:s30+$0x0];
	v33 =	vadd.f32 v35, v26  }
0x69: {  	v47 =	vbroadcast v30, $0x0;
	v35 =	vadd.s32 v15, v43;
	v28 =	vadd.f32 v28, v26;
	v46 =	vld [tilespmem:s30+$0x20]  }
0x6a: {  	v49 =	vbroadcast v31, $0x0;
	v30 =	vadd.f32 v36, v26;
	v36 =	vadd.s32 v17, v45;
	v48 =	vld [tilespmem:s30+$0x40];
	[tilespmem:v38+s20+$0x0] =	vst.idx.msk $0xffff, v33  }
0x6b: {  	v31 =	vadd.s32 v19, v47;
	[tilespmem:v39+s20+$0x0] =	vst.idx.msk $0xffff, v28;
	v28 =	vadd.f32 v40, v26;
	v33 =	vld [tilespmem:s30+$0x70]  }
0x6c: {  	v38 =	vld [tilespmem:s30+$0xFFFFFF90];
	[tilespmem:v34+s20+$0x0] =	vst.idx.msk $0xffff, v30;
	v30 =	vadd.f32 v42, v26;
	v34 =	vadd.s32 v21, v49  }
0x6d: {  	v39 =	vmov s31;
	v42 =	vadd.s32 v24, v37;
	v40 =	vld [tilespmem:s30+$0xFFFFFFB0];
	[tilespmem:v32+s20+$0x0] =	vst.idx.msk $0xffff, v28;
	v28 =	vadd.f32 v44, v26  }
0x6e: {  	s5 =	sadd.s32 $0x1, s31;
	v50 =	vadd.s32 v10, v27;
	v44 =	vshrl.u32 v39, $0x3;
	v51 =	vld [tilespmem:s30+$0xFFFFFFD0];
	[tilespmem:v35+s20+$0x0] =	vst.idx.msk $0xffff, v30;
	v27 =	vadd.f32 v46, v26  }
0x6f: {  	v29 =	vadd.s32 v12, v29;
	v46 =	vmov s5;
	s5 =	sadd.s32 $0x2, s31;
	v52 =	vld [tilespmem:s30+$0xFFFFFFF0];
	[tilespmem:v36+s20+$0x0] =	vst.idx.msk $0xffff, v28;
	v28 =	vadd.f32 v48, v26  }
0x70: {  	v41 =	vadd.s32 v14, v41;
	v30 =	vmov s5;
	s5 =	sadd.s32 $0x3, s31;
	v48 =	vld [tilespmem:s30+$0x10];
	[tilespmem:v31+s20+$0x0] =	vst.idx.msk $0xffff, v27;
	v31 =	vadd.f32 v33, v25  }
.Ltmp0:
0x71: {  	v32 =	vmov s5;
	s5 =	sadd.s32 $0x4, s31;
	v27 =	vadd.s32 v16, v43;
	v35 =	vadd.f32 v38, v25;
	v37 =	vld [tilespmem:s30+$0x30];
	[tilespmem:v34+s20+$0x0] =	vst.idx.msk $0xffff, v28;
	(pc) =	sbr.rel @p1 .LBB2_3-.Ltmp0, $4  }
0x72: {  	v33 =	vmov s5;
	s5 =	sadd.s32 $0x5, s31;
	v28 =	vadd.s32 v18, v45;
	v36 =	vadd.f32 v40, v25;
	v39 =	vld [tilespmem:s30+$0x50];
	[tilespmem:v42+s20+$0x0] =	vst.idx.msk $0xffff, v31  }
0x73: {  	v34 =	vmov s5;
	s5 =	sadd.s32 $0x6, s31;
	v31 =	vadd.s32 v20, v47;
	[tilespmem:v50+s20+$0x0] =	vst.idx.msk $0xffff, v35;
	v42 =	vadd.f32 v51, v25  }
0x74: {  	v35 =	vmov s5;
	[tilespmem:v29+s20+$0x0] =	vst.idx.msk $0xffff, v36;
	v38 =	vadd.f32 v52, v25;
	v29 =	vadd.s32 v22, v49  }
0x75: {  	v40 =	vshll.u32 v44, v9;
	s5 =	sadd.s32 $0x7, s31;
	s31 =	sadd.s32 $0x8, s31;
	v36 =	vshrl.u32 v46, $0x3;
	[tilespmem:v41+s20+$0x0] =	vst.idx.msk $0xffff, v42;
	v41 =	vadd.f32 v48, v25  }
0x76: {  	v30 =	vshrl.u32 v30, $0x3;
	v42 =	vmov s5;
	v37 =	vadd.f32 v37, v25  }
0x77: {  	v32 =	vshrl.u32 v32, $0x3;
	v33 =	vshrl.u32 v33, $0x3;
	v34 =	vshrl.u32 v34, $0x3  }
0x78: {  	s30 =	sadd.s32 $0x100, s30;
	v40 =	vbroadcast v40, $0x0;
	v35 =	vshrl.u32 v35, $0x3;
	v36 =	vshll.u32 v36, v9  }
0x79: {  	v42 =	vshrl.u32 v42, $0x3;
	v39 =	vadd.f32 v39, v25;
	v44 =	vld [tilespmem:s30+$0xFFFFFF80];
	v30 =	vshll.u32 v30, v9  }
0x7a: {  	v32 =	vshll.u32 v32, v9;
	v45 =	vld [tilespmem:s30+$0xFFFFFFA0];
	v36 =	vbroadcast v36, $0x0;
	v42 =	vshll.u32 v42, v9  }
0x7b: {  	[tilespmem:v27+s20+$0x0] =	vst.idx.msk $0xffff, v38;
	v43 =	vld [tilespmem:s30+$0x60];
	v33 =	vshll.u32 v33, v9;
	v27 =	vadd.s32 v6, v40;
	v42 =	vbroadcast v42, $0x0  }
0x7c: {  	v55 =	vld [tilespmem:s30+$0xFFFFFFC0];
	v34 =	vshll.u32 v34, v9;
	v30 =	vbroadcast v30, $0x0;
	v56 =	vadd.s32 v11, v36  }
0x7d: {  	[tilespmem:v28+s20+$0x0] =	vst.idx.msk $0xffff, v41;
	v57 =	vld [tilespmem:s30+$0xFFFFFFE0];
	v35 =	vshll.u32 v35, v9;
	v32 =	vbroadcast v32, $0x0;
	v46 =	vadd.s32 v23, v42  }
0x7e: {  	v59 =	vld [tilespmem:s30+$0x0];
	[tilespmem:v31+s20+$0x0] =	vst.idx.msk $0xffff, v37;
	v33 =	vbroadcast v33, $0x0;
	v58 =	vadd.s32 v13, v30;
	v60 =	vadd.f32 v44, v26  }
0x7f: {  	v62 =	vld [tilespmem:s30+$0x20];
	v34 =	vbroadcast v34, $0x0;
	[tilespmem:v29+s20+$0x0] =	vst.idx.msk $0xffff, v39;
	v61 =	vadd.s32 v15, v32;
	v45 =	vadd.f32 v45, v26  }
0x80: {  	v48 =	vld [tilespmem:s30+$0x40];
	v35 =	vbroadcast v35, $0x0;
	v47 =	vadd.s32 v17, v33;
	v43 =	vadd.f32 v43, v26;
	[tilespmem:v27+s20+$0x0] =	vst.idx.msk $0xffff, v60  }
0x81: {  	v63 =	vadd.s32 v19, v34;
	v27 =	vadd.f32 v55, v26;
	[tilespmem:v56+s20+$0x0] =	vst.idx.msk $0xffff, v45;
	v50 =	vld [tilespmem:s30+$0xFFFFFF90]  }
0x82: {  	v52 =	vadd.s32 v21, v35;
	v51 =	vadd.f32 v57, v26;
	v45 =	vld [tilespmem:s30+$0xFFFFFFB0];
	[tilespmem:v46+s20+$0x0] =	vst.idx.msk $0xffff, v43  }
0x83: {  	v54 =	vadd.s32 v10, v40;
	[tilespmem:v58+s20+$0x0] =	vst.idx.msk $0xffff, v27;
	v27 =	vadd.f32 v59, v26;
	v49 =	vld [tilespmem:s30+$0x70]  }
0x84: {  	v36 =	vadd.s32 v12, v36;
	v56 =	vadd.f32 v62, v26;
	[tilespmem:v61+s20+$0x0] =	vst.idx.msk $0xffff, v51;
	v55 =	vld [tilespmem:s30+$0xFFFFFFD0]  }
0x85: {  	v53 =	vadd.s32 v24, v42;
	v39 =	vld [tilespmem:s30+$0xFFFFFFF0];
	v26 =	vadd.f32 v48, v26;
	[tilespmem:v47+s20+$0x0] =	vst.idx.msk $0xffff, v27  }
0x86: {  	[tilespmem:v63+s20+$0x0] =	vst.idx.msk $0xffff, v56;
	v27 =	vadd.s32 v14, v30;
	v57 =	vld [tilespmem:s30+$0x10];
	v59 =	vadd.f32 v50, v25  }
0x87: {  	v32 =	vadd.s32 v16, v32;
	v60 =	vld [tilespmem:s30+$0x30];
	[tilespmem:v52+s20+$0x0] =	vst.idx.msk $0xffff, v26;
	v26 =	vadd.f32 v45, v25  }
0x88: {  	v33 =	vadd.s32 v18, v33;
	v41 =	vld [tilespmem:s30+$0x50];
	v58 =	vadd.f32 v49, v25;
	[tilespmem:v54+s20+$0x0] =	vst.idx.msk $0xffff, v59  }
0x89: {  	v62 =	vadd.s32 v20, v34;
	v61 =	vadd.f32 v55, v25;
	[tilespmem:v36+s20+$0x0] =	vst.idx.msk $0xffff, v26  }
0x8a: {  	v63 =	vadd.s32 v22, v35;
	v26 =	vadd.f32 v39, v25;
	[tilespmem:v53+s20+$0x0] =	vst.idx.msk $0xffff, v58  }
0x8b: {  	[tilespmem:v27+s20+$0x0] =	vst.idx.msk $0xffff, v61;
	v27 =	vadd.f32 v57, v25  }
0x8c: {  	s30 =	sshll.u32 s26, $0x12;
	[tilespmem:v32+s20+$0x0] =	vst.idx.msk $0xffff, v26;
	v26 =	vadd.f32 v60, v25  }
0x8d: {  	s5 =	sor.u32 s7, s30;
	v25 =	vadd.f32 v41, v25;
	[tilespmem:v33+s20+$0x0] =	vst.idx.msk $0xffff, v27  }
0x8e: {  	s5 =	sshrl.u32 s5, $0x3;
	[tilespmem:v62+s20+$0x0] =	vst.idx.msk $0xffff, v26  }
0x8f: {  	s30 =	sadd.s32 s2, s5;
	[tilespmem:v63+s20+$0x0] =	vst.idx.msk $0xffff, v25  }
0x90: {  	[hbm4b:s30+s3] =	stream.linear.scatter [tilespmem:s20], [sflag:$0x3], $0x80, $0x38;
	[tilespmem:$0xC000] =	vst v63  }
0x91: {  	s6 =	simm.s32 $0x9E88;
	s31 =	sadd.s32 $0x10, s30  }
0x92: {  	[hbm4b:s31+s3] =	stream.linear.scatter [tilespmem:s6], [sflag:$0x3], $0x80, $0x38;
	[tilespmem:$0xC000] =	vst v63  }
0x93: {  	s31 =	sadd.s32 $0x20, s30;
	s6 =	simm.s32 $0x9F10  }
0x94: {  	[hbm4b:s31+s3] =	stream.linear.scatter [tilespmem:s6], [sflag:$0x3], $0x80, $0x38;
	[tilespmem:$0xC000] =	vst v63  }
0x95: {  	s31 =	sadd.s32 $0x30, s30;
	s6 =	simm.s32 $0x9F98  }
0x96: {  	[hbm4b:s31+s3] =	stream.linear.scatter [tilespmem:s6], [sflag:$0x3], $0x80, $0x38;
	[tilespmem:$0xC000] =	vst v63  }
0x97: {  	s31 =	sadd.s32 $0x40, s30;
	s6 =	simm.s32 $0xA020  }
0x98: {  	[hbm4b:s31+s3] =	stream.linear.scatter [tilespmem:s6], [sflag:$0x3], $0x80, $0x38;
	[tilespmem:$0xC000] =	vst v63  }
0x99: {  	s31 =	sadd.s32 $0x50, s30;
	s6 =	simm.s32 $0xA0A8  }
0x9a: {  	[hbm4b:s31+s3] =	stream.linear.scatter [tilespmem:s6], [sflag:$0x3], $0x80, $0x38;
	[tilespmem:$0xC000] =	vst v63  }
0x9b: {  	s31 =	sadd.s32 $0x60, s30;
	s6 =	simm.s32 $0xA130  }
0x9c: {  	[hbm4b:s31+s3] =	stream.linear.scatter [tilespmem:s6], [sflag:$0x3], $0x80, $0x38;
	[tilespmem:$0xC000] =	vst v63  }
0x9d: {  	s30 =	sadd.s32 $0x70, s30;
	s31 =	simm.s32 $0xA1B8  }
0x9e: {  	[hbm4b:s30+s3] =	stream.linear.scatter [tilespmem:s31], [sflag:$0x3], $0x80, $0x38;
	[tilespmem:$0xC000] =	vst v63  }
0x9f: {  	s30 =	sadd.s32 s5, s8;
	s31 =	simm.s32 $0xA240  }
0xa0: {  	[hbm4b:s30+s3] =	stream.linear.scatter [tilespmem:s31], [sflag:$0x3], $0x80, $0x38;
	[tilespmem:$0xC000] =	vst v63  }
0xa1: {  	s6 =	simm.s32 $0xA2C8;
	s31 =	sadd.s32 $0x10, s30  }
0xa2: {  	[hbm4b:s31+s3] =	stream.linear.scatter [tilespmem:s6], [sflag:$0x3], $0x80, $0x38;
	[tilespmem:$0xC000] =	vst v63  }
0xa3: {  	s31 =	sadd.s32 $0x20, s30;
	s6 =	simm.s32 $0xA350  }
0xa4: {  	[hbm4b:s31+s3] =	stream.linear.scatter [tilespmem:s6], [sflag:$0x3], $0x80, $0x38;
	[tilespmem:$0xC000] =	vst v63  }
0xa5: {  	s31 =	sadd.s32 $0x30, s30;
	s6 =	simm.s32 $0xA3D8  }
0xa6: {  	[hbm4b:s31+s3] =	stream.linear.scatter [tilespmem:s6], [sflag:$0x3], $0x80, $0x38;
	[tilespmem:$0xC000] =	vst v63  }
0xa7: {  	s31 =	sadd.s32 $0x40, s30;
	s6 =	simm.s32 $0xA460  }
0xa8: {  	[hbm4b:s31+s3] =	stream.linear.scatter [tilespmem:s6], [sflag:$0x3], $0x80, $0x38;
	[tilespmem:$0xC000] =	vst v63  }
0xa9: {  	s31 =	sadd.s32 $0x50, s30;
	s6 =	simm.s32 $0xA4E8  }
0xaa: {  	[hbm4b:s31+s3] =	stream.linear.scatter [tilespmem:s6], [sflag:$0x3], $0x80, $0x38;
	[tilespmem:$0xC000] =	vst v63  }
0xab: {  	s31 =	sadd.s32 $0x60, s30;
	s6 =	simm.s32 $0xA570  }
0xac: {  	[hbm4b:s31+s3] =	stream.linear.scatter [tilespmem:s6], [sflag:$0x3], $0x80, $0x38;
	[tilespmem:$0xC000] =	vst v63  }
0xad: {  	s30 =	sadd.s32 $0x70, s30;
	s31 =	simm.s32 $0xA5F8  }
0xae: {  	[hbm4b:s30+s3] =	stream.linear.scatter [tilespmem:s31], [sflag:$0x3], $0x80, $0x38;
	[tilespmem:$0xC000] =	vst v63  }
0xaf: {  	s30 =	sadd.s32 s5, s9;
	s31 =	simm.s32 $0xA680  }
0xb0: {  	[hbm4b:s30+s3] =	stream.linear.scatter [tilespmem:s31], [sflag:$0x3], $0x80, $0x38;
	[tilespmem:$0xC000] =	vst v63  }
0xb1: {  	s6 =	simm.s32 $0xA708;
	s31 =	sadd.s32 $0x10, s30  }
0xb2: {  	[hbm4b:s31+s3] =	stream.linear.scatter [tilespmem:s6], [sflag:$0x3], $0x80, $0x38;
	[tilespmem:$0xC000] =	vst v63  }
0xb3: {  	s31 =	sadd.s32 $0x20, s30;
	s6 =	simm.s32 $0xA790  }
0xb4: {  	[hbm4b:s31+s3] =	stream.linear.scatter [tilespmem:s6], [sflag:$0x3], $0x80, $0x38;
	[tilespmem:$0xC000] =	vst v63  }
0xb5: {  	s31 =	sadd.s32 $0x30, s30;
	s6 =	simm.s32 $0xA818  }
0xb6: {  	[hbm4b:s31+s3] =	stream.linear.scatter [tilespmem:s6], [sflag:$0x3], $0x80, $0x38;
	[tilespmem:$0xC000] =	vst v63  }
0xb7: {  	s31 =	sadd.s32 $0x40, s30;
	s6 =	simm.s32 $0xA8A0  }
0xb8: {  	[hbm4b:s31+s3] =	stream.linear.scatter [tilespmem:s6], [sflag:$0x3], $0x80, $0x38;
	[tilespmem:$0xC000] =	vst v63  }
0xb9: {  	s31 =	sadd.s32 $0x50, s30;
	s6 =	simm.s32 $0xA928  }
0xba: {  	[hbm4b:s31+s3] =	stream.linear.scatter [tilespmem:s6], [sflag:$0x3], $0x80, $0x38;
	[tilespmem:$0xC000] =	vst v63  }
0xbb: {  	s31 =	sadd.s32 $0x60, s30;
	s6 =	simm.s32 $0xA9B0  }
0xbc: {  	[hbm4b:s31+s3] =	stream.linear.scatter [tilespmem:s6], [sflag:$0x3], $0x80, $0x38;
	[tilespmem:$0xC000] =	vst v63  }
0xbd: {  	s30 =	sadd.s32 $0x70, s30;
	s31 =	simm.s32 $0xAA38  }
0xbe: {  	[hbm4b:s30+s3] =	stream.linear.scatter [tilespmem:s31], [sflag:$0x3], $0x80, $0x38;
	[tilespmem:$0xC000] =	vst v63  }
0xbf: {  	s5 =	sadd.s32 s5, s10;
	s31 =	simm.s32 $0xAAC0  }
0xc0: {  	[hbm4b:s5+s3] =	stream.linear.scatter [tilespmem:s31], [sflag:$0x3], $0x80, $0x38;
	[tilespmem:$0xC000] =	vst v63  }
0xc1: {  	s6 =	sadd.s32 $0x10, s5;
	s31 =	simm.s32 $0xAB48  }
0xc2: {  	[hbm4b:s6+s3] =	stream.linear.scatter [tilespmem:s31], [sflag:$0x3], $0x80, $0x38;
	[tilespmem:$0xC000] =	vst v63  }
0xc3: {  	s6 =	sadd.s32 $0x20, s5;
	s31 =	simm.s32 $0xABD0  }
0xc4: {  	[hbm4b:s6+s3] =	stream.linear.scatter [tilespmem:s31], [sflag:$0x3], $0x80, $0x38;
	[tilespmem:$0xC000] =	vst v63  }
0xc5: {  	s6 =	sadd.s32 $0x30, s5;
	s31 =	simm.s32 $0xAC58  }
0xc6: {  	[hbm4b:s6+s3] =	stream.linear.scatter [tilespmem:s31], [sflag:$0x3], $0x80, $0x38;
	[tilespmem:$0xC000] =	vst v63  }
0xc7: {  	s6 =	sadd.s32 $0x40, s5;
	s31 =	simm.s32 $0xACE0  }
0xc8: {  	[hbm4b:s6+s3] =	stream.linear.scatter [tilespmem:s31], [sflag:$0x3], $0x80, $0x38;
	[tilespmem:$0xC000] =	vst v63  }
0xc9: {  	p1 =	sne.s32 s26, $0x63;
	s6 =	sadd.s32 $0x50, s5;
	s31 =	simm.s32 $0xAD68  }
0xca: {  	[hbm4b:s6+s3] =	stream.linear.scatter [tilespmem:s31], [sflag:$0x3], $0x80, $0x38;
	[tilespmem:$0xC000] =	vst v63  }
.Ltmp1:
0xcb: {  	_ = 	snop;
	(pc) =	sbr.rel @p1 .LBB2_6-.Ltmp1, $4  }
0xcc: {  	s6 =	sadd.s32 $0x60, s5;
	s31 =	simm.s32 $0xADF0  }
0xcd: {  	[hbm4b:s6+s3] =	stream.linear.scatter [tilespmem:s31], [sflag:$0x3], $0x80, $0x38;
	[tilespmem:$0xC000] =	vst v63  }
0xce: {  	s5 =	sadd.s32 $0x70, s5;
	s31 =	simm.s32 $0xAE78  }
0xcf: {  	[hbm4b:s5+s3] =	stream.linear.scatter [tilespmem:s31], [sflag:$0x3], $0x80, $0x38;
	[tilespmem:$0xC000] =	vst v63  }
.Ltmp2:
0xd0: {  	(pc) =	sbr.rel .LBB2_7-.Ltmp2, $4  }
0xd1: {  	_ = 	snop  }
0xd2: {  	_ =	swait.ge [sflag:s1], $0x1000  }
0xd3: {  	[sflag:s1] =	ssyncset.done $0x0  }
0xd4: {  	[sflag:s1] =	ssyncadd.s32 $0xFFFFF000  }
.LBB2_6:
0xd5: {  	s5 =	sadd.s32 $0x2, s29  }
0xd6: {  	v25 =	vmov s5;
	v26 =	vadd.s32 s5, v0  }
0xd7: {  	v27 =	vadd.s32 s5, v1;
	v28 =	vadd.s32 s5, v2;
	v29 =	vadd.s32 s5, v3  }
0xd8: {  	v30 =	vadd.s32 s5, v4;
	v26 =	vand.u32 $0x1FF8, v26;
	v25 =	vand.u32 $0x6, v25  }
0xd9: {  	v31 =	vadd.s32 s5, v5;
	v27 =	vand.u32 $0x3FF8, v27;
	v26 =	vor.u32 v25, v26  }
0xda: {  	v32 =	vadd.s32 s5, v7;
	v28 =	vand.u32 $0x7FF8, v28;
	v27 =	vor.u32 v25, v27  }
0xdb: {  	v33 =	vadd.s32 s5, v8;
	v29 =	vand.u32 $0x7FF8, v29;
	v28 =	vor.u32 v25, v28  }
0xdc: {  	v30 =	vand.u32 $0x7FF8, v30;
	v31 =	vand.u32 $0xFFF8, v31;
	v29 =	vor.u32 v25, v29  }
0xdd: {  	v32 =	vand.u32 $0x7FF8, v32;
	v33 =	vand.u32 $0xFFF8, v33;
	v30 =	vor.u32 v25, v30  }
0xde: {  	v31 =	vor.u32 v25, v31;
	v32 =	vor.u32 v25, v32;
	v25 =	vor.u32 v25, v33;
	v26 =	vld.idx.msk [tilespmem:v26+s3+$0x0], $0xffff  }
0xdf: {  	v27 =	vld.idx.msk [tilespmem:v27+s3+$0x0], $0xffff  }
0xe0: {  	v28 =	vld.idx.msk [tilespmem:v28+s3+$0x0], $0xffff  }
0xe1: {  	v29 =	vld.idx.msk [tilespmem:v29+s3+$0x0], $0xffff  }
0xe2: {  	v30 =	vld.idx.msk [tilespmem:v30+s3+$0x0], $0xffff  }
0xe3: {  	v25 =	vld.idx.msk [tilespmem:v25+s3+$0x0], $0xffff;
	[tilespmem:$0x7D00] =	vst v26  }
0xe4: {  	v26 =	vld.idx.msk [tilespmem:v31+s3+$0x0], $0xffff;
	[tilespmem:$0x7D10] =	vst v27  }
0xe5: {  	v27 =	vld.idx.msk [tilespmem:v32+s3+$0x0], $0xffff;
	[tilespmem:$0x7D20] =	vst v28  }
0xe6: {  	[tilespmem:$0x7D30] =	vst v29  }
0xe7: {  	[tilespmem:$0x7D40] =	vst v30  }
0xe8: {  	[tilespmem:$0x7D70] =	vst v25  }
0xe9: {  	[tilespmem:$0x7D50] =	vst v26  }
.Ltmp3:
0xea: {  	s30 =	simm.s32 $0x7D00;
	s31 =	simm.s32 $0x7E00;
	[tilespmem:$0x7D60] =	vst v27;
	(pc) =	sbr.rel @p0 .LBB2_8-.Ltmp3, $4  }
0xeb: {  	[tilespmem:s31], [sflag:$0x1] =	stream.indirect.gather [hbm4b:s4+s14], $0x20, s30, s14, $0xb8;
	[tilespmem:$0xC000] =	vst v63  }
0xec: {  	_ =	swait.ge [sflag:s1], $0x1000  }
0xed: {  	[sflag:s1] =	ssyncset.done $0x0  }
0xee: {  	[sflag:s1] =	ssyncadd.s32 $0xFFFFF000  }
.LBB2_7:
0xef: {  	_ =	swait.ge [sflag:s0], $0x400  }
0xf0: {  	[sflag:s0] =	ssyncset.done $0x0  }
0xf1: {  	[sflag:s0] =	ssyncadd.s32 $0xFFFFFC00  }
0xf2: {  	_ =	swait.ge [sflag:s0], $0x400  }
0xf3: {  	[sflag:s0] =	ssyncset.done $0x0  }
0xf4: {  	[sflag:s0] =	ssyncadd.s32 $0xFFFFFC00  }
0xf5: {  	_ =	swait.ge [sflag:s0], $0x400  }
0xf6: {  	[sflag:s0] =	ssyncset.done $0x0  }
0xf7: {  	[sflag:s0] =	ssyncadd.s32 $0xFFFFFC00  }
0xf8: {  	_ =	swait.ge [sflag:s0], $0x400  }
0xf9: {  	[sflag:s0] =	ssyncset.done $0x0  }
0xfa: {  	[sflag:s0] =	ssyncadd.s32 $0xFFFFFC00  }
.LBB2_8:
0xfb: {  	s5 =	simm.s32 $0x0  }
0xfc: {  	s29 =	simm.s32 $0x1;
	s6 =	simm.s32 $0x2;
	s30 =	simm.s32 $0x4;
	v25 =	vmov s5  }
0xfd: {  	s31 =	simm.s32 $0x5;
	v26 =	vmov s29;
	s29 =	simm.s32 $0x3;
	v27 =	vmov s6;
	v29 =	vmov s30  }
0xfe: {  	s30 =	sshll.u32 s28, $0x5;
	v30 =	vmov s31;
	v28 =	vmov s29;
	s29 =	simm.s32 $0x6;
	v25 =	vshrl.u32 v25, $0x3  }
0xff: {  	s6 =	simm.s32 $0x7;
	v33 =	vshrl.u32 v26, $0x3;
	v27 =	vshrl.u32 v27, $0x3;
	v31 =	vmov s29;
	s29 =	sand.u32 $0x3FFFFFE0, s30  }
0x100: {  	v29 =	vshrl.u32 v29, $0x3;
	v32 =	vshll.u32 v25, v9;
	v25 =	vmov s6;
	v26 =	vld [tilespmem:s29+$0x6400]  }
0x101: {  	v30 =	vshrl.u32 v30, $0x3;
	v28 =	vshrl.u32 v28, $0x3;
	v34 =	vshrl.u32 v25, $0x3;
	v25 =	vld [tilespmem:s29+$0x6410];
	s29 =	simm.s32 $0x8E80  }
0x102: {  	v33 =	vshll.u32 v33, v9;
	v27 =	vshll.u32 v27, v9;
	v32 =	vbroadcast v32, $0x0;
	v36 =	vld [tilespmem:s29+$0xFFFFFF80]  }
0x103: {  	v29 =	vshll.u32 v29, v9;
	v30 =	vshll.u32 v30, v9;
	v33 =	vbroadcast v33, $0x0;
	v37 =	vld [tilespmem:s29+$0xFFFFFFA0]  }
0x104: {  	v27 =	vbroadcast v27, $0x0;
	v34 =	vshll.u32 v34, v9;
	v40 =	vld [tilespmem:s29+$0xFFFFFFC0];
	v39 =	vadd.s32 v6, v32  }
0x105: {  	v31 =	vshrl.u32 v31, $0x3;
	v35 =	vld [tilespmem:s29+$0x60];
	v34 =	vbroadcast v34, $0x0;
	v41 =	vadd.s32 v11, v33  }
0x106: {  	v28 =	vshll.u32 v28, v9;
	v29 =	vbroadcast v29, $0x0;
	v43 =	vadd.s32 v13, v27  }
0x107: {  	v42 =	vld [tilespmem:s29+$0xFFFFFFE0];
	v28 =	vbroadcast v28, $0x0;
	v38 =	vadd.s32 v23, v34;
	v36 =	vadd.f32 v36, v26  }
0x108: {  	v47 =	vbroadcast v30, $0x0;
	v31 =	vshll.u32 v31, v9;
	v44 =	vld [tilespmem:s29+$0x0];
	v30 =	vadd.f32 v37, v26  }
0x109: {  	v46 =	vld [tilespmem:s29+$0x20];
	v49 =	vbroadcast v31, $0x0;
	v45 =	vadd.s32 v15, v28;
	v31 =	vadd.f32 v40, v26;
	[tilespmem:v39+s13+$0x0] =	vst.idx.msk $0xffff, v36  }
0x10a: {  	v48 =	vld [tilespmem:s29+$0x40];
	v60 =	vadd.s32 v17, v29;
	v35 =	vadd.f32 v35, v26;
	[tilespmem:v41+s13+$0x0] =	vst.idx.msk $0xffff, v30  }
0x10b: {  	v61 =	vadd.s32 v19, v47;
	v54 =	vadd.s32 v10, v32;
	[tilespmem:v43+s13+$0x0] =	vst.idx.msk $0xffff, v31;
	v63 =	vld [tilespmem:s29+$0xFFFFFF90]  }
0x10c: {  	v52 =	vadd.s32 v21, v49;
	v30 =	vadd.f32 v42, v26;
	[tilespmem:v38+s13+$0x0] =	vst.idx.msk $0xffff, v35;
	v43 =	vld [tilespmem:s29+$0xFFFFFFD0]  }
0x10d: {  	v57 =	vadd.s32 v12, v33;
	v59 =	vadd.s32 v14, v27;
	v31 =	vadd.f32 v44, v26;
	v62 =	vld [tilespmem:s29+$0x70]  }
0x10e: {  	s31 =	simm.s32 $0x8;
	v27 =	vadd.s32 v16, v28;
	v55 =	vadd.f32 v46, v26;
	v41 =	vld [tilespmem:s29+$0xFFFFFFB0];
	[tilespmem:v45+s13+$0x0] =	vst.idx.msk $0xffff, v30  }
0x10f: {  	v53 =	vmov s31;
	s6 =	simm.s32 $0x9;
	v34 =	vadd.s32 v24, v34;
	[tilespmem:v60+s13+$0x0] =	vst.idx.msk $0xffff, v31;
	v31 =	vadd.f32 v48, v26;
	v58 =	vld [tilespmem:s29+$0xFFFFFFF0]  }
0x110: {  	v56 =	vmov s6;
	v28 =	vadd.s32 v18, v29;
	[tilespmem:v61+s13+$0x0] =	vst.idx.msk $0xffff, v55;
	v50 =	vld [tilespmem:s29+$0x10];
	v61 =	vadd.f32 v63, v25  }
0x111: {  	s6 =	simm.s32 $0xB;
	v29 =	vadd.s32 v22, v49;
	v40 =	vshrl.u32 v53, $0x3;
	v37 =	vld [tilespmem:s29+$0x30];
	[tilespmem:v52+s13+$0x0] =	vst.idx.msk $0xffff, v31;
	v63 =	vadd.f32 v43, v25  }
0x112: {  	s31 =	simm.s32 $0xA;
	v32 =	vmov s6;
	v40 =	vshll.u32 v40, v9;
	v39 =	vld [tilespmem:s29+$0x50];
	v60 =	vadd.f32 v62, v25;
	[tilespmem:v54+s13+$0x0] =	vst.idx.msk $0xffff, v61  }
0x113: {  	v30 =	vmov s31;
	s31 =	simm.s32 $0xC;
	v31 =	vadd.s32 v20, v47;
	v62 =	vadd.f32 v41, v25;
	[tilespmem:v59+s13+$0x0] =	vst.idx.msk $0xffff, v63  }
0x114: {  	s6 =	simm.s32 $0xD;
	v36 =	vshrl.u32 v56, $0x3;
	v33 =	vmov s31;
	s31 =	simm.s32 $0xE;
	v38 =	vadd.f32 v58, v25;
	[tilespmem:v34+s13+$0x0] =	vst.idx.msk $0xffff, v60  }
0x115: {  	s5 =	simm.s32 $0xF;
	s30 =	simm.s32 $0x10;
	v35 =	vmov s31;
	v41 =	vadd.f32 v50, v25;
	v34 =	vmov s6;
	[tilespmem:v57+s13+$0x0] =	vst.idx.msk $0xffff, v62  }
.LBB2_9:
0x116: {  	p0 =	slt.u32 s30, $0x78;
	v30 =	vshrl.u32 v30, $0x3;
	v42 =	vmov s5;
	[tilespmem:v27+s13+$0x0] =	vst.idx.msk $0xffff, v38;
	v27 =	vadd.f32 v37, v25  }
0x117: {  	v32 =	vshrl.u32 v32, $0x3;
	v37 =	vshrl.u32 v42, $0x3;
	[tilespmem:v28+s13+$0x0] =	vst.idx.msk $0xffff, v41;
	v28 =	vadd.f32 v39, v25  }
0x118: {  	v33 =	vshrl.u32 v33, $0x3;
	v34 =	vshrl.u32 v34, $0x3;
	s29 =	sadd.s32 $0x100, s29;
	v37 =	vshll.u32 v37, v9;
	[tilespmem:v31+s13+$0x0] =	vst.idx.msk $0xffff, v27  }
0x119: {  	v27 =	vbroadcast v40, $0x0;
	v31 =	vshrl.u32 v35, $0x3;
	v35 =	vld [tilespmem:s29+$0x60];
	v37 =	vbroadcast v37, $0x0;
	[tilespmem:v29+s13+$0x0] =	vst.idx.msk $0xffff, v28  }
0x11a: {  	v30 =	vshll.u32 v30, v9;
	v32 =	vshll.u32 v32, v9;
	v29 =	vshll.u32 v36, v9;
	v28 =	vld [tilespmem:s29+$0xFFFFFF80]  }
0x11b: {  	v33 =	vshll.u32 v33, v9;
	v29 =	vbroadcast v29, $0x0;
	v36 =	vld [tilespmem:s29+$0xFFFFFFA0];
	v38 =	vadd.s32 v23, v37  }
0x11c: {  	v41 =	vbroadcast v30, $0x0;
	v30 =	vshll.u32 v34, v9;
	v39 =	vadd.s32 v6, v27;
	v40 =	vld [tilespmem:s29+$0xFFFFFFC0]  }
0x11d: {  	v43 =	vbroadcast v32, $0x0;
	v31 =	vshll.u32 v31, v9;
	v34 =	vadd.s32 v11, v29;
	v42 =	vld [tilespmem:s29+$0xFFFFFFE0]  }
0x11e: {  	v45 =	vbroadcast v33, $0x0;
	v32 =	vadd.s32 v13, v41;
	v44 =	vld [tilespmem:s29+$0x0];
	v33 =	vadd.f32 v35, v26  }
0x11f: {  	v47 =	vbroadcast v30, $0x0;
	v35 =	vadd.s32 v15, v43;
	v28 =	vadd.f32 v28, v26;
	v46 =	vld [tilespmem:s29+$0x20]  }
0x120: {  	v49 =	vbroadcast v31, $0x0;
	v30 =	vadd.f32 v36, v26;
	v36 =	vadd.s32 v17, v45;
	v48 =	vld [tilespmem:s29+$0x40];
	[tilespmem:v38+s13+$0x0] =	vst.idx.msk $0xffff, v33  }
0x121: {  	v31 =	vadd.s32 v19, v47;
	[tilespmem:v39+s13+$0x0] =	vst.idx.msk $0xffff, v28;
	v28 =	vadd.f32 v40, v26;
	v33 =	vld [tilespmem:s29+$0x70]  }
0x122: {  	v38 =	vld [tilespmem:s29+$0xFFFFFF90];
	[tilespmem:v34+s13+$0x0] =	vst.idx.msk $0xffff, v30;
	v30 =	vadd.f32 v42, v26;
	v34 =	vadd.s32 v21, v49  }
0x123: {  	v39 =	vmov s30;
	v42 =	vadd.s32 v24, v37;
	v40 =	vld [tilespmem:s29+$0xFFFFFFB0];
	[tilespmem:v32+s13+$0x0] =	vst.idx.msk $0xffff, v28;
	v28 =	vadd.f32 v44, v26  }
0x124: {  	s5 =	sadd.s32 $0x1, s30;
	v50 =	vadd.s32 v10, v27;
	v44 =	vshrl.u32 v39, $0x3;
	v51 =	vld [tilespmem:s29+$0xFFFFFFD0];
	[tilespmem:v35+s13+$0x0] =	vst.idx.msk $0xffff, v30;
	v27 =	vadd.f32 v46, v26  }
0x125: {  	v29 =	vadd.s32 v12, v29;
	v46 =	vmov s5;
	s5 =	sadd.s32 $0x2, s30;
	v52 =	vld [tilespmem:s29+$0xFFFFFFF0];
	[tilespmem:v36+s13+$0x0] =	vst.idx.msk $0xffff, v28;
	v28 =	vadd.f32 v48, v26  }
0x126: {  	v41 =	vadd.s32 v14, v41;
	v30 =	vmov s5;
	s5 =	sadd.s32 $0x3, s30;
	v48 =	vld [tilespmem:s29+$0x10];
	[tilespmem:v31+s13+$0x0] =	vst.idx.msk $0xffff, v27;
	v31 =	vadd.f32 v33, v25  }
.Ltmp4:
0x127: {  	v32 =	vmov s5;
	s5 =	sadd.s32 $0x4, s30;
	v27 =	vadd.s32 v16, v43;
	v35 =	vadd.f32 v38, v25;
	v37 =	vld [tilespmem:s29+$0x30];
	[tilespmem:v34+s13+$0x0] =	vst.idx.msk $0xffff, v28;
	(pc) =	sbr.rel @p0 .LBB2_9-.Ltmp4, $4  }
0x128: {  	v33 =	vmov s5;
	s5 =	sadd.s32 $0x5, s30;
	v28 =	vadd.s32 v18, v45;
	v36 =	vadd.f32 v40, v25;
	v39 =	vld [tilespmem:s29+$0x50];
	[tilespmem:v42+s13+$0x0] =	vst.idx.msk $0xffff, v31  }
0x129: {  	v34 =	vmov s5;
	s5 =	sadd.s32 $0x6, s30;
	v31 =	vadd.s32 v20, v47;
	[tilespmem:v50+s13+$0x0] =	vst.idx.msk $0xffff, v35;
	v42 =	vadd.f32 v51, v25  }
0x12a: {  	v35 =	vmov s5;
	[tilespmem:v29+s13+$0x0] =	vst.idx.msk $0xffff, v36;
	v38 =	vadd.f32 v52, v25;
	v29 =	vadd.s32 v22, v49  }
0x12b: {  	v40 =	vshll.u32 v44, v9;
	s5 =	sadd.s32 $0x7, s30;
	s30 =	sadd.s32 $0x8, s30;
	v36 =	vshrl.u32 v46, $0x3;
	[tilespmem:v41+s13+$0x0] =	vst.idx.msk $0xffff, v42;
	v41 =	vadd.f32 v48, v25  }
0x12c: {  	v30 =	vshrl.u32 v30, $0x3;
	v42 =	vmov s5;
	v37 =	vadd.f32 v37, v25  }
0x12d: {  	v32 =	vshrl.u32 v32, $0x3;
	v33 =	vshrl.u32 v33, $0x3;
	v34 =	vshrl.u32 v34, $0x3  }
0x12e: {  	s29 =	sadd.s32 $0x100, s29;
	v40 =	vbroadcast v40, $0x0;
	v35 =	vshrl.u32 v35, $0x3;
	v36 =	vshll.u32 v36, v9  }
0x12f: {  	v42 =	vshrl.u32 v42, $0x3;
	v39 =	vadd.f32 v39, v25;
	v44 =	vld [tilespmem:s29+$0xFFFFFF80];
	v30 =	vshll.u32 v30, v9  }
0x130: {  	v32 =	vshll.u32 v32, v9;
	v45 =	vld [tilespmem:s29+$0xFFFFFFA0];
	v36 =	vbroadcast v36, $0x0;
	v42 =	vshll.u32 v42, v9  }
0x131: {  	[tilespmem:v27+s13+$0x0] =	vst.idx.msk $0xffff, v38;
	v43 =	vld [tilespmem:s29+$0x60];
	v33 =	vshll.u32 v33, v9;
	v27 =	vadd.s32 v6, v40;
	v42 =	vbroadcast v42, $0x0  }
0x132: {  	v55 =	vld [tilespmem:s29+$0xFFFFFFC0];
	v34 =	vshll.u32 v34, v9;
	v30 =	vbroadcast v30, $0x0;
	v56 =	vadd.s32 v11, v36  }
0x133: {  	[tilespmem:v28+s13+$0x0] =	vst.idx.msk $0xffff, v41;
	v57 =	vld [tilespmem:s29+$0xFFFFFFE0];
	v35 =	vshll.u32 v35, v9;
	v32 =	vbroadcast v32, $0x0;
	v46 =	vadd.s32 v23, v42  }
0x134: {  	v59 =	vld [tilespmem:s29+$0x0];
	[tilespmem:v31+s13+$0x0] =	vst.idx.msk $0xffff, v37;
	v33 =	vbroadcast v33, $0x0;
	v58 =	vadd.s32 v13, v30;
	v60 =	vadd.f32 v44, v26  }
0x135: {  	v62 =	vld [tilespmem:s29+$0x20];
	v34 =	vbroadcast v34, $0x0;
	[tilespmem:v29+s13+$0x0] =	vst.idx.msk $0xffff, v39;
	v61 =	vadd.s32 v15, v32;
	v45 =	vadd.f32 v45, v26  }
0x136: {  	v48 =	vld [tilespmem:s29+$0x40];
	v35 =	vbroadcast v35, $0x0;
	v47 =	vadd.s32 v17, v33;
	v43 =	vadd.f32 v43, v26;
	[tilespmem:v27+s13+$0x0] =	vst.idx.msk $0xffff, v60  }
0x137: {  	v63 =	vadd.s32 v19, v34;
	v27 =	vadd.f32 v55, v26;
	[tilespmem:v56+s13+$0x0] =	vst.idx.msk $0xffff, v45;
	v50 =	vld [tilespmem:s29+$0xFFFFFF90]  }
0x138: {  	v52 =	vadd.s32 v21, v35;
	v51 =	vadd.f32 v57, v26;
	v45 =	vld [tilespmem:s29+$0xFFFFFFB0];
	[tilespmem:v46+s13+$0x0] =	vst.idx.msk $0xffff, v43  }
0x139: {  	v54 =	vadd.s32 v10, v40;
	[tilespmem:v58+s13+$0x0] =	vst.idx.msk $0xffff, v27;
	v27 =	vadd.f32 v59, v26;
	v49 =	vld [tilespmem:s29+$0x70]  }
0x13a: {  	v36 =	vadd.s32 v12, v36;
	v56 =	vadd.f32 v62, v26;
	[tilespmem:v61+s13+$0x0] =	vst.idx.msk $0xffff, v51;
	v55 =	vld [tilespmem:s29+$0xFFFFFFD0]  }
0x13b: {  	v53 =	vadd.s32 v24, v42;
	v39 =	vld [tilespmem:s29+$0xFFFFFFF0];
	v26 =	vadd.f32 v48, v26;
	[tilespmem:v47+s13+$0x0] =	vst.idx.msk $0xffff, v27  }
0x13c: {  	[tilespmem:v63+s13+$0x0] =	vst.idx.msk $0xffff, v56;
	v27 =	vadd.s32 v14, v30;
	v57 =	vld [tilespmem:s29+$0x10];
	v59 =	vadd.f32 v50, v25  }
0x13d: {  	v32 =	vadd.s32 v16, v32;
	v60 =	vld [tilespmem:s29+$0x30];
	[tilespmem:v52+s13+$0x0] =	vst.idx.msk $0xffff, v26;
	v26 =	vadd.f32 v45, v25  }
0x13e: {  	v33 =	vadd.s32 v18, v33;
	v41 =	vld [tilespmem:s29+$0x50];
	v58 =	vadd.f32 v49, v25;
	[tilespmem:v54+s13+$0x0] =	vst.idx.msk $0xffff, v59  }
0x13f: {  	v62 =	vadd.s32 v20, v34;
	v61 =	vadd.f32 v55, v25;
	[tilespmem:v36+s13+$0x0] =	vst.idx.msk $0xffff, v26  }
0x140: {  	v63 =	vadd.s32 v22, v35;
	v26 =	vadd.f32 v39, v25;
	[tilespmem:v53+s13+$0x0] =	vst.idx.msk $0xffff, v58  }
0x141: {  	[tilespmem:v27+s13+$0x0] =	vst.idx.msk $0xffff, v61;
	v27 =	vadd.f32 v57, v25  }
0x142: {  	s30 =	sshll.u32 s28, $0x11;
	[tilespmem:v32+s13+$0x0] =	vst.idx.msk $0xffff, v26;
	v26 =	vadd.f32 v60, v25  }
0x143: {  	s5 =	sor.u32 s7, s30;
	v25 =	vadd.f32 v41, v25;
	[tilespmem:v33+s13+$0x0] =	vst.idx.msk $0xffff, v27  }
0x144: {  	s5 =	sshrl.u32 s5, $0x3;
	[tilespmem:v62+s13+$0x0] =	vst.idx.msk $0xffff, v26  }
0x145: {  	s28 =	sadd.s32 s2, s5;
	[tilespmem:v63+s13+$0x0] =	vst.idx.msk $0xffff, v25  }
0x146: {  	[hbm4b:s28+s3] =	stream.linear.scatter [tilespmem:s13], [sflag:$0x4], $0x80, $0x38;
	[tilespmem:$0xC000] =	vst v63  }
0x147: {  	s6 =	simm.s32 $0xAF88;
	s31 =	sadd.s32 $0x10, s28  }
0x148: {  	[hbm4b:s31+s3] =	stream.linear.scatter [tilespmem:s6], [sflag:$0x4], $0x80, $0x38;
	[tilespmem:$0xC000] =	vst v63  }
0x149: {  	s30 =	sadd.s32 $0x20, s28;
	s31 =	simm.s32 $0xB010  }
0x14a: {  	[hbm4b:s30+s3] =	stream.linear.scatter [tilespmem:s31], [sflag:$0x4], $0x80, $0x38;
	[tilespmem:$0xC000] =	vst v63  }
0x14b: {  	s30 =	sadd.s32 $0x30, s28;
	s31 =	simm.s32 $0xB098  }
0x14c: {  	[hbm4b:s30+s3] =	stream.linear.scatter [tilespmem:s31], [sflag:$0x4], $0x80, $0x38;
	[tilespmem:$0xC000] =	vst v63  }
0x14d: {  	s30 =	sadd.s32 $0x40, s28;
	s31 =	simm.s32 $0xB120  }
0x14e: {  	[hbm4b:s30+s3] =	stream.linear.scatter [tilespmem:s31], [sflag:$0x4], $0x80, $0x38;
	[tilespmem:$0xC000] =	vst v63  }
0x14f: {  	s30 =	sadd.s32 $0x50, s28;
	s31 =	simm.s32 $0xB1A8  }
0x150: {  	[hbm4b:s30+s3] =	stream.linear.scatter [tilespmem:s31], [sflag:$0x4], $0x80, $0x38;
	[tilespmem:$0xC000] =	vst v63  }
0x151: {  	s6 =	sadd.s32 $0x60, s28;
	s30 =	simm.s32 $0xB230  }
0x152: {  	[hbm4b:s6+s3] =	stream.linear.scatter [tilespmem:s30], [sflag:$0x4], $0x80, $0x38;
	[tilespmem:$0xC000] =	vst v63  }
0x153: {  	s28 =	sadd.s32 $0x70, s28;
	s31 =	simm.s32 $0xB2B8  }
0x154: {  	[hbm4b:s28+s3] =	stream.linear.scatter [tilespmem:s31], [sflag:$0x4], $0x80, $0x38;
	[tilespmem:$0xC000] =	vst v63  }
0x155: {  	s29 =	simm.s32 $0xB340;
	s28 =	sadd.s32 s5, s8  }
0x156: {  	[hbm4b:s28+s3] =	stream.linear.scatter [tilespmem:s29], [sflag:$0x4], $0x80, $0x38;
	[tilespmem:$0xC000] =	vst v63  }
0x157: {  	s31 =	simm.s32 $0xB3C8;
	s30 =	sadd.s32 $0x10, s28  }
0x158: {  	[hbm4b:s30+s3] =	stream.linear.scatter [tilespmem:s31], [sflag:$0x4], $0x80, $0x38;
	[tilespmem:$0xC000] =	vst v63  }
0x159: {  	s30 =	sadd.s32 $0x20, s28;
	s31 =	simm.s32 $0xB450  }
0x15a: {  	[hbm4b:s30+s3] =	stream.linear.scatter [tilespmem:s31], [sflag:$0x4], $0x80, $0x38;
	[tilespmem:$0xC000] =	vst v63  }
0x15b: {  	s30 =	sadd.s32 $0x30, s28;
	s31 =	simm.s32 $0xB4D8  }
0x15c: {  	[hbm4b:s30+s3] =	stream.linear.scatter [tilespmem:s31], [sflag:$0x4], $0x80, $0x38;
	[tilespmem:$0xC000] =	vst v63  }
0x15d: {  	s30 =	sadd.s32 $0x40, s28;
	s31 =	simm.s32 $0xB560  }
0x15e: {  	[hbm4b:s30+s3] =	stream.linear.scatter [tilespmem:s31], [sflag:$0x4], $0x80, $0x38;
	[tilespmem:$0xC000] =	vst v63  }
0x15f: {  	s30 =	sadd.s32 $0x50, s28;
	s31 =	simm.s32 $0xB5E8  }
0x160: {  	[hbm4b:s30+s3] =	stream.linear.scatter [tilespmem:s31], [sflag:$0x4], $0x80, $0x38;
	[tilespmem:$0xC000] =	vst v63  }
0x161: {  	s6 =	sadd.s32 $0x60, s28;
	s30 =	simm.s32 $0xB670  }
0x162: {  	[hbm4b:s6+s3] =	stream.linear.scatter [tilespmem:s30], [sflag:$0x4], $0x80, $0x38;
	[tilespmem:$0xC000] =	vst v63  }
0x163: {  	s28 =	sadd.s32 $0x70, s28;
	s31 =	simm.s32 $0xB6F8  }
0x164: {  	[hbm4b:s28+s3] =	stream.linear.scatter [tilespmem:s31], [sflag:$0x4], $0x80, $0x38;
	[tilespmem:$0xC000] =	vst v63  }
0x165: {  	s29 =	simm.s32 $0xB780;
	s28 =	sadd.s32 s5, s9  }
0x166: {  	[hbm4b:s28+s3] =	stream.linear.scatter [tilespmem:s29], [sflag:$0x4], $0x80, $0x38;
	[tilespmem:$0xC000] =	vst v63  }
0x167: {  	s31 =	simm.s32 $0xB808;
	s30 =	sadd.s32 $0x10, s28  }
0x168: {  	[hbm4b:s30+s3] =	stream.linear.scatter [tilespmem:s31], [sflag:$0x4], $0x80, $0x38;
	[tilespmem:$0xC000] =	vst v63  }
0x169: {  	s30 =	sadd.s32 $0x20, s28;
	s31 =	simm.s32 $0xB890  }
0x16a: {  	[hbm4b:s30+s3] =	stream.linear.scatter [tilespmem:s31], [sflag:$0x4], $0x80, $0x38;
	[tilespmem:$0xC000] =	vst v63  }
0x16b: {  	s30 =	sadd.s32 $0x30, s28;
	s31 =	simm.s32 $0xB918  }
0x16c: {  	[hbm4b:s30+s3] =	stream.linear.scatter [tilespmem:s31], [sflag:$0x4], $0x80, $0x38;
	[tilespmem:$0xC000] =	vst v63  }
0x16d: {  	s6 =	sadd.s32 $0x40, s28;
	s30 =	simm.s32 $0xB9A0  }
0x16e: {  	[hbm4b:s6+s3] =	stream.linear.scatter [tilespmem:s30], [sflag:$0x4], $0x80, $0x38;
	[tilespmem:$0xC000] =	vst v63  }
0x16f: {  	s31 =	sadd.s32 $0x50, s28  }
0x170: {  	[hbm4b:s31+s3] =	stream.linear.scatter [tilespmem:s11], [sflag:$0x4], $0x80, $0x38;
	[tilespmem:$0xC000] =	vst v63  }
0x171: {  	s6 =	sadd.s32 $0x60, s28  }
0x172: {  	[hbm4b:s6+s3] =	stream.linear.scatter [tilespmem:s12], [sflag:$0x4], $0x80, $0x38;
	[tilespmem:$0xC000] =	vst v63  }
0x173: {  	s28 =	sadd.s32 $0x70, s28  }
0x174: {  	[hbm4b:s28+s3] =	stream.linear.scatter [tilespmem:s15], [sflag:$0x4], $0x80, $0x38;
	[tilespmem:$0xC000] =	vst v63  }
0x175: {  	s5 =	sadd.s32 s5, s10  }
0x176: {  	[hbm4b:s5+s3] =	stream.linear.scatter [tilespmem:s16], [sflag:$0x4], $0x80, $0x38;
	[tilespmem:$0xC000] =	vst v63  }
0x177: {  	s30 =	sadd.s32 $0x10, s5  }
0x178: {  	[hbm4b:s30+s3] =	stream.linear.scatter [tilespmem:s17], [sflag:$0x4], $0x80, $0x38;
	[tilespmem:$0xC000] =	vst v63  }
0x179: {  	s31 =	sadd.s32 $0x20, s5  }
0x17a: {  	[hbm4b:s31+s3] =	stream.linear.scatter [tilespmem:s18], [sflag:$0x4], $0x80, $0x38;
	[tilespmem:$0xC000] =	vst v63  }
0x17b: {  	s6 =	sadd.s32 $0x30, s5  }
0x17c: {  	[hbm4b:s6+s3] =	stream.linear.scatter [tilespmem:s21], [sflag:$0x4], $0x80, $0x38;
	[tilespmem:$0xC000] =	vst v63  }
0x17d: {  	s26 =	sadd.s32 $0x1, s26;
	s29 =	sadd.s32 $0x40, s5  }
0x17e: {  	[hbm4b:s29+s3] =	stream.linear.scatter [tilespmem:s22], [sflag:$0x4], $0x80, $0x38;
	[tilespmem:$0xC000] =	vst v63  }
0x17f: {  	p0 =	sne.s32 s26, $0x64;
	s30 =	sadd.s32 $0x50, s5  }
0x180: {  	[hbm4b:s30+s3] =	stream.linear.scatter [tilespmem:s23], [sflag:$0x4], $0x80, $0x38;
	[tilespmem:$0xC000] =	vst v63  }
.Ltmp5:
0x181: {  	_ = 	snop;
	(pc) =	sbr.rel @p0 .LBB2_2-.Ltmp5, $4  }
0x182: {  	s31 =	sadd.s32 $0x60, s5  }
0x183: {  	[hbm4b:s31+s3] =	stream.linear.scatter [tilespmem:s24], [sflag:$0x4], $0x80, $0x38;
	[tilespmem:$0xC000] =	vst v63  }
0x184: {  	s5 =	sadd.s32 $0x70, s5  }
0x185: {  	[hbm4b:s5+s3] =	stream.linear.scatter [tilespmem:s25], [sflag:$0x4], $0x80, $0x38;
	[tilespmem:$0xC000] =	vst v63  }
0x186: {  	s5 =	simm.s32 $0x3  }
0x187: {  	_ =	swait.ge [sflag:s5], $0x400  }
0x188: {  	[sflag:s5] =	ssyncset.done $0x0  }
0x189: {  	[sflag:s5] =	ssyncadd.s32 $0xFFFFFC00  }
0x18a: {  	_ =	swait.ge [sflag:s5], $0x400  }
0x18b: {  	[sflag:s5] =	ssyncset.done $0x0  }
0x18c: {  	[sflag:s5] =	ssyncadd.s32 $0xFFFFFC00  }
0x18d: {  	_ =	swait.ge [sflag:s5], $0x400  }
0x18e: {  	[sflag:s5] =	ssyncset.done $0x0  }
0x18f: {  	[sflag:s5] =	ssyncadd.s32 $0xFFFFFC00  }
0x190: {  	_ =	swait.ge [sflag:s5], $0x400  }
0x191: {  	[sflag:s5] =	ssyncset.done $0x0  }
0x192: {  	[sflag:s5] =	ssyncadd.s32 $0xFFFFFC00  }
0x193: {  	_ =	swait.ge [sflag:s0], $0x400  }
0x194: {  	[sflag:s0] =	ssyncset.done $0x0  }
0x195: {  	[sflag:s0] =	ssyncadd.s32 $0xFFFFFC00  }
0x196: {  	_ =	swait.ge [sflag:s0], $0x400  }
0x197: {  	[sflag:s0] =	ssyncset.done $0x0  }
0x198: {  	[sflag:s0] =	ssyncadd.s32 $0xFFFFFC00  }
0x199: {  	_ =	swait.ge [sflag:s0], $0x400  }
0x19a: {  	[sflag:s0] =	ssyncset.done $0x0  }
0x19b: {  	[sflag:s0] =	ssyncadd.s32 $0xFFFFFC00  }
0x19c: {  	_ =	swait.ge [sflag:s0], $0x400  }
0x19d: {  	s6 =	rddreg [dreg:$0x6]  }
0x19e: {  	s31 =	rddreg [dreg:$0x5];
	s6 =	sadd.s32 $0x1, s6  }
0x19f: {  	p0 =	sne.s32 s6, s31  }
.Ltmp6:
0x1a0: {  	_ = 	snop;
	(pc) =	sbr.rel @p0 .LBB2_1-.Ltmp6, $3  }
0x1a1: {  	_ =	sdelay $0x1  }
0x1a2: {  	[sflag:s0] =	ssyncset.done $0x0  }
0x1a3: {  	[sflag:s0] =	ssyncadd.s32 $0xFFFFFC00  }
0x1a4: {  	_ =	sfence.sel $0x180000  }
0x1a5: {  	[bflag:$0x0] =	sbarrier.arrive $0xFFFF  }
0x1a6: {  	_ =	strace $0x9000004A  }
0x1a7: {  	s0 =	stileid.u32;
	[bflag:$0x2] =	sbarrier.arrive $0xFFFF  }
0x1a8: {  	p0 =	sne.s32 s0, $0x0;
	s0 =	rddreg [dreg:$0x2]  }
0x1a9: {  	s0 =	sadd.s32 @!p0 $0x100000, s0  }
0x1aa: {  	[sflag:s0] =	ssyncadd.tile.s32 @!p0 $0x1;
	_ =	shalt  }
.Lfunc_end2:
_tile_overlayer_lowered:
.L_overlay_start_2:
0x1ab: {  	(tag) =	ssettag $0x2  }
0x1ac: {  	s0 =	rddreg [dreg:$0x0];
	s2 =	stileid.u32  }
0x1ad: {  	s1 =	rddreg [dreg:$0x1];
	p0 =	sne.s32 s2, $0x0  }
0x1ae: {  	s3 =	rddreg [dreg:$0x2];
	[bflag:$0x3] =	sbarrier.arrive $0xFFFF;
	s2 =	simm.s32 @!p0 $0x1C05  }
0x1af: {  	[timem:s3], [sflag:s2] =	dma.local @!p0 [hbm:s0], s1  }
0x1b0: {  	s0 =	simm.s32 @!p0 $0x5  }
0x1b1: {  	_ =	swait.ge @!p0 [sflag:s0], s1  }
0x1b2: {  	s1 =	ssub.s32 @!p0 $0x0, s1;
	[sflag:s0] =	ssyncset.done @!p0 $0x0  }
0x1b3: {  	[sflag:s0] =	ssyncadd.s32 @!p0 s1  }
0x1b4: {  	[bflag:$0x3] =	sbarrier.arrive $0xFFFF  }
0x1b5: {  	_ =	shalt  }

</sc_bundles>
